<compile_context>
chip_gen: v7x
topology: tpu7x:2x2x1
jax: 0.10.2.dev20260603
libtpu: 0.0.44.dev20260713+nightly
codegen_flags: <defaults>
</compile_context>

<pallas_src>
import jax
import jax.numpy as jnp
from jax import lax
from jax.experimental import pallas as pl
from jax.experimental.pallas import tpu as pltpu
from jax.experimental.pallas import tpu_sc as plsc

N = 10000
NP = 10240
E = 320000
D = 128
DH = D // 2

NC = 2
NS = 16
NW = NC * NS
EPW = E // NW
EPWP = 10240
CHUNK = 128
NCHUNK = EPWP // CHUNK
RPT = NP // NS
ZROWS = 128
NB = 5
PD = 3
NG = NCHUNK // NB

_mesh = plsc.VectorSubcoreMesh(core_axis_name="c", subcore_axis_name="s")


def _deg_body(dst_hbm, out_hbm, dstv, onesv, zbuf, degsp):
    c = lax.axis_index("c")
    s = lax.axis_index("s")
    wid = s * NC + c
    pltpu.sync_copy(dst_hbm.at[wid], dstv)
    ones16 = jnp.ones((16,), jnp.float32)
    zeros16 = jnp.zeros((16,), jnp.float32)

    def fill(i, _):
        onesv[i, :] = ones16
        return 0

    lax.fori_loop(0, CHUNK, fill, 0)

    def zfill(i, _):
        zbuf[i, :] = zeros16
        return 0

    lax.fori_loop(0, ZROWS, zfill, 0)
    for r in range(RPT // ZROWS):
        pltpu.sync_copy(zbuf, degsp.at[pl.ds(s * RPT + r * ZROWS, ZROWS)])
    plsc.subcore_barrier()

    def body(j, _):
        pltpu.sync_copy(onesv, degsp.at[dstv.at[j]], add=True)
        return 0

    lax.fori_loop(0, NCHUNK, body, 0)
    plsc.subcore_barrier()
    for r in range(RPT // ZROWS):
        sl = pl.ds(s * RPT + r * ZROWS, ZROWS)
        pltpu.sync_copy(degsp.at[sl], out_hbm.at[c, sl])


_deg_call = pl.kernel(
    _deg_body,
    out_type=jax.ShapeDtypeStruct((NC, NP, 16), jnp.float32),
    mesh=_mesh,
    scratch_types=[
        pltpu.VMEM((NCHUNK, CHUNK), jnp.int32),
        pltpu.VMEM((CHUNK, 16), jnp.float32),
        pltpu.VMEM((ZROWS, 16), jnp.float32),
        pltpu.VMEM_SHARED((NP, 16), jnp.float32),
    ],
)


def _agg_body(glo_hbm, ghi_hbm, src_hbm, dst_hbm, olo_hbm, ohi_hbm,
              srcv, dstv, zbuf, rows, aggsp, gsem, ssem):
    c = lax.axis_index("c")
    s = lax.axis_index("s")
    wid = s * NC + c
    pltpu.sync_copy(src_hbm.at[wid], srcv)
    pltpu.sync_copy(dst_hbm.at[wid], dstv)
    zeros16 = jnp.zeros((16,), jnp.float32)

    def zfill(i, _):
        for j in range(DH // 16):
            zbuf[i, pl.ds(j * 16, 16)] = zeros16
        return 0

    lax.fori_loop(0, ZROWS, zfill, 0)

    for gh, outh in ((glo_hbm, olo_hbm), (ghi_hbm, ohi_hbm)):
        for r in range(RPT // ZROWS):
            pltpu.sync_copy(zbuf, aggsp.at[pl.ds(s * RPT + r * ZROWS, ZROWS)])
        plsc.subcore_barrier()

        def _wait_gather(b, j):
            pltpu.make_async_copy(
                gh.at[srcv.at[j]], rows.at[b], gsem.at[b]).wait()

        def _wait_scatter(b, j):
            pltpu.make_async_copy(
                rows.at[b], aggsp.at[dstv.at[j]], ssem.at[b]).wait()

        def _start_gather(b, j):
            pltpu.async_copy(gh.at[srcv.at[j]], rows.at[b], gsem.at[b])

        for b in range(PD):
            _start_gather(b, b)

        def group(g, _):
            for b in range(NB):
                j = g * NB + b
                bn = (b + PD) % NB
                _wait_gather(b, j)
                pltpu.async_copy(rows.at[b], aggsp.at[dstv.at[j]],
                                 ssem.at[b], add=True)
                if b < NB - PD:
                    @pl.when(g > 0)
                    def _():
                        _wait_scatter(bn, j + PD - NB)
                        _start_gather(bn, j + PD)

                    @pl.when(g == 0)
                    def _():
                        _start_gather(bn, j + PD)
                else:
                    _wait_scatter(bn, j + PD - NB)

                    @pl.when(g < NG - 1)
                    def _():
                        _start_gather(bn, j + PD)
            return 0

        lax.fori_loop(0, NG, group, 0)
        for b in range(PD, NB):
            _wait_scatter(b, NCHUNK - NB + b)
        plsc.subcore_barrier()
        for r in range(RPT // ZROWS):
            sl = pl.ds(s * RPT + r * ZROWS, ZROWS)
            pltpu.sync_copy(aggsp.at[sl], outh.at[c, sl])


_agg_call = pl.kernel(
    _agg_body,
    out_type=[
        jax.ShapeDtypeStruct((NC, NP, DH), jnp.float32),
        jax.ShapeDtypeStruct((NC, NP, DH), jnp.float32),
    ],
    mesh=_mesh,
    compiler_params=pltpu.CompilerParams(use_tc_tiling_on_sc=False),
    scratch_types=[
        pltpu.VMEM((NCHUNK, CHUNK), jnp.int32),
        pltpu.VMEM((NCHUNK, CHUNK), jnp.int32),
        pltpu.VMEM((ZROWS, DH), jnp.float32),
        pltpu.VMEM((NB, CHUNK, DH), jnp.float32),
        pltpu.VMEM_SHARED((NP, DH), jnp.float32),
        pltpu.SemaphoreType.DMA((NB,)),
        pltpu.SemaphoreType.DMA((NB,)),
    ],
)

ROWBLK = 1024
GRID = NP // ROWBLK


def _mm1_body(deg_ref, x_ref, w_ref, glo_ref, ghi_ref, dinv_ref):
    d = deg_ref[...]
    tot = d[0] + d[1] + 1.0
    dinv = lax.rsqrt(tot)
    dcol = lax.slice(dinv, (0, 0), (ROWBLK, 1))
    dinv128 = jnp.broadcast_to(dcol, (ROWBLK, D))
    h = jnp.dot(x_ref[...], w_ref[...], preferred_element_type=jnp.float32)
    g = h * dinv128
    glo_ref[...] = g[:, :DH]
    ghi_ref[...] = g[:, DH:]
    dinv_ref[...] = dinv128


def _mm2_body(plo_ref, phi_ref, glo_ref, ghi_ref, dinv_ref, w_ref, b_ref,
              g2lo_ref, g2hi_ref):
    a = jnp.concatenate(
        [plo_ref[0] + plo_ref[1], phi_ref[0] + phi_ref[1]], axis=1)
    g = jnp.concatenate([glo_ref[...], ghi_ref[...]], axis=1)
    z = (a + g) * dinv_ref[...] + b_ref[...]
    z = jnp.where(z > 0, z, 0.01 * z)
    h2 = jnp.dot(z, w_ref[...], preferred_element_type=jnp.float32)
    g2 = h2 * dinv_ref[...]
    g2lo_ref[...] = g2[:, :DH]
    g2hi_ref[...] = g2[:, DH:]


def _fin_body(plo_ref, phi_ref, g2lo_ref, g2hi_ref, dinv_ref, b_ref, out_ref):
    a = jnp.concatenate(
        [plo_ref[0] + plo_ref[1], phi_ref[0] + phi_ref[1]], axis=1)
    g2 = jnp.concatenate([g2lo_ref[...], g2hi_ref[...]], axis=1)
    out_ref[...] = (a + g2) * dinv_ref[...] + b_ref[...]


_row_spec = pl.BlockSpec((ROWBLK, D), lambda i: (i, 0))
_half_spec = pl.BlockSpec((ROWBLK, DH), lambda i: (i, 0))
_pair_spec = pl.BlockSpec((NC, ROWBLK, DH), lambda i: (0, i, 0))
_w_spec = pl.BlockSpec((D, D), lambda i: (0, 0))
_b_spec = pl.BlockSpec((1, D), lambda i: (0, 0))

_mm1_call = pl.pallas_call(
    _mm1_body,
    grid=(GRID,),
    in_specs=[
        pl.BlockSpec((NC, ROWBLK, 16), lambda i: (0, i, 0)),
        _row_spec,
        _w_spec,
    ],
    out_specs=[_half_spec, _half_spec, _row_spec],
    out_shape=[
        jax.ShapeDtypeStruct((NP, DH), jnp.float32),
        jax.ShapeDtypeStruct((NP, DH), jnp.float32),
        jax.ShapeDtypeStruct((NP, D), jnp.float32),
    ],
)

_mm2_call = pl.pallas_call(
    _mm2_body,
    grid=(GRID,),
    in_specs=[_pair_spec, _pair_spec, _half_spec, _half_spec, _row_spec,
              _w_spec, _b_spec],
    out_specs=[_half_spec, _half_spec],
    out_shape=[
        jax.ShapeDtypeStruct((NP, DH), jnp.float32),
        jax.ShapeDtypeStruct((NP, DH), jnp.float32),
    ],
)

_fin_call = pl.pallas_call(
    _fin_body,
    grid=(GRID,),
    in_specs=[_pair_spec, _pair_spec, _half_spec, _half_spec, _row_spec,
              _b_spec],
    out_specs=_row_spec,
    out_shape=jax.ShapeDtypeStruct((NP, D), jnp.float32),
)


@jax.jit
def kernel(x, edge_index, batch, W1, b1, W2, b2):
    del batch
    ei = edge_index.reshape(2, NW, EPW)
    padv = N + (jnp.arange(EPWP - EPW, dtype=jnp.int32) % (NP - N))
    padv = jnp.broadcast_to(padv, (2, NW, EPWP - EPW))
    ei = jnp.concatenate([ei, padv], axis=2)
    src = ei[0].reshape(NW, NCHUNK, CHUNK)
    dst = ei[1].reshape(NW, NCHUNK, CHUNK)
    xp = jnp.pad(x, ((0, NP - N), (0, 0)))
    degp = _deg_call(dst)
    g1lo, g1hi, dinv = _mm1_call(degp, xp, W1)
    p1lo, p1hi = _agg_call(g1lo, g1hi, src, dst)
    g2lo, g2hi = _mm2_call(p1lo, p1hi, g1lo, g1hi, dinv, W2, b1.reshape(1, D))
    p2lo, p2hi = _agg_call(g2lo, g2hi, src, dst)
    out = _fin_call(p2lo, p2hi, g2lo, g2hi, dinv, b2.reshape(1, D))
    return out[:N]

# --- scband reference (transcript-rebuilt; emitter-appended) ---
"""Pipeline reference for scband-gcnencoder-11570641895553 (READ-ONLY COPY).

The authoritative reference and input builder live on the scoring server;
editing this copy changes nothing except your own understanding.
"""

import jax, jax.numpy as jnp
import numpy as np

N = 10000
E = 320000
D_IN = 128
D_OUT = 128


def setup_inputs(seed: int = 0) -> dict:
    key = jax.random.key(seed)
    k1, k2, k3, k4, k5, k6 = jax.random.split(key, 6)
    x = jax.random.normal(k1, (N, D_IN), dtype=jnp.float32)
    edge_index = jax.random.randint(k2, (2, E), 0, N, dtype=jnp.int32)
    batch = jnp.sort(jax.random.randint(k3, (N,), 0, 32, dtype=jnp.int32))
    # GCNConv parameters (glorot-ish scale)
    W1 = jax.random.normal(k4, (D_IN, D_OUT), dtype=jnp.float32) * (1.0 / np.sqrt(D_IN))
    b1 = jnp.zeros((D_OUT,), dtype=jnp.float32)
    W2 = jax.random.normal(k5, (D_OUT, D_OUT), dtype=jnp.float32) * (1.0 / np.sqrt(D_OUT))
    b2 = jnp.zeros((D_OUT,), dtype=jnp.float32)
    return {"x": x, "edge_index": edge_index, "batch": batch,
            "W1": W1, "b1": b1, "W2": W2, "b2": b2}


def _gcn_conv(x, src, dst, W, b, num_nodes):
    # GCNConv with add_self_loops=True, normalize=True (symmetric norm), bias
    h = x @ W
    loop = jnp.arange(num_nodes, dtype=src.dtype)
    src2 = jnp.concatenate([src, loop])
    dst2 = jnp.concatenate([dst, loop])
    deg = jnp.zeros((num_nodes,), dtype=h.dtype).at[dst2].add(1.0)
    dinv = jnp.where(deg > 0, jax.lax.rsqrt(deg), 0.0)
    norm = dinv[src2] * dinv[dst2]
    msg = h[src2] * norm[:, None]
    out = jnp.zeros_like(h).at[dst2].add(msg)
    return out + b


def reference(x, edge_index, batch, W1, b1, W2, b2):
    src = edge_index[0]
    dst = edge_index[1]
    h = _gcn_conv(x, src, dst, W1, b1, N)
    # leaky_relu (default negative_slope=0.01)
    h = jnp.where(h > 0, h, 0.01 * h)
    # dropout is identity in eval mode
    h = _gcn_conv(h, src, dst, W2, b2, N)
    return h

if __name__ == "__main__":
    import jax
    _d = setup_inputs()
    print(jax.jit(kernel)(*tuple(_d.values())))

</pallas_src>

<mosaic_0001>
#map = affine_map<(d0, d1) -> (0, 0, 0)>
module attributes {stable_mosaic.version = 14 : i64} {
  func.func @_deg_body(%arg0: i32, %arg1: i32, %arg2: memref<32x80x128xi32, #tpu.memory_space<hbm>>, %arg3: memref<2x10240x16xf32, #tpu.memory_space<hbm>>, %arg4: memref<80x128xi32, #tpu.memory_space<vmem>>, %arg5: memref<128x16xf32, #tpu.memory_space<vmem>>, %arg6: memref<128x16xf32, #tpu.memory_space<vmem>>, %arg7: memref<10240x16xf32, #tpu.memory_space<vmem_shared>>) attributes {dimension_semantics = [#tpu.dimension_semantics<core_parallel>, #tpu.dimension_semantics<subcore_parallel>], iteration_bounds = array<i64: 2, 16>, scalar_prefetch = 0 : i64, scratch_operands = 4 : i64, tpu.core_type = #tpu.core_type<sc_vector_subcore>, window_params = [{transform_indices = #map}, {transform_indices = #map}]} {
    %mul3A = arith.constant 2 : i32
    %mul3A_0 = arith.muli %arg1, %mul3A : i32
    %add3A = arith.addi %mul3A_0, %arg0 : i32
    "tpu.region"() ({
      %run_scoped3A = tpu.sem_alloc : memref<!tpu.dma_semaphore, #tpu.memory_space<semaphore_mem>>
      %dma_start3A = arith.constant 0 : i32
      %dma_start3A_65 = arith.constant 0 : i32
      %dma_start3A_66 = tpu.memref_slice %arg2[%add3A, %dma_start3A, %dma_start3A_65] : memref<32x80x128xi32, #tpu.memory_space<hbm>> -> memref<1x80x128xi32, #tpu.memory_space<hbm>>
      %dma_start3A_67 = tpu.memref_squeeze %dma_start3A_66 : memref<1x80x128xi32, #tpu.memory_space<hbm>> -> memref<80x128xi32, #tpu.memory_space<hbm>>
      %dma_start3A_68 = arith.constant 0 : i32
      %dma_start3A_69 = arith.constant 0 : i32
      %dma_start3A_70 = tpu.memref_slice %arg2[%add3A, %dma_start3A_68, %dma_start3A_69] : memref<32x80x128xi32, #tpu.memory_space<hbm>> -> memref<1x80x128xi32, #tpu.memory_space<hbm>>
      %dma_start3A_71 = tpu.memref_squeeze %dma_start3A_70 : memref<1x80x128xi32, #tpu.memory_space<hbm>> -> memref<80x128xi32, #tpu.memory_space<hbm>>
      tpu.enqueue_dma source(%dma_start3A_71 : memref<80x128xi32, #tpu.memory_space<hbm>>) target(%arg4 : memref<80x128xi32, #tpu.memory_space<vmem>>) target_semaphore(%run_scoped3A : memref<!tpu.dma_semaphore, #tpu.memory_space<semaphore_mem>>)
      %dma_wait3A = arith.constant 0 : i32
      %dma_wait3A_72 = arith.constant 0 : i32
      %dma_wait3A_73 = tpu.memref_slice %arg2[%add3A, %dma_wait3A, %dma_wait3A_72] : memref<32x80x128xi32, #tpu.memory_space<hbm>> -> memref<1x80x128xi32, #tpu.memory_space<hbm>>
      %dma_wait3A_74 = tpu.memref_squeeze %dma_wait3A_73 : memref<1x80x128xi32, #tpu.memory_space<hbm>> -> memref<80x128xi32, #tpu.memory_space<hbm>>
      %dma_wait3A_75 = arith.constant 0 : i32
      %dma_wait3A_76 = arith.constant 0 : i32
      %dma_wait3A_77 = tpu.memref_slice %arg2[%add3A, %dma_wait3A_75, %dma_wait3A_76] : memref<32x80x128xi32, #tpu.memory_space<hbm>> -> memref<1x80x128xi32, #tpu.memory_space<hbm>>
      %dma_wait3A_78 = tpu.memref_squeeze %dma_wait3A_77 : memref<1x80x128xi32, #tpu.memory_space<hbm>> -> memref<80x128xi32, #tpu.memory_space<hbm>>
      tpu.wait_dma2 semaphore(%run_scoped3A : memref<!tpu.dma_semaphore, #tpu.memory_space<semaphore_mem>>) src(%dma_wait3A_78 : memref<80x128xi32, #tpu.memory_space<hbm>>) dst(%arg4 : memref<80x128xi32, #tpu.memory_space<vmem>>)
      tpu.yield
    }) : () -> ()
    %broadcast_in_dim3A = arith.constant 1.000000e+00 : f32
    %broadcast_in_dim3A_1 = vector.broadcast %broadcast_in_dim3A : f32 to vector<16xf32>
    %broadcast_in_dim3A_2 = arith.constant 0.000000e+00 : f32
    %broadcast_in_dim3A_3 = vector.broadcast %broadcast_in_dim3A_2 : f32 to vector<16xf32>
    %scan3A = arith.constant 0 : i32
    %scan3A_4 = arith.constant 0 : i32
    %scan3A_5 = arith.constant 128 : i32
    %scan3A_6 = arith.addi %scan3A_4, %scan3A_5 : i32
    %scan3A_7 = arith.constant 1 : i32
    %scan3A_8 = scf.for %scan3A_65 = %scan3A_4 to %scan3A_6 step %scan3A_7 iter_args(%scan3A_66 = %scan3A) -> (i32)  : i32 {
      %swap3A = arith.index_cast %scan3A_65 : i32 to index
      %swap3A_67 = arith.constant 0 : index
      %swap3A_68 = tpu.vector_load %arg5[%swap3A, %swap3A_67] {strides = array<i32>} : memref<128x16xf32, #tpu.memory_space<vmem>>, vector<1x16xf32>,
      %swap3A_69 = vector.shape_cast %swap3A_68 : vector<1x16xf32> to vector<16xf32>
      %swap3A_70 = vector.shape_cast %broadcast_in_dim3A_1 : vector<16xf32> to vector<1x16xf32>
      tpu.vector_store %arg5[%swap3A, %swap3A_67], %swap3A_70 {strides = array<i32>} : memref<128x16xf32, #tpu.memory_space<vmem>>, vector<1x16xf32>,
      %scan3A_71 = arith.constant 0 : i32
      scf.yield %scan3A_71 : i32
    }
    %scan3A_9 = arith.constant 128 : i32
    %scan3A_10 = arith.constant 0 : i32
    %scan3A_11 = arith.constant 0 : i32
    %scan3A_12 = arith.constant 128 : i32
    %scan3A_13 = arith.addi %scan3A_11, %scan3A_12 : i32
    %scan3A_14 = arith.constant 1 : i32
    %scan3A_15 = scf.for %scan3A_65 = %scan3A_11 to %scan3A_13 step %scan3A_14 iter_args(%scan3A_66 = %scan3A_10) -> (i32)  : i32 {
      %swap3A = arith.index_cast %scan3A_65 : i32 to index
      %swap3A_67 = arith.constant 0 : index
      %swap3A_68 = tpu.vector_load %arg6[%swap3A, %swap3A_67] {strides = array<i32>} : memref<128x16xf32, #tpu.memory_space<vmem>>, vector<1x16xf32>,
      %swap3A_69 = vector.shape_cast %swap3A_68 : vector<1x16xf32> to vector<16xf32>
      %swap3A_70 = vector.shape_cast %broadcast_in_dim3A_3 : vector<16xf32> to vector<1x16xf32>
      tpu.vector_store %arg6[%swap3A, %swap3A_67], %swap3A_70 {strides = array<i32>} : memref<128x16xf32, #tpu.memory_space<vmem>>, vector<1x16xf32>,
      %scan3A_71 = arith.constant 0 : i32
      scf.yield %scan3A_71 : i32
    }
    %scan3A_16 = arith.constant 128 : i32
    %mul3A_17 = arith.constant 640 : i32
    %mul3A_18 = arith.muli %arg1, %mul3A_17 : i32
    %add3A_19 = arith.constant 0 : i32
    %add3A_20 = arith.addi %mul3A_18, %add3A_19 : i32
    "tpu.region"() ({
      %run_scoped3A = tpu.sem_alloc : memref<!tpu.dma_semaphore, #tpu.memory_space<semaphore_mem>>
      %dma_start3A = arith.constant 0 : i32
      %dma_start3A_65 = tpu.memref_slice %arg7[%add3A_20, %dma_start3A] : memref<10240x16xf32, #tpu.memory_space<vmem_shared>> -> memref<128x16xf32, #tpu.memory_space<vmem_shared>>
      %dma_start3A_66 = arith.constant 0 : i32
      %dma_start3A_67 = tpu.memref_slice %arg7[%add3A_20, %dma_start3A_66] : memref<10240x16xf32, #tpu.memory_space<vmem_shared>> -> memref<128x16xf32, #tpu.memory_space<vmem_shared>>
      tpu.enqueue_dma source(%arg6 : memref<128x16xf32, #tpu.memory_space<vmem>>) target(%dma_start3A_67 : memref<128x16xf32, #tpu.memory_space<vmem_shared>>) target_semaphore(%run_scoped3A : memref<!tpu.dma_semaphore, #tpu.memory_space<semaphore_mem>>)
      %dma_wait3A = arith.constant 0 : i32
      %dma_wait3A_68 = tpu.memref_slice %arg7[%add3A_20, %dma_wait3A] : memref<10240x16xf32, #tpu.memory_space<vmem_shared>> -> memref<128x16xf32, #tpu.memory_space<vmem_shared>>
      %dma_wait3A_69 = arith.constant 0 : i32
      %dma_wait3A_70 = tpu.memref_slice %arg7[%add3A_20, %dma_wait3A_69] : memref<10240x16xf32, #tpu.memory_space<vmem_shared>> -> memref<128x16xf32, #tpu.memory_space<vmem_shared>>
      tpu.wait_dma2 semaphore(%run_scoped3A : memref<!tpu.dma_semaphore, #tpu.memory_space<semaphore_mem>>) src(%arg6 : memref<128x16xf32, #tpu.memory_space<vmem>>) dst(%dma_wait3A_70 : memref<128x16xf32, #tpu.memory_space<vmem_shared>>)
      tpu.yield
    }) : () -> ()
    %mul3A_21 = arith.constant 640 : i32
    %mul3A_22 = arith.muli %arg1, %mul3A_21 : i32
    %add3A_23 = arith.constant 128 : i32
    %add3A_24 = arith.addi %mul3A_22, %add3A_23 : i32
    "tpu.region"() ({
      %run_scoped3A = tpu.sem_alloc : memref<!tpu.dma_semaphore, #tpu.memory_space<semaphore_mem>>
      %dma_start3A = arith.constant 0 : i32
      %dma_start3A_65 = tpu.memref_slice %arg7[%add3A_24, %dma_start3A] : memref<10240x16xf32, #tpu.memory_space<vmem_shared>> -> memref<128x16xf32, #tpu.memory_space<vmem_shared>>
      %dma_start3A_66 = arith.constant 0 : i32
      %dma_start3A_67 = tpu.memref_slice %arg7[%add3A_24, %dma_start3A_66] : memref<10240x16xf32, #tpu.memory_space<vmem_shared>> -> memref<128x16xf32, #tpu.memory_space<vmem_shared>>
      tpu.enqueue_dma source(%arg6 : memref<128x16xf32, #tpu.memory_space<vmem>>) target(%dma_start3A_67 : memref<128x16xf32, #tpu.memory_space<vmem_shared>>) target_semaphore(%run_scoped3A : memref<!tpu.dma_semaphore, #tpu.memory_space<semaphore_mem>>)
      %dma_wait3A = arith.constant 0 : i32
      %dma_wait3A_68 = tpu.memref_slice %arg7[%add3A_24, %dma_wait3A] : memref<10240x16xf32, #tpu.memory_space<vmem_shared>> -> memref<128x16xf32, #tpu.memory_space<vmem_shared>>
      %dma_wait3A_69 = arith.constant 0 : i32
      %dma_wait3A_70 = tpu.memref_slice %arg7[%add3A_24, %dma_wait3A_69] : memref<10240x16xf32, #tpu.memory_space<vmem_shared>> -> memref<128x16xf32, #tpu.memory_space<vmem_shared>>
      tpu.wait_dma2 semaphore(%run_scoped3A : memref<!tpu.dma_semaphore, #tpu.memory_space<semaphore_mem>>) src(%arg6 : memref<128x16xf32, #tpu.memory_space<vmem>>) dst(%dma_wait3A_70 : memref<128x16xf32, #tpu.memory_space<vmem_shared>>)
      tpu.yield
    }) : () -> ()
    %mul3A_25 = arith.constant 640 : i32
    %mul3A_26 = arith.muli %arg1, %mul3A_25 : i32
    %add3A_27 = arith.constant 256 : i32
    %add3A_28 = arith.addi %mul3A_26, %add3A_27 : i32
    "tpu.region"() ({
      %run_scoped3A = tpu.sem_alloc : memref<!tpu.dma_semaphore, #tpu.memory_space<semaphore_mem>>
      %dma_start3A = arith.constant 0 : i32
      %dma_start3A_65 = tpu.memref_slice %arg7[%add3A_28, %dma_start3A] : memref<10240x16xf32, #tpu.memory_space<vmem_shared>> -> memref<128x16xf32, #tpu.memory_space<vmem_shared>>
      %dma_start3A_66 = arith.constant 0 : i32
      %dma_start3A_67 = tpu.memref_slice %arg7[%add3A_28, %dma_start3A_66] : memref<10240x16xf32, #tpu.memory_space<vmem_shared>> -> memref<128x16xf32, #tpu.memory_space<vmem_shared>>
      tpu.enqueue_dma source(%arg6 : memref<128x16xf32, #tpu.memory_space<vmem>>) target(%dma_start3A_67 : memref<128x16xf32, #tpu.memory_space<vmem_shared>>) target_semaphore(%run_scoped3A : memref<!tpu.dma_semaphore, #tpu.memory_space<semaphore_mem>>)
      %dma_wait3A = arith.constant 0 : i32
      %dma_wait3A_68 = tpu.memref_slice %arg7[%add3A_28, %dma_wait3A] : memref<10240x16xf32, #tpu.memory_space<vmem_shared>> -> memref<128x16xf32, #tpu.memory_space<vmem_shared>>
      %dma_wait3A_69 = arith.constant 0 : i32
      %dma_wait3A_70 = tpu.memref_slice %arg7[%add3A_28, %dma_wait3A_69] : memref<10240x16xf32, #tpu.memory_space<vmem_shared>> -> memref<128x16xf32, #tpu.memory_space<vmem_shared>>
      tpu.wait_dma2 semaphore(%run_scoped3A : memref<!tpu.dma_semaphore, #tpu.memory_space<semaphore_mem>>) src(%arg6 : memref<128x16xf32, #tpu.memory_space<vmem>>) dst(%dma_wait3A_70 : memref<128x16xf32, #tpu.memory_space<vmem_shared>>)
      tpu.yield
    }) : () -> ()
    %mul3A_29 = arith.constant 640 : i32
    %mul3A_30 = arith.muli %arg1, %mul3A_29 : i32
    %add3A_31 = arith.constant 384 : i32
    %add3A_32 = arith.addi %mul3A_30, %add3A_31 : i32
    "tpu.region"() ({
      %run_scoped3A = tpu.sem_alloc : memref<!tpu.dma_semaphore, #tpu.memory_space<semaphore_mem>>
      %dma_start3A = arith.constant 0 : i32
      %dma_start3A_65 = tpu.memref_slice %arg7[%add3A_32, %dma_start3A] : memref<10240x16xf32, #tpu.memory_space<vmem_shared>> -> memref<128x16xf32, #tpu.memory_space<vmem_shared>>
      %dma_start3A_66 = arith.constant 0 : i32
      %dma_start3A_67 = tpu.memref_slice %arg7[%add3A_32, %dma_start3A_66] : memref<10240x16xf32, #tpu.memory_space<vmem_shared>> -> memref<128x16xf32, #tpu.memory_space<vmem_shared>>
      tpu.enqueue_dma source(%arg6 : memref<128x16xf32, #tpu.memory_space<vmem>>) target(%dma_start3A_67 : memref<128x16xf32, #tpu.memory_space<vmem_shared>>) target_semaphore(%run_scoped3A : memref<!tpu.dma_semaphore, #tpu.memory_space<semaphore_mem>>)
      %dma_wait3A = arith.constant 0 : i32
      %dma_wait3A_68 = tpu.memref_slice %arg7[%add3A_32, %dma_wait3A] : memref<10240x16xf32, #tpu.memory_space<vmem_shared>> -> memref<128x16xf32, #tpu.memory_space<vmem_shared>>
      %dma_wait3A_69 = arith.constant 0 : i32
      %dma_wait3A_70 = tpu.memref_slice %arg7[%add3A_32, %dma_wait3A_69] : memref<10240x16xf32, #tpu.memory_space<vmem_shared>> -> memref<128x16xf32, #tpu.memory_space<vmem_shared>>
      tpu.wait_dma2 semaphore(%run_scoped3A : memref<!tpu.dma_semaphore, #tpu.memory_space<semaphore_mem>>) src(%arg6 : memref<128x16xf32, #tpu.memory_space<vmem>>) dst(%dma_wait3A_70 : memref<128x16xf32, #tpu.memory_space<vmem_shared>>)
      tpu.yield
    }) : () -> ()
    %mul3A_33 = arith.constant 640 : i32
    %mul3A_34 = arith.muli %arg1, %mul3A_33 : i32
    %add3A_35 = arith.constant 512 : i32
    %add3A_36 = arith.addi %mul3A_34, %add3A_35 : i32
    "tpu.region"() ({
      %run_scoped3A = tpu.sem_alloc : memref<!tpu.dma_semaphore, #tpu.memory_space<semaphore_mem>>
      %dma_start3A = arith.constant 0 : i32
      %dma_start3A_65 = tpu.memref_slice %arg7[%add3A_36, %dma_start3A] : memref<10240x16xf32, #tpu.memory_space<vmem_shared>> -> memref<128x16xf32, #tpu.memory_space<vmem_shared>>
      %dma_start3A_66 = arith.constant 0 : i32
      %dma_start3A_67 = tpu.memref_slice %arg7[%add3A_36, %dma_start3A_66] : memref<10240x16xf32, #tpu.memory_space<vmem_shared>> -> memref<128x16xf32, #tpu.memory_space<vmem_shared>>
      tpu.enqueue_dma source(%arg6 : memref<128x16xf32, #tpu.memory_space<vmem>>) target(%dma_start3A_67 : memref<128x16xf32, #tpu.memory_space<vmem_shared>>) target_semaphore(%run_scoped3A : memref<!tpu.dma_semaphore, #tpu.memory_space<semaphore_mem>>)
      %dma_wait3A = arith.constant 0 : i32
      %dma_wait3A_68 = tpu.memref_slice %arg7[%add3A_36, %dma_wait3A] : memref<10240x16xf32, #tpu.memory_space<vmem_shared>> -> memref<128x16xf32, #tpu.memory_space<vmem_shared>>
      %dma_wait3A_69 = arith.constant 0 : i32
      %dma_wait3A_70 = tpu.memref_slice %arg7[%add3A_36, %dma_wait3A_69] : memref<10240x16xf32, #tpu.memory_space<vmem_shared>> -> memref<128x16xf32, #tpu.memory_space<vmem_shared>>
      tpu.wait_dma2 semaphore(%run_scoped3A : memref<!tpu.dma_semaphore, #tpu.memory_space<semaphore_mem>>) src(%arg6 : memref<128x16xf32, #tpu.memory_space<vmem>>) dst(%dma_wait3A_70 : memref<128x16xf32, #tpu.memory_space<vmem_shared>>)
      tpu.yield
    }) : () -> ()
    %barrier3A = arith.constant 0 : index
    tpu.barrier barrier_id(%barrier3A)
    %scan3A_37 = arith.constant 0 : i32
    %scan3A_38 = arith.constant 0 : i32
    %scan3A_39 = arith.constant 80 : i32
    %scan3A_40 = arith.addi %scan3A_38, %scan3A_39 : i32
    %scan3A_41 = arith.constant 1 : i32
    %scan3A_42 = scf.for %scan3A_65 = %scan3A_38 to %scan3A_40 step %scan3A_41 iter_args(%scan3A_66 = %scan3A_37) -> (i32)  : i32 {
      "tpu.region"() ({
        %run_scoped3A = tpu.sem_alloc : memref<!tpu.dma_semaphore, #tpu.memory_space<semaphore_mem>>
        %dma_start3A = arith.constant 0 : i32
        %dma_start3A_68 = tpu.memref_slice %arg4[%scan3A_65, %dma_start3A] : memref<80x128xi32, #tpu.memory_space<vmem>> -> memref<1x128xi32, #tpu.memory_space<vmem>>
        %dma_start3A_69 = tpu.memref_squeeze %dma_start3A_68 : memref<1x128xi32, #tpu.memory_space<vmem>> -> memref<128xi32, #tpu.memory_space<vmem>>
        %dma_start3A_70 = arith.constant 0 : i32
        %dma_start3A_71 = arith.constant 0 : i32
        %dma_start3A_72 = tpu.memref_slice %arg7[%dma_start3A_70, %dma_start3A_71] : memref<10240x16xf32, #tpu.memory_space<vmem_shared>> -> memref<10240x16xf32, #tpu.memory_space<vmem_shared>>
        tpu.enqueue_indirect_dma source(%arg5 : memref<128x16xf32, #tpu.memory_space<vmem>>) target(%dma_start3A_72 : memref<10240x16xf32, #tpu.memory_space<vmem_shared>>) offsets(%dma_start3A_69 : memref<128xi32, #tpu.memory_space<vmem>>) semaphore(%run_scoped3A : memref<!tpu.dma_semaphore, #tpu.memory_space<semaphore_mem>>) {add = true}
        %dma_wait3A = arith.constant 0 : i32
        %dma_wait3A_73 = tpu.memref_slice %arg4[%scan3A_65, %dma_wait3A] : memref<80x128xi32, #tpu.memory_space<vmem>> -> memref<1x128xi32, #tpu.memory_space<vmem>>
        %dma_wait3A_74 = tpu.memref_squeeze %dma_wait3A_73 : memref<1x128xi32, #tpu.memory_space<vmem>> -> memref<128xi32, #tpu.memory_space<vmem>>
        %dma_wait3A_75 = arith.constant 0 : i32
        %dma_wait3A_76 = arith.constant 0 : i32
        %dma_wait3A_77 = tpu.memref_slice %arg7[%dma_wait3A_75, %dma_wait3A_76] : memref<10240x16xf32, #tpu.memory_space<vmem_shared>> -> memref<10240x16xf32, #tpu.memory_space<vmem_shared>>
        tpu.wait_indirect_dma semaphore(%run_scoped3A : memref<!tpu.dma_semaphore, #tpu.memory_space<semaphore_mem>>) src(%arg5 : memref<128x16xf32, #tpu.memory_space<vmem>>) dst(%dma_wait3A_77 : memref<10240x16xf32, #tpu.memory_space<vmem_shared>>)
        tpu.yield
      }) : () -> ()
      %scan3A_67 = arith.constant 0 : i32
      scf.yield %scan3A_67 : i32
    }
    %scan3A_43 = arith.constant 80 : i32
    %barrier3A_44 = arith.constant 0 : index
    tpu.barrier barrier_id(%barrier3A_44)
    %mul3A_45 = arith.constant 640 : i32
    %mul3A_46 = arith.muli %arg1, %mul3A_45 : i32
    %add3A_47 = arith.constant 0 : i32
    %add3A_48 = arith.addi %mul3A_46, %add3A_47 : i32
    "tpu.region"() ({
      %run_scoped3A = tpu.sem_alloc : memref<!tpu.dma_semaphore, #tpu.memory_space<semaphore_mem>>
      %dma_start3A = arith.constant 0 : i32
      %dma_start3A_65 = tpu.memref_slice %arg3[%arg0, %add3A_48, %dma_start3A] : memref<2x10240x16xf32, #tpu.memory_space<hbm>> -> memref<1x128x16xf32, #tpu.memory_space<hbm>>
      %dma_start3A_66 = tpu.memref_squeeze %dma_start3A_65 : memref<1x128x16xf32, #tpu.memory_space<hbm>> -> memref<128x16xf32, #tpu.memory_space<hbm>>
      %dma_start3A_67 = arith.constant 0 : i32
      %dma_start3A_68 = tpu.memref_slice %arg7[%add3A_48, %dma_start3A_67] : memref<10240x16xf32, #tpu.memory_space<vmem_shared>> -> memref<128x16xf32, #tpu.memory_space<vmem_shared>>
      tpu.enqueue_dma source(%dma_start3A_68 : memref<128x16xf32, #tpu.memory_space<vmem_shared>>) target(%dma_start3A_66 : memref<128x16xf32, #tpu.memory_space<hbm>>) target_semaphore(%run_scoped3A : memref<!tpu.dma_semaphore, #tpu.memory_space<semaphore_mem>>)
      %dma_wait3A = arith.constant 0 : i32
      %dma_wait3A_69 = tpu.memref_slice %arg3[%arg0, %add3A_48, %dma_wait3A] : memref<2x10240x16xf32, #tpu.memory_space<hbm>> -> memref<1x128x16xf32, #tpu.memory_space<hbm>>
      %dma_wait3A_70 = tpu.memref_squeeze %dma_wait3A_69 : memref<1x128x16xf32, #tpu.memory_space<hbm>> -> memref<128x16xf32, #tpu.memory_space<hbm>>
      %dma_wait3A_71 = arith.constant 0 : i32
      %dma_wait3A_72 = tpu.memref_slice %arg7[%add3A_48, %dma_wait3A_71] : memref<10240x16xf32, #tpu.memory_space<vmem_shared>> -> memref<128x16xf32, #tpu.memory_space<vmem_shared>>
      tpu.wait_dma2 semaphore(%run_scoped3A : memref<!tpu.dma_semaphore, #tpu.memory_space<semaphore_mem>>) src(%dma_wait3A_72 : memref<128x16xf32, #tpu.memory_space<vmem_shared>>) dst(%dma_wait3A_70 : memref<128x16xf32, #tpu.memory_space<hbm>>)
      tpu.yield
    }) : () -> ()
    %mul3A_49 = arith.constant 640 : i32
    %mul3A_50 = arith.muli %arg1, %mul3A_49 : i32
    %add3A_51 = arith.constant 128 : i32
    %add3A_52 = arith.addi %mul3A_50, %add3A_51 : i32
    "tpu.region"() ({
      %run_scoped3A = tpu.sem_alloc : memref<!tpu.dma_semaphore, #tpu.memory_space<semaphore_mem>>
      %dma_start3A = arith.constant 0 : i32
      %dma_start3A_65 = tpu.memref_slice %arg3[%arg0, %add3A_52, %dma_start3A] : memref<2x10240x16xf32, #tpu.memory_space<hbm>> -> memref<1x128x16xf32, #tpu.memory_space<hbm>>
      %dma_start3A_66 = tpu.memref_squeeze %dma_start3A_65 : memref<1x128x16xf32, #tpu.memory_space<hbm>> -> memref<128x16xf32, #tpu.memory_space<hbm>>
      %dma_start3A_67 = arith.constant 0 : i32
      %dma_start3A_68 = tpu.memref_slice %arg7[%add3A_52, %dma_start3A_67] : memref<10240x16xf32, #tpu.memory_space<vmem_shared>> -> memref<128x16xf32, #tpu.memory_space<vmem_shared>>
      tpu.enqueue_dma source(%dma_start3A_68 : memref<128x16xf32, #tpu.memory_space<vmem_shared>>) target(%dma_start3A_66 : memref<128x16xf32, #tpu.memory_space<hbm>>) target_semaphore(%run_scoped3A : memref<!tpu.dma_semaphore, #tpu.memory_space<semaphore_mem>>)
      %dma_wait3A = arith.constant 0 : i32
      %dma_wait3A_69 = tpu.memref_slice %arg3[%arg0, %add3A_52, %dma_wait3A] : memref<2x10240x16xf32, #tpu.memory_space<hbm>> -> memref<1x128x16xf32, #tpu.memory_space<hbm>>
      %dma_wait3A_70 = tpu.memref_squeeze %dma_wait3A_69 : memref<1x128x16xf32, #tpu.memory_space<hbm>> -> memref<128x16xf32, #tpu.memory_space<hbm>>
      %dma_wait3A_71 = arith.constant 0 : i32
      %dma_wait3A_72 = tpu.memref_slice %arg7[%add3A_52, %dma_wait3A_71] : memref<10240x16xf32, #tpu.memory_space<vmem_shared>> -> memref<128x16xf32, #tpu.memory_space<vmem_shared>>
      tpu.wait_dma2 semaphore(%run_scoped3A : memref<!tpu.dma_semaphore, #tpu.memory_space<semaphore_mem>>) src(%dma_wait3A_72 : memref<128x16xf32, #tpu.memory_space<vmem_shared>>) dst(%dma_wait3A_70 : memref<128x16xf32, #tpu.memory_space<hbm>>)
      tpu.yield
    }) : () -> ()
    %mul3A_53 = arith.constant 640 : i32
    %mul3A_54 = arith.muli %arg1, %mul3A_53 : i32
    %add3A_55 = arith.constant 256 : i32
    %add3A_56 = arith.addi %mul3A_54, %add3A_55 : i32
    "tpu.region"() ({
      %run_scoped3A = tpu.sem_alloc : memref<!tpu.dma_semaphore, #tpu.memory_space<semaphore_mem>>
      %dma_start3A = arith.constant 0 : i32
      %dma_start3A_65 = tpu.memref_slice %arg3[%arg0, %add3A_56, %dma_start3A] : memref<2x10240x16xf32, #tpu.memory_space<hbm>> -> memref<1x128x16xf32, #tpu.memory_space<hbm>>
      %dma_start3A_66 = tpu.memref_squeeze %dma_start3A_65 : memref<1x128x16xf32, #tpu.memory_space<hbm>> -> memref<128x16xf32, #tpu.memory_space<hbm>>
      %dma_start3A_67 = arith.constant 0 : i32
      %dma_start3A_68 = tpu.memref_slice %arg7[%add3A_56, %dma_start3A_67] : memref<10240x16xf32, #tpu.memory_space<vmem_shared>> -> memref<128x16xf32, #tpu.memory_space<vmem_shared>>
      tpu.enqueue_dma source(%dma_start3A_68 : memref<128x16xf32, #tpu.memory_space<vmem_shared>>) target(%dma_start3A_66 : memref<128x16xf32, #tpu.memory_space<hbm>>) target_semaphore(%run_scoped3A : memref<!tpu.dma_semaphore, #tpu.memory_space<semaphore_mem>>)
      %dma_wait3A = arith.constant 0 : i32
      %dma_wait3A_69 = tpu.memref_slice %arg3[%arg0, %add3A_56, %dma_wait3A] : memref<2x10240x16xf32, #tpu.memory_space<hbm>> -> memref<1x128x16xf32, #tpu.memory_space<hbm>>
      %dma_wait3A_70 = tpu.memref_squeeze %dma_wait3A_69 : memref<1x128x16xf32, #tpu.memory_space<hbm>> -> memref<128x16xf32, #tpu.memory_space<hbm>>
      %dma_wait3A_71 = arith.constant 0 : i32
      %dma_wait3A_72 = tpu.memref_slice %arg7[%add3A_56, %dma_wait3A_71] : memref<10240x16xf32, #tpu.memory_space<vmem_shared>> -> memref<128x16xf32, #tpu.memory_space<vmem_shared>>
      tpu.wait_dma2 semaphore(%run_scoped3A : memref<!tpu.dma_semaphore, #tpu.memory_space<semaphore_mem>>) src(%dma_wait3A_72 : memref<128x16xf32, #tpu.memory_space<vmem_shared>>) dst(%dma_wait3A_70 : memref<128x16xf32, #tpu.memory_space<hbm>>)
      tpu.yield
    }) : () -> ()
    %mul3A_57 = arith.constant 640 : i32
    %mul3A_58 = arith.muli %arg1, %mul3A_57 : i32
    %add3A_59 = arith.constant 384 : i32
    %add3A_60 = arith.addi %mul3A_58, %add3A_59 : i32
    "tpu.region"() ({
      %run_scoped3A = tpu.sem_alloc : memref<!tpu.dma_semaphore, #tpu.memory_space<semaphore_mem>>
      %dma_start3A = arith.constant 0 : i32
      %dma_start3A_65 = tpu.memref_slice %arg3[%arg0, %add3A_60, %dma_start3A] : memref<2x10240x16xf32, #tpu.memory_space<hbm>> -> memref<1x128x16xf32, #tpu.memory_space<hbm>>
      %dma_start3A_66 = tpu.memref_squeeze %dma_start3A_65 : memref<1x128x16xf32, #tpu.memory_space<hbm>> -> memref<128x16xf32, #tpu.memory_space<hbm>>
      %dma_start3A_67 = arith.constant 0 : i32
      %dma_start3A_68 = tpu.memref_slice %arg7[%add3A_60, %dma_start3A_67] : memref<10240x16xf32, #tpu.memory_space<vmem_shared>> -> memref<128x16xf32, #tpu.memory_space<vmem_shared>>
      tpu.enqueue_dma source(%dma_start3A_68 : memref<128x16xf32, #tpu.memory_space<vmem_shared>>) target(%dma_start3A_66 : memref<128x16xf32, #tpu.memory_space<hbm>>) target_semaphore(%run_scoped3A : memref<!tpu.dma_semaphore, #tpu.memory_space<semaphore_mem>>)
      %dma_wait3A = arith.constant 0 : i32
      %dma_wait3A_69 = tpu.memref_slice %arg3[%arg0, %add3A_60, %dma_wait3A] : memref<2x10240x16xf32, #tpu.memory_space<hbm>> -> memref<1x128x16xf32, #tpu.memory_space<hbm>>
      %dma_wait3A_70 = tpu.memref_squeeze %dma_wait3A_69 : memref<1x128x16xf32, #tpu.memory_space<hbm>> -> memref<128x16xf32, #tpu.memory_space<hbm>>
      %dma_wait3A_71 = arith.constant 0 : i32
      %dma_wait3A_72 = tpu.memref_slice %arg7[%add3A_60, %dma_wait3A_71] : memref<10240x16xf32, #tpu.memory_space<vmem_shared>> -> memref<128x16xf32, #tpu.memory_space<vmem_shared>>
      tpu.wait_dma2 semaphore(%run_scoped3A : memref<!tpu.dma_semaphore, #tpu.memory_space<semaphore_mem>>) src(%dma_wait3A_72 : memref<128x16xf32, #tpu.memory_space<vmem_shared>>) dst(%dma_wait3A_70 : memref<128x16xf32, #tpu.memory_space<hbm>>)
      tpu.yield
    }) : () -> ()
    %mul3A_61 = arith.constant 640 : i32
    %mul3A_62 = arith.muli %arg1, %mul3A_61 : i32
    %add3A_63 = arith.constant 512 : i32
    %add3A_64 = arith.addi %mul3A_62, %add3A_63 : i32
    "tpu.region"() ({
      %run_scoped3A = tpu.sem_alloc : memref<!tpu.dma_semaphore, #tpu.memory_space<semaphore_mem>>
      %dma_start3A = arith.constant 0 : i32
      %dma_start3A_65 = tpu.memref_slice %arg3[%arg0, %add3A_64, %dma_start3A] : memref<2x10240x16xf32, #tpu.memory_space<hbm>> -> memref<1x128x16xf32, #tpu.memory_space<hbm>>
      %dma_start3A_66 = tpu.memref_squeeze %dma_start3A_65 : memref<1x128x16xf32, #tpu.memory_space<hbm>> -> memref<128x16xf32, #tpu.memory_space<hbm>>
      %dma_start3A_67 = arith.constant 0 : i32
      %dma_start3A_68 = tpu.memref_slice %arg7[%add3A_64, %dma_start3A_67] : memref<10240x16xf32, #tpu.memory_space<vmem_shared>> -> memref<128x16xf32, #tpu.memory_space<vmem_shared>>
      tpu.enqueue_dma source(%dma_start3A_68 : memref<128x16xf32, #tpu.memory_space<vmem_shared>>) target(%dma_start3A_66 : memref<128x16xf32, #tpu.memory_space<hbm>>) target_semaphore(%run_scoped3A : memref<!tpu.dma_semaphore, #tpu.memory_space<semaphore_mem>>)
      %dma_wait3A = arith.constant 0 : i32
      %dma_wait3A_69 = tpu.memref_slice %arg3[%arg0, %add3A_64, %dma_wait3A] : memref<2x10240x16xf32, #tpu.memory_space<hbm>> -> memref<1x128x16xf32, #tpu.memory_space<hbm>>
      %dma_wait3A_70 = tpu.memref_squeeze %dma_wait3A_69 : memref<1x128x16xf32, #tpu.memory_space<hbm>> -> memref<128x16xf32, #tpu.memory_space<hbm>>
      %dma_wait3A_71 = arith.constant 0 : i32
      %dma_wait3A_72 = tpu.memref_slice %arg7[%add3A_64, %dma_wait3A_71] : memref<10240x16xf32, #tpu.memory_space<vmem_shared>> -> memref<128x16xf32, #tpu.memory_space<vmem_shared>>
      tpu.wait_dma2 semaphore(%run_scoped3A : memref<!tpu.dma_semaphore, #tpu.memory_space<semaphore_mem>>) src(%dma_wait3A_72 : memref<128x16xf32, #tpu.memory_space<vmem_shared>>) dst(%dma_wait3A_70 : memref<128x16xf32, #tpu.memory_space<hbm>>)
      tpu.yield
    }) : () -> ()
    return
  }
}

#map = affine_map<(d0, d1) -> (0, 0)>
#map1 = affine_map<(d0, d1) -> (0, 0, 0)>
module attributes {stable_mosaic.version = 14 : i64} {
  func.func @_agg_body(%arg0: i32, %arg1: i32, %arg2: memref<10240x64xf32, #tpu.memory_space<hbm>>, %arg3: memref<10240x64xf32, #tpu.memory_space<hbm>>, %arg4: memref<32x80x128xi32, #tpu.memory_space<hbm>>, %arg5: memref<32x80x128xi32, #tpu.memory_space<hbm>>, %arg6: memref<2x10240x64xf32, #tpu.memory_space<hbm>>, %arg7: memref<2x10240x64xf32, #tpu.memory_space<hbm>>, %arg8: memref<80x128xi32, #tpu.memory_space<vmem>>, %arg9: memref<80x128xi32, #tpu.memory_space<vmem>>, %arg10: memref<128x64xf32, #tpu.memory_space<vmem>>, %arg11: memref<5x128x64xf32, #tpu.memory_space<vmem>>, %arg12: memref<10240x64xf32, #tpu.memory_space<vmem_shared>>, %arg13: memref<5x!tpu.dma_semaphore, #tpu.memory_space<semaphore_mem>>, %arg14: memref<5x!tpu.dma_semaphore, #tpu.memory_space<semaphore_mem>>) attributes {dimension_semantics = [#tpu.dimension_semantics<core_parallel>, #tpu.dimension_semantics<subcore_parallel>], iteration_bounds = array<i64: 2, 16>, scalar_prefetch = 0 : i64, scratch_operands = 7 : i64, tpu.core_type = #tpu.core_type<sc_vector_subcore>, window_params = [{transform_indices = #map}, {transform_indices = #map}, {transform_indices = #map1}, {transform_indices = #map1}, {transform_indices = #map1}, {transform_indices = #map1}]} {
    %mul3A = arith.constant 2 : i32
    %mul3A_0 = arith.muli %arg1, %mul3A : i32
    %add3A = arith.addi %mul3A_0, %arg0 : i32
    "tpu.region"() ({
      %run_scoped3A = tpu.sem_alloc : memref<!tpu.dma_semaphore, #tpu.memory_space<semaphore_mem>>
      %dma_start3A_253 = arith.constant 0 : i32
      %dma_start3A_254 = arith.constant 0 : i32
      %dma_start3A_255 = tpu.memref_slice %arg4[%add3A, %dma_start3A_253, %dma_start3A_254] : memref<32x80x128xi32, #tpu.memory_space<hbm>> -> memref<1x80x128xi32, #tpu.memory_space<hbm>>
      %dma_start3A_256 = tpu.memref_squeeze %dma_start3A_255 : memref<1x80x128xi32, #tpu.memory_space<hbm>> -> memref<80x128xi32, #tpu.memory_space<hbm>>
      %dma_start3A_257 = arith.constant 0 : i32
      %dma_start3A_258 = arith.constant 0 : i32
      %dma_start3A_259 = tpu.memref_slice %arg4[%add3A, %dma_start3A_257, %dma_start3A_258] : memref<32x80x128xi32, #tpu.memory_space<hbm>> -> memref<1x80x128xi32, #tpu.memory_space<hbm>>
      %dma_start3A_260 = tpu.memref_squeeze %dma_start3A_259 : memref<1x80x128xi32, #tpu.memory_space<hbm>> -> memref<80x128xi32, #tpu.memory_space<hbm>>
      tpu.enqueue_dma source(%dma_start3A_260 : memref<80x128xi32, #tpu.memory_space<hbm>>) target(%arg8 : memref<80x128xi32, #tpu.memory_space<vmem>>) target_semaphore(%run_scoped3A : memref<!tpu.dma_semaphore, #tpu.memory_space<semaphore_mem>>)
      %dma_wait3A_261 = arith.constant 0 : i32
      %dma_wait3A_262 = arith.constant 0 : i32
      %dma_wait3A_263 = tpu.memref_slice %arg4[%add3A, %dma_wait3A_261, %dma_wait3A_262] : memref<32x80x128xi32, #tpu.memory_space<hbm>> -> memref<1x80x128xi32, #tpu.memory_space<hbm>>
      %dma_wait3A_264 = tpu.memref_squeeze %dma_wait3A_263 : memref<1x80x128xi32, #tpu.memory_space<hbm>> -> memref<80x128xi32, #tpu.memory_space<hbm>>
      %dma_wait3A_265 = arith.constant 0 : i32
      %dma_wait3A_266 = arith.constant 0 : i32
      %dma_wait3A_267 = tpu.memref_slice %arg4[%add3A, %dma_wait3A_265, %dma_wait3A_266] : memref<32x80x128xi32, #tpu.memory_space<hbm>> -> memref<1x80x128xi32, #tpu.memory_space<hbm>>
      %dma_wait3A_268 = tpu.memref_squeeze %dma_wait3A_267 : memref<1x80x128xi32, #tpu.memory_space<hbm>> -> memref<80x128xi32, #tpu.memory_space<hbm>>
      tpu.wait_dma2 semaphore(%run_scoped3A : memref<!tpu.dma_semaphore, #tpu.memory_space<semaphore_mem>>) src(%dma_wait3A_268 : memref<80x128xi32, #tpu.memory_space<hbm>>) dst(%arg8 : memref<80x128xi32, #tpu.memory_space<vmem>>)
      tpu.yield
    }) : () -> ()
    "tpu.region"() ({
      %run_scoped3A = tpu.sem_alloc : memref<!tpu.dma_semaphore, #tpu.memory_space<semaphore_mem>>
      %dma_start3A_253 = arith.constant 0 : i32
      %dma_start3A_254 = arith.constant 0 : i32
      %dma_start3A_255 = tpu.memref_slice %arg5[%add3A, %dma_start3A_253, %dma_start3A_254] : memref<32x80x128xi32, #tpu.memory_space<hbm>> -> memref<1x80x128xi32, #tpu.memory_space<hbm>>
      %dma_start3A_256 = tpu.memref_squeeze %dma_start3A_255 : memref<1x80x128xi32, #tpu.memory_space<hbm>> -> memref<80x128xi32, #tpu.memory_space<hbm>>
      %dma_start3A_257 = arith.constant 0 : i32
      %dma_start3A_258 = arith.constant 0 : i32
      %dma_start3A_259 = tpu.memref_slice %arg5[%add3A, %dma_start3A_257, %dma_start3A_258] : memref<32x80x128xi32, #tpu.memory_space<hbm>> -> memref<1x80x128xi32, #tpu.memory_space<hbm>>
      %dma_start3A_260 = tpu.memref_squeeze %dma_start3A_259 : memref<1x80x128xi32, #tpu.memory_space<hbm>> -> memref<80x128xi32, #tpu.memory_space<hbm>>
      tpu.enqueue_dma source(%dma_start3A_260 : memref<80x128xi32, #tpu.memory_space<hbm>>) target(%arg9 : memref<80x128xi32, #tpu.memory_space<vmem>>) target_semaphore(%run_scoped3A : memref<!tpu.dma_semaphore, #tpu.memory_space<semaphore_mem>>)
      %dma_wait3A_261 = arith.constant 0 : i32
      %dma_wait3A_262 = arith.constant 0 : i32
      %dma_wait3A_263 = tpu.memref_slice %arg5[%add3A, %dma_wait3A_261, %dma_wait3A_262] : memref<32x80x128xi32, #tpu.memory_space<hbm>> -> memref<1x80x128xi32, #tpu.memory_space<hbm>>
      %dma_wait3A_264 = tpu.memref_squeeze %dma_wait3A_263 : memref<1x80x128xi32, #tpu.memory_space<hbm>> -> memref<80x128xi32, #tpu.memory_space<hbm>>
      %dma_wait3A_265 = arith.constant 0 : i32
      %dma_wait3A_266 = arith.constant 0 : i32
      %dma_wait3A_267 = tpu.memref_slice %arg5[%add3A, %dma_wait3A_265, %dma_wait3A_266] : memref<32x80x128xi32, #tpu.memory_space<hbm>> -> memref<1x80x128xi32, #tpu.memory_space<hbm>>
      %dma_wait3A_268 = tpu.memref_squeeze %dma_wait3A_267 : memref<1x80x128xi32, #tpu.memory_space<hbm>> -> memref<80x128xi32, #tpu.memory_space<hbm>>
      tpu.wait_dma2 semaphore(%run_scoped3A : memref<!tpu.dma_semaphore, #tpu.memory_space<semaphore_mem>>) src(%dma_wait3A_268 : memref<80x128xi32, #tpu.memory_space<hbm>>) dst(%arg9 : memref<80x128xi32, #tpu.memory_space<vmem>>)
      tpu.yield
    }) : () -> ()
    %broadcast_in_dim3A = arith.constant 0.000000e+00 : f32
    %broadcast_in_dim3A_1 = vector.broadcast %broadcast_in_dim3A : f32 to vector<16xf32>
    %scan3A = arith.constant 0 : i32
    %scan3A_2 = arith.constant 0 : i32
    %scan3A_3 = arith.constant 128 : i32
    %scan3A_4 = arith.addi %scan3A_2, %scan3A_3 : i32
    %scan3A_5 = arith.constant 1 : i32
    %scan3A_6 = scf.for %scan3A_253 = %scan3A_2 to %scan3A_4 step %scan3A_5 iter_args(%scan3A_254 = %scan3A) -> (i32)  : i32 {
      %swap3A = arith.index_cast %scan3A_253 : i32 to index
      %swap3A_255 = arith.constant 0 : index
      %swap3A_256 = tpu.vector_load %arg10[%swap3A, %swap3A_255] {strides = array<i32>} : memref<128x64xf32, #tpu.memory_space<vmem>>, vector<1x16xf32>,
      %swap3A_257 = vector.shape_cast %swap3A_256 : vector<1x16xf32> to vector<16xf32>
      %swap3A_258 = vector.shape_cast %broadcast_in_dim3A_1 : vector<16xf32> to vector<1x16xf32>
      tpu.vector_store %arg10[%swap3A, %swap3A_255], %swap3A_258 {strides = array<i32>} : memref<128x64xf32, #tpu.memory_space<vmem>>, vector<1x16xf32>,
      %swap3A_259 = arith.index_cast %scan3A_253 : i32 to index
      %swap3A_260 = arith.constant 16 : index
      %swap3A_261 = tpu.vector_load %arg10[%swap3A_259, %swap3A_260] {strides = array<i32>} : memref<128x64xf32, #tpu.memory_space<vmem>>, vector<1x16xf32>,
      %swap3A_262 = vector.shape_cast %swap3A_261 : vector<1x16xf32> to vector<16xf32>
      %swap3A_263 = vector.shape_cast %broadcast_in_dim3A_1 : vector<16xf32> to vector<1x16xf32>
      tpu.vector_store %arg10[%swap3A_259, %swap3A_260], %swap3A_263 {strides = array<i32>} : memref<128x64xf32, #tpu.memory_space<vmem>>, vector<1x16xf32>,
      %swap3A_264 = arith.index_cast %scan3A_253 : i32 to index
      %swap3A_265 = arith.constant 32 : index
      %swap3A_266 = tpu.vector_load %arg10[%swap3A_264, %swap3A_265] {strides = array<i32>} : memref<128x64xf32, #tpu.memory_space<vmem>>, vector<1x16xf32>,
      %swap3A_267 = vector.shape_cast %swap3A_266 : vector<1x16xf32> to vector<16xf32>
      %swap3A_268 = vector.shape_cast %broadcast_in_dim3A_1 : vector<16xf32> to vector<1x16xf32>
      tpu.vector_store %arg10[%swap3A_264, %swap3A_265], %swap3A_268 {strides = array<i32>} : memref<128x64xf32, #tpu.memory_space<vmem>>, vector<1x16xf32>,
      %swap3A_269 = arith.index_cast %scan3A_253 : i32 to index
      %swap3A_270 = arith.constant 48 : index
      %swap3A_271 = tpu.vector_load %arg10[%swap3A_269, %swap3A_270] {strides = array<i32>} : memref<128x64xf32, #tpu.memory_space<vmem>>, vector<1x16xf32>,
      %swap3A_272 = vector.shape_cast %swap3A_271 : vector<1x16xf32> to vector<16xf32>
      %swap3A_273 = vector.shape_cast %broadcast_in_dim3A_1 : vector<16xf32> to vector<1x16xf32>
      tpu.vector_store %arg10[%swap3A_269, %swap3A_270], %swap3A_273 {strides = array<i32>} : memref<128x64xf32, #tpu.memory_space<vmem>>, vector<1x16xf32>,
      %scan3A_274 = arith.constant 0 : i32
      scf.yield %scan3A_274 : i32
    }
    %scan3A_7 = arith.constant 128 : i32
    %mul3A_8 = arith.constant 640 : i32
    %mul3A_9 = arith.muli %arg1, %mul3A_8 : i32
    %add3A_10 = arith.constant 0 : i32
    %add3A_11 = arith.addi %mul3A_9, %add3A_10 : i32
    "tpu.region"() ({
      %run_scoped3A = tpu.sem_alloc : memref<!tpu.dma_semaphore, #tpu.memory_space<semaphore_mem>>
      %dma_start3A_253 = arith.constant 0 : i32
      %dma_start3A_254 = tpu.memref_slice %arg12[%add3A_11, %dma_start3A_253] : memref<10240x64xf32, #tpu.memory_space<vmem_shared>> -> memref<128x64xf32, #tpu.memory_space<vmem_shared>>
      %dma_start3A_255 = arith.constant 0 : i32
      %dma_start3A_256 = tpu.memref_slice %arg12[%add3A_11, %dma_start3A_255] : memref<10240x64xf32, #tpu.memory_space<vmem_shared>> -> memref<128x64xf32, #tpu.memory_space<vmem_shared>>
      tpu.enqueue_dma source(%arg10 : memref<128x64xf32, #tpu.memory_space<vmem>>) target(%dma_start3A_256 : memref<128x64xf32, #tpu.memory_space<vmem_shared>>) target_semaphore(%run_scoped3A : memref<!tpu.dma_semaphore, #tpu.memory_space<semaphore_mem>>)
      %dma_wait3A_257 = arith.constant 0 : i32
      %dma_wait3A_258 = tpu.memref_slice %arg12[%add3A_11, %dma_wait3A_257] : memref<10240x64xf32, #tpu.memory_space<vmem_shared>> -> memref<128x64xf32, #tpu.memory_space<vmem_shared>>
      %dma_wait3A_259 = arith.constant 0 : i32
      %dma_wait3A_260 = tpu.memref_slice %arg12[%add3A_11, %dma_wait3A_259] : memref<10240x64xf32, #tpu.memory_space<vmem_shared>> -> memref<128x64xf32, #tpu.memory_space<vmem_shared>>
      tpu.wait_dma2 semaphore(%run_scoped3A : memref<!tpu.dma_semaphore, #tpu.memory_space<semaphore_mem>>) src(%arg10 : memref<128x64xf32, #tpu.memory_space<vmem>>) dst(%dma_wait3A_260 : memref<128x64xf32, #tpu.memory_space<vmem_shared>>)
      tpu.yield
    }) : () -> ()
    %mul3A_12 = arith.constant 640 : i32
    %mul3A_13 = arith.muli %arg1, %mul3A_12 : i32
    %add3A_14 = arith.constant 128 : i32
    %add3A_15 = arith.addi %mul3A_13, %add3A_14 : i32
    "tpu.region"() ({
      %run_scoped3A = tpu.sem_alloc : memref<!tpu.dma_semaphore, #tpu.memory_space<semaphore_mem>>
      %dma_start3A_253 = arith.constant 0 : i32
      %dma_start3A_254 = tpu.memref_slice %arg12[%add3A_15, %dma_start3A_253] : memref<10240x64xf32, #tpu.memory_space<vmem_shared>> -> memref<128x64xf32, #tpu.memory_space<vmem_shared>>
      %dma_start3A_255 = arith.constant 0 : i32
      %dma_start3A_256 = tpu.memref_slice %arg12[%add3A_15, %dma_start3A_255] : memref<10240x64xf32, #tpu.memory_space<vmem_shared>> -> memref<128x64xf32, #tpu.memory_space<vmem_shared>>
      tpu.enqueue_dma source(%arg10 : memref<128x64xf32, #tpu.memory_space<vmem>>) target(%dma_start3A_256 : memref<128x64xf32, #tpu.memory_space<vmem_shared>>) target_semaphore(%run_scoped3A : memref<!tpu.dma_semaphore, #tpu.memory_space<semaphore_mem>>)
      %dma_wait3A_257 = arith.constant 0 : i32
      %dma_wait3A_258 = tpu.memref_slice %arg12[%add3A_15, %dma_wait3A_257] : memref<10240x64xf32, #tpu.memory_space<vmem_shared>> -> memref<128x64xf32, #tpu.memory_space<vmem_shared>>
      %dma_wait3A_259 = arith.constant 0 : i32
      %dma_wait3A_260 = tpu.memref_slice %arg12[%add3A_15, %dma_wait3A_259] : memref<10240x64xf32, #tpu.memory_space<vmem_shared>> -> memref<128x64xf32, #tpu.memory_space<vmem_shared>>
      tpu.wait_dma2 semaphore(%run_scoped3A : memref<!tpu.dma_semaphore, #tpu.memory_space<semaphore_mem>>) src(%arg10 : memref<128x64xf32, #tpu.memory_space<vmem>>) dst(%dma_wait3A_260 : memref<128x64xf32, #tpu.memory_space<vmem_shared>>)
      tpu.yield
    }) : () -> ()
    %mul3A_16 = arith.constant 640 : i32
    %mul3A_17 = arith.muli %arg1, %mul3A_16 : i32
    %add3A_18 = arith.constant 256 : i32
    %add3A_19 = arith.addi %mul3A_17, %add3A_18 : i32
    "tpu.region"() ({
      %run_scoped3A = tpu.sem_alloc : memref<!tpu.dma_semaphore, #tpu.memory_space<semaphore_mem>>
      %dma_start3A_253 = arith.constant 0 : i32
      %dma_start3A_254 = tpu.memref_slice %arg12[%add3A_19, %dma_start3A_253] : memref<10240x64xf32, #tpu.memory_space<vmem_shared>> -> memref<128x64xf32, #tpu.memory_space<vmem_shared>>
      %dma_start3A_255 = arith.constant 0 : i32
      %dma_start3A_256 = tpu.memref_slice %arg12[%add3A_19, %dma_start3A_255] : memref<10240x64xf32, #tpu.memory_space<vmem_shared>> -> memref<128x64xf32, #tpu.memory_space<vmem_shared>>
      tpu.enqueue_dma source(%arg10 : memref<128x64xf32, #tpu.memory_space<vmem>>) target(%dma_start3A_256 : memref<128x64xf32, #tpu.memory_space<vmem_shared>>) target_semaphore(%run_scoped3A : memref<!tpu.dma_semaphore, #tpu.memory_space<semaphore_mem>>)
      %dma_wait3A_257 = arith.constant 0 : i32
      %dma_wait3A_258 = tpu.memref_slice %arg12[%add3A_19, %dma_wait3A_257] : memref<10240x64xf32, #tpu.memory_space<vmem_shared>> -> memref<128x64xf32, #tpu.memory_space<vmem_shared>>
      %dma_wait3A_259 = arith.constant 0 : i32
      %dma_wait3A_260 = tpu.memref_slice %arg12[%add3A_19, %dma_wait3A_259] : memref<10240x64xf32, #tpu.memory_space<vmem_shared>> -> memref<128x64xf32, #tpu.memory_space<vmem_shared>>
      tpu.wait_dma2 semaphore(%run_scoped3A : memref<!tpu.dma_semaphore, #tpu.memory_space<semaphore_mem>>) src(%arg10 : memref<128x64xf32, #tpu.memory_space<vmem>>) dst(%dma_wait3A_260 : memref<128x64xf32, #tpu.memory_space<vmem_shared>>)
      tpu.yield
    }) : () -> ()
    %mul3A_20 = arith.constant 640 : i32
    %mul3A_21 = arith.muli %arg1, %mul3A_20 : i32
    %add3A_22 = arith.constant 384 : i32
    %add3A_23 = arith.addi %mul3A_21, %add3A_22 : i32
    "tpu.region"() ({
      %run_scoped3A = tpu.sem_alloc : memref<!tpu.dma_semaphore, #tpu.memory_space<semaphore_mem>>
      %dma_start3A_253 = arith.constant 0 : i32
      %dma_start3A_254 = tpu.memref_slice %arg12[%add3A_23, %dma_start3A_253] : memref<10240x64xf32, #tpu.memory_space<vmem_shared>> -> memref<128x64xf32, #tpu.memory_space<vmem_shared>>
      %dma_start3A_255 = arith.constant 0 : i32
      %dma_start3A_256 = tpu.memref_slice %arg12[%add3A_23, %dma_start3A_255] : memref<10240x64xf32, #tpu.memory_space<vmem_shared>> -> memref<128x64xf32, #tpu.memory_space<vmem_shared>>
      tpu.enqueue_dma source(%arg10 : memref<128x64xf32, #tpu.memory_space<vmem>>) target(%dma_start3A_256 : memref<128x64xf32, #tpu.memory_space<vmem_shared>>) target_semaphore(%run_scoped3A : memref<!tpu.dma_semaphore, #tpu.memory_space<semaphore_mem>>)
      %dma_wait3A_257 = arith.constant 0 : i32
      %dma_wait3A_258 = tpu.memref_slice %arg12[%add3A_23, %dma_wait3A_257] : memref<10240x64xf32, #tpu.memory_space<vmem_shared>> -> memref<128x64xf32, #tpu.memory_space<vmem_shared>>
      %dma_wait3A_259 = arith.constant 0 : i32
      %dma_wait3A_260 = tpu.memref_slice %arg12[%add3A_23, %dma_wait3A_259] : memref<10240x64xf32, #tpu.memory_space<vmem_shared>> -> memref<128x64xf32, #tpu.memory_space<vmem_shared>>
      tpu.wait_dma2 semaphore(%run_scoped3A : memref<!tpu.dma_semaphore, #tpu.memory_space<semaphore_mem>>) src(%arg10 : memref<128x64xf32, #tpu.memory_space<vmem>>) dst(%dma_wait3A_260 : memref<128x64xf32, #tpu.memory_space<vmem_shared>>)
      tpu.yield
    }) : () -> ()
    %mul3A_24 = arith.constant 640 : i32
    %mul3A_25 = arith.muli %arg1, %mul3A_24 : i32
    %add3A_26 = arith.constant 512 : i32
    %add3A_27 = arith.addi %mul3A_25, %add3A_26 : i32
    "tpu.region"() ({
      %run_scoped3A = tpu.sem_alloc : memref<!tpu.dma_semaphore, #tpu.memory_space<semaphore_mem>>
      %dma_start3A_253 = arith.constant 0 : i32
      %dma_start3A_254 = tpu.memref_slice %arg12[%add3A_27, %dma_start3A_253] : memref<10240x64xf32, #tpu.memory_space<vmem_shared>> -> memref<128x64xf32, #tpu.memory_space<vmem_shared>>
      %dma_start3A_255 = arith.constant 0 : i32
      %dma_start3A_256 = tpu.memref_slice %arg12[%add3A_27, %dma_start3A_255] : memref<10240x64xf32, #tpu.memory_space<vmem_shared>> -> memref<128x64xf32, #tpu.memory_space<vmem_shared>>
      tpu.enqueue_dma source(%arg10 : memref<128x64xf32, #tpu.memory_space<vmem>>) target(%dma_start3A_256 : memref<128x64xf32, #tpu.memory_space<vmem_shared>>) target_semaphore(%run_scoped3A : memref<!tpu.dma_semaphore, #tpu.memory_space<semaphore_mem>>)
      %dma_wait3A_257 = arith.constant 0 : i32
      %dma_wait3A_258 = tpu.memref_slice %arg12[%add3A_27, %dma_wait3A_257] : memref<10240x64xf32, #tpu.memory_space<vmem_shared>> -> memref<128x64xf32, #tpu.memory_space<vmem_shared>>
      %dma_wait3A_259 = arith.constant 0 : i32
      %dma_wait3A_260 = tpu.memref_slice %arg12[%add3A_27, %dma_wait3A_259] : memref<10240x64xf32, #tpu.memory_space<vmem_shared>> -> memref<128x64xf32, #tpu.memory_space<vmem_shared>>
      tpu.wait_dma2 semaphore(%run_scoped3A : memref<!tpu.dma_semaphore, #tpu.memory_space<semaphore_mem>>) src(%arg10 : memref<128x64xf32, #tpu.memory_space<vmem>>) dst(%dma_wait3A_260 : memref<128x64xf32, #tpu.memory_space<vmem_shared>>)
      tpu.yield
    }) : () -> ()
    %barrier3A = arith.constant 0 : index
    tpu.barrier barrier_id(%barrier3A)
    %dma_start3A = arith.constant 0 : i32
    %dma_start3A_28 = arith.constant 0 : i32
    %dma_start3A_29 = arith.constant 0 : i32
    %dma_start3A_30 = arith.constant 0 : i32
    %dma_start3A_31 = arith.constant 0 : i32
    %dma_start3A_32 = tpu.memref_slice %arg11[%dma_start3A_28, %dma_start3A_30, %dma_start3A_31] : memref<5x128x64xf32, #tpu.memory_space<vmem>> -> memref<1x128x64xf32, #tpu.memory_space<vmem>>
    %dma_start3A_33 = tpu.memref_squeeze %dma_start3A_32 : memref<1x128x64xf32, #tpu.memory_space<vmem>> -> memref<128x64xf32, #tpu.memory_space<vmem>>
    %dma_start3A_34 = arith.constant 0 : i32
    %dma_start3A_35 = tpu.memref_slice %arg8[%dma_start3A, %dma_start3A_34] : memref<80x128xi32, #tpu.memory_space<vmem>> -> memref<1x128xi32, #tpu.memory_space<vmem>>
    %dma_start3A_36 = tpu.memref_squeeze %dma_start3A_35 : memref<1x128xi32, #tpu.memory_space<vmem>> -> memref<128xi32, #tpu.memory_space<vmem>>
    %dma_start3A_37 = arith.constant 0 : i32
    %dma_start3A_38 = arith.constant 0 : i32
    %dma_start3A_39 = tpu.memref_slice %arg2[%dma_start3A_37, %dma_start3A_38] : memref<10240x64xf32, #tpu.memory_space<hbm>> -> memref<10240x64xf32, #tpu.memory_space<hbm>>
    %dma_start3A_40 = tpu.memref_slice %arg13[%dma_start3A_29] : memref<5x!tpu.dma_semaphore, #tpu.memory_space<semaphore_mem>> -> memref<1x!tpu.dma_semaphore, #tpu.memory_space<semaphore_mem>>
    %dma_start3A_41 = tpu.memref_squeeze %dma_start3A_40 : memref<1x!tpu.dma_semaphore, #tpu.memory_space<semaphore_mem>> -> memref<!tpu.dma_semaphore, #tpu.memory_space<semaphore_mem>>
    tpu.enqueue_indirect_dma source(%dma_start3A_39 : memref<10240x64xf32, #tpu.memory_space<hbm>>) target(%dma_start3A_33 : memref<128x64xf32, #tpu.memory_space<vmem>>) offsets(%dma_start3A_36 : memref<128xi32, #tpu.memory_space<vmem>>) semaphore(%dma_start3A_41 : memref<!tpu.dma_semaphore, #tpu.memory_space<semaphore_mem>>)
    %dma_start3A_42 = arith.constant 1 : i32
    %dma_start3A_43 = arith.constant 1 : i32
    %dma_start3A_44 = arith.constant 1 : i32
    %dma_start3A_45 = arith.constant 0 : i32
    %dma_start3A_46 = arith.constant 0 : i32
    %dma_start3A_47 = tpu.memref_slice %arg11[%dma_start3A_43, %dma_start3A_45, %dma_start3A_46] : memref<5x128x64xf32, #tpu.memory_space<vmem>> -> memref<1x128x64xf32, #tpu.memory_space<vmem>>
    %dma_start3A_48 = tpu.memref_squeeze %dma_start3A_47 : memref<1x128x64xf32, #tpu.memory_space<vmem>> -> memref<128x64xf32, #tpu.memory_space<vmem>>
    %dma_start3A_49 = arith.constant 0 : i32
    %dma_start3A_50 = tpu.memref_slice %arg8[%dma_start3A_42, %dma_start3A_49] : memref<80x128xi32, #tpu.memory_space<vmem>> -> memref<1x128xi32, #tpu.memory_space<vmem>>
    %dma_start3A_51 = tpu.memref_squeeze %dma_start3A_50 : memref<1x128xi32, #tpu.memory_space<vmem>> -> memref<128xi32, #tpu.memory_space<vmem>>
    %dma_start3A_52 = arith.constant 0 : i32
    %dma_start3A_53 = arith.constant 0 : i32
    %dma_start3A_54 = tpu.memref_slice %arg2[%dma_start3A_52, %dma_start3A_53] : memref<10240x64xf32, #tpu.memory_space<hbm>> -> memref<10240x64xf32, #tpu.memory_space<hbm>>
    %dma_start3A_55 = tpu.memref_slice %arg13[%dma_start3A_44] : memref<5x!tpu.dma_semaphore, #tpu.memory_space<semaphore_mem>> -> memref<1x!tpu.dma_semaphore, #tpu.memory_space<semaphore_mem>>
    %dma_start3A_56 = tpu.memref_squeeze %dma_start3A_55 : memref<1x!tpu.dma_semaphore, #tpu.memory_space<semaphore_mem>> -> memref<!tpu.dma_semaphore, #tpu.memory_space<semaphore_mem>>
    tpu.enqueue_indirect_dma source(%dma_start3A_54 : memref<10240x64xf32, #tpu.memory_space<hbm>>) target(%dma_start3A_48 : memref<128x64xf32, #tpu.memory_space<vmem>>) offsets(%dma_start3A_51 : memref<128xi32, #tpu.memory_space<vmem>>) semaphore(%dma_start3A_56 : memref<!tpu.dma_semaphore, #tpu.memory_space<semaphore_mem>>)
    %dma_start3A_57 = arith.constant 2 : i32
    %dma_start3A_58 = arith.constant 2 : i32
    %dma_start3A_59 = arith.constant 2 : i32
    %dma_start3A_60 = arith.constant 0 : i32
    %dma_start3A_61 = arith.constant 0 : i32
    %dma_start3A_62 = tpu.memref_slice %arg11[%dma_start3A_58, %dma_start3A_60, %dma_start3A_61] : memref<5x128x64xf32, #tpu.memory_space<vmem>> -> memref<1x128x64xf32, #tpu.memory_space<vmem>>
    %dma_start3A_63 = tpu.memref_squeeze %dma_start3A_62 : memref<1x128x64xf32, #tpu.memory_space<vmem>> -> memref<128x64xf32, #tpu.memory_space<vmem>>
    %dma_start3A_64 = arith.constant 0 : i32
    %dma_start3A_65 = tpu.memref_slice %arg8[%dma_start3A_57, %dma_start3A_64] : memref<80x128xi32, #tpu.memory_space<vmem>> -> memref<1x128xi32, #tpu.memory_space<vmem>>
    %dma_start3A_66 = tpu.memref_squeeze %dma_start3A_65 : memref<1x128xi32, #tpu.memory_space<vmem>> -> memref<128xi32, #tpu.memory_space<vmem>>
    %dma_start3A_67 = arith.constant 0 : i32
    %dma_start3A_68 = arith.constant 0 : i32
    %dma_start3A_69 = tpu.memref_slice %arg2[%dma_start3A_67, %dma_start3A_68] : memref<10240x64xf32, #tpu.memory_space<hbm>> -> memref<10240x64xf32, #tpu.memory_space<hbm>>
    %dma_start3A_70 = tpu.memref_slice %arg13[%dma_start3A_59] : memref<5x!tpu.dma_semaphore, #tpu.memory_space<semaphore_mem>> -> memref<1x!tpu.dma_semaphore, #tpu.memory_space<semaphore_mem>>
    %dma_start3A_71 = tpu.memref_squeeze %dma_start3A_70 : memref<1x!tpu.dma_semaphore, #tpu.memory_space<semaphore_mem>> -> memref<!tpu.dma_semaphore, #tpu.memory_space<semaphore_mem>>
    tpu.enqueue_indirect_dma source(%dma_start3A_69 : memref<10240x64xf32, #tpu.memory_space<hbm>>) target(%dma_start3A_63 : memref<128x64xf32, #tpu.memory_space<vmem>>) offsets(%dma_start3A_66 : memref<128xi32, #tpu.memory_space<vmem>>) semaphore(%dma_start3A_71 : memref<!tpu.dma_semaphore, #tpu.memory_space<semaphore_mem>>)
    %scan3A_72 = arith.constant 0 : i32
    %scan3A_73 = arith.constant 0 : i32
    %scan3A_74 = arith.constant 16 : i32
    %scan3A_75 = arith.addi %scan3A_73, %scan3A_74 : i32
    %scan3A_76 = arith.constant 1 : i32
    %scan3A_77 = scf.for %scan3A_253 = %scan3A_73 to %scan3A_75 step %scan3A_76 iter_args(%scan3A_254 = %scan3A_72) -> (i32)  : i32 {
      %mul3A_255 = arith.constant 5 : i32
      %mul3A_256 = arith.muli %scan3A_253, %mul3A_255 : i32
      %add3A_257 = arith.constant 0 : i32
      %add3A_258 = arith.addi %mul3A_256, %add3A_257 : i32
      %dma_wait3A_259 = arith.constant 0 : i32
      %dma_wait3A_260 = arith.constant 0 : i32
      %dma_wait3A_261 = arith.constant 0 : i32
      %dma_wait3A_262 = arith.constant 0 : i32
      %dma_wait3A_263 = tpu.memref_slice %arg11[%dma_wait3A_259, %dma_wait3A_261, %dma_wait3A_262] : memref<5x128x64xf32, #tpu.memory_space<vmem>> -> memref<1x128x64xf32, #tpu.memory_space<vmem>>
      %dma_wait3A_264 = tpu.memref_squeeze %dma_wait3A_263 : memref<1x128x64xf32, #tpu.memory_space<vmem>> -> memref<128x64xf32, #tpu.memory_space<vmem>>
      %dma_wait3A_265 = arith.constant 0 : i32
      %dma_wait3A_266 = tpu.memref_slice %arg8[%add3A_258, %dma_wait3A_265] : memref<80x128xi32, #tpu.memory_space<vmem>> -> memref<1x128xi32, #tpu.memory_space<vmem>>
      %dma_wait3A_267 = tpu.memref_squeeze %dma_wait3A_266 : memref<1x128xi32, #tpu.memory_space<vmem>> -> memref<128xi32, #tpu.memory_space<vmem>>
      %dma_wait3A_268 = arith.constant 0 : i32
      %dma_wait3A_269 = arith.constant 0 : i32
      %dma_wait3A_270 = tpu.memref_slice %arg2[%dma_wait3A_268, %dma_wait3A_269] : memref<10240x64xf32, #tpu.memory_space<hbm>> -> memref<10240x64xf32, #tpu.memory_space<hbm>>
      %dma_wait3A_271 = tpu.memref_slice %arg13[%dma_wait3A_260] : memref<5x!tpu.dma_semaphore, #tpu.memory_space<semaphore_mem>> -> memref<1x!tpu.dma_semaphore, #tpu.memory_space<semaphore_mem>>
      %dma_wait3A_272 = tpu.memref_squeeze %dma_wait3A_271 : memref<1x!tpu.dma_semaphore, #tpu.memory_space<semaphore_mem>> -> memref<!tpu.dma_semaphore, #tpu.memory_space<semaphore_mem>>
      tpu.wait_indirect_dma semaphore(%dma_wait3A_272 : memref<!tpu.dma_semaphore, #tpu.memory_space<semaphore_mem>>) src(%dma_wait3A_270 : memref<10240x64xf32, #tpu.memory_space<hbm>>) dst(%dma_wait3A_264 : memref<128x64xf32, #tpu.memory_space<vmem>>)
      %dma_start3A_273 = arith.constant 0 : i32
      %dma_start3A_274 = arith.constant 0 : i32
      %dma_start3A_275 = arith.constant 0 : i32
      %dma_start3A_276 = arith.constant 0 : i32
      %dma_start3A_277 = tpu.memref_slice %arg11[%dma_start3A_273, %dma_start3A_275, %dma_start3A_276] : memref<5x128x64xf32, #tpu.memory_space<vmem>> -> memref<1x128x64xf32, #tpu.memory_space<vmem>>
      %dma_start3A_278 = tpu.memref_squeeze %dma_start3A_277 : memref<1x128x64xf32, #tpu.memory_space<vmem>> -> memref<128x64xf32, #tpu.memory_space<vmem>>
      %dma_start3A_279 = arith.constant 0 : i32
      %dma_start3A_280 = tpu.memref_slice %arg9[%add3A_258, %dma_start3A_279] : memref<80x128xi32, #tpu.memory_space<vmem>> -> memref<1x128xi32, #tpu.memory_space<vmem>>
      %dma_start3A_281 = tpu.memref_squeeze %dma_start3A_280 : memref<1x128xi32, #tpu.memory_space<vmem>> -> memref<128xi32, #tpu.memory_space<vmem>>
      %dma_start3A_282 = arith.constant 0 : i32
      %dma_start3A_283 = arith.constant 0 : i32
      %dma_start3A_284 = tpu.memref_slice %arg12[%dma_start3A_282, %dma_start3A_283] : memref<10240x64xf32, #tpu.memory_space<vmem_shared>> -> memref<10240x64xf32, #tpu.memory_space<vmem_shared>>
      %dma_start3A_285 = tpu.memref_slice %arg14[%dma_start3A_274] : memref<5x!tpu.dma_semaphore, #tpu.memory_space<semaphore_mem>> -> memref<1x!tpu.dma_semaphore, #tpu.memory_space<semaphore_mem>>
      %dma_start3A_286 = tpu.memref_squeeze %dma_start3A_285 : memref<1x!tpu.dma_semaphore, #tpu.memory_space<semaphore_mem>> -> memref<!tpu.dma_semaphore, #tpu.memory_space<semaphore_mem>>
      tpu.enqueue_indirect_dma source(%dma_start3A_278 : memref<128x64xf32, #tpu.memory_space<vmem>>) target(%dma_start3A_284 : memref<10240x64xf32, #tpu.memory_space<vmem_shared>>) offsets(%dma_start3A_281 : memref<128xi32, #tpu.memory_space<vmem>>) semaphore(%dma_start3A_286 : memref<!tpu.dma_semaphore, #tpu.memory_space<semaphore_mem>>) {add = true}
      %gt3A = arith.constant 0 : i32
      %gt3A_287 = arith.cmpi sgt, %scan3A_253, %gt3A : i32
      %convert_element_type3A = arith.extui %gt3A_287 : i1 to i32
      %cond3A = arith.constant 0 : i32
      %cond3A_288 = arith.cmpi ne, %convert_element_type3A, %cond3A : i32
      scf.if %cond3A_288 {
        %add3A_499 = arith.constant 3 : i32
        %add3A_500 = arith.addi %add3A_258, %add3A_499 : i32
        %sub3A_501 = arith.constant 5 : i32
        %sub3A_502 = arith.subi %add3A_500, %sub3A_501 : i32
        %dma_wait3A_503 = arith.constant 3 : i32
        %dma_wait3A_504 = arith.constant 3 : i32
        %dma_wait3A_505 = arith.constant 0 : i32
        %dma_wait3A_506 = arith.constant 0 : i32
        %dma_wait3A_507 = tpu.memref_slice %arg11[%dma_wait3A_503, %dma_wait3A_505, %dma_wait3A_506] : memref<5x128x64xf32, #tpu.memory_space<vmem>> -> memref<1x128x64xf32, #tpu.memory_space<vmem>>
        %dma_wait3A_508 = tpu.memref_squeeze %dma_wait3A_507 : memref<1x128x64xf32, #tpu.memory_space<vmem>> -> memref<128x64xf32, #tpu.memory_space<vmem>>
        %dma_wait3A_509 = arith.constant 0 : i32
        %dma_wait3A_510 = tpu.memref_slice %arg9[%sub3A_502, %dma_wait3A_509] : memref<80x128xi32, #tpu.memory_space<vmem>> -> memref<1x128xi32, #tpu.memory_space<vmem>>
        %dma_wait3A_511 = tpu.memref_squeeze %dma_wait3A_510 : memref<1x128xi32, #tpu.memory_space<vmem>> -> memref<128xi32, #tpu.memory_space<vmem>>
        %dma_wait3A_512 = arith.constant 0 : i32
        %dma_wait3A_513 = arith.constant 0 : i32
        %dma_wait3A_514 = tpu.memref_slice %arg12[%dma_wait3A_512, %dma_wait3A_513] : memref<10240x64xf32, #tpu.memory_space<vmem_shared>> -> memref<10240x64xf32, #tpu.memory_space<vmem_shared>>
        %dma_wait3A_515 = tpu.memref_slice %arg14[%dma_wait3A_504] : memref<5x!tpu.dma_semaphore, #tpu.memory_space<semaphore_mem>> -> memref<1x!tpu.dma_semaphore, #tpu.memory_space<semaphore_mem>>
        %dma_wait3A_516 = tpu.memref_squeeze %dma_wait3A_515 : memref<1x!tpu.dma_semaphore, #tpu.memory_space<semaphore_mem>> -> memref<!tpu.dma_semaphore, #tpu.memory_space<semaphore_mem>>
        tpu.wait_indirect_dma semaphore(%dma_wait3A_516 : memref<!tpu.dma_semaphore, #tpu.memory_space<semaphore_mem>>) src(%dma_wait3A_508 : memref<128x64xf32, #tpu.memory_space<vmem>>) dst(%dma_wait3A_514 : memref<10240x64xf32, #tpu.memory_space<vmem_shared>>)
        %add3A_517 = arith.constant 3 : i32
        %add3A_518 = arith.addi %add3A_258, %add3A_517 : i32
        %dma_start3A_519 = arith.constant 3 : i32
        %dma_start3A_520 = arith.constant 3 : i32
        %dma_start3A_521 = arith.constant 0 : i32
        %dma_start3A_522 = arith.constant 0 : i32
        %dma_start3A_523 = tpu.memref_slice %arg11[%dma_start3A_519, %dma_start3A_521, %dma_start3A_522] : memref<5x128x64xf32, #tpu.memory_space<vmem>> -> memref<1x128x64xf32, #tpu.memory_space<vmem>>
        %dma_start3A_524 = tpu.memref_squeeze %dma_start3A_523 : memref<1x128x64xf32, #tpu.memory_space<vmem>> -> memref<128x64xf32, #tpu.memory_space<vmem>>
        %dma_start3A_525 = arith.constant 0 : i32
        %dma_start3A_526 = tpu.memref_slice %arg8[%add3A_518, %dma_start3A_525] : memref<80x128xi32, #tpu.memory_space<vmem>> -> memref<1x128xi32, #tpu.memory_space<vmem>>
        %dma_start3A_527 = tpu.memref_squeeze %dma_start3A_526 : memref<1x128xi32, #tpu.memory_space<vmem>> -> memref<128xi32, #tpu.memory_space<vmem>>
        %dma_start3A_528 = arith.constant 0 : i32
        %dma_start3A_529 = arith.constant 0 : i32
        %dma_start3A_530 = tpu.memref_slice %arg2[%dma_start3A_528, %dma_start3A_529] : memref<10240x64xf32, #tpu.memory_space<hbm>> -> memref<10240x64xf32, #tpu.memory_space<hbm>>
        %dma_start3A_531 = tpu.memref_slice %arg13[%dma_start3A_520] : memref<5x!tpu.dma_semaphore, #tpu.memory_space<semaphore_mem>> -> memref<1x!tpu.dma_semaphore, #tpu.memory_space<semaphore_mem>>
        %dma_start3A_532 = tpu.memref_squeeze %dma_start3A_531 : memref<1x!tpu.dma_semaphore, #tpu.memory_space<semaphore_mem>> -> memref<!tpu.dma_semaphore, #tpu.memory_space<semaphore_mem>>
        tpu.enqueue_indirect_dma source(%dma_start3A_530 : memref<10240x64xf32, #tpu.memory_space<hbm>>) target(%dma_start3A_524 : memref<128x64xf32, #tpu.memory_space<vmem>>) offsets(%dma_start3A_527 : memref<128xi32, #tpu.memory_space<vmem>>) semaphore(%dma_start3A_532 : memref<!tpu.dma_semaphore, #tpu.memory_space<semaphore_mem>>)
      } else {
      }
      %eq3A = arith.constant 0 : i32
      %eq3A_289 = arith.cmpi eq, %scan3A_253, %eq3A : i32
      %convert_element_type3A_290 = arith.extui %eq3A_289 : i1 to i32
      %cond3A_291 = arith.constant 0 : i32
      %cond3A_292 = arith.cmpi ne, %convert_element_type3A_290, %cond3A_291 : i32
      scf.if %cond3A_292 {
        %add3A_499 = arith.constant 3 : i32
        %add3A_500 = arith.addi %add3A_258, %add3A_499 : i32
        %dma_start3A_501 = arith.constant 3 : i32
        %dma_start3A_502 = arith.constant 3 : i32
        %dma_start3A_503 = arith.constant 0 : i32
        %dma_start3A_504 = arith.constant 0 : i32
        %dma_start3A_505 = tpu.memref_slice %arg11[%dma_start3A_501, %dma_start3A_503, %dma_start3A_504] : memref<5x128x64xf32, #tpu.memory_space<vmem>> -> memref<1x128x64xf32, #tpu.memory_space<vmem>>
        %dma_start3A_506 = tpu.memref_squeeze %dma_start3A_505 : memref<1x128x64xf32, #tpu.memory_space<vmem>> -> memref<128x64xf32, #tpu.memory_space<vmem>>
        %dma_start3A_507 = arith.constant 0 : i32
        %dma_start3A_508 = tpu.memref_slice %arg8[%add3A_500, %dma_start3A_507] : memref<80x128xi32, #tpu.memory_space<vmem>> -> memref<1x128xi32, #tpu.memory_space<vmem>>
        %dma_start3A_509 = tpu.memref_squeeze %dma_start3A_508 : memref<1x128xi32, #tpu.memory_space<vmem>> -> memref<128xi32, #tpu.memory_space<vmem>>
        %dma_start3A_510 = arith.constant 0 : i32
        %dma_start3A_511 = arith.constant 0 : i32
        %dma_start3A_512 = tpu.memref_slice %arg2[%dma_start3A_510, %dma_start3A_511] : memref<10240x64xf32, #tpu.memory_space<hbm>> -> memref<10240x64xf32, #tpu.memory_space<hbm>>
        %dma_start3A_513 = tpu.memref_slice %arg13[%dma_start3A_502] : memref<5x!tpu.dma_semaphore, #tpu.memory_space<semaphore_mem>> -> memref<1x!tpu.dma_semaphore, #tpu.memory_space<semaphore_mem>>
        %dma_start3A_514 = tpu.memref_squeeze %dma_start3A_513 : memref<1x!tpu.dma_semaphore, #tpu.memory_space<semaphore_mem>> -> memref<!tpu.dma_semaphore, #tpu.memory_space<semaphore_mem>>
        tpu.enqueue_indirect_dma source(%dma_start3A_512 : memref<10240x64xf32, #tpu.memory_space<hbm>>) target(%dma_start3A_506 : memref<128x64xf32, #tpu.memory_space<vmem>>) offsets(%dma_start3A_509 : memref<128xi32, #tpu.memory_space<vmem>>) semaphore(%dma_start3A_514 : memref<!tpu.dma_semaphore, #tpu.memory_space<semaphore_mem>>)
      } else {
      }
      %mul3A_293 = arith.constant 5 : i32
      %mul3A_294 = arith.muli %scan3A_253, %mul3A_293 : i32
      %add3A_295 = arith.constant 1 : i32
      %add3A_296 = arith.addi %mul3A_294, %add3A_295 : i32
      %dma_wait3A_297 = arith.constant 1 : i32
      %dma_wait3A_298 = arith.constant 1 : i32
      %dma_wait3A_299 = arith.constant 0 : i32
      %dma_wait3A_300 = arith.constant 0 : i32
      %dma_wait3A_301 = tpu.memref_slice %arg11[%dma_wait3A_297, %dma_wait3A_299, %dma_wait3A_300] : memref<5x128x64xf32, #tpu.memory_space<vmem>> -> memref<1x128x64xf32, #tpu.memory_space<vmem>>
      %dma_wait3A_302 = tpu.memref_squeeze %dma_wait3A_301 : memref<1x128x64xf32, #tpu.memory_space<vmem>> -> memref<128x64xf32, #tpu.memory_space<vmem>>
      %dma_wait3A_303 = arith.constant 0 : i32
      %dma_wait3A_304 = tpu.memref_slice %arg8[%add3A_296, %dma_wait3A_303] : memref<80x128xi32, #tpu.memory_space<vmem>> -> memref<1x128xi32, #tpu.memory_space<vmem>>
      %dma_wait3A_305 = tpu.memref_squeeze %dma_wait3A_304 : memref<1x128xi32, #tpu.memory_space<vmem>> -> memref<128xi32, #tpu.memory_space<vmem>>
      %dma_wait3A_306 = arith.constant 0 : i32
      %dma_wait3A_307 = arith.constant 0 : i32
      %dma_wait3A_308 = tpu.memref_slice %arg2[%dma_wait3A_306, %dma_wait3A_307] : memref<10240x64xf32, #tpu.memory_space<hbm>> -> memref<10240x64xf32, #tpu.memory_space<hbm>>
      %dma_wait3A_309 = tpu.memref_slice %arg13[%dma_wait3A_298] : memref<5x!tpu.dma_semaphore, #tpu.memory_space<semaphore_mem>> -> memref<1x!tpu.dma_semaphore, #tpu.memory_space<semaphore_mem>>
      %dma_wait3A_310 = tpu.memref_squeeze %dma_wait3A_309 : memref<1x!tpu.dma_semaphore, #tpu.memory_space<semaphore_mem>> -> memref<!tpu.dma_semaphore, #tpu.memory_space<semaphore_mem>>
      tpu.wait_indirect_dma semaphore(%dma_wait3A_310 : memref<!tpu.dma_semaphore, #tpu.memory_space<semaphore_mem>>) src(%dma_wait3A_308 : memref<10240x64xf32, #tpu.memory_space<hbm>>) dst(%dma_wait3A_302 : memref<128x64xf32, #tpu.memory_space<vmem>>)
      %dma_start3A_311 = arith.constant 1 : i32
      %dma_start3A_312 = arith.constant 1 : i32
      %dma_start3A_313 = arith.constant 0 : i32
      %dma_start3A_314 = arith.constant 0 : i32
      %dma_start3A_315 = tpu.memref_slice %arg11[%dma_start3A_311, %dma_start3A_313, %dma_start3A_314] : memref<5x128x64xf32, #tpu.memory_space<vmem>> -> memref<1x128x64xf32, #tpu.memory_space<vmem>>
      %dma_start3A_316 = tpu.memref_squeeze %dma_start3A_315 : memref<1x128x64xf32, #tpu.memory_space<vmem>> -> memref<128x64xf32, #tpu.memory_space<vmem>>
      %dma_start3A_317 = arith.constant 0 : i32
      %dma_start3A_318 = tpu.memref_slice %arg9[%add3A_296, %dma_start3A_317] : memref<80x128xi32, #tpu.memory_space<vmem>> -> memref<1x128xi32, #tpu.memory_space<vmem>>
      %dma_start3A_319 = tpu.memref_squeeze %dma_start3A_318 : memref<1x128xi32, #tpu.memory_space<vmem>> -> memref<128xi32, #tpu.memory_space<vmem>>
      %dma_start3A_320 = arith.constant 0 : i32
      %dma_start3A_321 = arith.constant 0 : i32
      %dma_start3A_322 = tpu.memref_slice %arg12[%dma_start3A_320, %dma_start3A_321] : memref<10240x64xf32, #tpu.memory_space<vmem_shared>> -> memref<10240x64xf32, #tpu.memory_space<vmem_shared>>
      %dma_start3A_323 = tpu.memref_slice %arg14[%dma_start3A_312] : memref<5x!tpu.dma_semaphore, #tpu.memory_space<semaphore_mem>> -> memref<1x!tpu.dma_semaphore, #tpu.memory_space<semaphore_mem>>
      %dma_start3A_324 = tpu.memref_squeeze %dma_start3A_323 : memref<1x!tpu.dma_semaphore, #tpu.memory_space<semaphore_mem>> -> memref<!tpu.dma_semaphore, #tpu.memory_space<semaphore_mem>>
      tpu.enqueue_indirect_dma source(%dma_start3A_316 : memref<128x64xf32, #tpu.memory_space<vmem>>) target(%dma_start3A_322 : memref<10240x64xf32, #tpu.memory_space<vmem_shared>>) offsets(%dma_start3A_319 : memref<128xi32, #tpu.memory_space<vmem>>) semaphore(%dma_start3A_324 : memref<!tpu.dma_semaphore, #tpu.memory_space<semaphore_mem>>) {add = true}
      %gt3A_325 = arith.constant 0 : i32
      %gt3A_326 = arith.cmpi sgt, %scan3A_253, %gt3A_325 : i32
      %convert_element_type3A_327 = arith.extui %gt3A_326 : i1 to i32
      %cond3A_328 = arith.constant 0 : i32
      %cond3A_329 = arith.cmpi ne, %convert_element_type3A_327, %cond3A_328 : i32
      scf.if %cond3A_329 {
        %add3A_499 = arith.constant 3 : i32
        %add3A_500 = arith.addi %add3A_296, %add3A_499 : i32
        %sub3A_501 = arith.constant 5 : i32
        %sub3A_502 = arith.subi %add3A_500, %sub3A_501 : i32
        %dma_wait3A_503 = arith.constant 4 : i32
        %dma_wait3A_504 = arith.constant 4 : i32
        %dma_wait3A_505 = arith.constant 0 : i32
        %dma_wait3A_506 = arith.constant 0 : i32
        %dma_wait3A_507 = tpu.memref_slice %arg11[%dma_wait3A_503, %dma_wait3A_505, %dma_wait3A_506] : memref<5x128x64xf32, #tpu.memory_space<vmem>> -> memref<1x128x64xf32, #tpu.memory_space<vmem>>
        %dma_wait3A_508 = tpu.memref_squeeze %dma_wait3A_507 : memref<1x128x64xf32, #tpu.memory_space<vmem>> -> memref<128x64xf32, #tpu.memory_space<vmem>>
        %dma_wait3A_509 = arith.constant 0 : i32
        %dma_wait3A_510 = tpu.memref_slice %arg9[%sub3A_502, %dma_wait3A_509] : memref<80x128xi32, #tpu.memory_space<vmem>> -> memref<1x128xi32, #tpu.memory_space<vmem>>
        %dma_wait3A_511 = tpu.memref_squeeze %dma_wait3A_510 : memref<1x128xi32, #tpu.memory_space<vmem>> -> memref<128xi32, #tpu.memory_space<vmem>>
        %dma_wait3A_512 = arith.constant 0 : i32
        %dma_wait3A_513 = arith.constant 0 : i32
        %dma_wait3A_514 = tpu.memref_slice %arg12[%dma_wait3A_512, %dma_wait3A_513] : memref<10240x64xf32, #tpu.memory_space<vmem_shared>> -> memref<10240x64xf32, #tpu.memory_space<vmem_shared>>
        %dma_wait3A_515 = tpu.memref_slice %arg14[%dma_wait3A_504] : memref<5x!tpu.dma_semaphore, #tpu.memory_space<semaphore_mem>> -> memref<1x!tpu.dma_semaphore, #tpu.memory_space<semaphore_mem>>
        %dma_wait3A_516 = tpu.memref_squeeze %dma_wait3A_515 : memref<1x!tpu.dma_semaphore, #tpu.memory_space<semaphore_mem>> -> memref<!tpu.dma_semaphore, #tpu.memory_space<semaphore_mem>>
        tpu.wait_indirect_dma semaphore(%dma_wait3A_516 : memref<!tpu.dma_semaphore, #tpu.memory_space<semaphore_mem>>) src(%dma_wait3A_508 : memref<128x64xf32, #tpu.memory_space<vmem>>) dst(%dma_wait3A_514 : memref<10240x64xf32, #tpu.memory_space<vmem_shared>>)
        %add3A_517 = arith.constant 3 : i32
        %add3A_518 = arith.addi %add3A_296, %add3A_517 : i32
        %dma_start3A_519 = arith.constant 4 : i32
        %dma_start3A_520 = arith.constant 4 : i32
        %dma_start3A_521 = arith.constant 0 : i32
        %dma_start3A_522 = arith.constant 0 : i32
        %dma_start3A_523 = tpu.memref_slice %arg11[%dma_start3A_519, %dma_start3A_521, %dma_start3A_522] : memref<5x128x64xf32, #tpu.memory_space<vmem>> -> memref<1x128x64xf32, #tpu.memory_space<vmem>>
        %dma_start3A_524 = tpu.memref_squeeze %dma_start3A_523 : memref<1x128x64xf32, #tpu.memory_space<vmem>> -> memref<128x64xf32, #tpu.memory_space<vmem>>
        %dma_start3A_525 = arith.constant 0 : i32
        %dma_start3A_526 = tpu.memref_slice %arg8[%add3A_518, %dma_start3A_525] : memref<80x128xi32, #tpu.memory_space<vmem>> -> memref<1x128xi32, #tpu.memory_space<vmem>>
        %dma_start3A_527 = tpu.memref_squeeze %dma_start3A_526 : memref<1x128xi32, #tpu.memory_space<vmem>> -> memref<128xi32, #tpu.memory_space<vmem>>
        %dma_start3A_528 = arith.constant 0 : i32
        %dma_start3A_529 = arith.constant 0 : i32
        %dma_start3A_530 = tpu.memref_slice %arg2[%dma_start3A_528, %dma_start3A_529] : memref<10240x64xf32, #tpu.memory_space<hbm>> -> memref<10240x64xf32, #tpu.memory_space<hbm>>
        %dma_start3A_531 = tpu.memref_slice %arg13[%dma_start3A_520] : memref<5x!tpu.dma_semaphore, #tpu.memory_space<semaphore_mem>> -> memref<1x!tpu.dma_semaphore, #tpu.memory_space<semaphore_mem>>
        %dma_start3A_532 = tpu.memref_squeeze %dma_start3A_531 : memref<1x!tpu.dma_semaphore, #tpu.memory_space<semaphore_mem>> -> memref<!tpu.dma_semaphore, #tpu.memory_space<semaphore_mem>>
        tpu.enqueue_indirect_dma source(%dma_start3A_530 : memref<10240x64xf32, #tpu.memory_space<hbm>>) target(%dma_start3A_524 : memref<128x64xf32, #tpu.memory_space<vmem>>) offsets(%dma_start3A_527 : memref<128xi32, #tpu.memory_space<vmem>>) semaphore(%dma_start3A_532 : memref<!tpu.dma_semaphore, #tpu.memory_space<semaphore_mem>>)
      } else {
      }
      %eq3A_330 = arith.constant 0 : i32
      %eq3A_331 = arith.cmpi eq, %scan3A_253, %eq3A_330 : i32
      %convert_element_type3A_332 = arith.extui %eq3A_331 : i1 to i32
      %cond3A_333 = arith.constant 0 : i32
      %cond3A_334 = arith.cmpi ne, %convert_element_type3A_332, %cond3A_333 : i32
      scf.if %cond3A_334 {
        %add3A_499 = arith.constant 3 : i32
        %add3A_500 = arith.addi %add3A_296, %add3A_499 : i32
        %dma_start3A_501 = arith.constant 4 : i32
        %dma_start3A_502 = arith.constant 4 : i32
        %dma_start3A_503 = arith.constant 0 : i32
        %dma_start3A_504 = arith.constant 0 : i32
        %dma_start3A_505 = tpu.memref_slice %arg11[%dma_start3A_501, %dma_start3A_503, %dma_start3A_504] : memref<5x128x64xf32, #tpu.memory_space<vmem>> -> memref<1x128x64xf32, #tpu.memory_space<vmem>>
        %dma_start3A_506 = tpu.memref_squeeze %dma_start3A_505 : memref<1x128x64xf32, #tpu.memory_space<vmem>> -> memref<128x64xf32, #tpu.memory_space<vmem>>
        %dma_start3A_507 = arith.constant 0 : i32
        %dma_start3A_508 = tpu.memref_slice %arg8[%add3A_500, %dma_start3A_507] : memref<80x128xi32, #tpu.memory_space<vmem>> -> memref<1x128xi32, #tpu.memory_space<vmem>>
        %dma_start3A_509 = tpu.memref_squeeze %dma_start3A_508 : memref<1x128xi32, #tpu.memory_space<vmem>> -> memref<128xi32, #tpu.memory_space<vmem>>
        %dma_start3A_510 = arith.constant 0 : i32
        %dma_start3A_511 = arith.constant 0 : i32
        %dma_start3A_512 = tpu.memref_slice %arg2[%dma_start3A_510, %dma_start3A_511] : memref<10240x64xf32, #tpu.memory_space<hbm>> -> memref<10240x64xf32, #tpu.memory_space<hbm>>
        %dma_start3A_513 = tpu.memref_slice %arg13[%dma_start3A_502] : memref<5x!tpu.dma_semaphore, #tpu.memory_space<semaphore_mem>> -> memref<1x!tpu.dma_semaphore, #tpu.memory_space<semaphore_mem>>
        %dma_start3A_514 = tpu.memref_squeeze %dma_start3A_513 : memref<1x!tpu.dma_semaphore, #tpu.memory_space<semaphore_mem>> -> memref<!tpu.dma_semaphore, #tpu.memory_space<semaphore_mem>>
        tpu.enqueue_indirect_dma source(%dma_start3A_512 : memref<10240x64xf32, #tpu.memory_space<hbm>>) target(%dma_start3A_506 : memref<128x64xf32, #tpu.memory_space<vmem>>) offsets(%dma_start3A_509 : memref<128xi32, #tpu.memory_space<vmem>>) semaphore(%dma_start3A_514 : memref<!tpu.dma_semaphore, #tpu.memory_space<semaphore_mem>>)
      } else {
      }
      %mul3A_335 = arith.constant 5 : i32
      %mul3A_336 = arith.muli %scan3A_253, %mul3A_335 : i32
      %add3A_337 = arith.constant 2 : i32
      %add3A_338 = arith.addi %mul3A_336, %add3A_337 : i32
      %dma_wait3A_339 = arith.constant 2 : i32
      %dma_wait3A_340 = arith.constant 2 : i32
      %dma_wait3A_341 = arith.constant 0 : i32
      %dma_wait3A_342 = arith.constant 0 : i32
      %dma_wait3A_343 = tpu.memref_slice %arg11[%dma_wait3A_339, %dma_wait3A_341, %dma_wait3A_342] : memref<5x128x64xf32, #tpu.memory_space<vmem>> -> memref<1x128x64xf32, #tpu.memory_space<vmem>>
      %dma_wait3A_344 = tpu.memref_squeeze %dma_wait3A_343 : memref<1x128x64xf32, #tpu.memory_space<vmem>> -> memref<128x64xf32, #tpu.memory_space<vmem>>
      %dma_wait3A_345 = arith.constant 0 : i32
      %dma_wait3A_346 = tpu.memref_slice %arg8[%add3A_338, %dma_wait3A_345] : memref<80x128xi32, #tpu.memory_space<vmem>> -> memref<1x128xi32, #tpu.memory_space<vmem>>
      %dma_wait3A_347 = tpu.memref_squeeze %dma_wait3A_346 : memref<1x128xi32, #tpu.memory_space<vmem>> -> memref<128xi32, #tpu.memory_space<vmem>>
      %dma_wait3A_348 = arith.constant 0 : i32
      %dma_wait3A_349 = arith.constant 0 : i32
      %dma_wait3A_350 = tpu.memref_slice %arg2[%dma_wait3A_348, %dma_wait3A_349] : memref<10240x64xf32, #tpu.memory_space<hbm>> -> memref<10240x64xf32, #tpu.memory_space<hbm>>
      %dma_wait3A_351 = tpu.memref_slice %arg13[%dma_wait3A_340] : memref<5x!tpu.dma_semaphore, #tpu.memory_space<semaphore_mem>> -> memref<1x!tpu.dma_semaphore, #tpu.memory_space<semaphore_mem>>
      %dma_wait3A_352 = tpu.memref_squeeze %dma_wait3A_351 : memref<1x!tpu.dma_semaphore, #tpu.memory_space<semaphore_mem>> -> memref<!tpu.dma_semaphore, #tpu.memory_space<semaphore_mem>>
      tpu.wait_indirect_dma semaphore(%dma_wait3A_352 : memref<!tpu.dma_semaphore, #tpu.memory_space<semaphore_mem>>) src(%dma_wait3A_350 : memref<10240x64xf32, #tpu.memory_space<hbm>>) dst(%dma_wait3A_344 : memref<128x64xf32, #tpu.memory_space<vmem>>)
      %dma_start3A_353 = arith.constant 2 : i32
      %dma_start3A_354 = arith.constant 2 : i32
      %dma_start3A_355 = arith.constant 0 : i32
      %dma_start3A_356 = arith.constant 0 : i32
      %dma_start3A_357 = tpu.memref_slice %arg11[%dma_start3A_353, %dma_start3A_355, %dma_start3A_356] : memref<5x128x64xf32, #tpu.memory_space<vmem>> -> memref<1x128x64xf32, #tpu.memory_space<vmem>>
      %dma_start3A_358 = tpu.memref_squeeze %dma_start3A_357 : memref<1x128x64xf32, #tpu.memory_space<vmem>> -> memref<128x64xf32, #tpu.memory_space<vmem>>
      %dma_start3A_359 = arith.constant 0 : i32
      %dma_start3A_360 = tpu.memref_slice %arg9[%add3A_338, %dma_start3A_359] : memref<80x128xi32, #tpu.memory_space<vmem>> -> memref<1x128xi32, #tpu.memory_space<vmem>>
      %dma_start3A_361 = tpu.memref_squeeze %dma_start3A_360 : memref<1x128xi32, #tpu.memory_space<vmem>> -> memref<128xi32, #tpu.memory_space<vmem>>
      %dma_start3A_362 = arith.constant 0 : i32
      %dma_start3A_363 = arith.constant 0 : i32
      %dma_start3A_364 = tpu.memref_slice %arg12[%dma_start3A_362, %dma_start3A_363] : memref<10240x64xf32, #tpu.memory_space<vmem_shared>> -> memref<10240x64xf32, #tpu.memory_space<vmem_shared>>
      %dma_start3A_365 = tpu.memref_slice %arg14[%dma_start3A_354] : memref<5x!tpu.dma_semaphore, #tpu.memory_space<semaphore_mem>> -> memref<1x!tpu.dma_semaphore, #tpu.memory_space<semaphore_mem>>
      %dma_start3A_366 = tpu.memref_squeeze %dma_start3A_365 : memref<1x!tpu.dma_semaphore, #tpu.memory_space<semaphore_mem>> -> memref<!tpu.dma_semaphore, #tpu.memory_space<semaphore_mem>>
      tpu.enqueue_indirect_dma source(%dma_start3A_358 : memref<128x64xf32, #tpu.memory_space<vmem>>) target(%dma_start3A_364 : memref<10240x64xf32, #tpu.memory_space<vmem_shared>>) offsets(%dma_start3A_361 : memref<128xi32, #tpu.memory_space<vmem>>) semaphore(%dma_start3A_366 : memref<!tpu.dma_semaphore, #tpu.memory_space<semaphore_mem>>) {add = true}
      %add3A_367 = arith.constant 3 : i32
      %add3A_368 = arith.addi %add3A_338, %add3A_367 : i32
      %sub3A = arith.constant 5 : i32
      %sub3A_369 = arith.subi %add3A_368, %sub3A : i32
      %dma_wait3A_370 = arith.constant 0 : i32
      %dma_wait3A_371 = arith.constant 0 : i32
      %dma_wait3A_372 = arith.constant 0 : i32
      %dma_wait3A_373 = arith.constant 0 : i32
      %dma_wait3A_374 = tpu.memref_slice %arg11[%dma_wait3A_370, %dma_wait3A_372, %dma_wait3A_373] : memref<5x128x64xf32, #tpu.memory_space<vmem>> -> memref<1x128x64xf32, #tpu.memory_space<vmem>>
      %dma_wait3A_375 = tpu.memref_squeeze %dma_wait3A_374 : memref<1x128x64xf32, #tpu.memory_space<vmem>> -> memref<128x64xf32, #tpu.memory_space<vmem>>
      %dma_wait3A_376 = arith.constant 0 : i32
      %dma_wait3A_377 = tpu.memref_slice %arg9[%sub3A_369, %dma_wait3A_376] : memref<80x128xi32, #tpu.memory_space<vmem>> -> memref<1x128xi32, #tpu.memory_space<vmem>>
      %dma_wait3A_378 = tpu.memref_squeeze %dma_wait3A_377 : memref<1x128xi32, #tpu.memory_space<vmem>> -> memref<128xi32, #tpu.memory_space<vmem>>
      %dma_wait3A_379 = arith.constant 0 : i32
      %dma_wait3A_380 = arith.constant 0 : i32
      %dma_wait3A_381 = tpu.memref_slice %arg12[%dma_wait3A_379, %dma_wait3A_380] : memref<10240x64xf32, #tpu.memory_space<vmem_shared>> -> memref<10240x64xf32, #tpu.memory_space<vmem_shared>>
      %dma_wait3A_382 = tpu.memref_slice %arg14[%dma_wait3A_371] : memref<5x!tpu.dma_semaphore, #tpu.memory_space<semaphore_mem>> -> memref<1x!tpu.dma_semaphore, #tpu.memory_space<semaphore_mem>>
      %dma_wait3A_383 = tpu.memref_squeeze %dma_wait3A_382 : memref<1x!tpu.dma_semaphore, #tpu.memory_space<semaphore_mem>> -> memref<!tpu.dma_semaphore, #tpu.memory_space<semaphore_mem>>
      tpu.wait_indirect_dma semaphore(%dma_wait3A_383 : memref<!tpu.dma_semaphore, #tpu.memory_space<semaphore_mem>>) src(%dma_wait3A_375 : memref<128x64xf32, #tpu.memory_space<vmem>>) dst(%dma_wait3A_381 : memref<10240x64xf32, #tpu.memory_space<vmem_shared>>)
      %lt3A = arith.constant 15 : i32
      %lt3A_384 = arith.cmpi slt, %scan3A_253, %lt3A : i32
      %convert_element_type3A_385 = arith.extui %lt3A_384 : i1 to i32
      %cond3A_386 = arith.constant 0 : i32
      %cond3A_387 = arith.cmpi ne, %convert_element_type3A_385, %cond3A_386 : i32
      scf.if %cond3A_387 {
        %add3A_499 = arith.constant 3 : i32
        %add3A_500 = arith.addi %add3A_338, %add3A_499 : i32
        %dma_start3A_501 = arith.constant 0 : i32
        %dma_start3A_502 = arith.constant 0 : i32
        %dma_start3A_503 = arith.constant 0 : i32
        %dma_start3A_504 = arith.constant 0 : i32
        %dma_start3A_505 = tpu.memref_slice %arg11[%dma_start3A_501, %dma_start3A_503, %dma_start3A_504] : memref<5x128x64xf32, #tpu.memory_space<vmem>> -> memref<1x128x64xf32, #tpu.memory_space<vmem>>
        %dma_start3A_506 = tpu.memref_squeeze %dma_start3A_505 : memref<1x128x64xf32, #tpu.memory_space<vmem>> -> memref<128x64xf32, #tpu.memory_space<vmem>>
        %dma_start3A_507 = arith.constant 0 : i32
        %dma_start3A_508 = tpu.memref_slice %arg8[%add3A_500, %dma_start3A_507] : memref<80x128xi32, #tpu.memory_space<vmem>> -> memref<1x128xi32, #tpu.memory_space<vmem>>
        %dma_start3A_509 = tpu.memref_squeeze %dma_start3A_508 : memref<1x128xi32, #tpu.memory_space<vmem>> -> memref<128xi32, #tpu.memory_space<vmem>>
        %dma_start3A_510 = arith.constant 0 : i32
        %dma_start3A_511 = arith.constant 0 : i32
        %dma_start3A_512 = tpu.memref_slice %arg2[%dma_start3A_510, %dma_start3A_511] : memref<10240x64xf32, #tpu.memory_space<hbm>> -> memref<10240x64xf32, #tpu.memory_space<hbm>>
        %dma_start3A_513 = tpu.memref_slice %arg13[%dma_start3A_502] : memref<5x!tpu.dma_semaphore, #tpu.memory_space<semaphore_mem>> -> memref<1x!tpu.dma_semaphore, #tpu.memory_space<semaphore_mem>>
        %dma_start3A_514 = tpu.memref_squeeze %dma_start3A_513 : memref<1x!tpu.dma_semaphore, #tpu.memory_space<semaphore_mem>> -> memref<!tpu.dma_semaphore, #tpu.memory_space<semaphore_mem>>
        tpu.enqueue_indirect_dma source(%dma_start3A_512 : memref<10240x64xf32, #tpu.memory_space<hbm>>) target(%dma_start3A_506 : memref<128x64xf32, #tpu.memory_space<vmem>>) offsets(%dma_start3A_509 : memref<128xi32, #tpu.memory_space<vmem>>) semaphore(%dma_start3A_514 : memref<!tpu.dma_semaphore, #tpu.memory_space<semaphore_mem>>)
      } else {
      }
      %mul3A_388 = arith.constant 5 : i32
      %mul3A_389 = arith.muli %scan3A_253, %mul3A_388 : i32
      %add3A_390 = arith.constant 3 : i32
      %add3A_391 = arith.addi %mul3A_389, %add3A_390 : i32
      %dma_wait3A_392 = arith.constant 3 : i32
      %dma_wait3A_393 = arith.constant 3 : i32
      %dma_wait3A_394 = arith.constant 0 : i32
      %dma_wait3A_395 = arith.constant 0 : i32
      %dma_wait3A_396 = tpu.memref_slice %arg11[%dma_wait3A_392, %dma_wait3A_394, %dma_wait3A_395] : memref<5x128x64xf32, #tpu.memory_space<vmem>> -> memref<1x128x64xf32, #tpu.memory_space<vmem>>
      %dma_wait3A_397 = tpu.memref_squeeze %dma_wait3A_396 : memref<1x128x64xf32, #tpu.memory_space<vmem>> -> memref<128x64xf32, #tpu.memory_space<vmem>>
      %dma_wait3A_398 = arith.constant 0 : i32
      %dma_wait3A_399 = tpu.memref_slice %arg8[%add3A_391, %dma_wait3A_398] : memref<80x128xi32, #tpu.memory_space<vmem>> -> memref<1x128xi32, #tpu.memory_space<vmem>>
      %dma_wait3A_400 = tpu.memref_squeeze %dma_wait3A_399 : memref<1x128xi32, #tpu.memory_space<vmem>> -> memref<128xi32, #tpu.memory_space<vmem>>
      %dma_wait3A_401 = arith.constant 0 : i32
      %dma_wait3A_402 = arith.constant 0 : i32
      %dma_wait3A_403 = tpu.memref_slice %arg2[%dma_wait3A_401, %dma_wait3A_402] : memref<10240x64xf32, #tpu.memory_space<hbm>> -> memref<10240x64xf32, #tpu.memory_space<hbm>>
      %dma_wait3A_404 = tpu.memref_slice %arg13[%dma_wait3A_393] : memref<5x!tpu.dma_semaphore, #tpu.memory_space<semaphore_mem>> -> memref<1x!tpu.dma_semaphore, #tpu.memory_space<semaphore_mem>>
      %dma_wait3A_405 = tpu.memref_squeeze %dma_wait3A_404 : memref<1x!tpu.dma_semaphore, #tpu.memory_space<semaphore_mem>> -> memref<!tpu.dma_semaphore, #tpu.memory_space<semaphore_mem>>
      tpu.wait_indirect_dma semaphore(%dma_wait3A_405 : memref<!tpu.dma_semaphore, #tpu.memory_space<semaphore_mem>>) src(%dma_wait3A_403 : memref<10240x64xf32, #tpu.memory_space<hbm>>) dst(%dma_wait3A_397 : memref<128x64xf32, #tpu.memory_space<vmem>>)
      %dma_start3A_406 = arith.constant 3 : i32
      %dma_start3A_407 = arith.constant 3 : i32
      %dma_start3A_408 = arith.constant 0 : i32
      %dma_start3A_409 = arith.constant 0 : i32
      %dma_start3A_410 = tpu.memref_slice %arg11[%dma_start3A_406, %dma_start3A_408, %dma_start3A_409] : memref<5x128x64xf32, #tpu.memory_space<vmem>> -> memref<1x128x64xf32, #tpu.memory_space<vmem>>
      %dma_start3A_411 = tpu.memref_squeeze %dma_start3A_410 : memref<1x128x64xf32, #tpu.memory_space<vmem>> -> memref<128x64xf32, #tpu.memory_space<vmem>>
      %dma_start3A_412 = arith.constant 0 : i32
      %dma_start3A_413 = tpu.memref_slice %arg9[%add3A_391, %dma_start3A_412] : memref<80x128xi32, #tpu.memory_space<vmem>> -> memref<1x128xi32, #tpu.memory_space<vmem>>
      %dma_start3A_414 = tpu.memref_squeeze %dma_start3A_413 : memref<1x128xi32, #tpu.memory_space<vmem>> -> memref<128xi32, #tpu.memory_space<vmem>>
      %dma_start3A_415 = arith.constant 0 : i32
      %dma_start3A_416 = arith.constant 0 : i32
      %dma_start3A_417 = tpu.memref_slice %arg12[%dma_start3A_415, %dma_start3A_416] : memref<10240x64xf32, #tpu.memory_space<vmem_shared>> -> memref<10240x64xf32, #tpu.memory_space<vmem_shared>>
      %dma_start3A_418 = tpu.memref_slice %arg14[%dma_start3A_407] : memref<5x!tpu.dma_semaphore, #tpu.memory_space<semaphore_mem>> -> memref<1x!tpu.dma_semaphore, #tpu.memory_space<semaphore_mem>>
      %dma_start3A_419 = tpu.memref_squeeze %dma_start3A_418 : memref<1x!tpu.dma_semaphore, #tpu.memory_space<semaphore_mem>> -> memref<!tpu.dma_semaphore, #tpu.memory_space<semaphore_mem>>
      tpu.enqueue_indirect_dma source(%dma_start3A_411 : memref<128x64xf32, #tpu.memory_space<vmem>>) target(%dma_start3A_417 : memref<10240x64xf32, #tpu.memory_space<vmem_shared>>) offsets(%dma_start3A_414 : memref<128xi32, #tpu.memory_space<vmem>>) semaphore(%dma_start3A_419 : memref<!tpu.dma_semaphore, #tpu.memory_space<semaphore_mem>>) {add = true}
      %add3A_420 = arith.constant 3 : i32
      %add3A_421 = arith.addi %add3A_391, %add3A_420 : i32
      %sub3A_422 = arith.constant 5 : i32
      %sub3A_423 = arith.subi %add3A_421, %sub3A_422 : i32
      %dma_wait3A_424 = arith.constant 1 : i32
      %dma_wait3A_425 = arith.constant 1 : i32
      %dma_wait3A_426 = arith.constant 0 : i32
      %dma_wait3A_427 = arith.constant 0 : i32
      %dma_wait3A_428 = tpu.memref_slice %arg11[%dma_wait3A_424, %dma_wait3A_426, %dma_wait3A_427] : memref<5x128x64xf32, #tpu.memory_space<vmem>> -> memref<1x128x64xf32, #tpu.memory_space<vmem>>
      %dma_wait3A_429 = tpu.memref_squeeze %dma_wait3A_428 : memref<1x128x64xf32, #tpu.memory_space<vmem>> -> memref<128x64xf32, #tpu.memory_space<vmem>>
      %dma_wait3A_430 = arith.constant 0 : i32
      %dma_wait3A_431 = tpu.memref_slice %arg9[%sub3A_423, %dma_wait3A_430] : memref<80x128xi32, #tpu.memory_space<vmem>> -> memref<1x128xi32, #tpu.memory_space<vmem>>
      %dma_wait3A_432 = tpu.memref_squeeze %dma_wait3A_431 : memref<1x128xi32, #tpu.memory_space<vmem>> -> memref<128xi32, #tpu.memory_space<vmem>>
      %dma_wait3A_433 = arith.constant 0 : i32
      %dma_wait3A_434 = arith.constant 0 : i32
      %dma_wait3A_435 = tpu.memref_slice %arg12[%dma_wait3A_433, %dma_wait3A_434] : memref<10240x64xf32, #tpu.memory_space<vmem_shared>> -> memref<10240x64xf32, #tpu.memory_space<vmem_shared>>
      %dma_wait3A_436 = tpu.memref_slice %arg14[%dma_wait3A_425] : memref<5x!tpu.dma_semaphore, #tpu.memory_space<semaphore_mem>> -> memref<1x!tpu.dma_semaphore, #tpu.memory_space<semaphore_mem>>
      %dma_wait3A_437 = tpu.memref_squeeze %dma_wait3A_436 : memref<1x!tpu.dma_semaphore, #tpu.memory_space<semaphore_mem>> -> memref<!tpu.dma_semaphore, #tpu.memory_space<semaphore_mem>>
      tpu.wait_indirect_dma semaphore(%dma_wait3A_437 : memref<!tpu.dma_semaphore, #tpu.memory_space<semaphore_mem>>) src(%dma_wait3A_429 : memref<128x64xf32, #tpu.memory_space<vmem>>) dst(%dma_wait3A_435 : memref<10240x64xf32, #tpu.memory_space<vmem_shared>>)
      %lt3A_438 = arith.constant 15 : i32
      %lt3A_439 = arith.cmpi slt, %scan3A_253, %lt3A_438 : i32
      %convert_element_type3A_440 = arith.extui %lt3A_439 : i1 to i32
      %cond3A_441 = arith.constant 0 : i32
      %cond3A_442 = arith.cmpi ne, %convert_element_type3A_440, %cond3A_441 : i32
      scf.if %cond3A_442 {
        %add3A_499 = arith.constant 3 : i32
        %add3A_500 = arith.addi %add3A_391, %add3A_499 : i32
        %dma_start3A_501 = arith.constant 1 : i32
        %dma_start3A_502 = arith.constant 1 : i32
        %dma_start3A_503 = arith.constant 0 : i32
        %dma_start3A_504 = arith.constant 0 : i32
        %dma_start3A_505 = tpu.memref_slice %arg11[%dma_start3A_501, %dma_start3A_503, %dma_start3A_504] : memref<5x128x64xf32, #tpu.memory_space<vmem>> -> memref<1x128x64xf32, #tpu.memory_space<vmem>>
        %dma_start3A_506 = tpu.memref_squeeze %dma_start3A_505 : memref<1x128x64xf32, #tpu.memory_space<vmem>> -> memref<128x64xf32, #tpu.memory_space<vmem>>
        %dma_start3A_507 = arith.constant 0 : i32
        %dma_start3A_508 = tpu.memref_slice %arg8[%add3A_500, %dma_start3A_507] : memref<80x128xi32, #tpu.memory_space<vmem>> -> memref<1x128xi32, #tpu.memory_space<vmem>>
        %dma_start3A_509 = tpu.memref_squeeze %dma_start3A_508 : memref<1x128xi32, #tpu.memory_space<vmem>> -> memref<128xi32, #tpu.memory_space<vmem>>
        %dma_start3A_510 = arith.constant 0 : i32
        %dma_start3A_511 = arith.constant 0 : i32
        %dma_start3A_512 = tpu.memref_slice %arg2[%dma_start3A_510, %dma_start3A_511] : memref<10240x64xf32, #tpu.memory_space<hbm>> -> memref<10240x64xf32, #tpu.memory_space<hbm>>
        %dma_start3A_513 = tpu.memref_slice %arg13[%dma_start3A_502] : memref<5x!tpu.dma_semaphore, #tpu.memory_space<semaphore_mem>> -> memref<1x!tpu.dma_semaphore, #tpu.memory_space<semaphore_mem>>
        %dma_start3A_514 = tpu.memref_squeeze %dma_start3A_513 : memref<1x!tpu.dma_semaphore, #tpu.memory_space<semaphore_mem>> -> memref<!tpu.dma_semaphore, #tpu.memory_space<semaphore_mem>>
        tpu.enqueue_indirect_dma source(%dma_start3A_512 : memref<10240x64xf32, #tpu.memory_space<hbm>>) target(%dma_start3A_506 : memref<128x64xf32, #tpu.memory_space<vmem>>) offsets(%dma_start3A_509 : memref<128xi32, #tpu.memory_space<vmem>>) semaphore(%dma_start3A_514 : memref<!tpu.dma_semaphore, #tpu.memory_space<semaphore_mem>>)
      } else {
      }
      %mul3A_443 = arith.constant 5 : i32
      %mul3A_444 = arith.muli %scan3A_253, %mul3A_443 : i32
      %add3A_445 = arith.constant 4 : i32
      %add3A_446 = arith.addi %mul3A_444, %add3A_445 : i32
      %dma_wait3A_447 = arith.constant 4 : i32
      %dma_wait3A_448 = arith.constant 4 : i32
      %dma_wait3A_449 = arith.constant 0 : i32
      %dma_wait3A_450 = arith.constant 0 : i32
      %dma_wait3A_451 = tpu.memref_slice %arg11[%dma_wait3A_447, %dma_wait3A_449, %dma_wait3A_450] : memref<5x128x64xf32, #tpu.memory_space<vmem>> -> memref<1x128x64xf32, #tpu.memory_space<vmem>>
      %dma_wait3A_452 = tpu.memref_squeeze %dma_wait3A_451 : memref<1x128x64xf32, #tpu.memory_space<vmem>> -> memref<128x64xf32, #tpu.memory_space<vmem>>
      %dma_wait3A_453 = arith.constant 0 : i32
      %dma_wait3A_454 = tpu.memref_slice %arg8[%add3A_446, %dma_wait3A_453] : memref<80x128xi32, #tpu.memory_space<vmem>> -> memref<1x128xi32, #tpu.memory_space<vmem>>
      %dma_wait3A_455 = tpu.memref_squeeze %dma_wait3A_454 : memref<1x128xi32, #tpu.memory_space<vmem>> -> memref<128xi32, #tpu.memory_space<vmem>>
      %dma_wait3A_456 = arith.constant 0 : i32
      %dma_wait3A_457 = arith.constant 0 : i32
      %dma_wait3A_458 = tpu.memref_slice %arg2[%dma_wait3A_456, %dma_wait3A_457] : memref<10240x64xf32, #tpu.memory_space<hbm>> -> memref<10240x64xf32, #tpu.memory_space<hbm>>
      %dma_wait3A_459 = tpu.memref_slice %arg13[%dma_wait3A_448] : memref<5x!tpu.dma_semaphore, #tpu.memory_space<semaphore_mem>> -> memref<1x!tpu.dma_semaphore, #tpu.memory_space<semaphore_mem>>
      %dma_wait3A_460 = tpu.memref_squeeze %dma_wait3A_459 : memref<1x!tpu.dma_semaphore, #tpu.memory_space<semaphore_mem>> -> memref<!tpu.dma_semaphore, #tpu.memory_space<semaphore_mem>>
      tpu.wait_indirect_dma semaphore(%dma_wait3A_460 : memref<!tpu.dma_semaphore, #tpu.memory_space<semaphore_mem>>) src(%dma_wait3A_458 : memref<10240x64xf32, #tpu.memory_space<hbm>>) dst(%dma_wait3A_452 : memref<128x64xf32, #tpu.memory_space<vmem>>)
      %dma_start3A_461 = arith.constant 4 : i32
      %dma_start3A_462 = arith.constant 4 : i32
      %dma_start3A_463 = arith.constant 0 : i32
      %dma_start3A_464 = arith.constant 0 : i32
      %dma_start3A_465 = tpu.memref_slice %arg11[%dma_start3A_461, %dma_start3A_463, %dma_start3A_464] : memref<5x128x64xf32, #tpu.memory_space<vmem>> -> memref<1x128x64xf32, #tpu.memory_space<vmem>>
      %dma_start3A_466 = tpu.memref_squeeze %dma_start3A_465 : memref<1x128x64xf32, #tpu.memory_space<vmem>> -> memref<128x64xf32, #tpu.memory_space<vmem>>
      %dma_start3A_467 = arith.constant 0 : i32
      %dma_start3A_468 = tpu.memref_slice %arg9[%add3A_446, %dma_start3A_467] : memref<80x128xi32, #tpu.memory_space<vmem>> -> memref<1x128xi32, #tpu.memory_space<vmem>>
      %dma_start3A_469 = tpu.memref_squeeze %dma_start3A_468 : memref<1x128xi32, #tpu.memory_space<vmem>> -> memref<128xi32, #tpu.memory_space<vmem>>
      %dma_start3A_470 = arith.constant 0 : i32
      %dma_start3A_471 = arith.constant 0 : i32
      %dma_start3A_472 = tpu.memref_slice %arg12[%dma_start3A_470, %dma_start3A_471] : memref<10240x64xf32, #tpu.memory_space<vmem_shared>> -> memref<10240x64xf32, #tpu.memory_space<vmem_shared>>
      %dma_start3A_473 = tpu.memref_slice %arg14[%dma_start3A_462] : memref<5x!tpu.dma_semaphore, #tpu.memory_space<semaphore_mem>> -> memref<1x!tpu.dma_semaphore, #tpu.memory_space<semaphore_mem>>
      %dma_start3A_474 = tpu.memref_squeeze %dma_start3A_473 : memref<1x!tpu.dma_semaphore, #tpu.memory_space<semaphore_mem>> -> memref<!tpu.dma_semaphore, #tpu.memory_space<semaphore_mem>>
      tpu.enqueue_indirect_dma source(%dma_start3A_466 : memref<128x64xf32, #tpu.memory_space<vmem>>) target(%dma_start3A_472 : memref<10240x64xf32, #tpu.memory_space<vmem_shared>>) offsets(%dma_start3A_469 : memref<128xi32, #tpu.memory_space<vmem>>) semaphore(%dma_start3A_474 : memref<!tpu.dma_semaphore, #tpu.memory_space<semaphore_mem>>) {add = true}
      %add3A_475 = arith.constant 3 : i32
      %add3A_476 = arith.addi %add3A_446, %add3A_475 : i32
      %sub3A_477 = arith.constant 5 : i32
      %sub3A_478 = arith.subi %add3A_476, %sub3A_477 : i32
      %dma_wait3A_479 = arith.constant 2 : i32
      %dma_wait3A_480 = arith.constant 2 : i32
      %dma_wait3A_481 = arith.constant 0 : i32
      %dma_wait3A_482 = arith.constant 0 : i32
      %dma_wait3A_483 = tpu.memref_slice %arg11[%dma_wait3A_479, %dma_wait3A_481, %dma_wait3A_482] : memref<5x128x64xf32, #tpu.memory_space<vmem>> -> memref<1x128x64xf32, #tpu.memory_space<vmem>>
      %dma_wait3A_484 = tpu.memref_squeeze %dma_wait3A_483 : memref<1x128x64xf32, #tpu.memory_space<vmem>> -> memref<128x64xf32, #tpu.memory_space<vmem>>
      %dma_wait3A_485 = arith.constant 0 : i32
      %dma_wait3A_486 = tpu.memref_slice %arg9[%sub3A_478, %dma_wait3A_485] : memref<80x128xi32, #tpu.memory_space<vmem>> -> memref<1x128xi32, #tpu.memory_space<vmem>>
      %dma_wait3A_487 = tpu.memref_squeeze %dma_wait3A_486 : memref<1x128xi32, #tpu.memory_space<vmem>> -> memref<128xi32, #tpu.memory_space<vmem>>
      %dma_wait3A_488 = arith.constant 0 : i32
      %dma_wait3A_489 = arith.constant 0 : i32
      %dma_wait3A_490 = tpu.memref_slice %arg12[%dma_wait3A_488, %dma_wait3A_489] : memref<10240x64xf32, #tpu.memory_space<vmem_shared>> -> memref<10240x64xf32, #tpu.memory_space<vmem_shared>>
      %dma_wait3A_491 = tpu.memref_slice %arg14[%dma_wait3A_480] : memref<5x!tpu.dma_semaphore, #tpu.memory_space<semaphore_mem>> -> memref<1x!tpu.dma_semaphore, #tpu.memory_space<semaphore_mem>>
      %dma_wait3A_492 = tpu.memref_squeeze %dma_wait3A_491 : memref<1x!tpu.dma_semaphore, #tpu.memory_space<semaphore_mem>> -> memref<!tpu.dma_semaphore, #tpu.memory_space<semaphore_mem>>
      tpu.wait_indirect_dma semaphore(%dma_wait3A_492 : memref<!tpu.dma_semaphore, #tpu.memory_space<semaphore_mem>>) src(%dma_wait3A_484 : memref<128x64xf32, #tpu.memory_space<vmem>>) dst(%dma_wait3A_490 : memref<10240x64xf32, #tpu.memory_space<vmem_shared>>)
      %lt3A_493 = arith.constant 15 : i32
      %lt3A_494 = arith.cmpi slt, %scan3A_253, %lt3A_493 : i32
      %convert_element_type3A_495 = arith.extui %lt3A_494 : i1 to i32
      %cond3A_496 = arith.constant 0 : i32
      %cond3A_497 = arith.cmpi ne, %convert_element_type3A_495, %cond3A_496 : i32
      scf.if %cond3A_497 {
        %add3A_499 = arith.constant 3 : i32
        %add3A_500 = arith.addi %add3A_446, %add3A_499 : i32
        %dma_start3A_501 = arith.constant 2 : i32
        %dma_start3A_502 = arith.constant 2 : i32
        %dma_start3A_503 = arith.constant 0 : i32
        %dma_start3A_504 = arith.constant 0 : i32
        %dma_start3A_505 = tpu.memref_slice %arg11[%dma_start3A_501, %dma_start3A_503, %dma_start3A_504] : memref<5x128x64xf32, #tpu.memory_space<vmem>> -> memref<1x128x64xf32, #tpu.memory_space<vmem>>
        %dma_start3A_506 = tpu.memref_squeeze %dma_start3A_505 : memref<1x128x64xf32, #tpu.memory_space<vmem>> -> memref<128x64xf32, #tpu.memory_space<vmem>>
        %dma_start3A_507 = arith.constant 0 : i32
        %dma_start3A_508 = tpu.memref_slice %arg8[%add3A_500, %dma_start3A_507] : memref<80x128xi32, #tpu.memory_space<vmem>> -> memref<1x128xi32, #tpu.memory_space<vmem>>
        %dma_start3A_509 = tpu.memref_squeeze %dma_start3A_508 : memref<1x128xi32, #tpu.memory_space<vmem>> -> memref<128xi32, #tpu.memory_space<vmem>>
        %dma_start3A_510 = arith.constant 0 : i32
        %dma_start3A_511 = arith.constant 0 : i32
        %dma_start3A_512 = tpu.memref_slice %arg2[%dma_start3A_510, %dma_start3A_511] : memref<10240x64xf32, #tpu.memory_space<hbm>> -> memref<10240x64xf32, #tpu.memory_space<hbm>>
        %dma_start3A_513 = tpu.memref_slice %arg13[%dma_start3A_502] : memref<5x!tpu.dma_semaphore, #tpu.memory_space<semaphore_mem>> -> memref<1x!tpu.dma_semaphore, #tpu.memory_space<semaphore_mem>>
        %dma_start3A_514 = tpu.memref_squeeze %dma_start3A_513 : memref<1x!tpu.dma_semaphore, #tpu.memory_space<semaphore_mem>> -> memref<!tpu.dma_semaphore, #tpu.memory_space<semaphore_mem>>
        tpu.enqueue_indirect_dma source(%dma_start3A_512 : memref<10240x64xf32, #tpu.memory_space<hbm>>) target(%dma_start3A_506 : memref<128x64xf32, #tpu.memory_space<vmem>>) offsets(%dma_start3A_509 : memref<128xi32, #tpu.memory_space<vmem>>) semaphore(%dma_start3A_514 : memref<!tpu.dma_semaphore, #tpu.memory_space<semaphore_mem>>)
      } else {
      }
      %scan3A_498 = arith.constant 0 : i32
      scf.yield %scan3A_498 : i32
    }
    %scan3A_78 = arith.constant 16 : i32
    %dma_wait3A = arith.constant 3 : i32
    %dma_wait3A_79 = arith.constant 78 : i32
    %dma_wait3A_80 = arith.constant 3 : i32
    %dma_wait3A_81 = arith.constant 0 : i32
    %dma_wait3A_82 = arith.constant 0 : i32
    %dma_wait3A_83 = tpu.memref_slice %arg11[%dma_wait3A, %dma_wait3A_81, %dma_wait3A_82] : memref<5x128x64xf32, #tpu.memory_space<vmem>> -> memref<1x128x64xf32, #tpu.memory_space<vmem>>
    %dma_wait3A_84 = tpu.memref_squeeze %dma_wait3A_83 : memref<1x128x64xf32, #tpu.memory_space<vmem>> -> memref<128x64xf32, #tpu.memory_space<vmem>>
    %dma_wait3A_85 = arith.constant 0 : i32
    %dma_wait3A_86 = tpu.memref_slice %arg9[%dma_wait3A_79, %dma_wait3A_85] : memref<80x128xi32, #tpu.memory_space<vmem>> -> memref<1x128xi32, #tpu.memory_space<vmem>>
    %dma_wait3A_87 = tpu.memref_squeeze %dma_wait3A_86 : memref<1x128xi32, #tpu.memory_space<vmem>> -> memref<128xi32, #tpu.memory_space<vmem>>
    %dma_wait3A_88 = arith.constant 0 : i32
    %dma_wait3A_89 = arith.constant 0 : i32
    %dma_wait3A_90 = tpu.memref_slice %arg12[%dma_wait3A_88, %dma_wait3A_89] : memref<10240x64xf32, #tpu.memory_space<vmem_shared>> -> memref<10240x64xf32, #tpu.memory_space<vmem_shared>>
    %dma_wait3A_91 = tpu.memref_slice %arg14[%dma_wait3A_80] : memref<5x!tpu.dma_semaphore, #tpu.memory_space<semaphore_mem>> -> memref<1x!tpu.dma_semaphore, #tpu.memory_space<semaphore_mem>>
    %dma_wait3A_92 = tpu.memref_squeeze %dma_wait3A_91 : memref<1x!tpu.dma_semaphore, #tpu.memory_space<semaphore_mem>> -> memref<!tpu.dma_semaphore, #tpu.memory_space<semaphore_mem>>
    tpu.wait_indirect_dma semaphore(%dma_wait3A_92 : memref<!tpu.dma_semaphore, #tpu.memory_space<semaphore_mem>>) src(%dma_wait3A_84 : memref<128x64xf32, #tpu.memory_space<vmem>>) dst(%dma_wait3A_90 : memref<10240x64xf32, #tpu.memory_space<vmem_shared>>)
    %dma_wait3A_93 = arith.constant 4 : i32
    %dma_wait3A_94 = arith.constant 79 : i32
    %dma_wait3A_95 = arith.constant 4 : i32
    %dma_wait3A_96 = arith.constant 0 : i32
    %dma_wait3A_97 = arith.constant 0 : i32
    %dma_wait3A_98 = tpu.memref_slice %arg11[%dma_wait3A_93, %dma_wait3A_96, %dma_wait3A_97] : memref<5x128x64xf32, #tpu.memory_space<vmem>> -> memref<1x128x64xf32, #tpu.memory_space<vmem>>
    %dma_wait3A_99 = tpu.memref_squeeze %dma_wait3A_98 : memref<1x128x64xf32, #tpu.memory_space<vmem>> -> memref<128x64xf32, #tpu.memory_space<vmem>>
    %dma_wait3A_100 = arith.constant 0 : i32
    %dma_wait3A_101 = tpu.memref_slice %arg9[%dma_wait3A_94, %dma_wait3A_100] : memref<80x128xi32, #tpu.memory_space<vmem>> -> memref<1x128xi32, #tpu.memory_space<vmem>>
    %dma_wait3A_102 = tpu.memref_squeeze %dma_wait3A_101 : memref<1x128xi32, #tpu.memory_space<vmem>> -> memref<128xi32, #tpu.memory_space<vmem>>
    %dma_wait3A_103 = arith.constant 0 : i32
    %dma_wait3A_104 = arith.constant 0 : i32
    %dma_wait3A_105 = tpu.memref_slice %arg12[%dma_wait3A_103, %dma_wait3A_104] : memref<10240x64xf32, #tpu.memory_space<vmem_shared>> -> memref<10240x64xf32, #tpu.memory_space<vmem_shared>>
    %dma_wait3A_106 = tpu.memref_slice %arg14[%dma_wait3A_95] : memref<5x!tpu.dma_semaphore, #tpu.memory_space<semaphore_mem>> -> memref<1x!tpu.dma_semaphore, #tpu.memory_space<semaphore_mem>>
    %dma_wait3A_107 = tpu.memref_squeeze %dma_wait3A_106 : memref<1x!tpu.dma_semaphore, #tpu.memory_space<semaphore_mem>> -> memref<!tpu.dma_semaphore, #tpu.memory_space<semaphore_mem>>
    tpu.wait_indirect_dma semaphore(%dma_wait3A_107 : memref<!tpu.dma_semaphore, #tpu.memory_space<semaphore_mem>>) src(%dma_wait3A_99 : memref<128x64xf32, #tpu.memory_space<vmem>>) dst(%dma_wait3A_105 : memref<10240x64xf32, #tpu.memory_space<vmem_shared>>)
    %barrier3A_108 = arith.constant 0 : index
    tpu.barrier barrier_id(%barrier3A_108)
    %mul3A_109 = arith.constant 640 : i32
    %mul3A_110 = arith.muli %arg1, %mul3A_109 : i32
    %add3A_111 = arith.constant 0 : i32
    %add3A_112 = arith.addi %mul3A_110, %add3A_111 : i32
    "tpu.region"() ({
      %run_scoped3A = tpu.sem_alloc : memref<!tpu.dma_semaphore, #tpu.memory_space<semaphore_mem>>
      %dma_start3A_253 = arith.constant 0 : i32
      %dma_start3A_254 = tpu.memref_slice %arg6[%arg0, %add3A_112, %dma_start3A_253] : memref<2x10240x64xf32, #tpu.memory_space<hbm>> -> memref<1x128x64xf32, #tpu.memory_space<hbm>>
      %dma_start3A_255 = tpu.memref_squeeze %dma_start3A_254 : memref<1x128x64xf32, #tpu.memory_space<hbm>> -> memref<128x64xf32, #tpu.memory_space<hbm>>
      %dma_start3A_256 = arith.constant 0 : i32
      %dma_start3A_257 = tpu.memref_slice %arg12[%add3A_112, %dma_start3A_256] : memref<10240x64xf32, #tpu.memory_space<vmem_shared>> -> memref<128x64xf32, #tpu.memory_space<vmem_shared>>
      tpu.enqueue_dma source(%dma_start3A_257 : memref<128x64xf32, #tpu.memory_space<vmem_shared>>) target(%dma_start3A_255 : memref<128x64xf32, #tpu.memory_space<hbm>>) target_semaphore(%run_scoped3A : memref<!tpu.dma_semaphore, #tpu.memory_space<semaphore_mem>>)
      %dma_wait3A_258 = arith.constant 0 : i32
      %dma_wait3A_259 = tpu.memref_slice %arg6[%arg0, %add3A_112, %dma_wait3A_258] : memref<2x10240x64xf32, #tpu.memory_space<hbm>> -> memref<1x128x64xf32, #tpu.memory_space<hbm>>
      %dma_wait3A_260 = tpu.memref_squeeze %dma_wait3A_259 : memref<1x128x64xf32, #tpu.memory_space<hbm>> -> memref<128x64xf32, #tpu.memory_space<hbm>>
      %dma_wait3A_261 = arith.constant 0 : i32
      %dma_wait3A_262 = tpu.memref_slice %arg12[%add3A_112, %dma_wait3A_261] : memref<10240x64xf32, #tpu.memory_space<vmem_shared>> -> memref<128x64xf32, #tpu.memory_space<vmem_shared>>
      tpu.wait_dma2 semaphore(%run_scoped3A : memref<!tpu.dma_semaphore, #tpu.memory_space<semaphore_mem>>) src(%dma_wait3A_262 : memref<128x64xf32, #tpu.memory_space<vmem_shared>>) dst(%dma_wait3A_260 : memref<128x64xf32, #tpu.memory_space<hbm>>)
      tpu.yield
    }) : () -> ()
    %mul3A_113 = arith.constant 640 : i32
    %mul3A_114 = arith.muli %arg1, %mul3A_113 : i32
    %add3A_115 = arith.constant 128 : i32
    %add3A_116 = arith.addi %mul3A_114, %add3A_115 : i32
    "tpu.region"() ({
      %run_scoped3A = tpu.sem_alloc : memref<!tpu.dma_semaphore, #tpu.memory_space<semaphore_mem>>
      %dma_start3A_253 = arith.constant 0 : i32
      %dma_start3A_254 = tpu.memref_slice %arg6[%arg0, %add3A_116, %dma_start3A_253] : memref<2x10240x64xf32, #tpu.memory_space<hbm>> -> memref<1x128x64xf32, #tpu.memory_space<hbm>>
      %dma_start3A_255 = tpu.memref_squeeze %dma_start3A_254 : memref<1x128x64xf32, #tpu.memory_space<hbm>> -> memref<128x64xf32, #tpu.memory_space<hbm>>
      %dma_start3A_256 = arith.constant 0 : i32
      %dma_start3A_257 = tpu.memref_slice %arg12[%add3A_116, %dma_start3A_256] : memref<10240x64xf32, #tpu.memory_space<vmem_shared>> -> memref<128x64xf32, #tpu.memory_space<vmem_shared>>
      tpu.enqueue_dma source(%dma_start3A_257 : memref<128x64xf32, #tpu.memory_space<vmem_shared>>) target(%dma_start3A_255 : memref<128x64xf32, #tpu.memory_space<hbm>>) target_semaphore(%run_scoped3A : memref<!tpu.dma_semaphore, #tpu.memory_space<semaphore_mem>>)
      %dma_wait3A_258 = arith.constant 0 : i32
      %dma_wait3A_259 = tpu.memref_slice %arg6[%arg0, %add3A_116, %dma_wait3A_258] : memref<2x10240x64xf32, #tpu.memory_space<hbm>> -> memref<1x128x64xf32, #tpu.memory_space<hbm>>
      %dma_wait3A_260 = tpu.memref_squeeze %dma_wait3A_259 : memref<1x128x64xf32, #tpu.memory_space<hbm>> -> memref<128x64xf32, #tpu.memory_space<hbm>>
      %dma_wait3A_261 = arith.constant 0 : i32
      %dma_wait3A_262 = tpu.memref_slice %arg12[%add3A_116, %dma_wait3A_261] : memref<10240x64xf32, #tpu.memory_space<vmem_shared>> -> memref<128x64xf32, #tpu.memory_space<vmem_shared>>
      tpu.wait_dma2 semaphore(%run_scoped3A : memref<!tpu.dma_semaphore, #tpu.memory_space<semaphore_mem>>) src(%dma_wait3A_262 : memref<128x64xf32, #tpu.memory_space<vmem_shared>>) dst(%dma_wait3A_260 : memref<128x64xf32, #tpu.memory_space<hbm>>)
      tpu.yield
    }) : () -> ()
    %mul3A_117 = arith.constant 640 : i32
    %mul3A_118 = arith.muli %arg1, %mul3A_117 : i32
    %add3A_119 = arith.constant 256 : i32
    %add3A_120 = arith.addi %mul3A_118, %add3A_119 : i32
    "tpu.region"() ({
      %run_scoped3A = tpu.sem_alloc : memref<!tpu.dma_semaphore, #tpu.memory_space<semaphore_mem>>
      %dma_start3A_253 = arith.constant 0 : i32
      %dma_start3A_254 = tpu.memref_slice %arg6[%arg0, %add3A_120, %dma_start3A_253] : memref<2x10240x64xf32, #tpu.memory_space<hbm>> -> memref<1x128x64xf32, #tpu.memory_space<hbm>>
      %dma_start3A_255 = tpu.memref_squeeze %dma_start3A_254 : memref<1x128x64xf32, #tpu.memory_space<hbm>> -> memref<128x64xf32, #tpu.memory_space<hbm>>
      %dma_start3A_256 = arith.constant 0 : i32
      %dma_start3A_257 = tpu.memref_slice %arg12[%add3A_120, %dma_start3A_256] : memref<10240x64xf32, #tpu.memory_space<vmem_shared>> -> memref<128x64xf32, #tpu.memory_space<vmem_shared>>
      tpu.enqueue_dma source(%dma_start3A_257 : memref<128x64xf32, #tpu.memory_space<vmem_shared>>) target(%dma_start3A_255 : memref<128x64xf32, #tpu.memory_space<hbm>>) target_semaphore(%run_scoped3A : memref<!tpu.dma_semaphore, #tpu.memory_space<semaphore_mem>>)
      %dma_wait3A_258 = arith.constant 0 : i32
      %dma_wait3A_259 = tpu.memref_slice %arg6[%arg0, %add3A_120, %dma_wait3A_258] : memref<2x10240x64xf32, #tpu.memory_space<hbm>> -> memref<1x128x64xf32, #tpu.memory_space<hbm>>
      %dma_wait3A_260 = tpu.memref_squeeze %dma_wait3A_259 : memref<1x128x64xf32, #tpu.memory_space<hbm>> -> memref<128x64xf32, #tpu.memory_space<hbm>>
      %dma_wait3A_261 = arith.constant 0 : i32
      %dma_wait3A_262 = tpu.memref_slice %arg12[%add3A_120, %dma_wait3A_261] : memref<10240x64xf32, #tpu.memory_space<vmem_shared>> -> memref<128x64xf32, #tpu.memory_space<vmem_shared>>
      tpu.wait_dma2 semaphore(%run_scoped3A : memref<!tpu.dma_semaphore, #tpu.memory_space<semaphore_mem>>) src(%dma_wait3A_262 : memref<128x64xf32, #tpu.memory_space<vmem_shared>>) dst(%dma_wait3A_260 : memref<128x64xf32, #tpu.memory_space<hbm>>)
      tpu.yield
    }) : () -> ()
    %mul3A_121 = arith.constant 640 : i32
    %mul3A_122 = arith.muli %arg1, %mul3A_121 : i32
    %add3A_123 = arith.constant 384 : i32
    %add3A_124 = arith.addi %mul3A_122, %add3A_123 : i32
    "tpu.region"() ({
      %run_scoped3A = tpu.sem_alloc : memref<!tpu.dma_semaphore, #tpu.memory_space<semaphore_mem>>
      %dma_start3A_253 = arith.constant 0 : i32
      %dma_start3A_254 = tpu.memref_slice %arg6[%arg0, %add3A_124, %dma_start3A_253] : memref<2x10240x64xf32, #tpu.memory_space<hbm>> -> memref<1x128x64xf32, #tpu.memory_space<hbm>>
      %dma_start3A_255 = tpu.memref_squeeze %dma_start3A_254 : memref<1x128x64xf32, #tpu.memory_space<hbm>> -> memref<128x64xf32, #tpu.memory_space<hbm>>
      %dma_start3A_256 = arith.constant 0 : i32
      %dma_start3A_257 = tpu.memref_slice %arg12[%add3A_124, %dma_start3A_256] : memref<10240x64xf32, #tpu.memory_space<vmem_shared>> -> memref<128x64xf32, #tpu.memory_space<vmem_shared>>
      tpu.enqueue_dma source(%dma_start3A_257 : memref<128x64xf32, #tpu.memory_space<vmem_shared>>) target(%dma_start3A_255 : memref<128x64xf32, #tpu.memory_space<hbm>>) target_semaphore(%run_scoped3A : memref<!tpu.dma_semaphore, #tpu.memory_space<semaphore_mem>>)
      %dma_wait3A_258 = arith.constant 0 : i32
      %dma_wait3A_259 = tpu.memref_slice %arg6[%arg0, %add3A_124, %dma_wait3A_258] : memref<2x10240x64xf32, #tpu.memory_space<hbm>> -> memref<1x128x64xf32, #tpu.memory_space<hbm>>
      %dma_wait3A_260 = tpu.memref_squeeze %dma_wait3A_259 : memref<1x128x64xf32, #tpu.memory_space<hbm>> -> memref<128x64xf32, #tpu.memory_space<hbm>>
      %dma_wait3A_261 = arith.constant 0 : i32
      %dma_wait3A_262 = tpu.memref_slice %arg12[%add3A_124, %dma_wait3A_261] : memref<10240x64xf32, #tpu.memory_space<vmem_shared>> -> memref<128x64xf32, #tpu.memory_space<vmem_shared>>
      tpu.wait_dma2 semaphore(%run_scoped3A : memref<!tpu.dma_semaphore, #tpu.memory_space<semaphore_mem>>) src(%dma_wait3A_262 : memref<128x64xf32, #tpu.memory_space<vmem_shared>>) dst(%dma_wait3A_260 : memref<128x64xf32, #tpu.memory_space<hbm>>)
      tpu.yield
    }) : () -> ()
    %mul3A_125 = arith.constant 640 : i32
    %mul3A_126 = arith.muli %arg1, %mul3A_125 : i32
    %add3A_127 = arith.constant 512 : i32
    %add3A_128 = arith.addi %mul3A_126, %add3A_127 : i32
    "tpu.region"() ({
      %run_scoped3A = tpu.sem_alloc : memref<!tpu.dma_semaphore, #tpu.memory_space<semaphore_mem>>
      %dma_start3A_253 = arith.constant 0 : i32
      %dma_start3A_254 = tpu.memref_slice %arg6[%arg0, %add3A_128, %dma_start3A_253] : memref<2x10240x64xf32, #tpu.memory_space<hbm>> -> memref<1x128x64xf32, #tpu.memory_space<hbm>>
      %dma_start3A_255 = tpu.memref_squeeze %dma_start3A_254 : memref<1x128x64xf32, #tpu.memory_space<hbm>> -> memref<128x64xf32, #tpu.memory_space<hbm>>
      %dma_start3A_256 = arith.constant 0 : i32
      %dma_start3A_257 = tpu.memref_slice %arg12[%add3A_128, %dma_start3A_256] : memref<10240x64xf32, #tpu.memory_space<vmem_shared>> -> memref<128x64xf32, #tpu.memory_space<vmem_shared>>
      tpu.enqueue_dma source(%dma_start3A_257 : memref<128x64xf32, #tpu.memory_space<vmem_shared>>) target(%dma_start3A_255 : memref<128x64xf32, #tpu.memory_space<hbm>>) target_semaphore(%run_scoped3A : memref<!tpu.dma_semaphore, #tpu.memory_space<semaphore_mem>>)
      %dma_wait3A_258 = arith.constant 0 : i32
      %dma_wait3A_259 = tpu.memref_slice %arg6[%arg0, %add3A_128, %dma_wait3A_258] : memref<2x10240x64xf32, #tpu.memory_space<hbm>> -> memref<1x128x64xf32, #tpu.memory_space<hbm>>
      %dma_wait3A_260 = tpu.memref_squeeze %dma_wait3A_259 : memref<1x128x64xf32, #tpu.memory_space<hbm>> -> memref<128x64xf32, #tpu.memory_space<hbm>>
      %dma_wait3A_261 = arith.constant 0 : i32
      %dma_wait3A_262 = tpu.memref_slice %arg12[%add3A_128, %dma_wait3A_261] : memref<10240x64xf32, #tpu.memory_space<vmem_shared>> -> memref<128x64xf32, #tpu.memory_space<vmem_shared>>
      tpu.wait_dma2 semaphore(%run_scoped3A : memref<!tpu.dma_semaphore, #tpu.memory_space<semaphore_mem>>) src(%dma_wait3A_262 : memref<128x64xf32, #tpu.memory_space<vmem_shared>>) dst(%dma_wait3A_260 : memref<128x64xf32, #tpu.memory_space<hbm>>)
      tpu.yield
    }) : () -> ()
    %mul3A_129 = arith.constant 640 : i32
    %mul3A_130 = arith.muli %arg1, %mul3A_129 : i32
    %add3A_131 = arith.constant 0 : i32
    %add3A_132 = arith.addi %mul3A_130, %add3A_131 : i32
    "tpu.region"() ({
      %run_scoped3A = tpu.sem_alloc : memref<!tpu.dma_semaphore, #tpu.memory_space<semaphore_mem>>
      %dma_start3A_253 = arith.constant 0 : i32
      %dma_start3A_254 = tpu.memref_slice %arg12[%add3A_132, %dma_start3A_253] : memref<10240x64xf32, #tpu.memory_space<vmem_shared>> -> memref<128x64xf32, #tpu.memory_space<vmem_shared>>
      %dma_start3A_255 = arith.constant 0 : i32
      %dma_start3A_256 = tpu.memref_slice %arg12[%add3A_132, %dma_start3A_255] : memref<10240x64xf32, #tpu.memory_space<vmem_shared>> -> memref<128x64xf32, #tpu.memory_space<vmem_shared>>
      tpu.enqueue_dma source(%arg10 : memref<128x64xf32, #tpu.memory_space<vmem>>) target(%dma_start3A_256 : memref<128x64xf32, #tpu.memory_space<vmem_shared>>) target_semaphore(%run_scoped3A : memref<!tpu.dma_semaphore, #tpu.memory_space<semaphore_mem>>)
      %dma_wait3A_257 = arith.constant 0 : i32
      %dma_wait3A_258 = tpu.memref_slice %arg12[%add3A_132, %dma_wait3A_257] : memref<10240x64xf32, #tpu.memory_space<vmem_shared>> -> memref<128x64xf32, #tpu.memory_space<vmem_shared>>
      %dma_wait3A_259 = arith.constant 0 : i32
      %dma_wait3A_260 = tpu.memref_slice %arg12[%add3A_132, %dma_wait3A_259] : memref<10240x64xf32, #tpu.memory_space<vmem_shared>> -> memref<128x64xf32, #tpu.memory_space<vmem_shared>>
      tpu.wait_dma2 semaphore(%run_scoped3A : memref<!tpu.dma_semaphore, #tpu.memory_space<semaphore_mem>>) src(%arg10 : memref<128x64xf32, #tpu.memory_space<vmem>>) dst(%dma_wait3A_260 : memref<128x64xf32, #tpu.memory_space<vmem_shared>>)
      tpu.yield
    }) : () -> ()
    %mul3A_133 = arith.constant 640 : i32
    %mul3A_134 = arith.muli %arg1, %mul3A_133 : i32
    %add3A_135 = arith.constant 128 : i32
    %add3A_136 = arith.addi %mul3A_134, %add3A_135 : i32
    "tpu.region"() ({
      %run_scoped3A = tpu.sem_alloc : memref<!tpu.dma_semaphore, #tpu.memory_space<semaphore_mem>>
      %dma_start3A_253 = arith.constant 0 : i32
      %dma_start3A_254 = tpu.memref_slice %arg12[%add3A_136, %dma_start3A_253] : memref<10240x64xf32, #tpu.memory_space<vmem_shared>> -> memref<128x64xf32, #tpu.memory_space<vmem_shared>>
      %dma_start3A_255 = arith.constant 0 : i32
      %dma_start3A_256 = tpu.memref_slice %arg12[%add3A_136, %dma_start3A_255] : memref<10240x64xf32, #tpu.memory_space<vmem_shared>> -> memref<128x64xf32, #tpu.memory_space<vmem_shared>>
      tpu.enqueue_dma source(%arg10 : memref<128x64xf32, #tpu.memory_space<vmem>>) target(%dma_start3A_256 : memref<128x64xf32, #tpu.memory_space<vmem_shared>>) target_semaphore(%run_scoped3A : memref<!tpu.dma_semaphore, #tpu.memory_space<semaphore_mem>>)
      %dma_wait3A_257 = arith.constant 0 : i32
      %dma_wait3A_258 = tpu.memref_slice %arg12[%add3A_136, %dma_wait3A_257] : memref<10240x64xf32, #tpu.memory_space<vmem_shared>> -> memref<128x64xf32, #tpu.memory_space<vmem_shared>>
      %dma_wait3A_259 = arith.constant 0 : i32
      %dma_wait3A_260 = tpu.memref_slice %arg12[%add3A_136, %dma_wait3A_259] : memref<10240x64xf32, #tpu.memory_space<vmem_shared>> -> memref<128x64xf32, #tpu.memory_space<vmem_shared>>
      tpu.wait_dma2 semaphore(%run_scoped3A : memref<!tpu.dma_semaphore, #tpu.memory_space<semaphore_mem>>) src(%arg10 : memref<128x64xf32, #tpu.memory_space<vmem>>) dst(%dma_wait3A_260 : memref<128x64xf32, #tpu.memory_space<vmem_shared>>)
      tpu.yield
    }) : () -> ()
    %mul3A_137 = arith.constant 640 : i32
    %mul3A_138 = arith.muli %arg1, %mul3A_137 : i32
    %add3A_139 = arith.constant 256 : i32
    %add3A_140 = arith.addi %mul3A_138, %add3A_139 : i32
    "tpu.region"() ({
      %run_scoped3A = tpu.sem_alloc : memref<!tpu.dma_semaphore, #tpu.memory_space<semaphore_mem>>
      %dma_start3A_253 = arith.constant 0 : i32
      %dma_start3A_254 = tpu.memref_slice %arg12[%add3A_140, %dma_start3A_253] : memref<10240x64xf32, #tpu.memory_space<vmem_shared>> -> memref<128x64xf32, #tpu.memory_space<vmem_shared>>
      %dma_start3A_255 = arith.constant 0 : i32
      %dma_start3A_256 = tpu.memref_slice %arg12[%add3A_140, %dma_start3A_255] : memref<10240x64xf32, #tpu.memory_space<vmem_shared>> -> memref<128x64xf32, #tpu.memory_space<vmem_shared>>
      tpu.enqueue_dma source(%arg10 : memref<128x64xf32, #tpu.memory_space<vmem>>) target(%dma_start3A_256 : memref<128x64xf32, #tpu.memory_space<vmem_shared>>) target_semaphore(%run_scoped3A : memref<!tpu.dma_semaphore, #tpu.memory_space<semaphore_mem>>)
      %dma_wait3A_257 = arith.constant 0 : i32
      %dma_wait3A_258 = tpu.memref_slice %arg12[%add3A_140, %dma_wait3A_257] : memref<10240x64xf32, #tpu.memory_space<vmem_shared>> -> memref<128x64xf32, #tpu.memory_space<vmem_shared>>
      %dma_wait3A_259 = arith.constant 0 : i32
      %dma_wait3A_260 = tpu.memref_slice %arg12[%add3A_140, %dma_wait3A_259] : memref<10240x64xf32, #tpu.memory_space<vmem_shared>> -> memref<128x64xf32, #tpu.memory_space<vmem_shared>>
      tpu.wait_dma2 semaphore(%run_scoped3A : memref<!tpu.dma_semaphore, #tpu.memory_space<semaphore_mem>>) src(%arg10 : memref<128x64xf32, #tpu.memory_space<vmem>>) dst(%dma_wait3A_260 : memref<128x64xf32, #tpu.memory_space<vmem_shared>>)
      tpu.yield
    }) : () -> ()
    %mul3A_141 = arith.constant 640 : i32
    %mul3A_142 = arith.muli %arg1, %mul3A_141 : i32
    %add3A_143 = arith.constant 384 : i32
    %add3A_144 = arith.addi %mul3A_142, %add3A_143 : i32
    "tpu.region"() ({
      %run_scoped3A = tpu.sem_alloc : memref<!tpu.dma_semaphore, #tpu.memory_space<semaphore_mem>>
      %dma_start3A_253 = arith.constant 0 : i32
      %dma_start3A_254 = tpu.memref_slice %arg12[%add3A_144, %dma_start3A_253] : memref<10240x64xf32, #tpu.memory_space<vmem_shared>> -> memref<128x64xf32, #tpu.memory_space<vmem_shared>>
      %dma_start3A_255 = arith.constant 0 : i32
      %dma_start3A_256 = tpu.memref_slice %arg12[%add3A_144, %dma_start3A_255] : memref<10240x64xf32, #tpu.memory_space<vmem_shared>> -> memref<128x64xf32, #tpu.memory_space<vmem_shared>>
      tpu.enqueue_dma source(%arg10 : memref<128x64xf32, #tpu.memory_space<vmem>>) target(%dma_start3A_256 : memref<128x64xf32, #tpu.memory_space<vmem_shared>>) target_semaphore(%run_scoped3A : memref<!tpu.dma_semaphore, #tpu.memory_space<semaphore_mem>>)
      %dma_wait3A_257 = arith.constant 0 : i32
      %dma_wait3A_258 = tpu.memref_slice %arg12[%add3A_144, %dma_wait3A_257] : memref<10240x64xf32, #tpu.memory_space<vmem_shared>> -> memref<128x64xf32, #tpu.memory_space<vmem_shared>>
      %dma_wait3A_259 = arith.constant 0 : i32
      %dma_wait3A_260 = tpu.memref_slice %arg12[%add3A_144, %dma_wait3A_259] : memref<10240x64xf32, #tpu.memory_space<vmem_shared>> -> memref<128x64xf32, #tpu.memory_space<vmem_shared>>
      tpu.wait_dma2 semaphore(%run_scoped3A : memref<!tpu.dma_semaphore, #tpu.memory_space<semaphore_mem>>) src(%arg10 : memref<128x64xf32, #tpu.memory_space<vmem>>) dst(%dma_wait3A_260 : memref<128x64xf32, #tpu.memory_space<vmem_shared>>)
      tpu.yield
    }) : () -> ()
    %mul3A_145 = arith.constant 640 : i32
    %mul3A_146 = arith.muli %arg1, %mul3A_145 : i32
    %add3A_147 = arith.constant 512 : i32
    %add3A_148 = arith.addi %mul3A_146, %add3A_147 : i32
    "tpu.region"() ({
      %run_scoped3A = tpu.sem_alloc : memref<!tpu.dma_semaphore, #tpu.memory_space<semaphore_mem>>
      %dma_start3A_253 = arith.constant 0 : i32
      %dma_start3A_254 = tpu.memref_slice %arg12[%add3A_148, %dma_start3A_253] : memref<10240x64xf32, #tpu.memory_space<vmem_shared>> -> memref<128x64xf32, #tpu.memory_space<vmem_shared>>
      %dma_start3A_255 = arith.constant 0 : i32
      %dma_start3A_256 = tpu.memref_slice %arg12[%add3A_148, %dma_start3A_255] : memref<10240x64xf32, #tpu.memory_space<vmem_shared>> -> memref<128x64xf32, #tpu.memory_space<vmem_shared>>
      tpu.enqueue_dma source(%arg10 : memref<128x64xf32, #tpu.memory_space<vmem>>) target(%dma_start3A_256 : memref<128x64xf32, #tpu.memory_space<vmem_shared>>) target_semaphore(%run_scoped3A : memref<!tpu.dma_semaphore, #tpu.memory_space<semaphore_mem>>)
      %dma_wait3A_257 = arith.constant 0 : i32
      %dma_wait3A_258 = tpu.memref_slice %arg12[%add3A_148, %dma_wait3A_257] : memref<10240x64xf32, #tpu.memory_space<vmem_shared>> -> memref<128x64xf32, #tpu.memory_space<vmem_shared>>
      %dma_wait3A_259 = arith.constant 0 : i32
      %dma_wait3A_260 = tpu.memref_slice %arg12[%add3A_148, %dma_wait3A_259] : memref<10240x64xf32, #tpu.memory_space<vmem_shared>> -> memref<128x64xf32, #tpu.memory_space<vmem_shared>>
      tpu.wait_dma2 semaphore(%run_scoped3A : memref<!tpu.dma_semaphore, #tpu.memory_space<semaphore_mem>>) src(%arg10 : memref<128x64xf32, #tpu.memory_space<vmem>>) dst(%dma_wait3A_260 : memref<128x64xf32, #tpu.memory_space<vmem_shared>>)
      tpu.yield
    }) : () -> ()
    %barrier3A_149 = arith.constant 0 : index
    tpu.barrier barrier_id(%barrier3A_149)
    %dma_start3A_150 = arith.constant 0 : i32
    %dma_start3A_151 = arith.constant 0 : i32
    %dma_start3A_152 = arith.constant 0 : i32
    %dma_start3A_153 = arith.constant 0 : i32
    %dma_start3A_154 = arith.constant 0 : i32
    %dma_start3A_155 = tpu.memref_slice %arg11[%dma_start3A_151, %dma_start3A_153, %dma_start3A_154] : memref<5x128x64xf32, #tpu.memory_space<vmem>> -> memref<1x128x64xf32, #tpu.memory_space<vmem>>
    %dma_start3A_156 = tpu.memref_squeeze %dma_start3A_155 : memref<1x128x64xf32, #tpu.memory_space<vmem>> -> memref<128x64xf32, #tpu.memory_space<vmem>>
    %dma_start3A_157 = arith.constant 0 : i32
    %dma_start3A_158 = tpu.memref_slice %arg8[%dma_start3A_150, %dma_start3A_157] : memref<80x128xi32, #tpu.memory_space<vmem>> -> memref<1x128xi32, #tpu.memory_space<vmem>>
    %dma_start3A_159 = tpu.memref_squeeze %dma_start3A_158 : memref<1x128xi32, #tpu.memory_space<vmem>> -> memref<128xi32, #tpu.memory_space<vmem>>
    %dma_start3A_160 = arith.constant 0 : i32
    %dma_start3A_161 = arith.constant 0 : i32
    %dma_start3A_162 = tpu.memref_slice %arg3[%dma_start3A_160, %dma_start3A_161] : memref<10240x64xf32, #tpu.memory_space<hbm>> -> memref<10240x64xf32, #tpu.memory_space<hbm>>
    %dma_start3A_163 = tpu.memref_slice %arg13[%dma_start3A_152] : memref<5x!tpu.dma_semaphore, #tpu.memory_space<semaphore_mem>> -> memref<1x!tpu.dma_semaphore, #tpu.memory_space<semaphore_mem>>
    %dma_start3A_164 = tpu.memref_squeeze %dma_start3A_163 : memref<1x!tpu.dma_semaphore, #tpu.memory_space<semaphore_mem>> -> memref<!tpu.dma_semaphore, #tpu.memory_space<semaphore_mem>>
    tpu.enqueue_indirect_dma source(%dma_start3A_162 : memref<10240x64xf32, #tpu.memory_space<hbm>>) target(%dma_start3A_156 : memref<128x64xf32, #tpu.memory_space<vmem>>) offsets(%dma_start3A_159 : memref<128xi32, #tpu.memory_space<vmem>>) semaphore(%dma_start3A_164 : memref<!tpu.dma_semaphore, #tpu.memory_space<semaphore_mem>>)
    %dma_start3A_165 = arith.constant 1 : i32
    %dma_start3A_166 = arith.constant 1 : i32
    %dma_start3A_167 = arith.constant 1 : i32
    %dma_start3A_168 = arith.constant 0 : i32
    %dma_start3A_169 = arith.constant 0 : i32
    %dma_start3A_170 = tpu.memref_slice %arg11[%dma_start3A_166, %dma_start3A_168, %dma_start3A_169] : memref<5x128x64xf32, #tpu.memory_space<vmem>> -> memref<1x128x64xf32, #tpu.memory_space<vmem>>
    %dma_start3A_171 = tpu.memref_squeeze %dma_start3A_170 : memref<1x128x64xf32, #tpu.memory_space<vmem>> -> memref<128x64xf32, #tpu.memory_space<vmem>>
    %dma_start3A_172 = arith.constant 0 : i32
    %dma_start3A_173 = tpu.memref_slice %arg8[%dma_start3A_165, %dma_start3A_172] : memref<80x128xi32, #tpu.memory_space<vmem>> -> memref<1x128xi32, #tpu.memory_space<vmem>>
    %dma_start3A_174 = tpu.memref_squeeze %dma_start3A_173 : memref<1x128xi32, #tpu.memory_space<vmem>> -> memref<128xi32, #tpu.memory_space<vmem>>
    %dma_start3A_175 = arith.constant 0 : i32
    %dma_start3A_176 = arith.constant 0 : i32
    %dma_start3A_177 = tpu.memref_slice %arg3[%dma_start3A_175, %dma_start3A_176] : memref<10240x64xf32, #tpu.memory_space<hbm>> -> memref<10240x64xf32, #tpu.memory_space<hbm>>
    %dma_start3A_178 = tpu.memref_slice %arg13[%dma_start3A_167] : memref<5x!tpu.dma_semaphore, #tpu.memory_space<semaphore_mem>> -> memref<1x!tpu.dma_semaphore, #tpu.memory_space<semaphore_mem>>
    %dma_start3A_179 = tpu.memref_squeeze %dma_start3A_178 : memref<1x!tpu.dma_semaphore, #tpu.memory_space<semaphore_mem>> -> memref<!tpu.dma_semaphore, #tpu.memory_space<semaphore_mem>>
    tpu.enqueue_indirect_dma source(%dma_start3A_177 : memref<10240x64xf32, #tpu.memory_space<hbm>>) target(%dma_start3A_171 : memref<128x64xf32, #tpu.memory_space<vmem>>) offsets(%dma_start3A_174 : memref<128xi32, #tpu.memory_space<vmem>>) semaphore(%dma_start3A_179 : memref<!tpu.dma_semaphore, #tpu.memory_space<semaphore_mem>>)
    %dma_start3A_180 = arith.constant 2 : i32
    %dma_start3A_181 = arith.constant 2 : i32
    %dma_start3A_182 = arith.constant 2 : i32
    %dma_start3A_183 = arith.constant 0 : i32
    %dma_start3A_184 = arith.constant 0 : i32
    %dma_start3A_185 = tpu.memref_slice %arg11[%dma_start3A_181, %dma_start3A_183, %dma_start3A_184] : memref<5x128x64xf32, #tpu.memory_space<vmem>> -> memref<1x128x64xf32, #tpu.memory_space<vmem>>
    %dma_start3A_186 = tpu.memref_squeeze %dma_start3A_185 : memref<1x128x64xf32, #tpu.memory_space<vmem>> -> memref<128x64xf32, #tpu.memory_space<vmem>>
    %dma_start3A_187 = arith.constant 0 : i32
    %dma_start3A_188 = tpu.memref_slice %arg8[%dma_start3A_180, %dma_start3A_187] : memref<80x128xi32, #tpu.memory_space<vmem>> -> memref<1x128xi32, #tpu.memory_space<vmem>>
    %dma_start3A_189 = tpu.memref_squeeze %dma_start3A_188 : memref<1x128xi32, #tpu.memory_space<vmem>> -> memref<128xi32, #tpu.memory_space<vmem>>
    %dma_start3A_190 = arith.constant 0 : i32
    %dma_start3A_191 = arith.constant 0 : i32
    %dma_start3A_192 = tpu.memref_slice %arg3[%dma_start3A_190, %dma_start3A_191] : memref<10240x64xf32, #tpu.memory_space<hbm>> -> memref<10240x64xf32, #tpu.memory_space<hbm>>
    %dma_start3A_193 = tpu.memref_slice %arg13[%dma_start3A_182] : memref<5x!tpu.dma_semaphore, #tpu.memory_space<semaphore_mem>> -> memref<1x!tpu.dma_semaphore, #tpu.memory_space<semaphore_mem>>
    %dma_start3A_194 = tpu.memref_squeeze %dma_start3A_193 : memref<1x!tpu.dma_semaphore, #tpu.memory_space<semaphore_mem>> -> memref<!tpu.dma_semaphore, #tpu.memory_space<semaphore_mem>>
    tpu.enqueue_indirect_dma source(%dma_start3A_192 : memref<10240x64xf32, #tpu.memory_space<hbm>>) target(%dma_start3A_186 : memref<128x64xf32, #tpu.memory_space<vmem>>) offsets(%dma_start3A_189 : memref<128xi32, #tpu.memory_space<vmem>>) semaphore(%dma_start3A_194 : memref<!tpu.dma_semaphore, #tpu.memory_space<semaphore_mem>>)
    %scan3A_195 = arith.constant 0 : i32
    %scan3A_196 = arith.constant 0 : i32
    %scan3A_197 = arith.constant 16 : i32
    %scan3A_198 = arith.addi %scan3A_196, %scan3A_197 : i32
    %scan3A_199 = arith.constant 1 : i32
    %scan3A_200 = scf.for %scan3A_253 = %scan3A_196 to %scan3A_198 step %scan3A_199 iter_args(%scan3A_254 = %scan3A_195) -> (i32)  : i32 {
      %mul3A_255 = arith.constant 5 : i32
      %mul3A_256 = arith.muli %scan3A_253, %mul3A_255 : i32
      %add3A_257 = arith.constant 0 : i32
      %add3A_258 = arith.addi %mul3A_256, %add3A_257 : i32
      %dma_wait3A_259 = arith.constant 0 : i32
      %dma_wait3A_260 = arith.constant 0 : i32
      %dma_wait3A_261 = arith.constant 0 : i32
      %dma_wait3A_262 = arith.constant 0 : i32
      %dma_wait3A_263 = tpu.memref_slice %arg11[%dma_wait3A_259, %dma_wait3A_261, %dma_wait3A_262] : memref<5x128x64xf32, #tpu.memory_space<vmem>> -> memref<1x128x64xf32, #tpu.memory_space<vmem>>
      %dma_wait3A_264 = tpu.memref_squeeze %dma_wait3A_263 : memref<1x128x64xf32, #tpu.memory_space<vmem>> -> memref<128x64xf32, #tpu.memory_space<vmem>>
      %dma_wait3A_265 = arith.constant 0 : i32
      %dma_wait3A_266 = tpu.memref_slice %arg8[%add3A_258, %dma_wait3A_265] : memref<80x128xi32, #tpu.memory_space<vmem>> -> memref<1x128xi32, #tpu.memory_space<vmem>>
      %dma_wait3A_267 = tpu.memref_squeeze %dma_wait3A_266 : memref<1x128xi32, #tpu.memory_space<vmem>> -> memref<128xi32, #tpu.memory_space<vmem>>
      %dma_wait3A_268 = arith.constant 0 : i32
      %dma_wait3A_269 = arith.constant 0 : i32
      %dma_wait3A_270 = tpu.memref_slice %arg3[%dma_wait3A_268, %dma_wait3A_269] : memref<10240x64xf32, #tpu.memory_space<hbm>> -> memref<10240x64xf32, #tpu.memory_space<hbm>>
      %dma_wait3A_271 = tpu.memref_slice %arg13[%dma_wait3A_260] : memref<5x!tpu.dma_semaphore, #tpu.memory_space<semaphore_mem>> -> memref<1x!tpu.dma_semaphore, #tpu.memory_space<semaphore_mem>>
      %dma_wait3A_272 = tpu.memref_squeeze %dma_wait3A_271 : memref<1x!tpu.dma_semaphore, #tpu.memory_space<semaphore_mem>> -> memref<!tpu.dma_semaphore, #tpu.memory_space<semaphore_mem>>
      tpu.wait_indirect_dma semaphore(%dma_wait3A_272 : memref<!tpu.dma_semaphore, #tpu.memory_space<semaphore_mem>>) src(%dma_wait3A_270 : memref<10240x64xf32, #tpu.memory_space<hbm>>) dst(%dma_wait3A_264 : memref<128x64xf32, #tpu.memory_space<vmem>>)
      %dma_start3A_273 = arith.constant 0 : i32
      %dma_start3A_274 = arith.constant 0 : i32
      %dma_start3A_275 = arith.constant 0 : i32
      %dma_start3A_276 = arith.constant 0 : i32
      %dma_start3A_277 = tpu.memref_slice %arg11[%dma_start3A_273, %dma_start3A_275, %dma_start3A_276] : memref<5x128x64xf32, #tpu.memory_space<vmem>> -> memref<1x128x64xf32, #tpu.memory_space<vmem>>
      %dma_start3A_278 = tpu.memref_squeeze %dma_start3A_277 : memref<1x128x64xf32, #tpu.memory_space<vmem>> -> memref<128x64xf32, #tpu.memory_space<vmem>>
      %dma_start3A_279 = arith.constant 0 : i32
      %dma_start3A_280 = tpu.memref_slice %arg9[%add3A_258, %dma_start3A_279] : memref<80x128xi32, #tpu.memory_space<vmem>> -> memref<1x128xi32, #tpu.memory_space<vmem>>
      %dma_start3A_281 = tpu.memref_squeeze %dma_start3A_280 : memref<1x128xi32, #tpu.memory_space<vmem>> -> memref<128xi32, #tpu.memory_space<vmem>>
      %dma_start3A_282 = arith.constant 0 : i32
      %dma_start3A_283 = arith.constant 0 : i32
      %dma_start3A_284 = tpu.memref_slice %arg12[%dma_start3A_282, %dma_start3A_283] : memref<10240x64xf32, #tpu.memory_space<vmem_shared>> -> memref<10240x64xf32, #tpu.memory_space<vmem_shared>>
      %dma_start3A_285 = tpu.memref_slice %arg14[%dma_start3A_274] : memref<5x!tpu.dma_semaphore, #tpu.memory_space<semaphore_mem>> -> memref<1x!tpu.dma_semaphore, #tpu.memory_space<semaphore_mem>>
      %dma_start3A_286 = tpu.memref_squeeze %dma_start3A_285 : memref<1x!tpu.dma_semaphore, #tpu.memory_space<semaphore_mem>> -> memref<!tpu.dma_semaphore, #tpu.memory_space<semaphore_mem>>
      tpu.enqueue_indirect_dma source(%dma_start3A_278 : memref<128x64xf32, #tpu.memory_space<vmem>>) target(%dma_start3A_284 : memref<10240x64xf32, #tpu.memory_space<vmem_shared>>) offsets(%dma_start3A_281 : memref<128xi32, #tpu.memory_space<vmem>>) semaphore(%dma_start3A_286 : memref<!tpu.dma_semaphore, #tpu.memory_space<semaphore_mem>>) {add = true}
      %gt3A = arith.constant 0 : i32
      %gt3A_287 = arith.cmpi sgt, %scan3A_253, %gt3A : i32
      %convert_element_type3A = arith.extui %gt3A_287 : i1 to i32
      %cond3A = arith.constant 0 : i32
      %cond3A_288 = arith.cmpi ne, %convert_element_type3A, %cond3A : i32
      scf.if %cond3A_288 {
        %add3A_499 = arith.constant 3 : i32
        %add3A_500 = arith.addi %add3A_258, %add3A_499 : i32
        %sub3A_501 = arith.constant 5 : i32
        %sub3A_502 = arith.subi %add3A_500, %sub3A_501 : i32
        %dma_wait3A_503 = arith.constant 3 : i32
        %dma_wait3A_504 = arith.constant 3 : i32
        %dma_wait3A_505 = arith.constant 0 : i32
        %dma_wait3A_506 = arith.constant 0 : i32
        %dma_wait3A_507 = tpu.memref_slice %arg11[%dma_wait3A_503, %dma_wait3A_505, %dma_wait3A_506] : memref<5x128x64xf32, #tpu.memory_space<vmem>> -> memref<1x128x64xf32, #tpu.memory_space<vmem>>
        %dma_wait3A_508 = tpu.memref_squeeze %dma_wait3A_507 : memref<1x128x64xf32, #tpu.memory_space<vmem>> -> memref<128x64xf32, #tpu.memory_space<vmem>>
        %dma_wait3A_509 = arith.constant 0 : i32
        %dma_wait3A_510 = tpu.memref_slice %arg9[%sub3A_502, %dma_wait3A_509] : memref<80x128xi32, #tpu.memory_space<vmem>> -> memref<1x128xi32, #tpu.memory_space<vmem>>
        %dma_wait3A_511 = tpu.memref_squeeze %dma_wait3A_510 : memref<1x128xi32, #tpu.memory_space<vmem>> -> memref<128xi32, #tpu.memory_space<vmem>>
        %dma_wait3A_512 = arith.constant 0 : i32
        %dma_wait3A_513 = arith.constant 0 : i32
        %dma_wait3A_514 = tpu.memref_slice %arg12[%dma_wait3A_512, %dma_wait3A_513] : memref<10240x64xf32, #tpu.memory_space<vmem_shared>> -> memref<10240x64xf32, #tpu.memory_space<vmem_shared>>
        %dma_wait3A_515 = tpu.memref_slice %arg14[%dma_wait3A_504] : memref<5x!tpu.dma_semaphore, #tpu.memory_space<semaphore_mem>> -> memref<1x!tpu.dma_semaphore, #tpu.memory_space<semaphore_mem>>
        %dma_wait3A_516 = tpu.memref_squeeze %dma_wait3A_515 : memref<1x!tpu.dma_semaphore, #tpu.memory_space<semaphore_mem>> -> memref<!tpu.dma_semaphore, #tpu.memory_space<semaphore_mem>>
        tpu.wait_indirect_dma semaphore(%dma_wait3A_516 : memref<!tpu.dma_semaphore, #tpu.memory_space<semaphore_mem>>) src(%dma_wait3A_508 : memref<128x64xf32, #tpu.memory_space<vmem>>) dst(%dma_wait3A_514 : memref<10240x64xf32, #tpu.memory_space<vmem_shared>>)
        %add3A_517 = arith.constant 3 : i32
        %add3A_518 = arith.addi %add3A_258, %add3A_517 : i32
        %dma_start3A_519 = arith.constant 3 : i32
        %dma_start3A_520 = arith.constant 3 : i32
        %dma_start3A_521 = arith.constant 0 : i32
        %dma_start3A_522 = arith.constant 0 : i32
        %dma_start3A_523 = tpu.memref_slice %arg11[%dma_start3A_519, %dma_start3A_521, %dma_start3A_522] : memref<5x128x64xf32, #tpu.memory_space<vmem>> -> memref<1x128x64xf32, #tpu.memory_space<vmem>>
        %dma_start3A_524 = tpu.memref_squeeze %dma_start3A_523 : memref<1x128x64xf32, #tpu.memory_space<vmem>> -> memref<128x64xf32, #tpu.memory_space<vmem>>
        %dma_start3A_525 = arith.constant 0 : i32
        %dma_start3A_526 = tpu.memref_slice %arg8[%add3A_518, %dma_start3A_525] : memref<80x128xi32, #tpu.memory_space<vmem>> -> memref<1x128xi32, #tpu.memory_space<vmem>>
        %dma_start3A_527 = tpu.memref_squeeze %dma_start3A_526 : memref<1x128xi32, #tpu.memory_space<vmem>> -> memref<128xi32, #tpu.memory_space<vmem>>
        %dma_start3A_528 = arith.constant 0 : i32
        %dma_start3A_529 = arith.constant 0 : i32
        %dma_start3A_530 = tpu.memref_slice %arg3[%dma_start3A_528, %dma_start3A_529] : memref<10240x64xf32, #tpu.memory_space<hbm>> -> memref<10240x64xf32, #tpu.memory_space<hbm>>
        %dma_start3A_531 = tpu.memref_slice %arg13[%dma_start3A_520] : memref<5x!tpu.dma_semaphore, #tpu.memory_space<semaphore_mem>> -> memref<1x!tpu.dma_semaphore, #tpu.memory_space<semaphore_mem>>
        %dma_start3A_532 = tpu.memref_squeeze %dma_start3A_531 : memref<1x!tpu.dma_semaphore, #tpu.memory_space<semaphore_mem>> -> memref<!tpu.dma_semaphore, #tpu.memory_space<semaphore_mem>>
        tpu.enqueue_indirect_dma source(%dma_start3A_530 : memref<10240x64xf32, #tpu.memory_space<hbm>>) target(%dma_start3A_524 : memref<128x64xf32, #tpu.memory_space<vmem>>) offsets(%dma_start3A_527 : memref<128xi32, #tpu.memory_space<vmem>>) semaphore(%dma_start3A_532 : memref<!tpu.dma_semaphore, #tpu.memory_space<semaphore_mem>>)
      } else {
      }
      %eq3A = arith.constant 0 : i32
      %eq3A_289 = arith.cmpi eq, %scan3A_253, %eq3A : i32
      %convert_element_type3A_290 = arith.extui %eq3A_289 : i1 to i32
      %cond3A_291 = arith.constant 0 : i32
      %cond3A_292 = arith.cmpi ne, %convert_element_type3A_290, %cond3A_291 : i32
      scf.if %cond3A_292 {
        %add3A_499 = arith.constant 3 : i32
        %add3A_500 = arith.addi %add3A_258, %add3A_499 : i32
        %dma_start3A_501 = arith.constant 3 : i32
        %dma_start3A_502 = arith.constant 3 : i32
        %dma_start3A_503 = arith.constant 0 : i32
        %dma_start3A_504 = arith.constant 0 : i32
        %dma_start3A_505 = tpu.memref_slice %arg11[%dma_start3A_501, %dma_start3A_503, %dma_start3A_504] : memref<5x128x64xf32, #tpu.memory_space<vmem>> -> memref<1x128x64xf32, #tpu.memory_space<vmem>>
        %dma_start3A_506 = tpu.memref_squeeze %dma_start3A_505 : memref<1x128x64xf32, #tpu.memory_space<vmem>> -> memref<128x64xf32, #tpu.memory_space<vmem>>
        %dma_start3A_507 = arith.constant 0 : i32
        %dma_start3A_508 = tpu.memref_slice %arg8[%add3A_500, %dma_start3A_507] : memref<80x128xi32, #tpu.memory_space<vmem>> -> memref<1x128xi32, #tpu.memory_space<vmem>>
        %dma_start3A_509 = tpu.memref_squeeze %dma_start3A_508 : memref<1x128xi32, #tpu.memory_space<vmem>> -> memref<128xi32, #tpu.memory_space<vmem>>
        %dma_start3A_510 = arith.constant 0 : i32
        %dma_start3A_511 = arith.constant 0 : i32
        %dma_start3A_512 = tpu.memref_slice %arg3[%dma_start3A_510, %dma_start3A_511] : memref<10240x64xf32, #tpu.memory_space<hbm>> -> memref<10240x64xf32, #tpu.memory_space<hbm>>
        %dma_start3A_513 = tpu.memref_slice %arg13[%dma_start3A_502] : memref<5x!tpu.dma_semaphore, #tpu.memory_space<semaphore_mem>> -> memref<1x!tpu.dma_semaphore, #tpu.memory_space<semaphore_mem>>
        %dma_start3A_514 = tpu.memref_squeeze %dma_start3A_513 : memref<1x!tpu.dma_semaphore, #tpu.memory_space<semaphore_mem>> -> memref<!tpu.dma_semaphore, #tpu.memory_space<semaphore_mem>>
        tpu.enqueue_indirect_dma source(%dma_start3A_512 : memref<10240x64xf32, #tpu.memory_space<hbm>>) target(%dma_start3A_506 : memref<128x64xf32, #tpu.memory_space<vmem>>) offsets(%dma_start3A_509 : memref<128xi32, #tpu.memory_space<vmem>>) semaphore(%dma_start3A_514 : memref<!tpu.dma_semaphore, #tpu.memory_space<semaphore_mem>>)
      } else {
      }
      %mul3A_293 = arith.constant 5 : i32
      %mul3A_294 = arith.muli %scan3A_253, %mul3A_293 : i32
      %add3A_295 = arith.constant 1 : i32
      %add3A_296 = arith.addi %mul3A_294, %add3A_295 : i32
      %dma_wait3A_297 = arith.constant 1 : i32
      %dma_wait3A_298 = arith.constant 1 : i32
      %dma_wait3A_299 = arith.constant 0 : i32
      %dma_wait3A_300 = arith.constant 0 : i32
      %dma_wait3A_301 = tpu.memref_slice %arg11[%dma_wait3A_297, %dma_wait3A_299, %dma_wait3A_300] : memref<5x128x64xf32, #tpu.memory_space<vmem>> -> memref<1x128x64xf32, #tpu.memory_space<vmem>>
      %dma_wait3A_302 = tpu.memref_squeeze %dma_wait3A_301 : memref<1x128x64xf32, #tpu.memory_space<vmem>> -> memref<128x64xf32, #tpu.memory_space<vmem>>
      %dma_wait3A_303 = arith.constant 0 : i32
      %dma_wait3A_304 = tpu.memref_slice %arg8[%add3A_296, %dma_wait3A_303] : memref<80x128xi32, #tpu.memory_space<vmem>> -> memref<1x128xi32, #tpu.memory_space<vmem>>
      %dma_wait3A_305 = tpu.memref_squeeze %dma_wait3A_304 : memref<1x128xi32, #tpu.memory_space<vmem>> -> memref<128xi32, #tpu.memory_space<vmem>>
      %dma_wait3A_306 = arith.constant 0 : i32
      %dma_wait3A_307 = arith.constant 0 : i32
      %dma_wait3A_308 = tpu.memref_slice %arg3[%dma_wait3A_306, %dma_wait3A_307] : memref<10240x64xf32, #tpu.memory_space<hbm>> -> memref<10240x64xf32, #tpu.memory_space<hbm>>
      %dma_wait3A_309 = tpu.memref_slice %arg13[%dma_wait3A_298] : memref<5x!tpu.dma_semaphore, #tpu.memory_space<semaphore_mem>> -> memref<1x!tpu.dma_semaphore, #tpu.memory_space<semaphore_mem>>
      %dma_wait3A_310 = tpu.memref_squeeze %dma_wait3A_309 : memref<1x!tpu.dma_semaphore, #tpu.memory_space<semaphore_mem>> -> memref<!tpu.dma_semaphore, #tpu.memory_space<semaphore_mem>>
      tpu.wait_indirect_dma semaphore(%dma_wait3A_310 : memref<!tpu.dma_semaphore, #tpu.memory_space<semaphore_mem>>) src(%dma_wait3A_308 : memref<10240x64xf32, #tpu.memory_space<hbm>>) dst(%dma_wait3A_302 : memref<128x64xf32, #tpu.memory_space<vmem>>)
      %dma_start3A_311 = arith.constant 1 : i32
      %dma_start3A_312 = arith.constant 1 : i32
      %dma_start3A_313 = arith.constant 0 : i32
      %dma_start3A_314 = arith.constant 0 : i32
      %dma_start3A_315 = tpu.memref_slice %arg11[%dma_start3A_311, %dma_start3A_313, %dma_start3A_314] : memref<5x128x64xf32, #tpu.memory_space<vmem>> -> memref<1x128x64xf32, #tpu.memory_space<vmem>>
      %dma_start3A_316 = tpu.memref_squeeze %dma_start3A_315 : memref<1x128x64xf32, #tpu.memory_space<vmem>> -> memref<128x64xf32, #tpu.memory_space<vmem>>
      %dma_start3A_317 = arith.constant 0 : i32
      %dma_start3A_318 = tpu.memref_slice %arg9[%add3A_296, %dma_start3A_317] : memref<80x128xi32, #tpu.memory_space<vmem>> -> memref<1x128xi32, #tpu.memory_space<vmem>>
      %dma_start3A_319 = tpu.memref_squeeze %dma_start3A_318 : memref<1x128xi32, #tpu.memory_space<vmem>> -> memref<128xi32, #tpu.memory_space<vmem>>
      %dma_start3A_320 = arith.constant 0 : i32
      %dma_start3A_321 = arith.constant 0 : i32
      %dma_start3A_322 = tpu.memref_slice %arg12[%dma_start3A_320, %dma_start3A_321] : memref<10240x64xf32, #tpu.memory_space<vmem_shared>> -> memref<10240x64xf32, #tpu.memory_space<vmem_shared>>
      %dma_start3A_323 = tpu.memref_slice %arg14[%dma_start3A_312] : memref<5x!tpu.dma_semaphore, #tpu.memory_space<semaphore_mem>> -> memref<1x!tpu.dma_semaphore, #tpu.memory_space<semaphore_mem>>
      %dma_start3A_324 = tpu.memref_squeeze %dma_start3A_323 : memref<1x!tpu.dma_semaphore, #tpu.memory_space<semaphore_mem>> -> memref<!tpu.dma_semaphore, #tpu.memory_space<semaphore_mem>>
      tpu.enqueue_indirect_dma source(%dma_start3A_316 : memref<128x64xf32, #tpu.memory_space<vmem>>) target(%dma_start3A_322 : memref<10240x64xf32, #tpu.memory_space<vmem_shared>>) offsets(%dma_start3A_319 : memref<128xi32, #tpu.memory_space<vmem>>) semaphore(%dma_start3A_324 : memref<!tpu.dma_semaphore, #tpu.memory_space<semaphore_mem>>) {add = true}
      %gt3A_325 = arith.constant 0 : i32
      %gt3A_326 = arith.cmpi sgt, %scan3A_253, %gt3A_325 : i32
      %convert_element_type3A_327 = arith.extui %gt3A_326 : i1 to i32
      %cond3A_328 = arith.constant 0 : i32
      %cond3A_329 = arith.cmpi ne, %convert_element_type3A_327, %cond3A_328 : i32
      scf.if %cond3A_329 {
        %add3A_499 = arith.constant 3 : i32
        %add3A_500 = arith.addi %add3A_296, %add3A_499 : i32
        %sub3A_501 = arith.constant 5 : i32
        %sub3A_502 = arith.subi %add3A_500, %sub3A_501 : i32
        %dma_wait3A_503 = arith.constant 4 : i32
        %dma_wait3A_504 = arith.constant 4 : i32
        %dma_wait3A_505 = arith.constant 0 : i32
        %dma_wait3A_506 = arith.constant 0 : i32
        %dma_wait3A_507 = tpu.memref_slice %arg11[%dma_wait3A_503, %dma_wait3A_505, %dma_wait3A_506] : memref<5x128x64xf32, #tpu.memory_space<vmem>> -> memref<1x128x64xf32, #tpu.memory_space<vmem>>
        %dma_wait3A_508 = tpu.memref_squeeze %dma_wait3A_507 : memref<1x128x64xf32, #tpu.memory_space<vmem>> -> memref<128x64xf32, #tpu.memory_space<vmem>>
        %dma_wait3A_509 = arith.constant 0 : i32
        %dma_wait3A_510 = tpu.memref_slice %arg9[%sub3A_502, %dma_wait3A_509] : memref<80x128xi32, #tpu.memory_space<vmem>> -> memref<1x128xi32, #tpu.memory_space<vmem>>
        %dma_wait3A_511 = tpu.memref_squeeze %dma_wait3A_510 : memref<1x128xi32, #tpu.memory_space<vmem>> -> memref<128xi32, #tpu.memory_space<vmem>>
        %dma_wait3A_512 = arith.constant 0 : i32
        %dma_wait3A_513 = arith.constant 0 : i32
        %dma_wait3A_514 = tpu.memref_slice %arg12[%dma_wait3A_512, %dma_wait3A_513] : memref<10240x64xf32, #tpu.memory_space<vmem_shared>> -> memref<10240x64xf32, #tpu.memory_space<vmem_shared>>
        %dma_wait3A_515 = tpu.memref_slice %arg14[%dma_wait3A_504] : memref<5x!tpu.dma_semaphore, #tpu.memory_space<semaphore_mem>> -> memref<1x!tpu.dma_semaphore, #tpu.memory_space<semaphore_mem>>
        %dma_wait3A_516 = tpu.memref_squeeze %dma_wait3A_515 : memref<1x!tpu.dma_semaphore, #tpu.memory_space<semaphore_mem>> -> memref<!tpu.dma_semaphore, #tpu.memory_space<semaphore_mem>>
        tpu.wait_indirect_dma semaphore(%dma_wait3A_516 : memref<!tpu.dma_semaphore, #tpu.memory_space<semaphore_mem>>) src(%dma_wait3A_508 : memref<128x64xf32, #tpu.memory_space<vmem>>) dst(%dma_wait3A_514 : memref<10240x64xf32, #tpu.memory_space<vmem_shared>>)
        %add3A_517 = arith.constant 3 : i32
        %add3A_518 = arith.addi %add3A_296, %add3A_517 : i32
        %dma_start3A_519 = arith.constant 4 : i32
        %dma_start3A_520 = arith.constant 4 : i32
        %dma_start3A_521 = arith.constant 0 : i32
        %dma_start3A_522 = arith.constant 0 : i32
        %dma_start3A_523 = tpu.memref_slice %arg11[%dma_start3A_519, %dma_start3A_521, %dma_start3A_522] : memref<5x128x64xf32, #tpu.memory_space<vmem>> -> memref<1x128x64xf32, #tpu.memory_space<vmem>>
        %dma_start3A_524 = tpu.memref_squeeze %dma_start3A_523 : memref<1x128x64xf32, #tpu.memory_space<vmem>> -> memref<128x64xf32, #tpu.memory_space<vmem>>
        %dma_start3A_525 = arith.constant 0 : i32
        %dma_start3A_526 = tpu.memref_slice %arg8[%add3A_518, %dma_start3A_525] : memref<80x128xi32, #tpu.memory_space<vmem>> -> memref<1x128xi32, #tpu.memory_space<vmem>>
        %dma_start3A_527 = tpu.memref_squeeze %dma_start3A_526 : memref<1x128xi32, #tpu.memory_space<vmem>> -> memref<128xi32, #tpu.memory_space<vmem>>
        %dma_start3A_528 = arith.constant 0 : i32
        %dma_start3A_529 = arith.constant 0 : i32
        %dma_start3A_530 = tpu.memref_slice %arg3[%dma_start3A_528, %dma_start3A_529] : memref<10240x64xf32, #tpu.memory_space<hbm>> -> memref<10240x64xf32, #tpu.memory_space<hbm>>
        %dma_start3A_531 = tpu.memref_slice %arg13[%dma_start3A_520] : memref<5x!tpu.dma_semaphore, #tpu.memory_space<semaphore_mem>> -> memref<1x!tpu.dma_semaphore, #tpu.memory_space<semaphore_mem>>
        %dma_start3A_532 = tpu.memref_squeeze %dma_start3A_531 : memref<1x!tpu.dma_semaphore, #tpu.memory_space<semaphore_mem>> -> memref<!tpu.dma_semaphore, #tpu.memory_space<semaphore_mem>>
        tpu.enqueue_indirect_dma source(%dma_start3A_530 : memref<10240x64xf32, #tpu.memory_space<hbm>>) target(%dma_start3A_524 : memref<128x64xf32, #tpu.memory_space<vmem>>) offsets(%dma_start3A_527 : memref<128xi32, #tpu.memory_space<vmem>>) semaphore(%dma_start3A_532 : memref<!tpu.dma_semaphore, #tpu.memory_space<semaphore_mem>>)
      } else {
      }
      %eq3A_330 = arith.constant 0 : i32
      %eq3A_331 = arith.cmpi eq, %scan3A_253, %eq3A_330 : i32
      %convert_element_type3A_332 = arith.extui %eq3A_331 : i1 to i32
      %cond3A_333 = arith.constant 0 : i32
      %cond3A_334 = arith.cmpi ne, %convert_element_type3A_332, %cond3A_333 : i32
      scf.if %cond3A_334 {
        %add3A_499 = arith.constant 3 : i32
        %add3A_500 = arith.addi %add3A_296, %add3A_499 : i32
        %dma_start3A_501 = arith.constant 4 : i32
        %dma_start3A_502 = arith.constant 4 : i32
        %dma_start3A_503 = arith.constant 0 : i32
        %dma_start3A_504 = arith.constant 0 : i32
        %dma_start3A_505 = tpu.memref_slice %arg11[%dma_start3A_501, %dma_start3A_503, %dma_start3A_504] : memref<5x128x64xf32, #tpu.memory_space<vmem>> -> memref<1x128x64xf32, #tpu.memory_space<vmem>>
        %dma_start3A_506 = tpu.memref_squeeze %dma_start3A_505 : memref<1x128x64xf32, #tpu.memory_space<vmem>> -> memref<128x64xf32, #tpu.memory_space<vmem>>
        %dma_start3A_507 = arith.constant 0 : i32
        %dma_start3A_508 = tpu.memref_slice %arg8[%add3A_500, %dma_start3A_507] : memref<80x128xi32, #tpu.memory_space<vmem>> -> memref<1x128xi32, #tpu.memory_space<vmem>>
        %dma_start3A_509 = tpu.memref_squeeze %dma_start3A_508 : memref<1x128xi32, #tpu.memory_space<vmem>> -> memref<128xi32, #tpu.memory_space<vmem>>
        %dma_start3A_510 = arith.constant 0 : i32
        %dma_start3A_511 = arith.constant 0 : i32
        %dma_start3A_512 = tpu.memref_slice %arg3[%dma_start3A_510, %dma_start3A_511] : memref<10240x64xf32, #tpu.memory_space<hbm>> -> memref<10240x64xf32, #tpu.memory_space<hbm>>
        %dma_start3A_513 = tpu.memref_slice %arg13[%dma_start3A_502] : memref<5x!tpu.dma_semaphore, #tpu.memory_space<semaphore_mem>> -> memref<1x!tpu.dma_semaphore, #tpu.memory_space<semaphore_mem>>
        %dma_start3A_514 = tpu.memref_squeeze %dma_start3A_513 : memref<1x!tpu.dma_semaphore, #tpu.memory_space<semaphore_mem>> -> memref<!tpu.dma_semaphore, #tpu.memory_space<semaphore_mem>>
        tpu.enqueue_indirect_dma source(%dma_start3A_512 : memref<10240x64xf32, #tpu.memory_space<hbm>>) target(%dma_start3A_506 : memref<128x64xf32, #tpu.memory_space<vmem>>) offsets(%dma_start3A_509 : memref<128xi32, #tpu.memory_space<vmem>>) semaphore(%dma_start3A_514 : memref<!tpu.dma_semaphore, #tpu.memory_space<semaphore_mem>>)
      } else {
      }
      %mul3A_335 = arith.constant 5 : i32
      %mul3A_336 = arith.muli %scan3A_253, %mul3A_335 : i32
      %add3A_337 = arith.constant 2 : i32
      %add3A_338 = arith.addi %mul3A_336, %add3A_337 : i32
      %dma_wait3A_339 = arith.constant 2 : i32
      %dma_wait3A_340 = arith.constant 2 : i32
      %dma_wait3A_341 = arith.constant 0 : i32
      %dma_wait3A_342 = arith.constant 0 : i32
      %dma_wait3A_343 = tpu.memref_slice %arg11[%dma_wait3A_339, %dma_wait3A_341, %dma_wait3A_342] : memref<5x128x64xf32, #tpu.memory_space<vmem>> -> memref<1x128x64xf32, #tpu.memory_space<vmem>>
      %dma_wait3A_344 = tpu.memref_squeeze %dma_wait3A_343 : memref<1x128x64xf32, #tpu.memory_space<vmem>> -> memref<128x64xf32, #tpu.memory_space<vmem>>
      %dma_wait3A_345 = arith.constant 0 : i32
      %dma_wait3A_346 = tpu.memref_slice %arg8[%add3A_338, %dma_wait3A_345] : memref<80x128xi32, #tpu.memory_space<vmem>> -> memref<1x128xi32, #tpu.memory_space<vmem>>
      %dma_wait3A_347 = tpu.memref_squeeze %dma_wait3A_346 : memref<1x128xi32, #tpu.memory_space<vmem>> -> memref<128xi32, #tpu.memory_space<vmem>>
      %dma_wait3A_348 = arith.constant 0 : i32
      %dma_wait3A_349 = arith.constant 0 : i32
      %dma_wait3A_350 = tpu.memref_slice %arg3[%dma_wait3A_348, %dma_wait3A_349] : memref<10240x64xf32, #tpu.memory_space<hbm>> -> memref<10240x64xf32, #tpu.memory_space<hbm>>
      %dma_wait3A_351 = tpu.memref_slice %arg13[%dma_wait3A_340] : memref<5x!tpu.dma_semaphore, #tpu.memory_space<semaphore_mem>> -> memref<1x!tpu.dma_semaphore, #tpu.memory_space<semaphore_mem>>
      %dma_wait3A_352 = tpu.memref_squeeze %dma_wait3A_351 : memref<1x!tpu.dma_semaphore, #tpu.memory_space<semaphore_mem>> -> memref<!tpu.dma_semaphore, #tpu.memory_space<semaphore_mem>>
      tpu.wait_indirect_dma semaphore(%dma_wait3A_352 : memref<!tpu.dma_semaphore, #tpu.memory_space<semaphore_mem>>) src(%dma_wait3A_350 : memref<10240x64xf32, #tpu.memory_space<hbm>>) dst(%dma_wait3A_344 : memref<128x64xf32, #tpu.memory_space<vmem>>)
      %dma_start3A_353 = arith.constant 2 : i32
      %dma_start3A_354 = arith.constant 2 : i32
      %dma_start3A_355 = arith.constant 0 : i32
      %dma_start3A_356 = arith.constant 0 : i32
      %dma_start3A_357 = tpu.memref_slice %arg11[%dma_start3A_353, %dma_start3A_355, %dma_start3A_356] : memref<5x128x64xf32, #tpu.memory_space<vmem>> -> memref<1x128x64xf32, #tpu.memory_space<vmem>>
      %dma_start3A_358 = tpu.memref_squeeze %dma_start3A_357 : memref<1x128x64xf32, #tpu.memory_space<vmem>> -> memref<128x64xf32, #tpu.memory_space<vmem>>
      %dma_start3A_359 = arith.constant 0 : i32
      %dma_start3A_360 = tpu.memref_slice %arg9[%add3A_338, %dma_start3A_359] : memref<80x128xi32, #tpu.memory_space<vmem>> -> memref<1x128xi32, #tpu.memory_space<vmem>>
      %dma_start3A_361 = tpu.memref_squeeze %dma_start3A_360 : memref<1x128xi32, #tpu.memory_space<vmem>> -> memref<128xi32, #tpu.memory_space<vmem>>
      %dma_start3A_362 = arith.constant 0 : i32
      %dma_start3A_363 = arith.constant 0 : i32
      %dma_start3A_364 = tpu.memref_slice %arg12[%dma_start3A_362, %dma_start3A_363] : memref<10240x64xf32, #tpu.memory_space<vmem_shared>> -> memref<10240x64xf32, #tpu.memory_space<vmem_shared>>
      %dma_start3A_365 = tpu.memref_slice %arg14[%dma_start3A_354] : memref<5x!tpu.dma_semaphore, #tpu.memory_space<semaphore_mem>> -> memref<1x!tpu.dma_semaphore, #tpu.memory_space<semaphore_mem>>
      %dma_start3A_366 = tpu.memref_squeeze %dma_start3A_365 : memref<1x!tpu.dma_semaphore, #tpu.memory_space<semaphore_mem>> -> memref<!tpu.dma_semaphore, #tpu.memory_space<semaphore_mem>>
      tpu.enqueue_indirect_dma source(%dma_start3A_358 : memref<128x64xf32, #tpu.memory_space<vmem>>) target(%dma_start3A_364 : memref<10240x64xf32, #tpu.memory_space<vmem_shared>>) offsets(%dma_start3A_361 : memref<128xi32, #tpu.memory_space<vmem>>) semaphore(%dma_start3A_366 : memref<!tpu.dma_semaphore, #tpu.memory_space<semaphore_mem>>) {add = true}
      %add3A_367 = arith.constant 3 : i32
      %add3A_368 = arith.addi %add3A_338, %add3A_367 : i32
      %sub3A = arith.constant 5 : i32
      %sub3A_369 = arith.subi %add3A_368, %sub3A : i32
      %dma_wait3A_370 = arith.constant 0 : i32
      %dma_wait3A_371 = arith.constant 0 : i32
      %dma_wait3A_372 = arith.constant 0 : i32
      %dma_wait3A_373 = arith.constant 0 : i32
      %dma_wait3A_374 = tpu.memref_slice %arg11[%dma_wait3A_370, %dma_wait3A_372, %dma_wait3A_373] : memref<5x128x64xf32, #tpu.memory_space<vmem>> -> memref<1x128x64xf32, #tpu.memory_space<vmem>>
      %dma_wait3A_375 = tpu.memref_squeeze %dma_wait3A_374 : memref<1x128x64xf32, #tpu.memory_space<vmem>> -> memref<128x64xf32, #tpu.memory_space<vmem>>
      %dma_wait3A_376 = arith.constant 0 : i32
      %dma_wait3A_377 = tpu.memref_slice %arg9[%sub3A_369, %dma_wait3A_376] : memref<80x128xi32, #tpu.memory_space<vmem>> -> memref<1x128xi32, #tpu.memory_space<vmem>>
      %dma_wait3A_378 = tpu.memref_squeeze %dma_wait3A_377 : memref<1x128xi32, #tpu.memory_space<vmem>> -> memref<128xi32, #tpu.memory_space<vmem>>
      %dma_wait3A_379 = arith.constant 0 : i32
      %dma_wait3A_380 = arith.constant 0 : i32
      %dma_wait3A_381 = tpu.memref_slice %arg12[%dma_wait3A_379, %dma_wait3A_380] : memref<10240x64xf32, #tpu.memory_space<vmem_shared>> -> memref<10240x64xf32, #tpu.memory_space<vmem_shared>>
      %dma_wait3A_382 = tpu.memref_slice %arg14[%dma_wait3A_371] : memref<5x!tpu.dma_semaphore, #tpu.memory_space<semaphore_mem>> -> memref<1x!tpu.dma_semaphore, #tpu.memory_space<semaphore_mem>>
      %dma_wait3A_383 = tpu.memref_squeeze %dma_wait3A_382 : memref<1x!tpu.dma_semaphore, #tpu.memory_space<semaphore_mem>> -> memref<!tpu.dma_semaphore, #tpu.memory_space<semaphore_mem>>
      tpu.wait_indirect_dma semaphore(%dma_wait3A_383 : memref<!tpu.dma_semaphore, #tpu.memory_space<semaphore_mem>>) src(%dma_wait3A_375 : memref<128x64xf32, #tpu.memory_space<vmem>>) dst(%dma_wait3A_381 : memref<10240x64xf32, #tpu.memory_space<vmem_shared>>)
      %lt3A = arith.constant 15 : i32
      %lt3A_384 = arith.cmpi slt, %scan3A_253, %lt3A : i32
      %convert_element_type3A_385 = arith.extui %lt3A_384 : i1 to i32
      %cond3A_386 = arith.constant 0 : i32
      %cond3A_387 = arith.cmpi ne, %convert_element_type3A_385, %cond3A_386 : i32
      scf.if %cond3A_387 {
        %add3A_499 = arith.constant 3 : i32
        %add3A_500 = arith.addi %add3A_338, %add3A_499 : i32
        %dma_start3A_501 = arith.constant 0 : i32
        %dma_start3A_502 = arith.constant 0 : i32
        %dma_start3A_503 = arith.constant 0 : i32
        %dma_start3A_504 = arith.constant 0 : i32
        %dma_start3A_505 = tpu.memref_slice %arg11[%dma_start3A_501, %dma_start3A_503, %dma_start3A_504] : memref<5x128x64xf32, #tpu.memory_space<vmem>> -> memref<1x128x64xf32, #tpu.memory_space<vmem>>
        %dma_start3A_506 = tpu.memref_squeeze %dma_start3A_505 : memref<1x128x64xf32, #tpu.memory_space<vmem>> -> memref<128x64xf32, #tpu.memory_space<vmem>>
        %dma_start3A_507 = arith.constant 0 : i32
        %dma_start3A_508 = tpu.memref_slice %arg8[%add3A_500, %dma_start3A_507] : memref<80x128xi32, #tpu.memory_space<vmem>> -> memref<1x128xi32, #tpu.memory_space<vmem>>
        %dma_start3A_509 = tpu.memref_squeeze %dma_start3A_508 : memref<1x128xi32, #tpu.memory_space<vmem>> -> memref<128xi32, #tpu.memory_space<vmem>>
        %dma_start3A_510 = arith.constant 0 : i32
        %dma_start3A_511 = arith.constant 0 : i32
        %dma_start3A_512 = tpu.memref_slice %arg3[%dma_start3A_510, %dma_start3A_511] : memref<10240x64xf32, #tpu.memory_space<hbm>> -> memref<10240x64xf32, #tpu.memory_space<hbm>>
        %dma_start3A_513 = tpu.memref_slice %arg13[%dma_start3A_502] : memref<5x!tpu.dma_semaphore, #tpu.memory_space<semaphore_mem>> -> memref<1x!tpu.dma_semaphore, #tpu.memory_space<semaphore_mem>>
        %dma_start3A_514 = tpu.memref_squeeze %dma_start3A_513 : memref<1x!tpu.dma_semaphore, #tpu.memory_space<semaphore_mem>> -> memref<!tpu.dma_semaphore, #tpu.memory_space<semaphore_mem>>
        tpu.enqueue_indirect_dma source(%dma_start3A_512 : memref<10240x64xf32, #tpu.memory_space<hbm>>) target(%dma_start3A_506 : memref<128x64xf32, #tpu.memory_space<vmem>>) offsets(%dma_start3A_509 : memref<128xi32, #tpu.memory_space<vmem>>) semaphore(%dma_start3A_514 : memref<!tpu.dma_semaphore, #tpu.memory_space<semaphore_mem>>)
      } else {
      }
      %mul3A_388 = arith.constant 5 : i32
      %mul3A_389 = arith.muli %scan3A_253, %mul3A_388 : i32
      %add3A_390 = arith.constant 3 : i32
      %add3A_391 = arith.addi %mul3A_389, %add3A_390 : i32
      %dma_wait3A_392 = arith.constant 3 : i32
      %dma_wait3A_393 = arith.constant 3 : i32
      %dma_wait3A_394 = arith.constant 0 : i32
      %dma_wait3A_395 = arith.constant 0 : i32
      %dma_wait3A_396 = tpu.memref_slice %arg11[%dma_wait3A_392, %dma_wait3A_394, %dma_wait3A_395] : memref<5x128x64xf32, #tpu.memory_space<vmem>> -> memref<1x128x64xf32, #tpu.memory_space<vmem>>
      %dma_wait3A_397 = tpu.memref_squeeze %dma_wait3A_396 : memref<1x128x64xf32, #tpu.memory_space<vmem>> -> memref<128x64xf32, #tpu.memory_space<vmem>>
      %dma_wait3A_398 = arith.constant 0 : i32
      %dma_wait3A_399 = tpu.memref_slice %arg8[%add3A_391, %dma_wait3A_398] : memref<80x128xi32, #tpu.memory_space<vmem>> -> memref<1x128xi32, #tpu.memory_space<vmem>>
      %dma_wait3A_400 = tpu.memref_squeeze %dma_wait3A_399 : memref<1x128xi32, #tpu.memory_space<vmem>> -> memref<128xi32, #tpu.memory_space<vmem>>
      %dma_wait3A_401 = arith.constant 0 : i32
      %dma_wait3A_402 = arith.constant 0 : i32
      %dma_wait3A_403 = tpu.memref_slice %arg3[%dma_wait3A_401, %dma_wait3A_402] : memref<10240x64xf32, #tpu.memory_space<hbm>> -> memref<10240x64xf32, #tpu.memory_space<hbm>>
      %dma_wait3A_404 = tpu.memref_slice %arg13[%dma_wait3A_393] : memref<5x!tpu.dma_semaphore, #tpu.memory_space<semaphore_mem>> -> memref<1x!tpu.dma_semaphore, #tpu.memory_space<semaphore_mem>>
      %dma_wait3A_405 = tpu.memref_squeeze %dma_wait3A_404 : memref<1x!tpu.dma_semaphore, #tpu.memory_space<semaphore_mem>> -> memref<!tpu.dma_semaphore, #tpu.memory_space<semaphore_mem>>
      tpu.wait_indirect_dma semaphore(%dma_wait3A_405 : memref<!tpu.dma_semaphore, #tpu.memory_space<semaphore_mem>>) src(%dma_wait3A_403 : memref<10240x64xf32, #tpu.memory_space<hbm>>) dst(%dma_wait3A_397 : memref<128x64xf32, #tpu.memory_space<vmem>>)
      %dma_start3A_406 = arith.constant 3 : i32
      %dma_start3A_407 = arith.constant 3 : i32
      %dma_start3A_408 = arith.constant 0 : i32
      %dma_start3A_409 = arith.constant 0 : i32
      %dma_start3A_410 = tpu.memref_slice %arg11[%dma_start3A_406, %dma_start3A_408, %dma_start3A_409] : memref<5x128x64xf32, #tpu.memory_space<vmem>> -> memref<1x128x64xf32, #tpu.memory_space<vmem>>
      %dma_start3A_411 = tpu.memref_squeeze %dma_start3A_410 : memref<1x128x64xf32, #tpu.memory_space<vmem>> -> memref<128x64xf32, #tpu.memory_space<vmem>>
      %dma_start3A_412 = arith.constant 0 : i32
      %dma_start3A_413 = tpu.memref_slice %arg9[%add3A_391, %dma_start3A_412] : memref<80x128xi32, #tpu.memory_space<vmem>> -> memref<1x128xi32, #tpu.memory_space<vmem>>
      %dma_start3A_414 = tpu.memref_squeeze %dma_start3A_413 : memref<1x128xi32, #tpu.memory_space<vmem>> -> memref<128xi32, #tpu.memory_space<vmem>>
      %dma_start3A_415 = arith.constant 0 : i32
      %dma_start3A_416 = arith.constant 0 : i32
      %dma_start3A_417 = tpu.memref_slice %arg12[%dma_start3A_415, %dma_start3A_416] : memref<10240x64xf32, #tpu.memory_space<vmem_shared>> -> memref<10240x64xf32, #tpu.memory_space<vmem_shared>>
      %dma_start3A_418 = tpu.memref_slice %arg14[%dma_start3A_407] : memref<5x!tpu.dma_semaphore, #tpu.memory_space<semaphore_mem>> -> memref<1x!tpu.dma_semaphore, #tpu.memory_space<semaphore_mem>>
      %dma_start3A_419 = tpu.memref_squeeze %dma_start3A_418 : memref<1x!tpu.dma_semaphore, #tpu.memory_space<semaphore_mem>> -> memref<!tpu.dma_semaphore, #tpu.memory_space<semaphore_mem>>
      tpu.enqueue_indirect_dma source(%dma_start3A_411 : memref<128x64xf32, #tpu.memory_space<vmem>>) target(%dma_start3A_417 : memref<10240x64xf32, #tpu.memory_space<vmem_shared>>) offsets(%dma_start3A_414 : memref<128xi32, #tpu.memory_space<vmem>>) semaphore(%dma_start3A_419 : memref<!tpu.dma_semaphore, #tpu.memory_space<semaphore_mem>>) {add = true}
      %add3A_420 = arith.constant 3 : i32
      %add3A_421 = arith.addi %add3A_391, %add3A_420 : i32
      %sub3A_422 = arith.constant 5 : i32
      %sub3A_423 = arith.subi %add3A_421, %sub3A_422 : i32
      %dma_wait3A_424 = arith.constant 1 : i32
      %dma_wait3A_425 = arith.constant 1 : i32
      %dma_wait3A_426 = arith.constant 0 : i32
      %dma_wait3A_427 = arith.constant 0 : i32
      %dma_wait3A_428 = tpu.memref_slice %arg11[%dma_wait3A_424, %dma_wait3A_426, %dma_wait3A_427] : memref<5x128x64xf32, #tpu.memory_space<vmem>> -> memref<1x128x64xf32, #tpu.memory_space<vmem>>
      %dma_wait3A_429 = tpu.memref_squeeze %dma_wait3A_428 : memref<1x128x64xf32, #tpu.memory_space<vmem>> -> memref<128x64xf32, #tpu.memory_space<vmem>>
      %dma_wait3A_430 = arith.constant 0 : i32
      %dma_wait3A_431 = tpu.memref_slice %arg9[%sub3A_423, %dma_wait3A_430] : memref<80x128xi32, #tpu.memory_space<vmem>> -> memref<1x128xi32, #tpu.memory_space<vmem>>
      %dma_wait3A_432 = tpu.memref_squeeze %dma_wait3A_431 : memref<1x128xi32, #tpu.memory_space<vmem>> -> memref<128xi32, #tpu.memory_space<vmem>>
      %dma_wait3A_433 = arith.constant 0 : i32
      %dma_wait3A_434 = arith.constant 0 : i32
      %dma_wait3A_435 = tpu.memref_slice %arg12[%dma_wait3A_433, %dma_wait3A_434] : memref<10240x64xf32, #tpu.memory_space<vmem_shared>> -> memref<10240x64xf32, #tpu.memory_space<vmem_shared>>
      %dma_wait3A_436 = tpu.memref_slice %arg14[%dma_wait3A_425] : memref<5x!tpu.dma_semaphore, #tpu.memory_space<semaphore_mem>> -> memref<1x!tpu.dma_semaphore, #tpu.memory_space<semaphore_mem>>
      %dma_wait3A_437 = tpu.memref_squeeze %dma_wait3A_436 : memref<1x!tpu.dma_semaphore, #tpu.memory_space<semaphore_mem>> -> memref<!tpu.dma_semaphore, #tpu.memory_space<semaphore_mem>>
      tpu.wait_indirect_dma semaphore(%dma_wait3A_437 : memref<!tpu.dma_semaphore, #tpu.memory_space<semaphore_mem>>) src(%dma_wait3A_429 : memref<128x64xf32, #tpu.memory_space<vmem>>) dst(%dma_wait3A_435 : memref<10240x64xf32, #tpu.memory_space<vmem_shared>>)
      %lt3A_438 = arith.constant 15 : i32
      %lt3A_439 = arith.cmpi slt, %scan3A_253, %lt3A_438 : i32
      %convert_element_type3A_440 = arith.extui %lt3A_439 : i1 to i32
      %cond3A_441 = arith.constant 0 : i32
      %cond3A_442 = arith.cmpi ne, %convert_element_type3A_440, %cond3A_441 : i32
      scf.if %cond3A_442 {
        %add3A_499 = arith.constant 3 : i32
        %add3A_500 = arith.addi %add3A_391, %add3A_499 : i32
        %dma_start3A_501 = arith.constant 1 : i32
        %dma_start3A_502 = arith.constant 1 : i32
        %dma_start3A_503 = arith.constant 0 : i32
        %dma_start3A_504 = arith.constant 0 : i32
        %dma_start3A_505 = tpu.memref_slice %arg11[%dma_start3A_501, %dma_start3A_503, %dma_start3A_504] : memref<5x128x64xf32, #tpu.memory_space<vmem>> -> memref<1x128x64xf32, #tpu.memory_space<vmem>>
        %dma_start3A_506 = tpu.memref_squeeze %dma_start3A_505 : memref<1x128x64xf32, #tpu.memory_space<vmem>> -> memref<128x64xf32, #tpu.memory_space<vmem>>
        %dma_start3A_507 = arith.constant 0 : i32
        %dma_start3A_508 = tpu.memref_slice %arg8[%add3A_500, %dma_start3A_507] : memref<80x128xi32, #tpu.memory_space<vmem>> -> memref<1x128xi32, #tpu.memory_space<vmem>>
        %dma_start3A_509 = tpu.memref_squeeze %dma_start3A_508 : memref<1x128xi32, #tpu.memory_space<vmem>> -> memref<128xi32, #tpu.memory_space<vmem>>
        %dma_start3A_510 = arith.constant 0 : i32
        %dma_start3A_511 = arith.constant 0 : i32
        %dma_start3A_512 = tpu.memref_slice %arg3[%dma_start3A_510, %dma_start3A_511] : memref<10240x64xf32, #tpu.memory_space<hbm>> -> memref<10240x64xf32, #tpu.memory_space<hbm>>
        %dma_start3A_513 = tpu.memref_slice %arg13[%dma_start3A_502] : memref<5x!tpu.dma_semaphore, #tpu.memory_space<semaphore_mem>> -> memref<1x!tpu.dma_semaphore, #tpu.memory_space<semaphore_mem>>
        %dma_start3A_514 = tpu.memref_squeeze %dma_start3A_513 : memref<1x!tpu.dma_semaphore, #tpu.memory_space<semaphore_mem>> -> memref<!tpu.dma_semaphore, #tpu.memory_space<semaphore_mem>>
        tpu.enqueue_indirect_dma source(%dma_start3A_512 : memref<10240x64xf32, #tpu.memory_space<hbm>>) target(%dma_start3A_506 : memref<128x64xf32, #tpu.memory_space<vmem>>) offsets(%dma_start3A_509 : memref<128xi32, #tpu.memory_space<vmem>>) semaphore(%dma_start3A_514 : memref<!tpu.dma_semaphore, #tpu.memory_space<semaphore_mem>>)
      } else {
      }
      %mul3A_443 = arith.constant 5 : i32
      %mul3A_444 = arith.muli %scan3A_253, %mul3A_443 : i32
      %add3A_445 = arith.constant 4 : i32
      %add3A_446 = arith.addi %mul3A_444, %add3A_445 : i32
      %dma_wait3A_447 = arith.constant 4 : i32
      %dma_wait3A_448 = arith.constant 4 : i32
      %dma_wait3A_449 = arith.constant 0 : i32
      %dma_wait3A_450 = arith.constant 0 : i32
      %dma_wait3A_451 = tpu.memref_slice %arg11[%dma_wait3A_447, %dma_wait3A_449, %dma_wait3A_450] : memref<5x128x64xf32, #tpu.memory_space<vmem>> -> memref<1x128x64xf32, #tpu.memory_space<vmem>>
      %dma_wait3A_452 = tpu.memref_squeeze %dma_wait3A_451 : memref<1x128x64xf32, #tpu.memory_space<vmem>> -> memref<128x64xf32, #tpu.memory_space<vmem>>
      %dma_wait3A_453 = arith.constant 0 : i32
      %dma_wait3A_454 = tpu.memref_slice %arg8[%add3A_446, %dma_wait3A_453] : memref<80x128xi32, #tpu.memory_space<vmem>> -> memref<1x128xi32, #tpu.memory_space<vmem>>
      %dma_wait3A_455 = tpu.memref_squeeze %dma_wait3A_454 : memref<1x128xi32, #tpu.memory_space<vmem>> -> memref<128xi32, #tpu.memory_space<vmem>>
      %dma_wait3A_456 = arith.constant 0 : i32
      %dma_wait3A_457 = arith.constant 0 : i32
      %dma_wait3A_458 = tpu.memref_slice %arg3[%dma_wait3A_456, %dma_wait3A_457] : memref<10240x64xf32, #tpu.memory_space<hbm>> -> memref<10240x64xf32, #tpu.memory_space<hbm>>
      %dma_wait3A_459 = tpu.memref_slice %arg13[%dma_wait3A_448] : memref<5x!tpu.dma_semaphore, #tpu.memory_space<semaphore_mem>> -> memref<1x!tpu.dma_semaphore, #tpu.memory_space<semaphore_mem>>
      %dma_wait3A_460 = tpu.memref_squeeze %dma_wait3A_459 : memref<1x!tpu.dma_semaphore, #tpu.memory_space<semaphore_mem>> -> memref<!tpu.dma_semaphore, #tpu.memory_space<semaphore_mem>>
      tpu.wait_indirect_dma semaphore(%dma_wait3A_460 : memref<!tpu.dma_semaphore, #tpu.memory_space<semaphore_mem>>) src(%dma_wait3A_458 : memref<10240x64xf32, #tpu.memory_space<hbm>>) dst(%dma_wait3A_452 : memref<128x64xf32, #tpu.memory_space<vmem>>)
      %dma_start3A_461 = arith.constant 4 : i32
      %dma_start3A_462 = arith.constant 4 : i32
      %dma_start3A_463 = arith.constant 0 : i32
      %dma_start3A_464 = arith.constant 0 : i32
      %dma_start3A_465 = tpu.memref_slice %arg11[%dma_start3A_461, %dma_start3A_463, %dma_start3A_464] : memref<5x128x64xf32, #tpu.memory_space<vmem>> -> memref<1x128x64xf32, #tpu.memory_space<vmem>>
      %dma_start3A_466 = tpu.memref_squeeze %dma_start3A_465 : memref<1x128x64xf32, #tpu.memory_space<vmem>> -> memref<128x64xf32, #tpu.memory_space<vmem>>
      %dma_start3A_467 = arith.constant 0 : i32
      %dma_start3A_468 = tpu.memref_slice %arg9[%add3A_446, %dma_start3A_467] : memref<80x128xi32, #tpu.memory_space<vmem>> -> memref<1x128xi32, #tpu.memory_space<vmem>>
      %dma_start3A_469 = tpu.memref_squeeze %dma_start3A_468 : memref<1x128xi32, #tpu.memory_space<vmem>> -> memref<128xi32, #tpu.memory_space<vmem>>
      %dma_start3A_470 = arith.constant 0 : i32
      %dma_start3A_471 = arith.constant 0 : i32
      %dma_start3A_472 = tpu.memref_slice %arg12[%dma_start3A_470, %dma_start3A_471] : memref<10240x64xf32, #tpu.memory_space<vmem_shared>> -> memref<10240x64xf32, #tpu.memory_space<vmem_shared>>
      %dma_start3A_473 = tpu.memref_slice %arg14[%dma_start3A_462] : memref<5x!tpu.dma_semaphore, #tpu.memory_space<semaphore_mem>> -> memref<1x!tpu.dma_semaphore, #tpu.memory_space<semaphore_mem>>
      %dma_start3A_474 = tpu.memref_squeeze %dma_start3A_473 : memref<1x!tpu.dma_semaphore, #tpu.memory_space<semaphore_mem>> -> memref<!tpu.dma_semaphore, #tpu.memory_space<semaphore_mem>>
      tpu.enqueue_indirect_dma source(%dma_start3A_466 : memref<128x64xf32, #tpu.memory_space<vmem>>) target(%dma_start3A_472 : memref<10240x64xf32, #tpu.memory_space<vmem_shared>>) offsets(%dma_start3A_469 : memref<128xi32, #tpu.memory_space<vmem>>) semaphore(%dma_start3A_474 : memref<!tpu.dma_semaphore, #tpu.memory_space<semaphore_mem>>) {add = true}
      %add3A_475 = arith.constant 3 : i32
      %add3A_476 = arith.addi %add3A_446, %add3A_475 : i32
      %sub3A_477 = arith.constant 5 : i32
      %sub3A_478 = arith.subi %add3A_476, %sub3A_477 : i32
      %dma_wait3A_479 = arith.constant 2 : i32
      %dma_wait3A_480 = arith.constant 2 : i32
      %dma_wait3A_481 = arith.constant 0 : i32
      %dma_wait3A_482 = arith.constant 0 : i32
      %dma_wait3A_483 = tpu.memref_slice %arg11[%dma_wait3A_479, %dma_wait3A_481, %dma_wait3A_482] : memref<5x128x64xf32, #tpu.memory_space<vmem>> -> memref<1x128x64xf32, #tpu.memory_space<vmem>>
      %dma_wait3A_484 = tpu.memref_squeeze %dma_wait3A_483 : memref<1x128x64xf32, #tpu.memory_space<vmem>> -> memref<128x64xf32, #tpu.memory_space<vmem>>
      %dma_wait3A_485 = arith.constant 0 : i32
      %dma_wait3A_486 = tpu.memref_slice %arg9[%sub3A_478, %dma_wait3A_485] : memref<80x128xi32, #tpu.memory_space<vmem>> -> memref<1x128xi32, #tpu.memory_space<vmem>>
      %dma_wait3A_487 = tpu.memref_squeeze %dma_wait3A_486 : memref<1x128xi32, #tpu.memory_space<vmem>> -> memref<128xi32, #tpu.memory_space<vmem>>
      %dma_wait3A_488 = arith.constant 0 : i32
      %dma_wait3A_489 = arith.constant 0 : i32
      %dma_wait3A_490 = tpu.memref_slice %arg12[%dma_wait3A_488, %dma_wait3A_489] : memref<10240x64xf32, #tpu.memory_space<vmem_shared>> -> memref<10240x64xf32, #tpu.memory_space<vmem_shared>>
      %dma_wait3A_491 = tpu.memref_slice %arg14[%dma_wait3A_480] : memref<5x!tpu.dma_semaphore, #tpu.memory_space<semaphore_mem>> -> memref<1x!tpu.dma_semaphore, #tpu.memory_space<semaphore_mem>>
      %dma_wait3A_492 = tpu.memref_squeeze %dma_wait3A_491 : memref<1x!tpu.dma_semaphore, #tpu.memory_space<semaphore_mem>> -> memref<!tpu.dma_semaphore, #tpu.memory_space<semaphore_mem>>
      tpu.wait_indirect_dma semaphore(%dma_wait3A_492 : memref<!tpu.dma_semaphore, #tpu.memory_space<semaphore_mem>>) src(%dma_wait3A_484 : memref<128x64xf32, #tpu.memory_space<vmem>>) dst(%dma_wait3A_490 : memref<10240x64xf32, #tpu.memory_space<vmem_shared>>)
      %lt3A_493 = arith.constant 15 : i32
      %lt3A_494 = arith.cmpi slt, %scan3A_253, %lt3A_493 : i32
      %convert_element_type3A_495 = arith.extui %lt3A_494 : i1 to i32
      %cond3A_496 = arith.constant 0 : i32
      %cond3A_497 = arith.cmpi ne, %convert_element_type3A_495, %cond3A_496 : i32
      scf.if %cond3A_497 {
        %add3A_499 = arith.constant 3 : i32
        %add3A_500 = arith.addi %add3A_446, %add3A_499 : i32
        %dma_start3A_501 = arith.constant 2 : i32
        %dma_start3A_502 = arith.constant 2 : i32
        %dma_start3A_503 = arith.constant 0 : i32
        %dma_start3A_504 = arith.constant 0 : i32
        %dma_start3A_505 = tpu.memref_slice %arg11[%dma_start3A_501, %dma_start3A_503, %dma_start3A_504] : memref<5x128x64xf32, #tpu.memory_space<vmem>> -> memref<1x128x64xf32, #tpu.memory_space<vmem>>
        %dma_start3A_506 = tpu.memref_squeeze %dma_start3A_505 : memref<1x128x64xf32, #tpu.memory_space<vmem>> -> memref<128x64xf32, #tpu.memory_space<vmem>>
        %dma_start3A_507 = arith.constant 0 : i32
        %dma_start3A_508 = tpu.memref_slice %arg8[%add3A_500, %dma_start3A_507] : memref<80x128xi32, #tpu.memory_space<vmem>> -> memref<1x128xi32, #tpu.memory_space<vmem>>
        %dma_start3A_509 = tpu.memref_squeeze %dma_start3A_508 : memref<1x128xi32, #tpu.memory_space<vmem>> -> memref<128xi32, #tpu.memory_space<vmem>>
        %dma_start3A_510 = arith.constant 0 : i32
        %dma_start3A_511 = arith.constant 0 : i32
        %dma_start3A_512 = tpu.memref_slice %arg3[%dma_start3A_510, %dma_start3A_511] : memref<10240x64xf32, #tpu.memory_space<hbm>> -> memref<10240x64xf32, #tpu.memory_space<hbm>>
        %dma_start3A_513 = tpu.memref_slice %arg13[%dma_start3A_502] : memref<5x!tpu.dma_semaphore, #tpu.memory_space<semaphore_mem>> -> memref<1x!tpu.dma_semaphore, #tpu.memory_space<semaphore_mem>>
        %dma_start3A_514 = tpu.memref_squeeze %dma_start3A_513 : memref<1x!tpu.dma_semaphore, #tpu.memory_space<semaphore_mem>> -> memref<!tpu.dma_semaphore, #tpu.memory_space<semaphore_mem>>
        tpu.enqueue_indirect_dma source(%dma_start3A_512 : memref<10240x64xf32, #tpu.memory_space<hbm>>) target(%dma_start3A_506 : memref<128x64xf32, #tpu.memory_space<vmem>>) offsets(%dma_start3A_509 : memref<128xi32, #tpu.memory_space<vmem>>) semaphore(%dma_start3A_514 : memref<!tpu.dma_semaphore, #tpu.memory_space<semaphore_mem>>)
      } else {
      }
      %scan3A_498 = arith.constant 0 : i32
      scf.yield %scan3A_498 : i32
    }
    %scan3A_201 = arith.constant 16 : i32
    %dma_wait3A_202 = arith.constant 3 : i32
    %dma_wait3A_203 = arith.constant 78 : i32
    %dma_wait3A_204 = arith.constant 3 : i32
    %dma_wait3A_205 = arith.constant 0 : i32
    %dma_wait3A_206 = arith.constant 0 : i32
    %dma_wait3A_207 = tpu.memref_slice %arg11[%dma_wait3A_202, %dma_wait3A_205, %dma_wait3A_206] : memref<5x128x64xf32, #tpu.memory_space<vmem>> -> memref<1x128x64xf32, #tpu.memory_space<vmem>>
    %dma_wait3A_208 = tpu.memref_squeeze %dma_wait3A_207 : memref<1x128x64xf32, #tpu.memory_space<vmem>> -> memref<128x64xf32, #tpu.memory_space<vmem>>
    %dma_wait3A_209 = arith.constant 0 : i32
    %dma_wait3A_210 = tpu.memref_slice %arg9[%dma_wait3A_203, %dma_wait3A_209] : memref<80x128xi32, #tpu.memory_space<vmem>> -> memref<1x128xi32, #tpu.memory_space<vmem>>
    %dma_wait3A_211 = tpu.memref_squeeze %dma_wait3A_210 : memref<1x128xi32, #tpu.memory_space<vmem>> -> memref<128xi32, #tpu.memory_space<vmem>>
    %dma_wait3A_212 = arith.constant 0 : i32
    %dma_wait3A_213 = arith.constant 0 : i32
    %dma_wait3A_214 = tpu.memref_slice %arg12[%dma_wait3A_212, %dma_wait3A_213] : memref<10240x64xf32, #tpu.memory_space<vmem_shared>> -> memref<10240x64xf32, #tpu.memory_space<vmem_shared>>
    %dma_wait3A_215 = tpu.memref_slice %arg14[%dma_wait3A_204] : memref<5x!tpu.dma_semaphore, #tpu.memory_space<semaphore_mem>> -> memref<1x!tpu.dma_semaphore, #tpu.memory_space<semaphore_mem>>
    %dma_wait3A_216 = tpu.memref_squeeze %dma_wait3A_215 : memref<1x!tpu.dma_semaphore, #tpu.memory_space<semaphore_mem>> -> memref<!tpu.dma_semaphore, #tpu.memory_space<semaphore_mem>>
    tpu.wait_indirect_dma semaphore(%dma_wait3A_216 : memref<!tpu.dma_semaphore, #tpu.memory_space<semaphore_mem>>) src(%dma_wait3A_208 : memref<128x64xf32, #tpu.memory_space<vmem>>) dst(%dma_wait3A_214 : memref<10240x64xf32, #tpu.memory_space<vmem_shared>>)
    %dma_wait3A_217 = arith.constant 4 : i32
    %dma_wait3A_218 = arith.constant 79 : i32
    %dma_wait3A_219 = arith.constant 4 : i32
    %dma_wait3A_220 = arith.constant 0 : i32
    %dma_wait3A_221 = arith.constant 0 : i32
    %dma_wait3A_222 = tpu.memref_slice %arg11[%dma_wait3A_217, %dma_wait3A_220, %dma_wait3A_221] : memref<5x128x64xf32, #tpu.memory_space<vmem>> -> memref<1x128x64xf32, #tpu.memory_space<vmem>>
    %dma_wait3A_223 = tpu.memref_squeeze %dma_wait3A_222 : memref<1x128x64xf32, #tpu.memory_space<vmem>> -> memref<128x64xf32, #tpu.memory_space<vmem>>
    %dma_wait3A_224 = arith.constant 0 : i32
    %dma_wait3A_225 = tpu.memref_slice %arg9[%dma_wait3A_218, %dma_wait3A_224] : memref<80x128xi32, #tpu.memory_space<vmem>> -> memref<1x128xi32, #tpu.memory_space<vmem>>
    %dma_wait3A_226 = tpu.memref_squeeze %dma_wait3A_225 : memref<1x128xi32, #tpu.memory_space<vmem>> -> memref<128xi32, #tpu.memory_space<vmem>>
    %dma_wait3A_227 = arith.constant 0 : i32
    %dma_wait3A_228 = arith.constant 0 : i32
    %dma_wait3A_229 = tpu.memref_slice %arg12[%dma_wait3A_227, %dma_wait3A_228] : memref<10240x64xf32, #tpu.memory_space<vmem_shared>> -> memref<10240x64xf32, #tpu.memory_space<vmem_shared>>
    %dma_wait3A_230 = tpu.memref_slice %arg14[%dma_wait3A_219] : memref<5x!tpu.dma_semaphore, #tpu.memory_space<semaphore_mem>> -> memref<1x!tpu.dma_semaphore, #tpu.memory_space<semaphore_mem>>
    %dma_wait3A_231 = tpu.memref_squeeze %dma_wait3A_230 : memref<1x!tpu.dma_semaphore, #tpu.memory_space<semaphore_mem>> -> memref<!tpu.dma_semaphore, #tpu.memory_space<semaphore_mem>>
    tpu.wait_indirect_dma semaphore(%dma_wait3A_231 : memref<!tpu.dma_semaphore, #tpu.memory_space<semaphore_mem>>) src(%dma_wait3A_223 : memref<128x64xf32, #tpu.memory_space<vmem>>) dst(%dma_wait3A_229 : memref<10240x64xf32, #tpu.memory_space<vmem_shared>>)
    %barrier3A_232 = arith.constant 0 : index
    tpu.barrier barrier_id(%barrier3A_232)
    %mul3A_233 = arith.constant 640 : i32
    %mul3A_234 = arith.muli %arg1, %mul3A_233 : i32
    %add3A_235 = arith.constant 0 : i32
    %add3A_236 = arith.addi %mul3A_234, %add3A_235 : i32
    "tpu.region"() ({
      %run_scoped3A = tpu.sem_alloc : memref<!tpu.dma_semaphore, #tpu.memory_space<semaphore_mem>>
      %dma_start3A_253 = arith.constant 0 : i32
      %dma_start3A_254 = tpu.memref_slice %arg7[%arg0, %add3A_236, %dma_start3A_253] : memref<2x10240x64xf32, #tpu.memory_space<hbm>> -> memref<1x128x64xf32, #tpu.memory_space<hbm>>
      %dma_start3A_255 = tpu.memref_squeeze %dma_start3A_254 : memref<1x128x64xf32, #tpu.memory_space<hbm>> -> memref<128x64xf32, #tpu.memory_space<hbm>>
      %dma_start3A_256 = arith.constant 0 : i32
      %dma_start3A_257 = tpu.memref_slice %arg12[%add3A_236, %dma_start3A_256] : memref<10240x64xf32, #tpu.memory_space<vmem_shared>> -> memref<128x64xf32, #tpu.memory_space<vmem_shared>>
      tpu.enqueue_dma source(%dma_start3A_257 : memref<128x64xf32, #tpu.memory_space<vmem_shared>>) target(%dma_start3A_255 : memref<128x64xf32, #tpu.memory_space<hbm>>) target_semaphore(%run_scoped3A : memref<!tpu.dma_semaphore, #tpu.memory_space<semaphore_mem>>)
      %dma_wait3A_258 = arith.constant 0 : i32
      %dma_wait3A_259 = tpu.memref_slice %arg7[%arg0, %add3A_236, %dma_wait3A_258] : memref<2x10240x64xf32, #tpu.memory_space<hbm>> -> memref<1x128x64xf32, #tpu.memory_space<hbm>>
      %dma_wait3A_260 = tpu.memref_squeeze %dma_wait3A_259 : memref<1x128x64xf32, #tpu.memory_space<hbm>> -> memref<128x64xf32, #tpu.memory_space<hbm>>
      %dma_wait3A_261 = arith.constant 0 : i32
      %dma_wait3A_262 = tpu.memref_slice %arg12[%add3A_236, %dma_wait3A_261] : memref<10240x64xf32, #tpu.memory_space<vmem_shared>> -> memref<128x64xf32, #tpu.memory_space<vmem_shared>>
      tpu.wait_dma2 semaphore(%run_scoped3A : memref<!tpu.dma_semaphore, #tpu.memory_space<semaphore_mem>>) src(%dma_wait3A_262 : memref<128x64xf32, #tpu.memory_space<vmem_shared>>) dst(%dma_wait3A_260 : memref<128x64xf32, #tpu.memory_space<hbm>>)
      tpu.yield
    }) : () -> ()
    %mul3A_237 = arith.constant 640 : i32
    %mul3A_238 = arith.muli %arg1, %mul3A_237 : i32
    %add3A_239 = arith.constant 128 : i32
    %add3A_240 = arith.addi %mul3A_238, %add3A_239 : i32
    "tpu.region"() ({
      %run_scoped3A = tpu.sem_alloc : memref<!tpu.dma_semaphore, #tpu.memory_space<semaphore_mem>>
      %dma_start3A_253 = arith.constant 0 : i32
      %dma_start3A_254 = tpu.memref_slice %arg7[%arg0, %add3A_240, %dma_start3A_253] : memref<2x10240x64xf32, #tpu.memory_space<hbm>> -> memref<1x128x64xf32, #tpu.memory_space<hbm>>
      %dma_start3A_255 = tpu.memref_squeeze %dma_start3A_254 : memref<1x128x64xf32, #tpu.memory_space<hbm>> -> memref<128x64xf32, #tpu.memory_space<hbm>>
      %dma_start3A_256 = arith.constant 0 : i32
      %dma_start3A_257 = tpu.memref_slice %arg12[%add3A_240, %dma_start3A_256] : memref<10240x64xf32, #tpu.memory_space<vmem_shared>> -> memref<128x64xf32, #tpu.memory_space<vmem_shared>>
      tpu.enqueue_dma source(%dma_start3A_257 : memref<128x64xf32, #tpu.memory_space<vmem_shared>>) target(%dma_start3A_255 : memref<128x64xf32, #tpu.memory_space<hbm>>) target_semaphore(%run_scoped3A : memref<!tpu.dma_semaphore, #tpu.memory_space<semaphore_mem>>)
      %dma_wait3A_258 = arith.constant 0 : i32
      %dma_wait3A_259 = tpu.memref_slice %arg7[%arg0, %add3A_240, %dma_wait3A_258] : memref<2x10240x64xf32, #tpu.memory_space<hbm>> -> memref<1x128x64xf32, #tpu.memory_space<hbm>>
      %dma_wait3A_260 = tpu.memref_squeeze %dma_wait3A_259 : memref<1x128x64xf32, #tpu.memory_space<hbm>> -> memref<128x64xf32, #tpu.memory_space<hbm>>
      %dma_wait3A_261 = arith.constant 0 : i32
      %dma_wait3A_262 = tpu.memref_slice %arg12[%add3A_240, %dma_wait3A_261] : memref<10240x64xf32, #tpu.memory_space<vmem_shared>> -> memref<128x64xf32, #tpu.memory_space<vmem_shared>>
      tpu.wait_dma2 semaphore(%run_scoped3A : memref<!tpu.dma_semaphore, #tpu.memory_space<semaphore_mem>>) src(%dma_wait3A_262 : memref<128x64xf32, #tpu.memory_space<vmem_shared>>) dst(%dma_wait3A_260 : memref<128x64xf32, #tpu.memory_space<hbm>>)
      tpu.yield
    }) : () -> ()
    %mul3A_241 = arith.constant 640 : i32
    %mul3A_242 = arith.muli %arg1, %mul3A_241 : i32
    %add3A_243 = arith.constant 256 : i32
    %add3A_244 = arith.addi %mul3A_242, %add3A_243 : i32
    "tpu.region"() ({
      %run_scoped3A = tpu.sem_alloc : memref<!tpu.dma_semaphore, #tpu.memory_space<semaphore_mem>>
      %dma_start3A_253 = arith.constant 0 : i32
      %dma_start3A_254 = tpu.memref_slice %arg7[%arg0, %add3A_244, %dma_start3A_253] : memref<2x10240x64xf32, #tpu.memory_space<hbm>> -> memref<1x128x64xf32, #tpu.memory_space<hbm>>
      %dma_start3A_255 = tpu.memref_squeeze %dma_start3A_254 : memref<1x128x64xf32, #tpu.memory_space<hbm>> -> memref<128x64xf32, #tpu.memory_space<hbm>>
      %dma_start3A_256 = arith.constant 0 : i32
      %dma_start3A_257 = tpu.memref_slice %arg12[%add3A_244, %dma_start3A_256] : memref<10240x64xf32, #tpu.memory_space<vmem_shared>> -> memref<128x64xf32, #tpu.memory_space<vmem_shared>>
      tpu.enqueue_dma source(%dma_start3A_257 : memref<128x64xf32, #tpu.memory_space<vmem_shared>>) target(%dma_start3A_255 : memref<128x64xf32, #tpu.memory_space<hbm>>) target_semaphore(%run_scoped3A : memref<!tpu.dma_semaphore, #tpu.memory_space<semaphore_mem>>)
      %dma_wait3A_258 = arith.constant 0 : i32
      %dma_wait3A_259 = tpu.memref_slice %arg7[%arg0, %add3A_244, %dma_wait3A_258] : memref<2x10240x64xf32, #tpu.memory_space<hbm>> -> memref<1x128x64xf32, #tpu.memory_space<hbm>>
      %dma_wait3A_260 = tpu.memref_squeeze %dma_wait3A_259 : memref<1x128x64xf32, #tpu.memory_space<hbm>> -> memref<128x64xf32, #tpu.memory_space<hbm>>
      %dma_wait3A_261 = arith.constant 0 : i32
      %dma_wait3A_262 = tpu.memref_slice %arg12[%add3A_244, %dma_wait3A_261] : memref<10240x64xf32, #tpu.memory_space<vmem_shared>> -> memref<128x64xf32, #tpu.memory_space<vmem_shared>>
      tpu.wait_dma2 semaphore(%run_scoped3A : memref<!tpu.dma_semaphore, #tpu.memory_space<semaphore_mem>>) src(%dma_wait3A_262 : memref<128x64xf32, #tpu.memory_space<vmem_shared>>) dst(%dma_wait3A_260 : memref<128x64xf32, #tpu.memory_space<hbm>>)
      tpu.yield
    }) : () -> ()
    %mul3A_245 = arith.constant 640 : i32
    %mul3A_246 = arith.muli %arg1, %mul3A_245 : i32
    %add3A_247 = arith.constant 384 : i32
    %add3A_248 = arith.addi %mul3A_246, %add3A_247 : i32
    "tpu.region"() ({
      %run_scoped3A = tpu.sem_alloc : memref<!tpu.dma_semaphore, #tpu.memory_space<semaphore_mem>>
      %dma_start3A_253 = arith.constant 0 : i32
      %dma_start3A_254 = tpu.memref_slice %arg7[%arg0, %add3A_248, %dma_start3A_253] : memref<2x10240x64xf32, #tpu.memory_space<hbm>> -> memref<1x128x64xf32, #tpu.memory_space<hbm>>
      %dma_start3A_255 = tpu.memref_squeeze %dma_start3A_254 : memref<1x128x64xf32, #tpu.memory_space<hbm>> -> memref<128x64xf32, #tpu.memory_space<hbm>>
      %dma_start3A_256 = arith.constant 0 : i32
      %dma_start3A_257 = tpu.memref_slice %arg12[%add3A_248, %dma_start3A_256] : memref<10240x64xf32, #tpu.memory_space<vmem_shared>> -> memref<128x64xf32, #tpu.memory_space<vmem_shared>>
      tpu.enqueue_dma source(%dma_start3A_257 : memref<128x64xf32, #tpu.memory_space<vmem_shared>>) target(%dma_start3A_255 : memref<128x64xf32, #tpu.memory_space<hbm>>) target_semaphore(%run_scoped3A : memref<!tpu.dma_semaphore, #tpu.memory_space<semaphore_mem>>)
      %dma_wait3A_258 = arith.constant 0 : i32
      %dma_wait3A_259 = tpu.memref_slice %arg7[%arg0, %add3A_248, %dma_wait3A_258] : memref<2x10240x64xf32, #tpu.memory_space<hbm>> -> memref<1x128x64xf32, #tpu.memory_space<hbm>>
      %dma_wait3A_260 = tpu.memref_squeeze %dma_wait3A_259 : memref<1x128x64xf32, #tpu.memory_space<hbm>> -> memref<128x64xf32, #tpu.memory_space<hbm>>
      %dma_wait3A_261 = arith.constant 0 : i32
      %dma_wait3A_262 = tpu.memref_slice %arg12[%add3A_248, %dma_wait3A_261] : memref<10240x64xf32, #tpu.memory_space<vmem_shared>> -> memref<128x64xf32, #tpu.memory_space<vmem_shared>>
      tpu.wait_dma2 semaphore(%run_scoped3A : memref<!tpu.dma_semaphore, #tpu.memory_space<semaphore_mem>>) src(%dma_wait3A_262 : memref<128x64xf32, #tpu.memory_space<vmem_shared>>) dst(%dma_wait3A_260 : memref<128x64xf32, #tpu.memory_space<hbm>>)
      tpu.yield
    }) : () -> ()
    %mul3A_249 = arith.constant 640 : i32
    %mul3A_250 = arith.muli %arg1, %mul3A_249 : i32
    %add3A_251 = arith.constant 512 : i32
    %add3A_252 = arith.addi %mul3A_250, %add3A_251 : i32
    "tpu.region"() ({
      %run_scoped3A = tpu.sem_alloc : memref<!tpu.dma_semaphore, #tpu.memory_space<semaphore_mem>>
      %dma_start3A_253 = arith.constant 0 : i32
      %dma_start3A_254 = tpu.memref_slice %arg7[%arg0, %add3A_252, %dma_start3A_253] : memref<2x10240x64xf32, #tpu.memory_space<hbm>> -> memref<1x128x64xf32, #tpu.memory_space<hbm>>
      %dma_start3A_255 = tpu.memref_squeeze %dma_start3A_254 : memref<1x128x64xf32, #tpu.memory_space<hbm>> -> memref<128x64xf32, #tpu.memory_space<hbm>>
      %dma_start3A_256 = arith.constant 0 : i32
      %dma_start3A_257 = tpu.memref_slice %arg12[%add3A_252, %dma_start3A_256] : memref<10240x64xf32, #tpu.memory_space<vmem_shared>> -> memref<128x64xf32, #tpu.memory_space<vmem_shared>>
      tpu.enqueue_dma source(%dma_start3A_257 : memref<128x64xf32, #tpu.memory_space<vmem_shared>>) target(%dma_start3A_255 : memref<128x64xf32, #tpu.memory_space<hbm>>) target_semaphore(%run_scoped3A : memref<!tpu.dma_semaphore, #tpu.memory_space<semaphore_mem>>)
      %dma_wait3A_258 = arith.constant 0 : i32
      %dma_wait3A_259 = tpu.memref_slice %arg7[%arg0, %add3A_252, %dma_wait3A_258] : memref<2x10240x64xf32, #tpu.memory_space<hbm>> -> memref<1x128x64xf32, #tpu.memory_space<hbm>>
      %dma_wait3A_260 = tpu.memref_squeeze %dma_wait3A_259 : memref<1x128x64xf32, #tpu.memory_space<hbm>> -> memref<128x64xf32, #tpu.memory_space<hbm>>
      %dma_wait3A_261 = arith.constant 0 : i32
      %dma_wait3A_262 = tpu.memref_slice %arg12[%add3A_252, %dma_wait3A_261] : memref<10240x64xf32, #tpu.memory_space<vmem_shared>> -> memref<128x64xf32, #tpu.memory_space<vmem_shared>>
      tpu.wait_dma2 semaphore(%run_scoped3A : memref<!tpu.dma_semaphore, #tpu.memory_space<semaphore_mem>>) src(%dma_wait3A_262 : memref<128x64xf32, #tpu.memory_space<vmem_shared>>) dst(%dma_wait3A_260 : memref<128x64xf32, #tpu.memory_space<hbm>>)
      tpu.yield
    }) : () -> ()
    return
  }
}

#map = affine_map<(d0, d1) -> (0, 0)>
#map1 = affine_map<(d0, d1) -> (0, 0, 0)>
module attributes {stable_mosaic.version = 14 : i64} {
  func.func @_agg_body(%arg0: i32, %arg1: i32, %arg2: memref<10240x64xf32, #tpu.memory_space<hbm>>, %arg3: memref<10240x64xf32, #tpu.memory_space<hbm>>, %arg4: memref<32x80x128xi32, #tpu.memory_space<hbm>>, %arg5: memref<32x80x128xi32, #tpu.memory_space<hbm>>, %arg6: memref<2x10240x64xf32, #tpu.memory_space<hbm>>, %arg7: memref<2x10240x64xf32, #tpu.memory_space<hbm>>, %arg8: memref<80x128xi32, #tpu.memory_space<vmem>>, %arg9: memref<80x128xi32, #tpu.memory_space<vmem>>, %arg10: memref<128x64xf32, #tpu.memory_space<vmem>>, %arg11: memref<5x128x64xf32, #tpu.memory_space<vmem>>, %arg12: memref<10240x64xf32, #tpu.memory_space<vmem_shared>>, %arg13: memref<5x!tpu.dma_semaphore, #tpu.memory_space<semaphore_mem>>, %arg14: memref<5x!tpu.dma_semaphore, #tpu.memory_space<semaphore_mem>>) attributes {dimension_semantics = [#tpu.dimension_semantics<core_parallel>, #tpu.dimension_semantics<subcore_parallel>], iteration_bounds = array<i64: 2, 16>, scalar_prefetch = 0 : i64, scratch_operands = 7 : i64, tpu.core_type = #tpu.core_type<sc_vector_subcore>, window_params = [{transform_indices = #map}, {transform_indices = #map}, {transform_indices = #map1}, {transform_indices = #map1}, {transform_indices = #map1}, {transform_indices = #map1}]} {
    %mul3A = arith.constant 2 : i32
    %mul3A_0 = arith.muli %arg1, %mul3A : i32
    %add3A = arith.addi %mul3A_0, %arg0 : i32
    "tpu.region"() ({
      %run_scoped3A = tpu.sem_alloc : memref<!tpu.dma_semaphore, #tpu.memory_space<semaphore_mem>>
      %dma_start3A_253 = arith.constant 0 : i32
      %dma_start3A_254 = arith.constant 0 : i32
      %dma_start3A_255 = tpu.memref_slice %arg4[%add3A, %dma_start3A_253, %dma_start3A_254] : memref<32x80x128xi32, #tpu.memory_space<hbm>> -> memref<1x80x128xi32, #tpu.memory_space<hbm>>
      %dma_start3A_256 = tpu.memref_squeeze %dma_start3A_255 : memref<1x80x128xi32, #tpu.memory_space<hbm>> -> memref<80x128xi32, #tpu.memory_space<hbm>>
      %dma_start3A_257 = arith.constant 0 : i32
      %dma_start3A_258 = arith.constant 0 : i32
      %dma_start3A_259 = tpu.memref_slice %arg4[%add3A, %dma_start3A_257, %dma_start3A_258] : memref<32x80x128xi32, #tpu.memory_space<hbm>> -> memref<1x80x128xi32, #tpu.memory_space<hbm>>
      %dma_start3A_260 = tpu.memref_squeeze %dma_start3A_259 : memref<1x80x128xi32, #tpu.memory_space<hbm>> -> memref<80x128xi32, #tpu.memory_space<hbm>>
      tpu.enqueue_dma source(%dma_start3A_260 : memref<80x128xi32, #tpu.memory_space<hbm>>) target(%arg8 : memref<80x128xi32, #tpu.memory_space<vmem>>) target_semaphore(%run_scoped3A : memref<!tpu.dma_semaphore, #tpu.memory_space<semaphore_mem>>)
      %dma_wait3A_261 = arith.constant 0 : i32
      %dma_wait3A_262 = arith.constant 0 : i32
      %dma_wait3A_263 = tpu.memref_slice %arg4[%add3A, %dma_wait3A_261, %dma_wait3A_262] : memref<32x80x128xi32, #tpu.memory_space<hbm>> -> memref<1x80x128xi32, #tpu.memory_space<hbm>>
      %dma_wait3A_264 = tpu.memref_squeeze %dma_wait3A_263 : memref<1x80x128xi32, #tpu.memory_space<hbm>> -> memref<80x128xi32, #tpu.memory_space<hbm>>
      %dma_wait3A_265 = arith.constant 0 : i32
      %dma_wait3A_266 = arith.constant 0 : i32
      %dma_wait3A_267 = tpu.memref_slice %arg4[%add3A, %dma_wait3A_265, %dma_wait3A_266] : memref<32x80x128xi32, #tpu.memory_space<hbm>> -> memref<1x80x128xi32, #tpu.memory_space<hbm>>
      %dma_wait3A_268 = tpu.memref_squeeze %dma_wait3A_267 : memref<1x80x128xi32, #tpu.memory_space<hbm>> -> memref<80x128xi32, #tpu.memory_space<hbm>>
      tpu.wait_dma2 semaphore(%run_scoped3A : memref<!tpu.dma_semaphore, #tpu.memory_space<semaphore_mem>>) src(%dma_wait3A_268 : memref<80x128xi32, #tpu.memory_space<hbm>>) dst(%arg8 : memref<80x128xi32, #tpu.memory_space<vmem>>)
      tpu.yield
    }) : () -> ()
    "tpu.region"() ({
      %run_scoped3A = tpu.sem_alloc : memref<!tpu.dma_semaphore, #tpu.memory_space<semaphore_mem>>
      %dma_start3A_253 = arith.constant 0 : i32
      %dma_start3A_254 = arith.constant 0 : i32
      %dma_start3A_255 = tpu.memref_slice %arg5[%add3A, %dma_start3A_253, %dma_start3A_254] : memref<32x80x128xi32, #tpu.memory_space<hbm>> -> memref<1x80x128xi32, #tpu.memory_space<hbm>>
      %dma_start3A_256 = tpu.memref_squeeze %dma_start3A_255 : memref<1x80x128xi32, #tpu.memory_space<hbm>> -> memref<80x128xi32, #tpu.memory_space<hbm>>
      %dma_start3A_257 = arith.constant 0 : i32
      %dma_start3A_258 = arith.constant 0 : i32
      %dma_start3A_259 = tpu.memref_slice %arg5[%add3A, %dma_start3A_257, %dma_start3A_258] : memref<32x80x128xi32, #tpu.memory_space<hbm>> -> memref<1x80x128xi32, #tpu.memory_space<hbm>>
      %dma_start3A_260 = tpu.memref_squeeze %dma_start3A_259 : memref<1x80x128xi32, #tpu.memory_space<hbm>> -> memref<80x128xi32, #tpu.memory_space<hbm>>
      tpu.enqueue_dma source(%dma_start3A_260 : memref<80x128xi32, #tpu.memory_space<hbm>>) target(%arg9 : memref<80x128xi32, #tpu.memory_space<vmem>>) target_semaphore(%run_scoped3A : memref<!tpu.dma_semaphore, #tpu.memory_space<semaphore_mem>>)
      %dma_wait3A_261 = arith.constant 0 : i32
      %dma_wait3A_262 = arith.constant 0 : i32
      %dma_wait3A_263 = tpu.memref_slice %arg5[%add3A, %dma_wait3A_261, %dma_wait3A_262] : memref<32x80x128xi32, #tpu.memory_space<hbm>> -> memref<1x80x128xi32, #tpu.memory_space<hbm>>
      %dma_wait3A_264 = tpu.memref_squeeze %dma_wait3A_263 : memref<1x80x128xi32, #tpu.memory_space<hbm>> -> memref<80x128xi32, #tpu.memory_space<hbm>>
      %dma_wait3A_265 = arith.constant 0 : i32
      %dma_wait3A_266 = arith.constant 0 : i32
      %dma_wait3A_267 = tpu.memref_slice %arg5[%add3A, %dma_wait3A_265, %dma_wait3A_266] : memref<32x80x128xi32, #tpu.memory_space<hbm>> -> memref<1x80x128xi32, #tpu.memory_space<hbm>>
      %dma_wait3A_268 = tpu.memref_squeeze %dma_wait3A_267 : memref<1x80x128xi32, #tpu.memory_space<hbm>> -> memref<80x128xi32, #tpu.memory_space<hbm>>
      tpu.wait_dma2 semaphore(%run_scoped3A : memref<!tpu.dma_semaphore, #tpu.memory_space<semaphore_mem>>) src(%dma_wait3A_268 : memref<80x128xi32, #tpu.memory_space<hbm>>) dst(%arg9 : memref<80x128xi32, #tpu.memory_space<vmem>>)
      tpu.yield
    }) : () -> ()
    %broadcast_in_dim3A = arith.constant 0.000000e+00 : f32
    %broadcast_in_dim3A_1 = vector.broadcast %broadcast_in_dim3A : f32 to vector<16xf32>
    %scan3A = arith.constant 0 : i32
    %scan3A_2 = arith.constant 0 : i32
    %scan3A_3 = arith.constant 128 : i32
    %scan3A_4 = arith.addi %scan3A_2, %scan3A_3 : i32
    %scan3A_5 = arith.constant 1 : i32
    %scan3A_6 = scf.for %scan3A_253 = %scan3A_2 to %scan3A_4 step %scan3A_5 iter_args(%scan3A_254 = %scan3A) -> (i32)  : i32 {
      %swap3A = arith.index_cast %scan3A_253 : i32 to index
      %swap3A_255 = arith.constant 0 : index
      %swap3A_256 = tpu.vector_load %arg10[%swap3A, %swap3A_255] {strides = array<i32>} : memref<128x64xf32, #tpu.memory_space<vmem>>, vector<1x16xf32>,
      %swap3A_257 = vector.shape_cast %swap3A_256 : vector<1x16xf32> to vector<16xf32>
      %swap3A_258 = vector.shape_cast %broadcast_in_dim3A_1 : vector<16xf32> to vector<1x16xf32>
      tpu.vector_store %arg10[%swap3A, %swap3A_255], %swap3A_258 {strides = array<i32>} : memref<128x64xf32, #tpu.memory_space<vmem>>, vector<1x16xf32>,
      %swap3A_259 = arith.index_cast %scan3A_253 : i32 to index
      %swap3A_260 = arith.constant 16 : index
      %swap3A_261 = tpu.vector_load %arg10[%swap3A_259, %swap3A_260] {strides = array<i32>} : memref<128x64xf32, #tpu.memory_space<vmem>>, vector<1x16xf32>,
      %swap3A_262 = vector.shape_cast %swap3A_261 : vector<1x16xf32> to vector<16xf32>
      %swap3A_263 = vector.shape_cast %broadcast_in_dim3A_1 : vector<16xf32> to vector<1x16xf32>
      tpu.vector_store %arg10[%swap3A_259, %swap3A_260], %swap3A_263 {strides = array<i32>} : memref<128x64xf32, #tpu.memory_space<vmem>>, vector<1x16xf32>,
      %swap3A_264 = arith.index_cast %scan3A_253 : i32 to index
      %swap3A_265 = arith.constant 32 : index
      %swap3A_266 = tpu.vector_load %arg10[%swap3A_264, %swap3A_265] {strides = array<i32>} : memref<128x64xf32, #tpu.memory_space<vmem>>, vector<1x16xf32>,
      %swap3A_267 = vector.shape_cast %swap3A_266 : vector<1x16xf32> to vector<16xf32>
      %swap3A_268 = vector.shape_cast %broadcast_in_dim3A_1 : vector<16xf32> to vector<1x16xf32>
      tpu.vector_store %arg10[%swap3A_264, %swap3A_265], %swap3A_268 {strides = array<i32>} : memref<128x64xf32, #tpu.memory_space<vmem>>, vector<1x16xf32>,
      %swap3A_269 = arith.index_cast %scan3A_253 : i32 to index
      %swap3A_270 = arith.constant 48 : index
      %swap3A_271 = tpu.vector_load %arg10[%swap3A_269, %swap3A_270] {strides = array<i32>} : memref<128x64xf32, #tpu.memory_space<vmem>>, vector<1x16xf32>,
      %swap3A_272 = vector.shape_cast %swap3A_271 : vector<1x16xf32> to vector<16xf32>
      %swap3A_273 = vector.shape_cast %broadcast_in_dim3A_1 : vector<16xf32> to vector<1x16xf32>
      tpu.vector_store %arg10[%swap3A_269, %swap3A_270], %swap3A_273 {strides = array<i32>} : memref<128x64xf32, #tpu.memory_space<vmem>>, vector<1x16xf32>,
      %scan3A_274 = arith.constant 0 : i32
      scf.yield %scan3A_274 : i32
    }
    %scan3A_7 = arith.constant 128 : i32
    %mul3A_8 = arith.constant 640 : i32
    %mul3A_9 = arith.muli %arg1, %mul3A_8 : i32
    %add3A_10 = arith.constant 0 : i32
    %add3A_11 = arith.addi %mul3A_9, %add3A_10 : i32
    "tpu.region"() ({
      %run_scoped3A = tpu.sem_alloc : memref<!tpu.dma_semaphore, #tpu.memory_space<semaphore_mem>>
      %dma_start3A_253 = arith.constant 0 : i32
      %dma_start3A_254 = tpu.memref_slice %arg12[%add3A_11, %dma_start3A_253] : memref<10240x64xf32, #tpu.memory_space<vmem_shared>> -> memref<128x64xf32, #tpu.memory_space<vmem_shared>>
      %dma_start3A_255 = arith.constant 0 : i32
      %dma_start3A_256 = tpu.memref_slice %arg12[%add3A_11, %dma_start3A_255] : memref<10240x64xf32, #tpu.memory_space<vmem_shared>> -> memref<128x64xf32, #tpu.memory_space<vmem_shared>>
      tpu.enqueue_dma source(%arg10 : memref<128x64xf32, #tpu.memory_space<vmem>>) target(%dma_start3A_256 : memref<128x64xf32, #tpu.memory_space<vmem_shared>>) target_semaphore(%run_scoped3A : memref<!tpu.dma_semaphore, #tpu.memory_space<semaphore_mem>>)
      %dma_wait3A_257 = arith.constant 0 : i32
      %dma_wait3A_258 = tpu.memref_slice %arg12[%add3A_11, %dma_wait3A_257] : memref<10240x64xf32, #tpu.memory_space<vmem_shared>> -> memref<128x64xf32, #tpu.memory_space<vmem_shared>>
      %dma_wait3A_259 = arith.constant 0 : i32
      %dma_wait3A_260 = tpu.memref_slice %arg12[%add3A_11, %dma_wait3A_259] : memref<10240x64xf32, #tpu.memory_space<vmem_shared>> -> memref<128x64xf32, #tpu.memory_space<vmem_shared>>
      tpu.wait_dma2 semaphore(%run_scoped3A : memref<!tpu.dma_semaphore, #tpu.memory_space<semaphore_mem>>) src(%arg10 : memref<128x64xf32, #tpu.memory_space<vmem>>) dst(%dma_wait3A_260 : memref<128x64xf32, #tpu.memory_space<vmem_shared>>)
      tpu.yield
    }) : () -> ()
    %mul3A_12 = arith.constant 640 : i32
    %mul3A_13 = arith.muli %arg1, %mul3A_12 : i32
    %add3A_14 = arith.constant 128 : i32
    %add3A_15 = arith.addi %mul3A_13, %add3A_14 : i32
    "tpu.region"() ({
      %run_scoped3A = tpu.sem_alloc : memref<!tpu.dma_semaphore, #tpu.memory_space<semaphore_mem>>
      %dma_start3A_253 = arith.constant 0 : i32
      %dma_start3A_254 = tpu.memref_slice %arg12[%add3A_15, %dma_start3A_253] : memref<10240x64xf32, #tpu.memory_space<vmem_shared>> -> memref<128x64xf32, #tpu.memory_space<vmem_shared>>
      %dma_start3A_255 = arith.constant 0 : i32
      %dma_start3A_256 = tpu.memref_slice %arg12[%add3A_15, %dma_start3A_255] : memref<10240x64xf32, #tpu.memory_space<vmem_shared>> -> memref<128x64xf32, #tpu.memory_space<vmem_shared>>
      tpu.enqueue_dma source(%arg10 : memref<128x64xf32, #tpu.memory_space<vmem>>) target(%dma_start3A_256 : memref<128x64xf32, #tpu.memory_space<vmem_shared>>) target_semaphore(%run_scoped3A : memref<!tpu.dma_semaphore, #tpu.memory_space<semaphore_mem>>)
      %dma_wait3A_257 = arith.constant 0 : i32
      %dma_wait3A_258 = tpu.memref_slice %arg12[%add3A_15, %dma_wait3A_257] : memref<10240x64xf32, #tpu.memory_space<vmem_shared>> -> memref<128x64xf32, #tpu.memory_space<vmem_shared>>
      %dma_wait3A_259 = arith.constant 0 : i32
      %dma_wait3A_260 = tpu.memref_slice %arg12[%add3A_15, %dma_wait3A_259] : memref<10240x64xf32, #tpu.memory_space<vmem_shared>> -> memref<128x64xf32, #tpu.memory_space<vmem_shared>>
      tpu.wait_dma2 semaphore(%run_scoped3A : memref<!tpu.dma_semaphore, #tpu.memory_space<semaphore_mem>>) src(%arg10 : memref<128x64xf32, #tpu.memory_space<vmem>>) dst(%dma_wait3A_260 : memref<128x64xf32, #tpu.memory_space<vmem_shared>>)
      tpu.yield
    }) : () -> ()
    %mul3A_16 = arith.constant 640 : i32
    %mul3A_17 = arith.muli %arg1, %mul3A_16 : i32
    %add3A_18 = arith.constant 256 : i32
    %add3A_19 = arith.addi %mul3A_17, %add3A_18 : i32
    "tpu.region"() ({
      %run_scoped3A = tpu.sem_alloc : memref<!tpu.dma_semaphore, #tpu.memory_space<semaphore_mem>>
      %dma_start3A_253 = arith.constant 0 : i32
      %dma_start3A_254 = tpu.memref_slice %arg12[%add3A_19, %dma_start3A_253] : memref<10240x64xf32, #tpu.memory_space<vmem_shared>> -> memref<128x64xf32, #tpu.memory_space<vmem_shared>>
      %dma_start3A_255 = arith.constant 0 : i32
      %dma_start3A_256 = tpu.memref_slice %arg12[%add3A_19, %dma_start3A_255] : memref<10240x64xf32, #tpu.memory_space<vmem_shared>> -> memref<128x64xf32, #tpu.memory_space<vmem_shared>>
      tpu.enqueue_dma source(%arg10 : memref<128x64xf32, #tpu.memory_space<vmem>>) target(%dma_start3A_256 : memref<128x64xf32, #tpu.memory_space<vmem_shared>>) target_semaphore(%run_scoped3A : memref<!tpu.dma_semaphore, #tpu.memory_space<semaphore_mem>>)
      %dma_wait3A_257 = arith.constant 0 : i32
      %dma_wait3A_258 = tpu.memref_slice %arg12[%add3A_19, %dma_wait3A_257] : memref<10240x64xf32, #tpu.memory_space<vmem_shared>> -> memref<128x64xf32, #tpu.memory_space<vmem_shared>>
      %dma_wait3A_259 = arith.constant 0 : i32
      %dma_wait3A_260 = tpu.memref_slice %arg12[%add3A_19, %dma_wait3A_259] : memref<10240x64xf32, #tpu.memory_space<vmem_shared>> -> memref<128x64xf32, #tpu.memory_space<vmem_shared>>
      tpu.wait_dma2 semaphore(%run_scoped3A : memref<!tpu.dma_semaphore, #tpu.memory_space<semaphore_mem>>) src(%arg10 : memref<128x64xf32, #tpu.memory_space<vmem>>) dst(%dma_wait3A_260 : memref<128x64xf32, #tpu.memory_space<vmem_shared>>)
      tpu.yield
    }) : () -> ()
    %mul3A_20 = arith.constant 640 : i32
    %mul3A_21 = arith.muli %arg1, %mul3A_20 : i32
    %add3A_22 = arith.constant 384 : i32
    %add3A_23 = arith.addi %mul3A_21, %add3A_22 : i32
    "tpu.region"() ({
      %run_scoped3A = tpu.sem_alloc : memref<!tpu.dma_semaphore, #tpu.memory_space<semaphore_mem>>
      %dma_start3A_253 = arith.constant 0 : i32
      %dma_start3A_254 = tpu.memref_slice %arg12[%add3A_23, %dma_start3A_253] : memref<10240x64xf32, #tpu.memory_space<vmem_shared>> -> memref<128x64xf32, #tpu.memory_space<vmem_shared>>
      %dma_start3A_255 = arith.constant 0 : i32
      %dma_start3A_256 = tpu.memref_slice %arg12[%add3A_23, %dma_start3A_255] : memref<10240x64xf32, #tpu.memory_space<vmem_shared>> -> memref<128x64xf32, #tpu.memory_space<vmem_shared>>
      tpu.enqueue_dma source(%arg10 : memref<128x64xf32, #tpu.memory_space<vmem>>) target(%dma_start3A_256 : memref<128x64xf32, #tpu.memory_space<vmem_shared>>) target_semaphore(%run_scoped3A : memref<!tpu.dma_semaphore, #tpu.memory_space<semaphore_mem>>)
      %dma_wait3A_257 = arith.constant 0 : i32
      %dma_wait3A_258 = tpu.memref_slice %arg12[%add3A_23, %dma_wait3A_257] : memref<10240x64xf32, #tpu.memory_space<vmem_shared>> -> memref<128x64xf32, #tpu.memory_space<vmem_shared>>
      %dma_wait3A_259 = arith.constant 0 : i32
      %dma_wait3A_260 = tpu.memref_slice %arg12[%add3A_23, %dma_wait3A_259] : memref<10240x64xf32, #tpu.memory_space<vmem_shared>> -> memref<128x64xf32, #tpu.memory_space<vmem_shared>>
      tpu.wait_dma2 semaphore(%run_scoped3A : memref<!tpu.dma_semaphore, #tpu.memory_space<semaphore_mem>>) src(%arg10 : memref<128x64xf32, #tpu.memory_space<vmem>>) dst(%dma_wait3A_260 : memref<128x64xf32, #tpu.memory_space<vmem_shared>>)
      tpu.yield
    }) : () -> ()
    %mul3A_24 = arith.constant 640 : i32
    %mul3A_25 = arith.muli %arg1, %mul3A_24 : i32
    %add3A_26 = arith.constant 512 : i32
    %add3A_27 = arith.addi %mul3A_25, %add3A_26 : i32
    "tpu.region"() ({
      %run_scoped3A = tpu.sem_alloc : memref<!tpu.dma_semaphore, #tpu.memory_space<semaphore_mem>>
      %dma_start3A_253 = arith.constant 0 : i32
      %dma_start3A_254 = tpu.memref_slice %arg12[%add3A_27, %dma_start3A_253] : memref<10240x64xf32, #tpu.memory_space<vmem_shared>> -> memref<128x64xf32, #tpu.memory_space<vmem_shared>>
      %dma_start3A_255 = arith.constant 0 : i32
      %dma_start3A_256 = tpu.memref_slice %arg12[%add3A_27, %dma_start3A_255] : memref<10240x64xf32, #tpu.memory_space<vmem_shared>> -> memref<128x64xf32, #tpu.memory_space<vmem_shared>>
      tpu.enqueue_dma source(%arg10 : memref<128x64xf32, #tpu.memory_space<vmem>>) target(%dma_start3A_256 : memref<128x64xf32, #tpu.memory_space<vmem_shared>>) target_semaphore(%run_scoped3A : memref<!tpu.dma_semaphore, #tpu.memory_space<semaphore_mem>>)
      %dma_wait3A_257 = arith.constant 0 : i32
      %dma_wait3A_258 = tpu.memref_slice %arg12[%add3A_27, %dma_wait3A_257] : memref<10240x64xf32, #tpu.memory_space<vmem_shared>> -> memref<128x64xf32, #tpu.memory_space<vmem_shared>>
      %dma_wait3A_259 = arith.constant 0 : i32
      %dma_wait3A_260 = tpu.memref_slice %arg12[%add3A_27, %dma_wait3A_259] : memref<10240x64xf32, #tpu.memory_space<vmem_shared>> -> memref<128x64xf32, #tpu.memory_space<vmem_shared>>
      tpu.wait_dma2 semaphore(%run_scoped3A : memref<!tpu.dma_semaphore, #tpu.memory_space<semaphore_mem>>) src(%arg10 : memref<128x64xf32, #tpu.memory_space<vmem>>) dst(%dma_wait3A_260 : memref<128x64xf32, #tpu.memory_space<vmem_shared>>)
      tpu.yield
    }) : () -> ()
    %barrier3A = arith.constant 0 : index
    tpu.barrier barrier_id(%barrier3A)
    %dma_start3A = arith.constant 0 : i32
    %dma_start3A_28 = arith.constant 0 : i32
    %dma_start3A_29 = arith.constant 0 : i32
    %dma_start3A_30 = arith.constant 0 : i32
    %dma_start3A_31 = arith.constant 0 : i32
    %dma_start3A_32 = tpu.memref_slice %arg11[%dma_start3A_28, %dma_start3A_30, %dma_start3A_31] : memref<5x128x64xf32, #tpu.memory_space<vmem>> -> memref<1x128x64xf32, #tpu.memory_space<vmem>>
    %dma_start3A_33 = tpu.memref_squeeze %dma_start3A_32 : memref<1x128x64xf32, #tpu.memory_space<vmem>> -> memref<128x64xf32, #tpu.memory_space<vmem>>
    %dma_start3A_34 = arith.constant 0 : i32
    %dma_start3A_35 = tpu.memref_slice %arg8[%dma_start3A, %dma_start3A_34] : memref<80x128xi32, #tpu.memory_space<vmem>> -> memref<1x128xi32, #tpu.memory_space<vmem>>
    %dma_start3A_36 = tpu.memref_squeeze %dma_start3A_35 : memref<1x128xi32, #tpu.memory_space<vmem>> -> memref<128xi32, #tpu.memory_space<vmem>>
    %dma_start3A_37 = arith.constant 0 : i32
    %dma_start3A_38 = arith.constant 0 : i32
    %dma_start3A_39 = tpu.memref_slice %arg2[%dma_start3A_37, %dma_start3A_38] : memref<10240x64xf32, #tpu.memory_space<hbm>> -> memref<10240x64xf32, #tpu.memory_space<hbm>>
    %dma_start3A_40 = tpu.memref_slice %arg13[%dma_start3A_29] : memref<5x!tpu.dma_semaphore, #tpu.memory_space<semaphore_mem>> -> memref<1x!tpu.dma_semaphore, #tpu.memory_space<semaphore_mem>>
    %dma_start3A_41 = tpu.memref_squeeze %dma_start3A_40 : memref<1x!tpu.dma_semaphore, #tpu.memory_space<semaphore_mem>> -> memref<!tpu.dma_semaphore, #tpu.memory_space<semaphore_mem>>
    tpu.enqueue_indirect_dma source(%dma_start3A_39 : memref<10240x64xf32, #tpu.memory_space<hbm>>) target(%dma_start3A_33 : memref<128x64xf32, #tpu.memory_space<vmem>>) offsets(%dma_start3A_36 : memref<128xi32, #tpu.memory_space<vmem>>) semaphore(%dma_start3A_41 : memref<!tpu.dma_semaphore, #tpu.memory_space<semaphore_mem>>)
    %dma_start3A_42 = arith.constant 1 : i32
    %dma_start3A_43 = arith.constant 1 : i32
    %dma_start3A_44 = arith.constant 1 : i32
    %dma_start3A_45 = arith.constant 0 : i32
    %dma_start3A_46 = arith.constant 0 : i32
    %dma_start3A_47 = tpu.memref_slice %arg11[%dma_start3A_43, %dma_start3A_45, %dma_start3A_46] : memref<5x128x64xf32, #tpu.memory_space<vmem>> -> memref<1x128x64xf32, #tpu.memory_space<vmem>>
    %dma_start3A_48 = tpu.memref_squeeze %dma_start3A_47 : memref<1x128x64xf32, #tpu.memory_space<vmem>> -> memref<128x64xf32, #tpu.memory_space<vmem>>
    %dma_start3A_49 = arith.constant 0 : i32
    %dma_start3A_50 = tpu.memref_slice %arg8[%dma_start3A_42, %dma_start3A_49] : memref<80x128xi32, #tpu.memory_space<vmem>> -> memref<1x128xi32, #tpu.memory_space<vmem>>
    %dma_start3A_51 = tpu.memref_squeeze %dma_start3A_50 : memref<1x128xi32, #tpu.memory_space<vmem>> -> memref<128xi32, #tpu.memory_space<vmem>>
    %dma_start3A_52 = arith.constant 0 : i32
    %dma_start3A_53 = arith.constant 0 : i32
    %dma_start3A_54 = tpu.memref_slice %arg2[%dma_start3A_52, %dma_start3A_53] : memref<10240x64xf32, #tpu.memory_space<hbm>> -> memref<10240x64xf32, #tpu.memory_space<hbm>>
    %dma_start3A_55 = tpu.memref_slice %arg13[%dma_start3A_44] : memref<5x!tpu.dma_semaphore, #tpu.memory_space<semaphore_mem>> -> memref<1x!tpu.dma_semaphore, #tpu.memory_space<semaphore_mem>>
    %dma_start3A_56 = tpu.memref_squeeze %dma_start3A_55 : memref<1x!tpu.dma_semaphore, #tpu.memory_space<semaphore_mem>> -> memref<!tpu.dma_semaphore, #tpu.memory_space<semaphore_mem>>
    tpu.enqueue_indirect_dma source(%dma_start3A_54 : memref<10240x64xf32, #tpu.memory_space<hbm>>) target(%dma_start3A_48 : memref<128x64xf32, #tpu.memory_space<vmem>>) offsets(%dma_start3A_51 : memref<128xi32, #tpu.memory_space<vmem>>) semaphore(%dma_start3A_56 : memref<!tpu.dma_semaphore, #tpu.memory_space<semaphore_mem>>)
    %dma_start3A_57 = arith.constant 2 : i32
    %dma_start3A_58 = arith.constant 2 : i32
    %dma_start3A_59 = arith.constant 2 : i32
    %dma_start3A_60 = arith.constant 0 : i32
    %dma_start3A_61 = arith.constant 0 : i32
    %dma_start3A_62 = tpu.memref_slice %arg11[%dma_start3A_58, %dma_start3A_60, %dma_start3A_61] : memref<5x128x64xf32, #tpu.memory_space<vmem>> -> memref<1x128x64xf32, #tpu.memory_space<vmem>>
    %dma_start3A_63 = tpu.memref_squeeze %dma_start3A_62 : memref<1x128x64xf32, #tpu.memory_space<vmem>> -> memref<128x64xf32, #tpu.memory_space<vmem>>
    %dma_start3A_64 = arith.constant 0 : i32
    %dma_start3A_65 = tpu.memref_slice %arg8[%dma_start3A_57, %dma_start3A_64] : memref<80x128xi32, #tpu.memory_space<vmem>> -> memref<1x128xi32, #tpu.memory_space<vmem>>
    %dma_start3A_66 = tpu.memref_squeeze %dma_start3A_65 : memref<1x128xi32, #tpu.memory_space<vmem>> -> memref<128xi32, #tpu.memory_space<vmem>>
    %dma_start3A_67 = arith.constant 0 : i32
    %dma_start3A_68 = arith.constant 0 : i32
    %dma_start3A_69 = tpu.memref_slice %arg2[%dma_start3A_67, %dma_start3A_68] : memref<10240x64xf32, #tpu.memory_space<hbm>> -> memref<10240x64xf32, #tpu.memory_space<hbm>>
    %dma_start3A_70 = tpu.memref_slice %arg13[%dma_start3A_59] : memref<5x!tpu.dma_semaphore, #tpu.memory_space<semaphore_mem>> -> memref<1x!tpu.dma_semaphore, #tpu.memory_space<semaphore_mem>>
    %dma_start3A_71 = tpu.memref_squeeze %dma_start3A_70 : memref<1x!tpu.dma_semaphore, #tpu.memory_space<semaphore_mem>> -> memref<!tpu.dma_semaphore, #tpu.memory_space<semaphore_mem>>
    tpu.enqueue_indirect_dma source(%dma_start3A_69 : memref<10240x64xf32, #tpu.memory_space<hbm>>) target(%dma_start3A_63 : memref<128x64xf32, #tpu.memory_space<vmem>>) offsets(%dma_start3A_66 : memref<128xi32, #tpu.memory_space<vmem>>) semaphore(%dma_start3A_71 : memref<!tpu.dma_semaphore, #tpu.memory_space<semaphore_mem>>)
    %scan3A_72 = arith.constant 0 : i32
    %scan3A_73 = arith.constant 0 : i32
    %scan3A_74 = arith.constant 16 : i32
    %scan3A_75 = arith.addi %scan3A_73, %scan3A_74 : i32
    %scan3A_76 = arith.constant 1 : i32
    %scan3A_77 = scf.for %scan3A_253 = %scan3A_73 to %scan3A_75 step %scan3A_76 iter_args(%scan3A_254 = %scan3A_72) -> (i32)  : i32 {
      %mul3A_255 = arith.constant 5 : i32
      %mul3A_256 = arith.muli %scan3A_253, %mul3A_255 : i32
      %add3A_257 = arith.constant 0 : i32
      %add3A_258 = arith.addi %mul3A_256, %add3A_257 : i32
      %dma_wait3A_259 = arith.constant 0 : i32
      %dma_wait3A_260 = arith.constant 0 : i32
      %dma_wait3A_261 = arith.constant 0 : i32
      %dma_wait3A_262 = arith.constant 0 : i32
      %dma_wait3A_263 = tpu.memref_slice %arg11[%dma_wait3A_259, %dma_wait3A_261, %dma_wait3A_262] : memref<5x128x64xf32, #tpu.memory_space<vmem>> -> memref<1x128x64xf32, #tpu.memory_space<vmem>>
      %dma_wait3A_264 = tpu.memref_squeeze %dma_wait3A_263 : memref<1x128x64xf32, #tpu.memory_space<vmem>> -> memref<128x64xf32, #tpu.memory_space<vmem>>
      %dma_wait3A_265 = arith.constant 0 : i32
      %dma_wait3A_266 = tpu.memref_slice %arg8[%add3A_258, %dma_wait3A_265] : memref<80x128xi32, #tpu.memory_space<vmem>> -> memref<1x128xi32, #tpu.memory_space<vmem>>
      %dma_wait3A_267 = tpu.memref_squeeze %dma_wait3A_266 : memref<1x128xi32, #tpu.memory_space<vmem>> -> memref<128xi32, #tpu.memory_space<vmem>>
      %dma_wait3A_268 = arith.constant 0 : i32
      %dma_wait3A_269 = arith.constant 0 : i32
      %dma_wait3A_270 = tpu.memref_slice %arg2[%dma_wait3A_268, %dma_wait3A_269] : memref<10240x64xf32, #tpu.memory_space<hbm>> -> memref<10240x64xf32, #tpu.memory_space<hbm>>
      %dma_wait3A_271 = tpu.memref_slice %arg13[%dma_wait3A_260] : memref<5x!tpu.dma_semaphore, #tpu.memory_space<semaphore_mem>> -> memref<1x!tpu.dma_semaphore, #tpu.memory_space<semaphore_mem>>
      %dma_wait3A_272 = tpu.memref_squeeze %dma_wait3A_271 : memref<1x!tpu.dma_semaphore, #tpu.memory_space<semaphore_mem>> -> memref<!tpu.dma_semaphore, #tpu.memory_space<semaphore_mem>>
      tpu.wait_indirect_dma semaphore(%dma_wait3A_272 : memref<!tpu.dma_semaphore, #tpu.memory_space<semaphore_mem>>) src(%dma_wait3A_270 : memref<10240x64xf32, #tpu.memory_space<hbm>>) dst(%dma_wait3A_264 : memref<128x64xf32, #tpu.memory_space<vmem>>)
      %dma_start3A_273 = arith.constant 0 : i32
      %dma_start3A_274 = arith.constant 0 : i32
      %dma_start3A_275 = arith.constant 0 : i32
      %dma_start3A_276 = arith.constant 0 : i32
      %dma_start3A_277 = tpu.memref_slice %arg11[%dma_start3A_273, %dma_start3A_275, %dma_start3A_276] : memref<5x128x64xf32, #tpu.memory_space<vmem>> -> memref<1x128x64xf32, #tpu.memory_space<vmem>>
      %dma_start3A_278 = tpu.memref_squeeze %dma_start3A_277 : memref<1x128x64xf32, #tpu.memory_space<vmem>> -> memref<128x64xf32, #tpu.memory_space<vmem>>
      %dma_start3A_279 = arith.constant 0 : i32
      %dma_start3A_280 = tpu.memref_slice %arg9[%add3A_258, %dma_start3A_279] : memref<80x128xi32, #tpu.memory_space<vmem>> -> memref<1x128xi32, #tpu.memory_space<vmem>>
      %dma_start3A_281 = tpu.memref_squeeze %dma_start3A_280 : memref<1x128xi32, #tpu.memory_space<vmem>> -> memref<128xi32, #tpu.memory_space<vmem>>
      %dma_start3A_282 = arith.constant 0 : i32
      %dma_start3A_283 = arith.constant 0 : i32
      %dma_start3A_284 = tpu.memref_slice %arg12[%dma_start3A_282, %dma_start3A_283] : memref<10240x64xf32, #tpu.memory_space<vmem_shared>> -> memref<10240x64xf32, #tpu.memory_space<vmem_shared>>
      %dma_start3A_285 = tpu.memref_slice %arg14[%dma_start3A_274] : memref<5x!tpu.dma_semaphore, #tpu.memory_space<semaphore_mem>> -> memref<1x!tpu.dma_semaphore, #tpu.memory_space<semaphore_mem>>
      %dma_start3A_286 = tpu.memref_squeeze %dma_start3A_285 : memref<1x!tpu.dma_semaphore, #tpu.memory_space<semaphore_mem>> -> memref<!tpu.dma_semaphore, #tpu.memory_space<semaphore_mem>>
      tpu.enqueue_indirect_dma source(%dma_start3A_278 : memref<128x64xf32, #tpu.memory_space<vmem>>) target(%dma_start3A_284 : memref<10240x64xf32, #tpu.memory_space<vmem_shared>>) offsets(%dma_start3A_281 : memref<128xi32, #tpu.memory_space<vmem>>) semaphore(%dma_start3A_286 : memref<!tpu.dma_semaphore, #tpu.memory_space<semaphore_mem>>) {add = true}
      %gt3A = arith.constant 0 : i32
      %gt3A_287 = arith.cmpi sgt, %scan3A_253, %gt3A : i32
      %convert_element_type3A = arith.extui %gt3A_287 : i1 to i32
      %cond3A = arith.constant 0 : i32
      %cond3A_288 = arith.cmpi ne, %convert_element_type3A, %cond3A : i32
      scf.if %cond3A_288 {
        %add3A_499 = arith.constant 3 : i32
        %add3A_500 = arith.addi %add3A_258, %add3A_499 : i32
        %sub3A_501 = arith.constant 5 : i32
        %sub3A_502 = arith.subi %add3A_500, %sub3A_501 : i32
        %dma_wait3A_503 = arith.constant 3 : i32
        %dma_wait3A_504 = arith.constant 3 : i32
        %dma_wait3A_505 = arith.constant 0 : i32
        %dma_wait3A_506 = arith.constant 0 : i32
        %dma_wait3A_507 = tpu.memref_slice %arg11[%dma_wait3A_503, %dma_wait3A_505, %dma_wait3A_506] : memref<5x128x64xf32, #tpu.memory_space<vmem>> -> memref<1x128x64xf32, #tpu.memory_space<vmem>>
        %dma_wait3A_508 = tpu.memref_squeeze %dma_wait3A_507 : memref<1x128x64xf32, #tpu.memory_space<vmem>> -> memref<128x64xf32, #tpu.memory_space<vmem>>
        %dma_wait3A_509 = arith.constant 0 : i32
        %dma_wait3A_510 = tpu.memref_slice %arg9[%sub3A_502, %dma_wait3A_509] : memref<80x128xi32, #tpu.memory_space<vmem>> -> memref<1x128xi32, #tpu.memory_space<vmem>>
        %dma_wait3A_511 = tpu.memref_squeeze %dma_wait3A_510 : memref<1x128xi32, #tpu.memory_space<vmem>> -> memref<128xi32, #tpu.memory_space<vmem>>
        %dma_wait3A_512 = arith.constant 0 : i32
        %dma_wait3A_513 = arith.constant 0 : i32
        %dma_wait3A_514 = tpu.memref_slice %arg12[%dma_wait3A_512, %dma_wait3A_513] : memref<10240x64xf32, #tpu.memory_space<vmem_shared>> -> memref<10240x64xf32, #tpu.memory_space<vmem_shared>>
        %dma_wait3A_515 = tpu.memref_slice %arg14[%dma_wait3A_504] : memref<5x!tpu.dma_semaphore, #tpu.memory_space<semaphore_mem>> -> memref<1x!tpu.dma_semaphore, #tpu.memory_space<semaphore_mem>>
        %dma_wait3A_516 = tpu.memref_squeeze %dma_wait3A_515 : memref<1x!tpu.dma_semaphore, #tpu.memory_space<semaphore_mem>> -> memref<!tpu.dma_semaphore, #tpu.memory_space<semaphore_mem>>
        tpu.wait_indirect_dma semaphore(%dma_wait3A_516 : memref<!tpu.dma_semaphore, #tpu.memory_space<semaphore_mem>>) src(%dma_wait3A_508 : memref<128x64xf32, #tpu.memory_space<vmem>>) dst(%dma_wait3A_514 : memref<10240x64xf32, #tpu.memory_space<vmem_shared>>)
        %add3A_517 = arith.constant 3 : i32
        %add3A_518 = arith.addi %add3A_258, %add3A_517 : i32
        %dma_start3A_519 = arith.constant 3 : i32
        %dma_start3A_520 = arith.constant 3 : i32
        %dma_start3A_521 = arith.constant 0 : i32
        %dma_start3A_522 = arith.constant 0 : i32
        %dma_start3A_523 = tpu.memref_slice %arg11[%dma_start3A_519, %dma_start3A_521, %dma_start3A_522] : memref<5x128x64xf32, #tpu.memory_space<vmem>> -> memref<1x128x64xf32, #tpu.memory_space<vmem>>
        %dma_start3A_524 = tpu.memref_squeeze %dma_start3A_523 : memref<1x128x64xf32, #tpu.memory_space<vmem>> -> memref<128x64xf32, #tpu.memory_space<vmem>>
        %dma_start3A_525 = arith.constant 0 : i32
        %dma_start3A_526 = tpu.memref_slice %arg8[%add3A_518, %dma_start3A_525] : memref<80x128xi32, #tpu.memory_space<vmem>> -> memref<1x128xi32, #tpu.memory_space<vmem>>
        %dma_start3A_527 = tpu.memref_squeeze %dma_start3A_526 : memref<1x128xi32, #tpu.memory_space<vmem>> -> memref<128xi32, #tpu.memory_space<vmem>>
        %dma_start3A_528 = arith.constant 0 : i32
        %dma_start3A_529 = arith.constant 0 : i32
        %dma_start3A_530 = tpu.memref_slice %arg2[%dma_start3A_528, %dma_start3A_529] : memref<10240x64xf32, #tpu.memory_space<hbm>> -> memref<10240x64xf32, #tpu.memory_space<hbm>>
        %dma_start3A_531 = tpu.memref_slice %arg13[%dma_start3A_520] : memref<5x!tpu.dma_semaphore, #tpu.memory_space<semaphore_mem>> -> memref<1x!tpu.dma_semaphore, #tpu.memory_space<semaphore_mem>>
        %dma_start3A_532 = tpu.memref_squeeze %dma_start3A_531 : memref<1x!tpu.dma_semaphore, #tpu.memory_space<semaphore_mem>> -> memref<!tpu.dma_semaphore, #tpu.memory_space<semaphore_mem>>
        tpu.enqueue_indirect_dma source(%dma_start3A_530 : memref<10240x64xf32, #tpu.memory_space<hbm>>) target(%dma_start3A_524 : memref<128x64xf32, #tpu.memory_space<vmem>>) offsets(%dma_start3A_527 : memref<128xi32, #tpu.memory_space<vmem>>) semaphore(%dma_start3A_532 : memref<!tpu.dma_semaphore, #tpu.memory_space<semaphore_mem>>)
      } else {
      }
      %eq3A = arith.constant 0 : i32
      %eq3A_289 = arith.cmpi eq, %scan3A_253, %eq3A : i32
      %convert_element_type3A_290 = arith.extui %eq3A_289 : i1 to i32
      %cond3A_291 = arith.constant 0 : i32
      %cond3A_292 = arith.cmpi ne, %convert_element_type3A_290, %cond3A_291 : i32
      scf.if %cond3A_292 {
        %add3A_499 = arith.constant 3 : i32
        %add3A_500 = arith.addi %add3A_258, %add3A_499 : i32
        %dma_start3A_501 = arith.constant 3 : i32
        %dma_start3A_502 = arith.constant 3 : i32
        %dma_start3A_503 = arith.constant 0 : i32
        %dma_start3A_504 = arith.constant 0 : i32
        %dma_start3A_505 = tpu.memref_slice %arg11[%dma_start3A_501, %dma_start3A_503, %dma_start3A_504] : memref<5x128x64xf32, #tpu.memory_space<vmem>> -> memref<1x128x64xf32, #tpu.memory_space<vmem>>
        %dma_start3A_506 = tpu.memref_squeeze %dma_start3A_505 : memref<1x128x64xf32, #tpu.memory_space<vmem>> -> memref<128x64xf32, #tpu.memory_space<vmem>>
        %dma_start3A_507 = arith.constant 0 : i32
        %dma_start3A_508 = tpu.memref_slice %arg8[%add3A_500, %dma_start3A_507] : memref<80x128xi32, #tpu.memory_space<vmem>> -> memref<1x128xi32, #tpu.memory_space<vmem>>
        %dma_start3A_509 = tpu.memref_squeeze %dma_start3A_508 : memref<1x128xi32, #tpu.memory_space<vmem>> -> memref<128xi32, #tpu.memory_space<vmem>>
        %dma_start3A_510 = arith.constant 0 : i32
        %dma_start3A_511 = arith.constant 0 : i32
        %dma_start3A_512 = tpu.memref_slice %arg2[%dma_start3A_510, %dma_start3A_511] : memref<10240x64xf32, #tpu.memory_space<hbm>> -> memref<10240x64xf32, #tpu.memory_space<hbm>>
        %dma_start3A_513 = tpu.memref_slice %arg13[%dma_start3A_502] : memref<5x!tpu.dma_semaphore, #tpu.memory_space<semaphore_mem>> -> memref<1x!tpu.dma_semaphore, #tpu.memory_space<semaphore_mem>>
        %dma_start3A_514 = tpu.memref_squeeze %dma_start3A_513 : memref<1x!tpu.dma_semaphore, #tpu.memory_space<semaphore_mem>> -> memref<!tpu.dma_semaphore, #tpu.memory_space<semaphore_mem>>
        tpu.enqueue_indirect_dma source(%dma_start3A_512 : memref<10240x64xf32, #tpu.memory_space<hbm>>) target(%dma_start3A_506 : memref<128x64xf32, #tpu.memory_space<vmem>>) offsets(%dma_start3A_509 : memref<128xi32, #tpu.memory_space<vmem>>) semaphore(%dma_start3A_514 : memref<!tpu.dma_semaphore, #tpu.memory_space<semaphore_mem>>)
      } else {
      }
      %mul3A_293 = arith.constant 5 : i32
      %mul3A_294 = arith.muli %scan3A_253, %mul3A_293 : i32
      %add3A_295 = arith.constant 1 : i32
      %add3A_296 = arith.addi %mul3A_294, %add3A_295 : i32
      %dma_wait3A_297 = arith.constant 1 : i32
      %dma_wait3A_298 = arith.constant 1 : i32
      %dma_wait3A_299 = arith.constant 0 : i32
      %dma_wait3A_300 = arith.constant 0 : i32
      %dma_wait3A_301 = tpu.memref_slice %arg11[%dma_wait3A_297, %dma_wait3A_299, %dma_wait3A_300] : memref<5x128x64xf32, #tpu.memory_space<vmem>> -> memref<1x128x64xf32, #tpu.memory_space<vmem>>
      %dma_wait3A_302 = tpu.memref_squeeze %dma_wait3A_301 : memref<1x128x64xf32, #tpu.memory_space<vmem>> -> memref<128x64xf32, #tpu.memory_space<vmem>>
      %dma_wait3A_303 = arith.constant 0 : i32
      %dma_wait3A_304 = tpu.memref_slice %arg8[%add3A_296, %dma_wait3A_303] : memref<80x128xi32, #tpu.memory_space<vmem>> -> memref<1x128xi32, #tpu.memory_space<vmem>>
      %dma_wait3A_305 = tpu.memref_squeeze %dma_wait3A_304 : memref<1x128xi32, #tpu.memory_space<vmem>> -> memref<128xi32, #tpu.memory_space<vmem>>
      %dma_wait3A_306 = arith.constant 0 : i32
      %dma_wait3A_307 = arith.constant 0 : i32
      %dma_wait3A_308 = tpu.memref_slice %arg2[%dma_wait3A_306, %dma_wait3A_307] : memref<10240x64xf32, #tpu.memory_space<hbm>> -> memref<10240x64xf32, #tpu.memory_space<hbm>>
      %dma_wait3A_309 = tpu.memref_slice %arg13[%dma_wait3A_298] : memref<5x!tpu.dma_semaphore, #tpu.memory_space<semaphore_mem>> -> memref<1x!tpu.dma_semaphore, #tpu.memory_space<semaphore_mem>>
      %dma_wait3A_310 = tpu.memref_squeeze %dma_wait3A_309 : memref<1x!tpu.dma_semaphore, #tpu.memory_space<semaphore_mem>> -> memref<!tpu.dma_semaphore, #tpu.memory_space<semaphore_mem>>
      tpu.wait_indirect_dma semaphore(%dma_wait3A_310 : memref<!tpu.dma_semaphore, #tpu.memory_space<semaphore_mem>>) src(%dma_wait3A_308 : memref<10240x64xf32, #tpu.memory_space<hbm>>) dst(%dma_wait3A_302 : memref<128x64xf32, #tpu.memory_space<vmem>>)
      %dma_start3A_311 = arith.constant 1 : i32
      %dma_start3A_312 = arith.constant 1 : i32
      %dma_start3A_313 = arith.constant 0 : i32
      %dma_start3A_314 = arith.constant 0 : i32
      %dma_start3A_315 = tpu.memref_slice %arg11[%dma_start3A_311, %dma_start3A_313, %dma_start3A_314] : memref<5x128x64xf32, #tpu.memory_space<vmem>> -> memref<1x128x64xf32, #tpu.memory_space<vmem>>
      %dma_start3A_316 = tpu.memref_squeeze %dma_start3A_315 : memref<1x128x64xf32, #tpu.memory_space<vmem>> -> memref<128x64xf32, #tpu.memory_space<vmem>>
      %dma_start3A_317 = arith.constant 0 : i32
      %dma_start3A_318 = tpu.memref_slice %arg9[%add3A_296, %dma_start3A_317] : memref<80x128xi32, #tpu.memory_space<vmem>> -> memref<1x128xi32, #tpu.memory_space<vmem>>
      %dma_start3A_319 = tpu.memref_squeeze %dma_start3A_318 : memref<1x128xi32, #tpu.memory_space<vmem>> -> memref<128xi32, #tpu.memory_space<vmem>>
      %dma_start3A_320 = arith.constant 0 : i32
      %dma_start3A_321 = arith.constant 0 : i32
      %dma_start3A_322 = tpu.memref_slice %arg12[%dma_start3A_320, %dma_start3A_321] : memref<10240x64xf32, #tpu.memory_space<vmem_shared>> -> memref<10240x64xf32, #tpu.memory_space<vmem_shared>>
      %dma_start3A_323 = tpu.memref_slice %arg14[%dma_start3A_312] : memref<5x!tpu.dma_semaphore, #tpu.memory_space<semaphore_mem>> -> memref<1x!tpu.dma_semaphore, #tpu.memory_space<semaphore_mem>>
      %dma_start3A_324 = tpu.memref_squeeze %dma_start3A_323 : memref<1x!tpu.dma_semaphore, #tpu.memory_space<semaphore_mem>> -> memref<!tpu.dma_semaphore, #tpu.memory_space<semaphore_mem>>
      tpu.enqueue_indirect_dma source(%dma_start3A_316 : memref<128x64xf32, #tpu.memory_space<vmem>>) target(%dma_start3A_322 : memref<10240x64xf32, #tpu.memory_space<vmem_shared>>) offsets(%dma_start3A_319 : memref<128xi32, #tpu.memory_space<vmem>>) semaphore(%dma_start3A_324 : memref<!tpu.dma_semaphore, #tpu.memory_space<semaphore_mem>>) {add = true}
      %gt3A_325 = arith.constant 0 : i32
      %gt3A_326 = arith.cmpi sgt, %scan3A_253, %gt3A_325 : i32
      %convert_element_type3A_327 = arith.extui %gt3A_326 : i1 to i32
      %cond3A_328 = arith.constant 0 : i32
      %cond3A_329 = arith.cmpi ne, %convert_element_type3A_327, %cond3A_328 : i32
      scf.if %cond3A_329 {
        %add3A_499 = arith.constant 3 : i32
        %add3A_500 = arith.addi %add3A_296, %add3A_499 : i32
        %sub3A_501 = arith.constant 5 : i32
        %sub3A_502 = arith.subi %add3A_500, %sub3A_501 : i32
        %dma_wait3A_503 = arith.constant 4 : i32
        %dma_wait3A_504 = arith.constant 4 : i32
        %dma_wait3A_505 = arith.constant 0 : i32
        %dma_wait3A_506 = arith.constant 0 : i32
        %dma_wait3A_507 = tpu.memref_slice %arg11[%dma_wait3A_503, %dma_wait3A_505, %dma_wait3A_506] : memref<5x128x64xf32, #tpu.memory_space<vmem>> -> memref<1x128x64xf32, #tpu.memory_space<vmem>>
        %dma_wait3A_508 = tpu.memref_squeeze %dma_wait3A_507 : memref<1x128x64xf32, #tpu.memory_space<vmem>> -> memref<128x64xf32, #tpu.memory_space<vmem>>
        %dma_wait3A_509 = arith.constant 0 : i32
        %dma_wait3A_510 = tpu.memref_slice %arg9[%sub3A_502, %dma_wait3A_509] : memref<80x128xi32, #tpu.memory_space<vmem>> -> memref<1x128xi32, #tpu.memory_space<vmem>>
        %dma_wait3A_511 = tpu.memref_squeeze %dma_wait3A_510 : memref<1x128xi32, #tpu.memory_space<vmem>> -> memref<128xi32, #tpu.memory_space<vmem>>
        %dma_wait3A_512 = arith.constant 0 : i32
        %dma_wait3A_513 = arith.constant 0 : i32
        %dma_wait3A_514 = tpu.memref_slice %arg12[%dma_wait3A_512, %dma_wait3A_513] : memref<10240x64xf32, #tpu.memory_space<vmem_shared>> -> memref<10240x64xf32, #tpu.memory_space<vmem_shared>>
        %dma_wait3A_515 = tpu.memref_slice %arg14[%dma_wait3A_504] : memref<5x!tpu.dma_semaphore, #tpu.memory_space<semaphore_mem>> -> memref<1x!tpu.dma_semaphore, #tpu.memory_space<semaphore_mem>>
        %dma_wait3A_516 = tpu.memref_squeeze %dma_wait3A_515 : memref<1x!tpu.dma_semaphore, #tpu.memory_space<semaphore_mem>> -> memref<!tpu.dma_semaphore, #tpu.memory_space<semaphore_mem>>
        tpu.wait_indirect_dma semaphore(%dma_wait3A_516 : memref<!tpu.dma_semaphore, #tpu.memory_space<semaphore_mem>>) src(%dma_wait3A_508 : memref<128x64xf32, #tpu.memory_space<vmem>>) dst(%dma_wait3A_514 : memref<10240x64xf32, #tpu.memory_space<vmem_shared>>)
        %add3A_517 = arith.constant 3 : i32
        %add3A_518 = arith.addi %add3A_296, %add3A_517 : i32
        %dma_start3A_519 = arith.constant 4 : i32
        %dma_start3A_520 = arith.constant 4 : i32
        %dma_start3A_521 = arith.constant 0 : i32
        %dma_start3A_522 = arith.constant 0 : i32
        %dma_start3A_523 = tpu.memref_slice %arg11[%dma_start3A_519, %dma_start3A_521, %dma_start3A_522] : memref<5x128x64xf32, #tpu.memory_space<vmem>> -> memref<1x128x64xf32, #tpu.memory_space<vmem>>
        %dma_start3A_524 = tpu.memref_squeeze %dma_start3A_523 : memref<1x128x64xf32, #tpu.memory_space<vmem>> -> memref<128x64xf32, #tpu.memory_space<vmem>>
        %dma_start3A_525 = arith.constant 0 : i32
        %dma_start3A_526 = tpu.memref_slice %arg8[%add3A_518, %dma_start3A_525] : memref<80x128xi32, #tpu.memory_space<vmem>> -> memref<1x128xi32, #tpu.memory_space<vmem>>
        %dma_start3A_527 = tpu.memref_squeeze %dma_start3A_526 : memref<1x128xi32, #tpu.memory_space<vmem>> -> memref<128xi32, #tpu.memory_space<vmem>>
        %dma_start3A_528 = arith.constant 0 : i32
        %dma_start3A_529 = arith.constant 0 : i32
        %dma_start3A_530 = tpu.memref_slice %arg2[%dma_start3A_528, %dma_start3A_529] : memref<10240x64xf32, #tpu.memory_space<hbm>> -> memref<10240x64xf32, #tpu.memory_space<hbm>>
        %dma_start3A_531 = tpu.memref_slice %arg13[%dma_start3A_520] : memref<5x!tpu.dma_semaphore, #tpu.memory_space<semaphore_mem>> -> memref<1x!tpu.dma_semaphore, #tpu.memory_space<semaphore_mem>>
        %dma_start3A_532 = tpu.memref_squeeze %dma_start3A_531 : memref<1x!tpu.dma_semaphore, #tpu.memory_space<semaphore_mem>> -> memref<!tpu.dma_semaphore, #tpu.memory_space<semaphore_mem>>
        tpu.enqueue_indirect_dma source(%dma_start3A_530 : memref<10240x64xf32, #tpu.memory_space<hbm>>) target(%dma_start3A_524 : memref<128x64xf32, #tpu.memory_space<vmem>>) offsets(%dma_start3A_527 : memref<128xi32, #tpu.memory_space<vmem>>) semaphore(%dma_start3A_532 : memref<!tpu.dma_semaphore, #tpu.memory_space<semaphore_mem>>)
      } else {
      }
      %eq3A_330 = arith.constant 0 : i32
      %eq3A_331 = arith.cmpi eq, %scan3A_253, %eq3A_330 : i32
      %convert_element_type3A_332 = arith.extui %eq3A_331 : i1 to i32
      %cond3A_333 = arith.constant 0 : i32
      %cond3A_334 = arith.cmpi ne, %convert_element_type3A_332, %cond3A_333 : i32
      scf.if %cond3A_334 {
        %add3A_499 = arith.constant 3 : i32
        %add3A_500 = arith.addi %add3A_296, %add3A_499 : i32
        %dma_start3A_501 = arith.constant 4 : i32
        %dma_start3A_502 = arith.constant 4 : i32
        %dma_start3A_503 = arith.constant 0 : i32
        %dma_start3A_504 = arith.constant 0 : i32
        %dma_start3A_505 = tpu.memref_slice %arg11[%dma_start3A_501, %dma_start3A_503, %dma_start3A_504] : memref<5x128x64xf32, #tpu.memory_space<vmem>> -> memref<1x128x64xf32, #tpu.memory_space<vmem>>
        %dma_start3A_506 = tpu.memref_squeeze %dma_start3A_505 : memref<1x128x64xf32, #tpu.memory_space<vmem>> -> memref<128x64xf32, #tpu.memory_space<vmem>>
        %dma_start3A_507 = arith.constant 0 : i32
        %dma_start3A_508 = tpu.memref_slice %arg8[%add3A_500, %dma_start3A_507] : memref<80x128xi32, #tpu.memory_space<vmem>> -> memref<1x128xi32, #tpu.memory_space<vmem>>
        %dma_start3A_509 = tpu.memref_squeeze %dma_start3A_508 : memref<1x128xi32, #tpu.memory_space<vmem>> -> memref<128xi32, #tpu.memory_space<vmem>>
        %dma_start3A_510 = arith.constant 0 : i32
        %dma_start3A_511 = arith.constant 0 : i32
        %dma_start3A_512 = tpu.memref_slice %arg2[%dma_start3A_510, %dma_start3A_511] : memref<10240x64xf32, #tpu.memory_space<hbm>> -> memref<10240x64xf32, #tpu.memory_space<hbm>>
        %dma_start3A_513 = tpu.memref_slice %arg13[%dma_start3A_502] : memref<5x!tpu.dma_semaphore, #tpu.memory_space<semaphore_mem>> -> memref<1x!tpu.dma_semaphore, #tpu.memory_space<semaphore_mem>>
        %dma_start3A_514 = tpu.memref_squeeze %dma_start3A_513 : memref<1x!tpu.dma_semaphore, #tpu.memory_space<semaphore_mem>> -> memref<!tpu.dma_semaphore, #tpu.memory_space<semaphore_mem>>
        tpu.enqueue_indirect_dma source(%dma_start3A_512 : memref<10240x64xf32, #tpu.memory_space<hbm>>) target(%dma_start3A_506 : memref<128x64xf32, #tpu.memory_space<vmem>>) offsets(%dma_start3A_509 : memref<128xi32, #tpu.memory_space<vmem>>) semaphore(%dma_start3A_514 : memref<!tpu.dma_semaphore, #tpu.memory_space<semaphore_mem>>)
      } else {
      }
      %mul3A_335 = arith.constant 5 : i32
      %mul3A_336 = arith.muli %scan3A_253, %mul3A_335 : i32
      %add3A_337 = arith.constant 2 : i32
      %add3A_338 = arith.addi %mul3A_336, %add3A_337 : i32
      %dma_wait3A_339 = arith.constant 2 : i32
      %dma_wait3A_340 = arith.constant 2 : i32
      %dma_wait3A_341 = arith.constant 0 : i32
      %dma_wait3A_342 = arith.constant 0 : i32
      %dma_wait3A_343 = tpu.memref_slice %arg11[%dma_wait3A_339, %dma_wait3A_341, %dma_wait3A_342] : memref<5x128x64xf32, #tpu.memory_space<vmem>> -> memref<1x128x64xf32, #tpu.memory_space<vmem>>
      %dma_wait3A_344 = tpu.memref_squeeze %dma_wait3A_343 : memref<1x128x64xf32, #tpu.memory_space<vmem>> -> memref<128x64xf32, #tpu.memory_space<vmem>>
      %dma_wait3A_345 = arith.constant 0 : i32
      %dma_wait3A_346 = tpu.memref_slice %arg8[%add3A_338, %dma_wait3A_345] : memref<80x128xi32, #tpu.memory_space<vmem>> -> memref<1x128xi32, #tpu.memory_space<vmem>>
      %dma_wait3A_347 = tpu.memref_squeeze %dma_wait3A_346 : memref<1x128xi32, #tpu.memory_space<vmem>> -> memref<128xi32, #tpu.memory_space<vmem>>
      %dma_wait3A_348 = arith.constant 0 : i32
      %dma_wait3A_349 = arith.constant 0 : i32
      %dma_wait3A_350 = tpu.memref_slice %arg2[%dma_wait3A_348, %dma_wait3A_349] : memref<10240x64xf32, #tpu.memory_space<hbm>> -> memref<10240x64xf32, #tpu.memory_space<hbm>>
      %dma_wait3A_351 = tpu.memref_slice %arg13[%dma_wait3A_340] : memref<5x!tpu.dma_semaphore, #tpu.memory_space<semaphore_mem>> -> memref<1x!tpu.dma_semaphore, #tpu.memory_space<semaphore_mem>>
      %dma_wait3A_352 = tpu.memref_squeeze %dma_wait3A_351 : memref<1x!tpu.dma_semaphore, #tpu.memory_space<semaphore_mem>> -> memref<!tpu.dma_semaphore, #tpu.memory_space<semaphore_mem>>
      tpu.wait_indirect_dma semaphore(%dma_wait3A_352 : memref<!tpu.dma_semaphore, #tpu.memory_space<semaphore_mem>>) src(%dma_wait3A_350 : memref<10240x64xf32, #tpu.memory_space<hbm>>) dst(%dma_wait3A_344 : memref<128x64xf32, #tpu.memory_space<vmem>>)
      %dma_start3A_353 = arith.constant 2 : i32
      %dma_start3A_354 = arith.constant 2 : i32
      %dma_start3A_355 = arith.constant 0 : i32
      %dma_start3A_356 = arith.constant 0 : i32
      %dma_start3A_357 = tpu.memref_slice %arg11[%dma_start3A_353, %dma_start3A_355, %dma_start3A_356] : memref<5x128x64xf32, #tpu.memory_space<vmem>> -> memref<1x128x64xf32, #tpu.memory_space<vmem>>
      %dma_start3A_358 = tpu.memref_squeeze %dma_start3A_357 : memref<1x128x64xf32, #tpu.memory_space<vmem>> -> memref<128x64xf32, #tpu.memory_space<vmem>>
      %dma_start3A_359 = arith.constant 0 : i32
      %dma_start3A_360 = tpu.memref_slice %arg9[%add3A_338, %dma_start3A_359] : memref<80x128xi32, #tpu.memory_space<vmem>> -> memref<1x128xi32, #tpu.memory_space<vmem>>
      %dma_start3A_361 = tpu.memref_squeeze %dma_start3A_360 : memref<1x128xi32, #tpu.memory_space<vmem>> -> memref<128xi32, #tpu.memory_space<vmem>>
      %dma_start3A_362 = arith.constant 0 : i32
      %dma_start3A_363 = arith.constant 0 : i32
      %dma_start3A_364 = tpu.memref_slice %arg12[%dma_start3A_362, %dma_start3A_363] : memref<10240x64xf32, #tpu.memory_space<vmem_shared>> -> memref<10240x64xf32, #tpu.memory_space<vmem_shared>>
      %dma_start3A_365 = tpu.memref_slice %arg14[%dma_start3A_354] : memref<5x!tpu.dma_semaphore, #tpu.memory_space<semaphore_mem>> -> memref<1x!tpu.dma_semaphore, #tpu.memory_space<semaphore_mem>>
      %dma_start3A_366 = tpu.memref_squeeze %dma_start3A_365 : memref<1x!tpu.dma_semaphore, #tpu.memory_space<semaphore_mem>> -> memref<!tpu.dma_semaphore, #tpu.memory_space<semaphore_mem>>
      tpu.enqueue_indirect_dma source(%dma_start3A_358 : memref<128x64xf32, #tpu.memory_space<vmem>>) target(%dma_start3A_364 : memref<10240x64xf32, #tpu.memory_space<vmem_shared>>) offsets(%dma_start3A_361 : memref<128xi32, #tpu.memory_space<vmem>>) semaphore(%dma_start3A_366 : memref<!tpu.dma_semaphore, #tpu.memory_space<semaphore_mem>>) {add = true}
      %add3A_367 = arith.constant 3 : i32
      %add3A_368 = arith.addi %add3A_338, %add3A_367 : i32
      %sub3A = arith.constant 5 : i32
      %sub3A_369 = arith.subi %add3A_368, %sub3A : i32
      %dma_wait3A_370 = arith.constant 0 : i32
      %dma_wait3A_371 = arith.constant 0 : i32
      %dma_wait3A_372 = arith.constant 0 : i32
      %dma_wait3A_373 = arith.constant 0 : i32
      %dma_wait3A_374 = tpu.memref_slice %arg11[%dma_wait3A_370, %dma_wait3A_372, %dma_wait3A_373] : memref<5x128x64xf32, #tpu.memory_space<vmem>> -> memref<1x128x64xf32, #tpu.memory_space<vmem>>
      %dma_wait3A_375 = tpu.memref_squeeze %dma_wait3A_374 : memref<1x128x64xf32, #tpu.memory_space<vmem>> -> memref<128x64xf32, #tpu.memory_space<vmem>>
      %dma_wait3A_376 = arith.constant 0 : i32
      %dma_wait3A_377 = tpu.memref_slice %arg9[%sub3A_369, %dma_wait3A_376] : memref<80x128xi32, #tpu.memory_space<vmem>> -> memref<1x128xi32, #tpu.memory_space<vmem>>
      %dma_wait3A_378 = tpu.memref_squeeze %dma_wait3A_377 : memref<1x128xi32, #tpu.memory_space<vmem>> -> memref<128xi32, #tpu.memory_space<vmem>>
      %dma_wait3A_379 = arith.constant 0 : i32
      %dma_wait3A_380 = arith.constant 0 : i32
      %dma_wait3A_381 = tpu.memref_slice %arg12[%dma_wait3A_379, %dma_wait3A_380] : memref<10240x64xf32, #tpu.memory_space<vmem_shared>> -> memref<10240x64xf32, #tpu.memory_space<vmem_shared>>
      %dma_wait3A_382 = tpu.memref_slice %arg14[%dma_wait3A_371] : memref<5x!tpu.dma_semaphore, #tpu.memory_space<semaphore_mem>> -> memref<1x!tpu.dma_semaphore, #tpu.memory_space<semaphore_mem>>
      %dma_wait3A_383 = tpu.memref_squeeze %dma_wait3A_382 : memref<1x!tpu.dma_semaphore, #tpu.memory_space<semaphore_mem>> -> memref<!tpu.dma_semaphore, #tpu.memory_space<semaphore_mem>>
      tpu.wait_indirect_dma semaphore(%dma_wait3A_383 : memref<!tpu.dma_semaphore, #tpu.memory_space<semaphore_mem>>) src(%dma_wait3A_375 : memref<128x64xf32, #tpu.memory_space<vmem>>) dst(%dma_wait3A_381 : memref<10240x64xf32, #tpu.memory_space<vmem_shared>>)
      %lt3A = arith.constant 15 : i32
      %lt3A_384 = arith.cmpi slt, %scan3A_253, %lt3A : i32
      %convert_element_type3A_385 = arith.extui %lt3A_384 : i1 to i32
      %cond3A_386 = arith.constant 0 : i32
      %cond3A_387 = arith.cmpi ne, %convert_element_type3A_385, %cond3A_386 : i32
      scf.if %cond3A_387 {
        %add3A_499 = arith.constant 3 : i32
        %add3A_500 = arith.addi %add3A_338, %add3A_499 : i32
        %dma_start3A_501 = arith.constant 0 : i32
        %dma_start3A_502 = arith.constant 0 : i32
        %dma_start3A_503 = arith.constant 0 : i32
        %dma_start3A_504 = arith.constant 0 : i32
        %dma_start3A_505 = tpu.memref_slice %arg11[%dma_start3A_501, %dma_start3A_503, %dma_start3A_504] : memref<5x128x64xf32, #tpu.memory_space<vmem>> -> memref<1x128x64xf32, #tpu.memory_space<vmem>>
        %dma_start3A_506 = tpu.memref_squeeze %dma_start3A_505 : memref<1x128x64xf32, #tpu.memory_space<vmem>> -> memref<128x64xf32, #tpu.memory_space<vmem>>
        %dma_start3A_507 = arith.constant 0 : i32
        %dma_start3A_508 = tpu.memref_slice %arg8[%add3A_500, %dma_start3A_507] : memref<80x128xi32, #tpu.memory_space<vmem>> -> memref<1x128xi32, #tpu.memory_space<vmem>>
        %dma_start3A_509 = tpu.memref_squeeze %dma_start3A_508 : memref<1x128xi32, #tpu.memory_space<vmem>> -> memref<128xi32, #tpu.memory_space<vmem>>
        %dma_start3A_510 = arith.constant 0 : i32
        %dma_start3A_511 = arith.constant 0 : i32
        %dma_start3A_512 = tpu.memref_slice %arg2[%dma_start3A_510, %dma_start3A_511] : memref<10240x64xf32, #tpu.memory_space<hbm>> -> memref<10240x64xf32, #tpu.memory_space<hbm>>
        %dma_start3A_513 = tpu.memref_slice %arg13[%dma_start3A_502] : memref<5x!tpu.dma_semaphore, #tpu.memory_space<semaphore_mem>> -> memref<1x!tpu.dma_semaphore, #tpu.memory_space<semaphore_mem>>
        %dma_start3A_514 = tpu.memref_squeeze %dma_start3A_513 : memref<1x!tpu.dma_semaphore, #tpu.memory_space<semaphore_mem>> -> memref<!tpu.dma_semaphore, #tpu.memory_space<semaphore_mem>>
        tpu.enqueue_indirect_dma source(%dma_start3A_512 : memref<10240x64xf32, #tpu.memory_space<hbm>>) target(%dma_start3A_506 : memref<128x64xf32, #tpu.memory_space<vmem>>) offsets(%dma_start3A_509 : memref<128xi32, #tpu.memory_space<vmem>>) semaphore(%dma_start3A_514 : memref<!tpu.dma_semaphore, #tpu.memory_space<semaphore_mem>>)
      } else {
      }
      %mul3A_388 = arith.constant 5 : i32
      %mul3A_389 = arith.muli %scan3A_253, %mul3A_388 : i32
      %add3A_390 = arith.constant 3 : i32
      %add3A_391 = arith.addi %mul3A_389, %add3A_390 : i32
      %dma_wait3A_392 = arith.constant 3 : i32
      %dma_wait3A_393 = arith.constant 3 : i32
      %dma_wait3A_394 = arith.constant 0 : i32
      %dma_wait3A_395 = arith.constant 0 : i32
      %dma_wait3A_396 = tpu.memref_slice %arg11[%dma_wait3A_392, %dma_wait3A_394, %dma_wait3A_395] : memref<5x128x64xf32, #tpu.memory_space<vmem>> -> memref<1x128x64xf32, #tpu.memory_space<vmem>>
      %dma_wait3A_397 = tpu.memref_squeeze %dma_wait3A_396 : memref<1x128x64xf32, #tpu.memory_space<vmem>> -> memref<128x64xf32, #tpu.memory_space<vmem>>
      %dma_wait3A_398 = arith.constant 0 : i32
      %dma_wait3A_399 = tpu.memref_slice %arg8[%add3A_391, %dma_wait3A_398] : memref<80x128xi32, #tpu.memory_space<vmem>> -> memref<1x128xi32, #tpu.memory_space<vmem>>
      %dma_wait3A_400 = tpu.memref_squeeze %dma_wait3A_399 : memref<1x128xi32, #tpu.memory_space<vmem>> -> memref<128xi32, #tpu.memory_space<vmem>>
      %dma_wait3A_401 = arith.constant 0 : i32
      %dma_wait3A_402 = arith.constant 0 : i32
      %dma_wait3A_403 = tpu.memref_slice %arg2[%dma_wait3A_401, %dma_wait3A_402] : memref<10240x64xf32, #tpu.memory_space<hbm>> -> memref<10240x64xf32, #tpu.memory_space<hbm>>
      %dma_wait3A_404 = tpu.memref_slice %arg13[%dma_wait3A_393] : memref<5x!tpu.dma_semaphore, #tpu.memory_space<semaphore_mem>> -> memref<1x!tpu.dma_semaphore, #tpu.memory_space<semaphore_mem>>
      %dma_wait3A_405 = tpu.memref_squeeze %dma_wait3A_404 : memref<1x!tpu.dma_semaphore, #tpu.memory_space<semaphore_mem>> -> memref<!tpu.dma_semaphore, #tpu.memory_space<semaphore_mem>>
      tpu.wait_indirect_dma semaphore(%dma_wait3A_405 : memref<!tpu.dma_semaphore, #tpu.memory_space<semaphore_mem>>) src(%dma_wait3A_403 : memref<10240x64xf32, #tpu.memory_space<hbm>>) dst(%dma_wait3A_397 : memref<128x64xf32, #tpu.memory_space<vmem>>)
      %dma_start3A_406 = arith.constant 3 : i32
      %dma_start3A_407 = arith.constant 3 : i32
      %dma_start3A_408 = arith.constant 0 : i32
      %dma_start3A_409 = arith.constant 0 : i32
      %dma_start3A_410 = tpu.memref_slice %arg11[%dma_start3A_406, %dma_start3A_408, %dma_start3A_409] : memref<5x128x64xf32, #tpu.memory_space<vmem>> -> memref<1x128x64xf32, #tpu.memory_space<vmem>>
      %dma_start3A_411 = tpu.memref_squeeze %dma_start3A_410 : memref<1x128x64xf32, #tpu.memory_space<vmem>> -> memref<128x64xf32, #tpu.memory_space<vmem>>
      %dma_start3A_412 = arith.constant 0 : i32
      %dma_start3A_413 = tpu.memref_slice %arg9[%add3A_391, %dma_start3A_412] : memref<80x128xi32, #tpu.memory_space<vmem>> -> memref<1x128xi32, #tpu.memory_space<vmem>>
      %dma_start3A_414 = tpu.memref_squeeze %dma_start3A_413 : memref<1x128xi32, #tpu.memory_space<vmem>> -> memref<128xi32, #tpu.memory_space<vmem>>
      %dma_start3A_415 = arith.constant 0 : i32
      %dma_start3A_416 = arith.constant 0 : i32
      %dma_start3A_417 = tpu.memref_slice %arg12[%dma_start3A_415, %dma_start3A_416] : memref<10240x64xf32, #tpu.memory_space<vmem_shared>> -> memref<10240x64xf32, #tpu.memory_space<vmem_shared>>
      %dma_start3A_418 = tpu.memref_slice %arg14[%dma_start3A_407] : memref<5x!tpu.dma_semaphore, #tpu.memory_space<semaphore_mem>> -> memref<1x!tpu.dma_semaphore, #tpu.memory_space<semaphore_mem>>
      %dma_start3A_419 = tpu.memref_squeeze %dma_start3A_418 : memref<1x!tpu.dma_semaphore, #tpu.memory_space<semaphore_mem>> -> memref<!tpu.dma_semaphore, #tpu.memory_space<semaphore_mem>>
      tpu.enqueue_indirect_dma source(%dma_start3A_411 : memref<128x64xf32, #tpu.memory_space<vmem>>) target(%dma_start3A_417 : memref<10240x64xf32, #tpu.memory_space<vmem_shared>>) offsets(%dma_start3A_414 : memref<128xi32, #tpu.memory_space<vmem>>) semaphore(%dma_start3A_419 : memref<!tpu.dma_semaphore, #tpu.memory_space<semaphore_mem>>) {add = true}
      %add3A_420 = arith.constant 3 : i32
      %add3A_421 = arith.addi %add3A_391, %add3A_420 : i32
      %sub3A_422 = arith.constant 5 : i32
      %sub3A_423 = arith.subi %add3A_421, %sub3A_422 : i32
      %dma_wait3A_424 = arith.constant 1 : i32
      %dma_wait3A_425 = arith.constant 1 : i32
      %dma_wait3A_426 = arith.constant 0 : i32
      %dma_wait3A_427 = arith.constant 0 : i32
      %dma_wait3A_428 = tpu.memref_slice %arg11[%dma_wait3A_424, %dma_wait3A_426, %dma_wait3A_427] : memref<5x128x64xf32, #tpu.memory_space<vmem>> -> memref<1x128x64xf32, #tpu.memory_space<vmem>>
      %dma_wait3A_429 = tpu.memref_squeeze %dma_wait3A_428 : memref<1x128x64xf32, #tpu.memory_space<vmem>> -> memref<128x64xf32, #tpu.memory_space<vmem>>
      %dma_wait3A_430 = arith.constant 0 : i32
      %dma_wait3A_431 = tpu.memref_slice %arg9[%sub3A_423, %dma_wait3A_430] : memref<80x128xi32, #tpu.memory_space<vmem>> -> memref<1x128xi32, #tpu.memory_space<vmem>>
      %dma_wait3A_432 = tpu.memref_squeeze %dma_wait3A_431 : memref<1x128xi32, #tpu.memory_space<vmem>> -> memref<128xi32, #tpu.memory_space<vmem>>
      %dma_wait3A_433 = arith.constant 0 : i32
      %dma_wait3A_434 = arith.constant 0 : i32
      %dma_wait3A_435 = tpu.memref_slice %arg12[%dma_wait3A_433, %dma_wait3A_434] : memref<10240x64xf32, #tpu.memory_space<vmem_shared>> -> memref<10240x64xf32, #tpu.memory_space<vmem_shared>>
      %dma_wait3A_436 = tpu.memref_slice %arg14[%dma_wait3A_425] : memref<5x!tpu.dma_semaphore, #tpu.memory_space<semaphore_mem>> -> memref<1x!tpu.dma_semaphore, #tpu.memory_space<semaphore_mem>>
      %dma_wait3A_437 = tpu.memref_squeeze %dma_wait3A_436 : memref<1x!tpu.dma_semaphore, #tpu.memory_space<semaphore_mem>> -> memref<!tpu.dma_semaphore, #tpu.memory_space<semaphore_mem>>
      tpu.wait_indirect_dma semaphore(%dma_wait3A_437 : memref<!tpu.dma_semaphore, #tpu.memory_space<semaphore_mem>>) src(%dma_wait3A_429 : memref<128x64xf32, #tpu.memory_space<vmem>>) dst(%dma_wait3A_435 : memref<10240x64xf32, #tpu.memory_space<vmem_shared>>)
      %lt3A_438 = arith.constant 15 : i32
      %lt3A_439 = arith.cmpi slt, %scan3A_253, %lt3A_438 : i32
      %convert_element_type3A_440 = arith.extui %lt3A_439 : i1 to i32
      %cond3A_441 = arith.constant 0 : i32
      %cond3A_442 = arith.cmpi ne, %convert_element_type3A_440, %cond3A_441 : i32
      scf.if %cond3A_442 {
        %add3A_499 = arith.constant 3 : i32
        %add3A_500 = arith.addi %add3A_391, %add3A_499 : i32
        %dma_start3A_501 = arith.constant 1 : i32
        %dma_start3A_502 = arith.constant 1 : i32
        %dma_start3A_503 = arith.constant 0 : i32
        %dma_start3A_504 = arith.constant 0 : i32
        %dma_start3A_505 = tpu.memref_slice %arg11[%dma_start3A_501, %dma_start3A_503, %dma_start3A_504] : memref<5x128x64xf32, #tpu.memory_space<vmem>> -> memref<1x128x64xf32, #tpu.memory_space<vmem>>
        %dma_start3A_506 = tpu.memref_squeeze %dma_start3A_505 : memref<1x128x64xf32, #tpu.memory_space<vmem>> -> memref<128x64xf32, #tpu.memory_space<vmem>>
        %dma_start3A_507 = arith.constant 0 : i32
        %dma_start3A_508 = tpu.memref_slice %arg8[%add3A_500, %dma_start3A_507] : memref<80x128xi32, #tpu.memory_space<vmem>> -> memref<1x128xi32, #tpu.memory_space<vmem>>
        %dma_start3A_509 = tpu.memref_squeeze %dma_start3A_508 : memref<1x128xi32, #tpu.memory_space<vmem>> -> memref<128xi32, #tpu.memory_space<vmem>>
        %dma_start3A_510 = arith.constant 0 : i32
        %dma_start3A_511 = arith.constant 0 : i32
        %dma_start3A_512 = tpu.memref_slice %arg2[%dma_start3A_510, %dma_start3A_511] : memref<10240x64xf32, #tpu.memory_space<hbm>> -> memref<10240x64xf32, #tpu.memory_space<hbm>>
        %dma_start3A_513 = tpu.memref_slice %arg13[%dma_start3A_502] : memref<5x!tpu.dma_semaphore, #tpu.memory_space<semaphore_mem>> -> memref<1x!tpu.dma_semaphore, #tpu.memory_space<semaphore_mem>>
        %dma_start3A_514 = tpu.memref_squeeze %dma_start3A_513 : memref<1x!tpu.dma_semaphore, #tpu.memory_space<semaphore_mem>> -> memref<!tpu.dma_semaphore, #tpu.memory_space<semaphore_mem>>
        tpu.enqueue_indirect_dma source(%dma_start3A_512 : memref<10240x64xf32, #tpu.memory_space<hbm>>) target(%dma_start3A_506 : memref<128x64xf32, #tpu.memory_space<vmem>>) offsets(%dma_start3A_509 : memref<128xi32, #tpu.memory_space<vmem>>) semaphore(%dma_start3A_514 : memref<!tpu.dma_semaphore, #tpu.memory_space<semaphore_mem>>)
      } else {
      }
      %mul3A_443 = arith.constant 5 : i32
      %mul3A_444 = arith.muli %scan3A_253, %mul3A_443 : i32
      %add3A_445 = arith.constant 4 : i32
      %add3A_446 = arith.addi %mul3A_444, %add3A_445 : i32
      %dma_wait3A_447 = arith.constant 4 : i32
      %dma_wait3A_448 = arith.constant 4 : i32
      %dma_wait3A_449 = arith.constant 0 : i32
      %dma_wait3A_450 = arith.constant 0 : i32
      %dma_wait3A_451 = tpu.memref_slice %arg11[%dma_wait3A_447, %dma_wait3A_449, %dma_wait3A_450] : memref<5x128x64xf32, #tpu.memory_space<vmem>> -> memref<1x128x64xf32, #tpu.memory_space<vmem>>
      %dma_wait3A_452 = tpu.memref_squeeze %dma_wait3A_451 : memref<1x128x64xf32, #tpu.memory_space<vmem>> -> memref<128x64xf32, #tpu.memory_space<vmem>>
      %dma_wait3A_453 = arith.constant 0 : i32
      %dma_wait3A_454 = tpu.memref_slice %arg8[%add3A_446, %dma_wait3A_453] : memref<80x128xi32, #tpu.memory_space<vmem>> -> memref<1x128xi32, #tpu.memory_space<vmem>>
      %dma_wait3A_455 = tpu.memref_squeeze %dma_wait3A_454 : memref<1x128xi32, #tpu.memory_space<vmem>> -> memref<128xi32, #tpu.memory_space<vmem>>
      %dma_wait3A_456 = arith.constant 0 : i32
      %dma_wait3A_457 = arith.constant 0 : i32
      %dma_wait3A_458 = tpu.memref_slice %arg2[%dma_wait3A_456, %dma_wait3A_457] : memref<10240x64xf32, #tpu.memory_space<hbm>> -> memref<10240x64xf32, #tpu.memory_space<hbm>>
      %dma_wait3A_459 = tpu.memref_slice %arg13[%dma_wait3A_448] : memref<5x!tpu.dma_semaphore, #tpu.memory_space<semaphore_mem>> -> memref<1x!tpu.dma_semaphore, #tpu.memory_space<semaphore_mem>>
      %dma_wait3A_460 = tpu.memref_squeeze %dma_wait3A_459 : memref<1x!tpu.dma_semaphore, #tpu.memory_space<semaphore_mem>> -> memref<!tpu.dma_semaphore, #tpu.memory_space<semaphore_mem>>
      tpu.wait_indirect_dma semaphore(%dma_wait3A_460 : memref<!tpu.dma_semaphore, #tpu.memory_space<semaphore_mem>>) src(%dma_wait3A_458 : memref<10240x64xf32, #tpu.memory_space<hbm>>) dst(%dma_wait3A_452 : memref<128x64xf32, #tpu.memory_space<vmem>>)
      %dma_start3A_461 = arith.constant 4 : i32
      %dma_start3A_462 = arith.constant 4 : i32
      %dma_start3A_463 = arith.constant 0 : i32
      %dma_start3A_464 = arith.constant 0 : i32
      %dma_start3A_465 = tpu.memref_slice %arg11[%dma_start3A_461, %dma_start3A_463, %dma_start3A_464] : memref<5x128x64xf32, #tpu.memory_space<vmem>> -> memref<1x128x64xf32, #tpu.memory_space<vmem>>
      %dma_start3A_466 = tpu.memref_squeeze %dma_start3A_465 : memref<1x128x64xf32, #tpu.memory_space<vmem>> -> memref<128x64xf32, #tpu.memory_space<vmem>>
      %dma_start3A_467 = arith.constant 0 : i32
      %dma_start3A_468 = tpu.memref_slice %arg9[%add3A_446, %dma_start3A_467] : memref<80x128xi32, #tpu.memory_space<vmem>> -> memref<1x128xi32, #tpu.memory_space<vmem>>
      %dma_start3A_469 = tpu.memref_squeeze %dma_start3A_468 : memref<1x128xi32, #tpu.memory_space<vmem>> -> memref<128xi32, #tpu.memory_space<vmem>>
      %dma_start3A_470 = arith.constant 0 : i32
      %dma_start3A_471 = arith.constant 0 : i32
      %dma_start3A_472 = tpu.memref_slice %arg12[%dma_start3A_470, %dma_start3A_471] : memref<10240x64xf32, #tpu.memory_space<vmem_shared>> -> memref<10240x64xf32, #tpu.memory_space<vmem_shared>>
      %dma_start3A_473 = tpu.memref_slice %arg14[%dma_start3A_462] : memref<5x!tpu.dma_semaphore, #tpu.memory_space<semaphore_mem>> -> memref<1x!tpu.dma_semaphore, #tpu.memory_space<semaphore_mem>>
      %dma_start3A_474 = tpu.memref_squeeze %dma_start3A_473 : memref<1x!tpu.dma_semaphore, #tpu.memory_space<semaphore_mem>> -> memref<!tpu.dma_semaphore, #tpu.memory_space<semaphore_mem>>
      tpu.enqueue_indirect_dma source(%dma_start3A_466 : memref<128x64xf32, #tpu.memory_space<vmem>>) target(%dma_start3A_472 : memref<10240x64xf32, #tpu.memory_space<vmem_shared>>) offsets(%dma_start3A_469 : memref<128xi32, #tpu.memory_space<vmem>>) semaphore(%dma_start3A_474 : memref<!tpu.dma_semaphore, #tpu.memory_space<semaphore_mem>>) {add = true}
      %add3A_475 = arith.constant 3 : i32
      %add3A_476 = arith.addi %add3A_446, %add3A_475 : i32
      %sub3A_477 = arith.constant 5 : i32
      %sub3A_478 = arith.subi %add3A_476, %sub3A_477 : i32
      %dma_wait3A_479 = arith.constant 2 : i32
      %dma_wait3A_480 = arith.constant 2 : i32
      %dma_wait3A_481 = arith.constant 0 : i32
      %dma_wait3A_482 = arith.constant 0 : i32
      %dma_wait3A_483 = tpu.memref_slice %arg11[%dma_wait3A_479, %dma_wait3A_481, %dma_wait3A_482] : memref<5x128x64xf32, #tpu.memory_space<vmem>> -> memref<1x128x64xf32, #tpu.memory_space<vmem>>
      %dma_wait3A_484 = tpu.memref_squeeze %dma_wait3A_483 : memref<1x128x64xf32, #tpu.memory_space<vmem>> -> memref<128x64xf32, #tpu.memory_space<vmem>>
      %dma_wait3A_485 = arith.constant 0 : i32
      %dma_wait3A_486 = tpu.memref_slice %arg9[%sub3A_478, %dma_wait3A_485] : memref<80x128xi32, #tpu.memory_space<vmem>> -> memref<1x128xi32, #tpu.memory_space<vmem>>
      %dma_wait3A_487 = tpu.memref_squeeze %dma_wait3A_486 : memref<1x128xi32, #tpu.memory_space<vmem>> -> memref<128xi32, #tpu.memory_space<vmem>>
      %dma_wait3A_488 = arith.constant 0 : i32
      %dma_wait3A_489 = arith.constant 0 : i32
      %dma_wait3A_490 = tpu.memref_slice %arg12[%dma_wait3A_488, %dma_wait3A_489] : memref<10240x64xf32, #tpu.memory_space<vmem_shared>> -> memref<10240x64xf32, #tpu.memory_space<vmem_shared>>
      %dma_wait3A_491 = tpu.memref_slice %arg14[%dma_wait3A_480] : memref<5x!tpu.dma_semaphore, #tpu.memory_space<semaphore_mem>> -> memref<1x!tpu.dma_semaphore, #tpu.memory_space<semaphore_mem>>
      %dma_wait3A_492 = tpu.memref_squeeze %dma_wait3A_491 : memref<1x!tpu.dma_semaphore, #tpu.memory_space<semaphore_mem>> -> memref<!tpu.dma_semaphore, #tpu.memory_space<semaphore_mem>>
      tpu.wait_indirect_dma semaphore(%dma_wait3A_492 : memref<!tpu.dma_semaphore, #tpu.memory_space<semaphore_mem>>) src(%dma_wait3A_484 : memref<128x64xf32, #tpu.memory_space<vmem>>) dst(%dma_wait3A_490 : memref<10240x64xf32, #tpu.memory_space<vmem_shared>>)
      %lt3A_493 = arith.constant 15 : i32
      %lt3A_494 = arith.cmpi slt, %scan3A_253, %lt3A_493 : i32
      %convert_element_type3A_495 = arith.extui %lt3A_494 : i1 to i32
      %cond3A_496 = arith.constant 0 : i32
      %cond3A_497 = arith.cmpi ne, %convert_element_type3A_495, %cond3A_496 : i32
      scf.if %cond3A_497 {
        %add3A_499 = arith.constant 3 : i32
        %add3A_500 = arith.addi %add3A_446, %add3A_499 : i32
        %dma_start3A_501 = arith.constant 2 : i32
        %dma_start3A_502 = arith.constant 2 : i32
        %dma_start3A_503 = arith.constant 0 : i32
        %dma_start3A_504 = arith.constant 0 : i32
        %dma_start3A_505 = tpu.memref_slice %arg11[%dma_start3A_501, %dma_start3A_503, %dma_start3A_504] : memref<5x128x64xf32, #tpu.memory_space<vmem>> -> memref<1x128x64xf32, #tpu.memory_space<vmem>>
        %dma_start3A_506 = tpu.memref_squeeze %dma_start3A_505 : memref<1x128x64xf32, #tpu.memory_space<vmem>> -> memref<128x64xf32, #tpu.memory_space<vmem>>
        %dma_start3A_507 = arith.constant 0 : i32
        %dma_start3A_508 = tpu.memref_slice %arg8[%add3A_500, %dma_start3A_507] : memref<80x128xi32, #tpu.memory_space<vmem>> -> memref<1x128xi32, #tpu.memory_space<vmem>>
        %dma_start3A_509 = tpu.memref_squeeze %dma_start3A_508 : memref<1x128xi32, #tpu.memory_space<vmem>> -> memref<128xi32, #tpu.memory_space<vmem>>
        %dma_start3A_510 = arith.constant 0 : i32
        %dma_start3A_511 = arith.constant 0 : i32
        %dma_start3A_512 = tpu.memref_slice %arg2[%dma_start3A_510, %dma_start3A_511] : memref<10240x64xf32, #tpu.memory_space<hbm>> -> memref<10240x64xf32, #tpu.memory_space<hbm>>
        %dma_start3A_513 = tpu.memref_slice %arg13[%dma_start3A_502] : memref<5x!tpu.dma_semaphore, #tpu.memory_space<semaphore_mem>> -> memref<1x!tpu.dma_semaphore, #tpu.memory_space<semaphore_mem>>
        %dma_start3A_514 = tpu.memref_squeeze %dma_start3A_513 : memref<1x!tpu.dma_semaphore, #tpu.memory_space<semaphore_mem>> -> memref<!tpu.dma_semaphore, #tpu.memory_space<semaphore_mem>>
        tpu.enqueue_indirect_dma source(%dma_start3A_512 : memref<10240x64xf32, #tpu.memory_space<hbm>>) target(%dma_start3A_506 : memref<128x64xf32, #tpu.memory_space<vmem>>) offsets(%dma_start3A_509 : memref<128xi32, #tpu.memory_space<vmem>>) semaphore(%dma_start3A_514 : memref<!tpu.dma_semaphore, #tpu.memory_space<semaphore_mem>>)
      } else {
      }
      %scan3A_498 = arith.constant 0 : i32
      scf.yield %scan3A_498 : i32
    }
    %scan3A_78 = arith.constant 16 : i32
    %dma_wait3A = arith.constant 3 : i32
    %dma_wait3A_79 = arith.constant 78 : i32
    %dma_wait3A_80 = arith.constant 3 : i32
    %dma_wait3A_81 = arith.constant 0 : i32
    %dma_wait3A_82 = arith.constant 0 : i32
    %dma_wait3A_83 = tpu.memref_slice %arg11[%dma_wait3A, %dma_wait3A_81, %dma_wait3A_82] : memref<5x128x64xf32, #tpu.memory_space<vmem>> -> memref<1x128x64xf32, #tpu.memory_space<vmem>>
    %dma_wait3A_84 = tpu.memref_squeeze %dma_wait3A_83 : memref<1x128x64xf32, #tpu.memory_space<vmem>> -> memref<128x64xf32, #tpu.memory_space<vmem>>
    %dma_wait3A_85 = arith.constant 0 : i32
    %dma_wait3A_86 = tpu.memref_slice %arg9[%dma_wait3A_79, %dma_wait3A_85] : memref<80x128xi32, #tpu.memory_space<vmem>> -> memref<1x128xi32, #tpu.memory_space<vmem>>
    %dma_wait3A_87 = tpu.memref_squeeze %dma_wait3A_86 : memref<1x128xi32, #tpu.memory_space<vmem>> -> memref<128xi32, #tpu.memory_space<vmem>>
    %dma_wait3A_88 = arith.constant 0 : i32
    %dma_wait3A_89 = arith.constant 0 : i32
    %dma_wait3A_90 = tpu.memref_slice %arg12[%dma_wait3A_88, %dma_wait3A_89] : memref<10240x64xf32, #tpu.memory_space<vmem_shared>> -> memref<10240x64xf32, #tpu.memory_space<vmem_shared>>
    %dma_wait3A_91 = tpu.memref_slice %arg14[%dma_wait3A_80] : memref<5x!tpu.dma_semaphore, #tpu.memory_space<semaphore_mem>> -> memref<1x!tpu.dma_semaphore, #tpu.memory_space<semaphore_mem>>
    %dma_wait3A_92 = tpu.memref_squeeze %dma_wait3A_91 : memref<1x!tpu.dma_semaphore, #tpu.memory_space<semaphore_mem>> -> memref<!tpu.dma_semaphore, #tpu.memory_space<semaphore_mem>>
    tpu.wait_indirect_dma semaphore(%dma_wait3A_92 : memref<!tpu.dma_semaphore, #tpu.memory_space<semaphore_mem>>) src(%dma_wait3A_84 : memref<128x64xf32, #tpu.memory_space<vmem>>) dst(%dma_wait3A_90 : memref<10240x64xf32, #tpu.memory_space<vmem_shared>>)
    %dma_wait3A_93 = arith.constant 4 : i32
    %dma_wait3A_94 = arith.constant 79 : i32
    %dma_wait3A_95 = arith.constant 4 : i32
    %dma_wait3A_96 = arith.constant 0 : i32
    %dma_wait3A_97 = arith.constant 0 : i32
    %dma_wait3A_98 = tpu.memref_slice %arg11[%dma_wait3A_93, %dma_wait3A_96, %dma_wait3A_97] : memref<5x128x64xf32, #tpu.memory_space<vmem>> -> memref<1x128x64xf32, #tpu.memory_space<vmem>>
    %dma_wait3A_99 = tpu.memref_squeeze %dma_wait3A_98 : memref<1x128x64xf32, #tpu.memory_space<vmem>> -> memref<128x64xf32, #tpu.memory_space<vmem>>
    %dma_wait3A_100 = arith.constant 0 : i32
    %dma_wait3A_101 = tpu.memref_slice %arg9[%dma_wait3A_94, %dma_wait3A_100] : memref<80x128xi32, #tpu.memory_space<vmem>> -> memref<1x128xi32, #tpu.memory_space<vmem>>
    %dma_wait3A_102 = tpu.memref_squeeze %dma_wait3A_101 : memref<1x128xi32, #tpu.memory_space<vmem>> -> memref<128xi32, #tpu.memory_space<vmem>>
    %dma_wait3A_103 = arith.constant 0 : i32
    %dma_wait3A_104 = arith.constant 0 : i32
    %dma_wait3A_105 = tpu.memref_slice %arg12[%dma_wait3A_103, %dma_wait3A_104] : memref<10240x64xf32, #tpu.memory_space<vmem_shared>> -> memref<10240x64xf32, #tpu.memory_space<vmem_shared>>
    %dma_wait3A_106 = tpu.memref_slice %arg14[%dma_wait3A_95] : memref<5x!tpu.dma_semaphore, #tpu.memory_space<semaphore_mem>> -> memref<1x!tpu.dma_semaphore, #tpu.memory_space<semaphore_mem>>
    %dma_wait3A_107 = tpu.memref_squeeze %dma_wait3A_106 : memref<1x!tpu.dma_semaphore, #tpu.memory_space<semaphore_mem>> -> memref<!tpu.dma_semaphore, #tpu.memory_space<semaphore_mem>>
    tpu.wait_indirect_dma semaphore(%dma_wait3A_107 : memref<!tpu.dma_semaphore, #tpu.memory_space<semaphore_mem>>) src(%dma_wait3A_99 : memref<128x64xf32, #tpu.memory_space<vmem>>) dst(%dma_wait3A_105 : memref<10240x64xf32, #tpu.memory_space<vmem_shared>>)
    %barrier3A_108 = arith.constant 0 : index
    tpu.barrier barrier_id(%barrier3A_108)
    %mul3A_109 = arith.constant 640 : i32
    %mul3A_110 = arith.muli %arg1, %mul3A_109 : i32
    %add3A_111 = arith.constant 0 : i32
    %add3A_112 = arith.addi %mul3A_110, %add3A_111 : i32
    "tpu.region"() ({
      %run_scoped3A = tpu.sem_alloc : memref<!tpu.dma_semaphore, #tpu.memory_space<semaphore_mem>>
      %dma_start3A_253 = arith.constant 0 : i32
      %dma_start3A_254 = tpu.memref_slice %arg6[%arg0, %add3A_112, %dma_start3A_253] : memref<2x10240x64xf32, #tpu.memory_space<hbm>> -> memref<1x128x64xf32, #tpu.memory_space<hbm>>
      %dma_start3A_255 = tpu.memref_squeeze %dma_start3A_254 : memref<1x128x64xf32, #tpu.memory_space<hbm>> -> memref<128x64xf32, #tpu.memory_space<hbm>>
      %dma_start3A_256 = arith.constant 0 : i32
      %dma_start3A_257 = tpu.memref_slice %arg12[%add3A_112, %dma_start3A_256] : memref<10240x64xf32, #tpu.memory_space<vmem_shared>> -> memref<128x64xf32, #tpu.memory_space<vmem_shared>>
      tpu.enqueue_dma source(%dma_start3A_257 : memref<128x64xf32, #tpu.memory_space<vmem_shared>>) target(%dma_start3A_255 : memref<128x64xf32, #tpu.memory_space<hbm>>) target_semaphore(%run_scoped3A : memref<!tpu.dma_semaphore, #tpu.memory_space<semaphore_mem>>)
      %dma_wait3A_258 = arith.constant 0 : i32
      %dma_wait3A_259 = tpu.memref_slice %arg6[%arg0, %add3A_112, %dma_wait3A_258] : memref<2x10240x64xf32, #tpu.memory_space<hbm>> -> memref<1x128x64xf32, #tpu.memory_space<hbm>>
      %dma_wait3A_260 = tpu.memref_squeeze %dma_wait3A_259 : memref<1x128x64xf32, #tpu.memory_space<hbm>> -> memref<128x64xf32, #tpu.memory_space<hbm>>
      %dma_wait3A_261 = arith.constant 0 : i32
      %dma_wait3A_262 = tpu.memref_slice %arg12[%add3A_112, %dma_wait3A_261] : memref<10240x64xf32, #tpu.memory_space<vmem_shared>> -> memref<128x64xf32, #tpu.memory_space<vmem_shared>>
      tpu.wait_dma2 semaphore(%run_scoped3A : memref<!tpu.dma_semaphore, #tpu.memory_space<semaphore_mem>>) src(%dma_wait3A_262 : memref<128x64xf32, #tpu.memory_space<vmem_shared>>) dst(%dma_wait3A_260 : memref<128x64xf32, #tpu.memory_space<hbm>>)
      tpu.yield
    }) : () -> ()
    %mul3A_113 = arith.constant 640 : i32
    %mul3A_114 = arith.muli %arg1, %mul3A_113 : i32
    %add3A_115 = arith.constant 128 : i32
    %add3A_116 = arith.addi %mul3A_114, %add3A_115 : i32
    "tpu.region"() ({
      %run_scoped3A = tpu.sem_alloc : memref<!tpu.dma_semaphore, #tpu.memory_space<semaphore_mem>>
      %dma_start3A_253 = arith.constant 0 : i32
      %dma_start3A_254 = tpu.memref_slice %arg6[%arg0, %add3A_116, %dma_start3A_253] : memref<2x10240x64xf32, #tpu.memory_space<hbm>> -> memref<1x128x64xf32, #tpu.memory_space<hbm>>
      %dma_start3A_255 = tpu.memref_squeeze %dma_start3A_254 : memref<1x128x64xf32, #tpu.memory_space<hbm>> -> memref<128x64xf32, #tpu.memory_space<hbm>>
      %dma_start3A_256 = arith.constant 0 : i32
      %dma_start3A_257 = tpu.memref_slice %arg12[%add3A_116, %dma_start3A_256] : memref<10240x64xf32, #tpu.memory_space<vmem_shared>> -> memref<128x64xf32, #tpu.memory_space<vmem_shared>>
      tpu.enqueue_dma source(%dma_start3A_257 : memref<128x64xf32, #tpu.memory_space<vmem_shared>>) target(%dma_start3A_255 : memref<128x64xf32, #tpu.memory_space<hbm>>) target_semaphore(%run_scoped3A : memref<!tpu.dma_semaphore, #tpu.memory_space<semaphore_mem>>)
      %dma_wait3A_258 = arith.constant 0 : i32
      %dma_wait3A_259 = tpu.memref_slice %arg6[%arg0, %add3A_116, %dma_wait3A_258] : memref<2x10240x64xf32, #tpu.memory_space<hbm>> -> memref<1x128x64xf32, #tpu.memory_space<hbm>>
      %dma_wait3A_260 = tpu.memref_squeeze %dma_wait3A_259 : memref<1x128x64xf32, #tpu.memory_space<hbm>> -> memref<128x64xf32, #tpu.memory_space<hbm>>
      %dma_wait3A_261 = arith.constant 0 : i32
      %dma_wait3A_262 = tpu.memref_slice %arg12[%add3A_116, %dma_wait3A_261] : memref<10240x64xf32, #tpu.memory_space<vmem_shared>> -> memref<128x64xf32, #tpu.memory_space<vmem_shared>>
      tpu.wait_dma2 semaphore(%run_scoped3A : memref<!tpu.dma_semaphore, #tpu.memory_space<semaphore_mem>>) src(%dma_wait3A_262 : memref<128x64xf32, #tpu.memory_space<vmem_shared>>) dst(%dma_wait3A_260 : memref<128x64xf32, #tpu.memory_space<hbm>>)
      tpu.yield
    }) : () -> ()
    %mul3A_117 = arith.constant 640 : i32
    %mul3A_118 = arith.muli %arg1, %mul3A_117 : i32
    %add3A_119 = arith.constant 256 : i32
    %add3A_120 = arith.addi %mul3A_118, %add3A_119 : i32
    "tpu.region"() ({
      %run_scoped3A = tpu.sem_alloc : memref<!tpu.dma_semaphore, #tpu.memory_space<semaphore_mem>>
      %dma_start3A_253 = arith.constant 0 : i32
      %dma_start3A_254 = tpu.memref_slice %arg6[%arg0, %add3A_120, %dma_start3A_253] : memref<2x10240x64xf32, #tpu.memory_space<hbm>> -> memref<1x128x64xf32, #tpu.memory_space<hbm>>
      %dma_start3A_255 = tpu.memref_squeeze %dma_start3A_254 : memref<1x128x64xf32, #tpu.memory_space<hbm>> -> memref<128x64xf32, #tpu.memory_space<hbm>>
      %dma_start3A_256 = arith.constant 0 : i32
      %dma_start3A_257 = tpu.memref_slice %arg12[%add3A_120, %dma_start3A_256] : memref<10240x64xf32, #tpu.memory_space<vmem_shared>> -> memref<128x64xf32, #tpu.memory_space<vmem_shared>>
      tpu.enqueue_dma source(%dma_start3A_257 : memref<128x64xf32, #tpu.memory_space<vmem_shared>>) target(%dma_start3A_255 : memref<128x64xf32, #tpu.memory_space<hbm>>) target_semaphore(%run_scoped3A : memref<!tpu.dma_semaphore, #tpu.memory_space<semaphore_mem>>)
      %dma_wait3A_258 = arith.constant 0 : i32
      %dma_wait3A_259 = tpu.memref_slice %arg6[%arg0, %add3A_120, %dma_wait3A_258] : memref<2x10240x64xf32, #tpu.memory_space<hbm>> -> memref<1x128x64xf32, #tpu.memory_space<hbm>>
      %dma_wait3A_260 = tpu.memref_squeeze %dma_wait3A_259 : memref<1x128x64xf32, #tpu.memory_space<hbm>> -> memref<128x64xf32, #tpu.memory_space<hbm>>
      %dma_wait3A_261 = arith.constant 0 : i32
      %dma_wait3A_262 = tpu.memref_slice %arg12[%add3A_120, %dma_wait3A_261] : memref<10240x64xf32, #tpu.memory_space<vmem_shared>> -> memref<128x64xf32, #tpu.memory_space<vmem_shared>>
      tpu.wait_dma2 semaphore(%run_scoped3A : memref<!tpu.dma_semaphore, #tpu.memory_space<semaphore_mem>>) src(%dma_wait3A_262 : memref<128x64xf32, #tpu.memory_space<vmem_shared>>) dst(%dma_wait3A_260 : memref<128x64xf32, #tpu.memory_space<hbm>>)
      tpu.yield
    }) : () -> ()
    %mul3A_121 = arith.constant 640 : i32
    %mul3A_122 = arith.muli %arg1, %mul3A_121 : i32
    %add3A_123 = arith.constant 384 : i32
    %add3A_124 = arith.addi %mul3A_122, %add3A_123 : i32
    "tpu.region"() ({
      %run_scoped3A = tpu.sem_alloc : memref<!tpu.dma_semaphore, #tpu.memory_space<semaphore_mem>>
      %dma_start3A_253 = arith.constant 0 : i32
      %dma_start3A_254 = tpu.memref_slice %arg6[%arg0, %add3A_124, %dma_start3A_253] : memref<2x10240x64xf32, #tpu.memory_space<hbm>> -> memref<1x128x64xf32, #tpu.memory_space<hbm>>
      %dma_start3A_255 = tpu.memref_squeeze %dma_start3A_254 : memref<1x128x64xf32, #tpu.memory_space<hbm>> -> memref<128x64xf32, #tpu.memory_space<hbm>>
      %dma_start3A_256 = arith.constant 0 : i32
      %dma_start3A_257 = tpu.memref_slice %arg12[%add3A_124, %dma_start3A_256] : memref<10240x64xf32, #tpu.memory_space<vmem_shared>> -> memref<128x64xf32, #tpu.memory_space<vmem_shared>>
      tpu.enqueue_dma source(%dma_start3A_257 : memref<128x64xf32, #tpu.memory_space<vmem_shared>>) target(%dma_start3A_255 : memref<128x64xf32, #tpu.memory_space<hbm>>) target_semaphore(%run_scoped3A : memref<!tpu.dma_semaphore, #tpu.memory_space<semaphore_mem>>)
      %dma_wait3A_258 = arith.constant 0 : i32
      %dma_wait3A_259 = tpu.memref_slice %arg6[%arg0, %add3A_124, %dma_wait3A_258] : memref<2x10240x64xf32, #tpu.memory_space<hbm>> -> memref<1x128x64xf32, #tpu.memory_space<hbm>>
      %dma_wait3A_260 = tpu.memref_squeeze %dma_wait3A_259 : memref<1x128x64xf32, #tpu.memory_space<hbm>> -> memref<128x64xf32, #tpu.memory_space<hbm>>
      %dma_wait3A_261 = arith.constant 0 : i32
      %dma_wait3A_262 = tpu.memref_slice %arg12[%add3A_124, %dma_wait3A_261] : memref<10240x64xf32, #tpu.memory_space<vmem_shared>> -> memref<128x64xf32, #tpu.memory_space<vmem_shared>>
      tpu.wait_dma2 semaphore(%run_scoped3A : memref<!tpu.dma_semaphore, #tpu.memory_space<semaphore_mem>>) src(%dma_wait3A_262 : memref<128x64xf32, #tpu.memory_space<vmem_shared>>) dst(%dma_wait3A_260 : memref<128x64xf32, #tpu.memory_space<hbm>>)
      tpu.yield
    }) : () -> ()
    %mul3A_125 = arith.constant 640 : i32
    %mul3A_126 = arith.muli %arg1, %mul3A_125 : i32
    %add3A_127 = arith.constant 512 : i32
    %add3A_128 = arith.addi %mul3A_126, %add3A_127 : i32
    "tpu.region"() ({
      %run_scoped3A = tpu.sem_alloc : memref<!tpu.dma_semaphore, #tpu.memory_space<semaphore_mem>>
      %dma_start3A_253 = arith.constant 0 : i32
      %dma_start3A_254 = tpu.memref_slice %arg6[%arg0, %add3A_128, %dma_start3A_253] : memref<2x10240x64xf32, #tpu.memory_space<hbm>> -> memref<1x128x64xf32, #tpu.memory_space<hbm>>
      %dma_start3A_255 = tpu.memref_squeeze %dma_start3A_254 : memref<1x128x64xf32, #tpu.memory_space<hbm>> -> memref<128x64xf32, #tpu.memory_space<hbm>>
      %dma_start3A_256 = arith.constant 0 : i32
      %dma_start3A_257 = tpu.memref_slice %arg12[%add3A_128, %dma_start3A_256] : memref<10240x64xf32, #tpu.memory_space<vmem_shared>> -> memref<128x64xf32, #tpu.memory_space<vmem_shared>>
      tpu.enqueue_dma source(%dma_start3A_257 : memref<128x64xf32, #tpu.memory_space<vmem_shared>>) target(%dma_start3A_255 : memref<128x64xf32, #tpu.memory_space<hbm>>) target_semaphore(%run_scoped3A : memref<!tpu.dma_semaphore, #tpu.memory_space<semaphore_mem>>)
      %dma_wait3A_258 = arith.constant 0 : i32
      %dma_wait3A_259 = tpu.memref_slice %arg6[%arg0, %add3A_128, %dma_wait3A_258] : memref<2x10240x64xf32, #tpu.memory_space<hbm>> -> memref<1x128x64xf32, #tpu.memory_space<hbm>>
      %dma_wait3A_260 = tpu.memref_squeeze %dma_wait3A_259 : memref<1x128x64xf32, #tpu.memory_space<hbm>> -> memref<128x64xf32, #tpu.memory_space<hbm>>
      %dma_wait3A_261 = arith.constant 0 : i32
      %dma_wait3A_262 = tpu.memref_slice %arg12[%add3A_128, %dma_wait3A_261] : memref<10240x64xf32, #tpu.memory_space<vmem_shared>> -> memref<128x64xf32, #tpu.memory_space<vmem_shared>>
      tpu.wait_dma2 semaphore(%run_scoped3A : memref<!tpu.dma_semaphore, #tpu.memory_space<semaphore_mem>>) src(%dma_wait3A_262 : memref<128x64xf32, #tpu.memory_space<vmem_shared>>) dst(%dma_wait3A_260 : memref<128x64xf32, #tpu.memory_space<hbm>>)
      tpu.yield
    }) : () -> ()
    %mul3A_129 = arith.constant 640 : i32
    %mul3A_130 = arith.muli %arg1, %mul3A_129 : i32
    %add3A_131 = arith.constant 0 : i32
    %add3A_132 = arith.addi %mul3A_130, %add3A_131 : i32
    "tpu.region"() ({
      %run_scoped3A = tpu.sem_alloc : memref<!tpu.dma_semaphore, #tpu.memory_space<semaphore_mem>>
      %dma_start3A_253 = arith.constant 0 : i32
      %dma_start3A_254 = tpu.memref_slice %arg12[%add3A_132, %dma_start3A_253] : memref<10240x64xf32, #tpu.memory_space<vmem_shared>> -> memref<128x64xf32, #tpu.memory_space<vmem_shared>>
      %dma_start3A_255 = arith.constant 0 : i32
      %dma_start3A_256 = tpu.memref_slice %arg12[%add3A_132, %dma_start3A_255] : memref<10240x64xf32, #tpu.memory_space<vmem_shared>> -> memref<128x64xf32, #tpu.memory_space<vmem_shared>>
      tpu.enqueue_dma source(%arg10 : memref<128x64xf32, #tpu.memory_space<vmem>>) target(%dma_start3A_256 : memref<128x64xf32, #tpu.memory_space<vmem_shared>>) target_semaphore(%run_scoped3A : memref<!tpu.dma_semaphore, #tpu.memory_space<semaphore_mem>>)
      %dma_wait3A_257 = arith.constant 0 : i32
      %dma_wait3A_258 = tpu.memref_slice %arg12[%add3A_132, %dma_wait3A_257] : memref<10240x64xf32, #tpu.memory_space<vmem_shared>> -> memref<128x64xf32, #tpu.memory_space<vmem_shared>>
      %dma_wait3A_259 = arith.constant 0 : i32
      %dma_wait3A_260 = tpu.memref_slice %arg12[%add3A_132, %dma_wait3A_259] : memref<10240x64xf32, #tpu.memory_space<vmem_shared>> -> memref<128x64xf32, #tpu.memory_space<vmem_shared>>
      tpu.wait_dma2 semaphore(%run_scoped3A : memref<!tpu.dma_semaphore, #tpu.memory_space<semaphore_mem>>) src(%arg10 : memref<128x64xf32, #tpu.memory_space<vmem>>) dst(%dma_wait3A_260 : memref<128x64xf32, #tpu.memory_space<vmem_shared>>)
      tpu.yield
    }) : () -> ()
    %mul3A_133 = arith.constant 640 : i32
    %mul3A_134 = arith.muli %arg1, %mul3A_133 : i32
    %add3A_135 = arith.constant 128 : i32
    %add3A_136 = arith.addi %mul3A_134, %add3A_135 : i32
    "tpu.region"() ({
      %run_scoped3A = tpu.sem_alloc : memref<!tpu.dma_semaphore, #tpu.memory_space<semaphore_mem>>
      %dma_start3A_253 = arith.constant 0 : i32
      %dma_start3A_254 = tpu.memref_slice %arg12[%add3A_136, %dma_start3A_253] : memref<10240x64xf32, #tpu.memory_space<vmem_shared>> -> memref<128x64xf32, #tpu.memory_space<vmem_shared>>
      %dma_start3A_255 = arith.constant 0 : i32
      %dma_start3A_256 = tpu.memref_slice %arg12[%add3A_136, %dma_start3A_255] : memref<10240x64xf32, #tpu.memory_space<vmem_shared>> -> memref<128x64xf32, #tpu.memory_space<vmem_shared>>
      tpu.enqueue_dma source(%arg10 : memref<128x64xf32, #tpu.memory_space<vmem>>) target(%dma_start3A_256 : memref<128x64xf32, #tpu.memory_space<vmem_shared>>) target_semaphore(%run_scoped3A : memref<!tpu.dma_semaphore, #tpu.memory_space<semaphore_mem>>)
      %dma_wait3A_257 = arith.constant 0 : i32
      %dma_wait3A_258 = tpu.memref_slice %arg12[%add3A_136, %dma_wait3A_257] : memref<10240x64xf32, #tpu.memory_space<vmem_shared>> -> memref<128x64xf32, #tpu.memory_space<vmem_shared>>
      %dma_wait3A_259 = arith.constant 0 : i32
      %dma_wait3A_260 = tpu.memref_slice %arg12[%add3A_136, %dma_wait3A_259] : memref<10240x64xf32, #tpu.memory_space<vmem_shared>> -> memref<128x64xf32, #tpu.memory_space<vmem_shared>>
      tpu.wait_dma2 semaphore(%run_scoped3A : memref<!tpu.dma_semaphore, #tpu.memory_space<semaphore_mem>>) src(%arg10 : memref<128x64xf32, #tpu.memory_space<vmem>>) dst(%dma_wait3A_260 : memref<128x64xf32, #tpu.memory_space<vmem_shared>>)
      tpu.yield
    }) : () -> ()
    %mul3A_137 = arith.constant 640 : i32
    %mul3A_138 = arith.muli %arg1, %mul3A_137 : i32
    %add3A_139 = arith.constant 256 : i32
    %add3A_140 = arith.addi %mul3A_138, %add3A_139 : i32
    "tpu.region"() ({
      %run_scoped3A = tpu.sem_alloc : memref<!tpu.dma_semaphore, #tpu.memory_space<semaphore_mem>>
      %dma_start3A_253 = arith.constant 0 : i32
      %dma_start3A_254 = tpu.memref_slice %arg12[%add3A_140, %dma_start3A_253] : memref<10240x64xf32, #tpu.memory_space<vmem_shared>> -> memref<128x64xf32, #tpu.memory_space<vmem_shared>>
      %dma_start3A_255 = arith.constant 0 : i32
      %dma_start3A_256 = tpu.memref_slice %arg12[%add3A_140, %dma_start3A_255] : memref<10240x64xf32, #tpu.memory_space<vmem_shared>> -> memref<128x64xf32, #tpu.memory_space<vmem_shared>>
      tpu.enqueue_dma source(%arg10 : memref<128x64xf32, #tpu.memory_space<vmem>>) target(%dma_start3A_256 : memref<128x64xf32, #tpu.memory_space<vmem_shared>>) target_semaphore(%run_scoped3A : memref<!tpu.dma_semaphore, #tpu.memory_space<semaphore_mem>>)
      %dma_wait3A_257 = arith.constant 0 : i32
      %dma_wait3A_258 = tpu.memref_slice %arg12[%add3A_140, %dma_wait3A_257] : memref<10240x64xf32, #tpu.memory_space<vmem_shared>> -> memref<128x64xf32, #tpu.memory_space<vmem_shared>>
      %dma_wait3A_259 = arith.constant 0 : i32
      %dma_wait3A_260 = tpu.memref_slice %arg12[%add3A_140, %dma_wait3A_259] : memref<10240x64xf32, #tpu.memory_space<vmem_shared>> -> memref<128x64xf32, #tpu.memory_space<vmem_shared>>
      tpu.wait_dma2 semaphore(%run_scoped3A : memref<!tpu.dma_semaphore, #tpu.memory_space<semaphore_mem>>) src(%arg10 : memref<128x64xf32, #tpu.memory_space<vmem>>) dst(%dma_wait3A_260 : memref<128x64xf32, #tpu.memory_space<vmem_shared>>)
      tpu.yield
    }) : () -> ()
    %mul3A_141 = arith.constant 640 : i32
    %mul3A_142 = arith.muli %arg1, %mul3A_141 : i32
    %add3A_143 = arith.constant 384 : i32
    %add3A_144 = arith.addi %mul3A_142, %add3A_143 : i32
    "tpu.region"() ({
      %run_scoped3A = tpu.sem_alloc : memref<!tpu.dma_semaphore, #tpu.memory_space<semaphore_mem>>
      %dma_start3A_253 = arith.constant 0 : i32
      %dma_start3A_254 = tpu.memref_slice %arg12[%add3A_144, %dma_start3A_253] : memref<10240x64xf32, #tpu.memory_space<vmem_shared>> -> memref<128x64xf32, #tpu.memory_space<vmem_shared>>
      %dma_start3A_255 = arith.constant 0 : i32
      %dma_start3A_256 = tpu.memref_slice %arg12[%add3A_144, %dma_start3A_255] : memref<10240x64xf32, #tpu.memory_space<vmem_shared>> -> memref<128x64xf32, #tpu.memory_space<vmem_shared>>
      tpu.enqueue_dma source(%arg10 : memref<128x64xf32, #tpu.memory_space<vmem>>) target(%dma_start3A_256 : memref<128x64xf32, #tpu.memory_space<vmem_shared>>) target_semaphore(%run_scoped3A : memref<!tpu.dma_semaphore, #tpu.memory_space<semaphore_mem>>)
      %dma_wait3A_257 = arith.constant 0 : i32
      %dma_wait3A_258 = tpu.memref_slice %arg12[%add3A_144, %dma_wait3A_257] : memref<10240x64xf32, #tpu.memory_space<vmem_shared>> -> memref<128x64xf32, #tpu.memory_space<vmem_shared>>
      %dma_wait3A_259 = arith.constant 0 : i32
      %dma_wait3A_260 = tpu.memref_slice %arg12[%add3A_144, %dma_wait3A_259] : memref<10240x64xf32, #tpu.memory_space<vmem_shared>> -> memref<128x64xf32, #tpu.memory_space<vmem_shared>>
      tpu.wait_dma2 semaphore(%run_scoped3A : memref<!tpu.dma_semaphore, #tpu.memory_space<semaphore_mem>>) src(%arg10 : memref<128x64xf32, #tpu.memory_space<vmem>>) dst(%dma_wait3A_260 : memref<128x64xf32, #tpu.memory_space<vmem_shared>>)
      tpu.yield
    }) : () -> ()
    %mul3A_145 = arith.constant 640 : i32
    %mul3A_146 = arith.muli %arg1, %mul3A_145 : i32
    %add3A_147 = arith.constant 512 : i32
    %add3A_148 = arith.addi %mul3A_146, %add3A_147 : i32
    "tpu.region"() ({
      %run_scoped3A = tpu.sem_alloc : memref<!tpu.dma_semaphore, #tpu.memory_space<semaphore_mem>>
      %dma_start3A_253 = arith.constant 0 : i32
      %dma_start3A_254 = tpu.memref_slice %arg12[%add3A_148, %dma_start3A_253] : memref<10240x64xf32, #tpu.memory_space<vmem_shared>> -> memref<128x64xf32, #tpu.memory_space<vmem_shared>>
      %dma_start3A_255 = arith.constant 0 : i32
      %dma_start3A_256 = tpu.memref_slice %arg12[%add3A_148, %dma_start3A_255] : memref<10240x64xf32, #tpu.memory_space<vmem_shared>> -> memref<128x64xf32, #tpu.memory_space<vmem_shared>>
      tpu.enqueue_dma source(%arg10 : memref<128x64xf32, #tpu.memory_space<vmem>>) target(%dma_start3A_256 : memref<128x64xf32, #tpu.memory_space<vmem_shared>>) target_semaphore(%run_scoped3A : memref<!tpu.dma_semaphore, #tpu.memory_space<semaphore_mem>>)
      %dma_wait3A_257 = arith.constant 0 : i32
      %dma_wait3A_258 = tpu.memref_slice %arg12[%add3A_148, %dma_wait3A_257] : memref<10240x64xf32, #tpu.memory_space<vmem_shared>> -> memref<128x64xf32, #tpu.memory_space<vmem_shared>>
      %dma_wait3A_259 = arith.constant 0 : i32
      %dma_wait3A_260 = tpu.memref_slice %arg12[%add3A_148, %dma_wait3A_259] : memref<10240x64xf32, #tpu.memory_space<vmem_shared>> -> memref<128x64xf32, #tpu.memory_space<vmem_shared>>
      tpu.wait_dma2 semaphore(%run_scoped3A : memref<!tpu.dma_semaphore, #tpu.memory_space<semaphore_mem>>) src(%arg10 : memref<128x64xf32, #tpu.memory_space<vmem>>) dst(%dma_wait3A_260 : memref<128x64xf32, #tpu.memory_space<vmem_shared>>)
      tpu.yield
    }) : () -> ()
    %barrier3A_149 = arith.constant 0 : index
    tpu.barrier barrier_id(%barrier3A_149)
    %dma_start3A_150 = arith.constant 0 : i32
    %dma_start3A_151 = arith.constant 0 : i32
    %dma_start3A_152 = arith.constant 0 : i32
    %dma_start3A_153 = arith.constant 0 : i32
    %dma_start3A_154 = arith.constant 0 : i32
    %dma_start3A_155 = tpu.memref_slice %arg11[%dma_start3A_151, %dma_start3A_153, %dma_start3A_154] : memref<5x128x64xf32, #tpu.memory_space<vmem>> -> memref<1x128x64xf32, #tpu.memory_space<vmem>>
    %dma_start3A_156 = tpu.memref_squeeze %dma_start3A_155 : memref<1x128x64xf32, #tpu.memory_space<vmem>> -> memref<128x64xf32, #tpu.memory_space<vmem>>
    %dma_start3A_157 = arith.constant 0 : i32
    %dma_start3A_158 = tpu.memref_slice %arg8[%dma_start3A_150, %dma_start3A_157] : memref<80x128xi32, #tpu.memory_space<vmem>> -> memref<1x128xi32, #tpu.memory_space<vmem>>
    %dma_start3A_159 = tpu.memref_squeeze %dma_start3A_158 : memref<1x128xi32, #tpu.memory_space<vmem>> -> memref<128xi32, #tpu.memory_space<vmem>>
    %dma_start3A_160 = arith.constant 0 : i32
    %dma_start3A_161 = arith.constant 0 : i32
    %dma_start3A_162 = tpu.memref_slice %arg3[%dma_start3A_160, %dma_start3A_161] : memref<10240x64xf32, #tpu.memory_space<hbm>> -> memref<10240x64xf32, #tpu.memory_space<hbm>>
    %dma_start3A_163 = tpu.memref_slice %arg13[%dma_start3A_152] : memref<5x!tpu.dma_semaphore, #tpu.memory_space<semaphore_mem>> -> memref<1x!tpu.dma_semaphore, #tpu.memory_space<semaphore_mem>>
    %dma_start3A_164 = tpu.memref_squeeze %dma_start3A_163 : memref<1x!tpu.dma_semaphore, #tpu.memory_space<semaphore_mem>> -> memref<!tpu.dma_semaphore, #tpu.memory_space<semaphore_mem>>
    tpu.enqueue_indirect_dma source(%dma_start3A_162 : memref<10240x64xf32, #tpu.memory_space<hbm>>) target(%dma_start3A_156 : memref<128x64xf32, #tpu.memory_space<vmem>>) offsets(%dma_start3A_159 : memref<128xi32, #tpu.memory_space<vmem>>) semaphore(%dma_start3A_164 : memref<!tpu.dma_semaphore, #tpu.memory_space<semaphore_mem>>)
    %dma_start3A_165 = arith.constant 1 : i32
    %dma_start3A_166 = arith.constant 1 : i32
    %dma_start3A_167 = arith.constant 1 : i32
    %dma_start3A_168 = arith.constant 0 : i32
    %dma_start3A_169 = arith.constant 0 : i32
    %dma_start3A_170 = tpu.memref_slice %arg11[%dma_start3A_166, %dma_start3A_168, %dma_start3A_169] : memref<5x128x64xf32, #tpu.memory_space<vmem>> -> memref<1x128x64xf32, #tpu.memory_space<vmem>>
    %dma_start3A_171 = tpu.memref_squeeze %dma_start3A_170 : memref<1x128x64xf32, #tpu.memory_space<vmem>> -> memref<128x64xf32, #tpu.memory_space<vmem>>
    %dma_start3A_172 = arith.constant 0 : i32
    %dma_start3A_173 = tpu.memref_slice %arg8[%dma_start3A_165, %dma_start3A_172] : memref<80x128xi32, #tpu.memory_space<vmem>> -> memref<1x128xi32, #tpu.memory_space<vmem>>
    %dma_start3A_174 = tpu.memref_squeeze %dma_start3A_173 : memref<1x128xi32, #tpu.memory_space<vmem>> -> memref<128xi32, #tpu.memory_space<vmem>>
    %dma_start3A_175 = arith.constant 0 : i32
    %dma_start3A_176 = arith.constant 0 : i32
    %dma_start3A_177 = tpu.memref_slice %arg3[%dma_start3A_175, %dma_start3A_176] : memref<10240x64xf32, #tpu.memory_space<hbm>> -> memref<10240x64xf32, #tpu.memory_space<hbm>>
    %dma_start3A_178 = tpu.memref_slice %arg13[%dma_start3A_167] : memref<5x!tpu.dma_semaphore, #tpu.memory_space<semaphore_mem>> -> memref<1x!tpu.dma_semaphore, #tpu.memory_space<semaphore_mem>>
    %dma_start3A_179 = tpu.memref_squeeze %dma_start3A_178 : memref<1x!tpu.dma_semaphore, #tpu.memory_space<semaphore_mem>> -> memref<!tpu.dma_semaphore, #tpu.memory_space<semaphore_mem>>
    tpu.enqueue_indirect_dma source(%dma_start3A_177 : memref<10240x64xf32, #tpu.memory_space<hbm>>) target(%dma_start3A_171 : memref<128x64xf32, #tpu.memory_space<vmem>>) offsets(%dma_start3A_174 : memref<128xi32, #tpu.memory_space<vmem>>) semaphore(%dma_start3A_179 : memref<!tpu.dma_semaphore, #tpu.memory_space<semaphore_mem>>)
    %dma_start3A_180 = arith.constant 2 : i32
    %dma_start3A_181 = arith.constant 2 : i32
    %dma_start3A_182 = arith.constant 2 : i32
    %dma_start3A_183 = arith.constant 0 : i32
    %dma_start3A_184 = arith.constant 0 : i32
    %dma_start3A_185 = tpu.memref_slice %arg11[%dma_start3A_181, %dma_start3A_183, %dma_start3A_184] : memref<5x128x64xf32, #tpu.memory_space<vmem>> -> memref<1x128x64xf32, #tpu.memory_space<vmem>>
    %dma_start3A_186 = tpu.memref_squeeze %dma_start3A_185 : memref<1x128x64xf32, #tpu.memory_space<vmem>> -> memref<128x64xf32, #tpu.memory_space<vmem>>
    %dma_start3A_187 = arith.constant 0 : i32
    %dma_start3A_188 = tpu.memref_slice %arg8[%dma_start3A_180, %dma_start3A_187] : memref<80x128xi32, #tpu.memory_space<vmem>> -> memref<1x128xi32, #tpu.memory_space<vmem>>
    %dma_start3A_189 = tpu.memref_squeeze %dma_start3A_188 : memref<1x128xi32, #tpu.memory_space<vmem>> -> memref<128xi32, #tpu.memory_space<vmem>>
    %dma_start3A_190 = arith.constant 0 : i32
    %dma_start3A_191 = arith.constant 0 : i32
    %dma_start3A_192 = tpu.memref_slice %arg3[%dma_start3A_190, %dma_start3A_191] : memref<10240x64xf32, #tpu.memory_space<hbm>> -> memref<10240x64xf32, #tpu.memory_space<hbm>>
    %dma_start3A_193 = tpu.memref_slice %arg13[%dma_start3A_182] : memref<5x!tpu.dma_semaphore, #tpu.memory_space<semaphore_mem>> -> memref<1x!tpu.dma_semaphore, #tpu.memory_space<semaphore_mem>>
    %dma_start3A_194 = tpu.memref_squeeze %dma_start3A_193 : memref<1x!tpu.dma_semaphore, #tpu.memory_space<semaphore_mem>> -> memref<!tpu.dma_semaphore, #tpu.memory_space<semaphore_mem>>
    tpu.enqueue_indirect_dma source(%dma_start3A_192 : memref<10240x64xf32, #tpu.memory_space<hbm>>) target(%dma_start3A_186 : memref<128x64xf32, #tpu.memory_space<vmem>>) offsets(%dma_start3A_189 : memref<128xi32, #tpu.memory_space<vmem>>) semaphore(%dma_start3A_194 : memref<!tpu.dma_semaphore, #tpu.memory_space<semaphore_mem>>)
    %scan3A_195 = arith.constant 0 : i32
    %scan3A_196 = arith.constant 0 : i32
    %scan3A_197 = arith.constant 16 : i32
    %scan3A_198 = arith.addi %scan3A_196, %scan3A_197 : i32
    %scan3A_199 = arith.constant 1 : i32
    %scan3A_200 = scf.for %scan3A_253 = %scan3A_196 to %scan3A_198 step %scan3A_199 iter_args(%scan3A_254 = %scan3A_195) -> (i32)  : i32 {
      %mul3A_255 = arith.constant 5 : i32
      %mul3A_256 = arith.muli %scan3A_253, %mul3A_255 : i32
      %add3A_257 = arith.constant 0 : i32
      %add3A_258 = arith.addi %mul3A_256, %add3A_257 : i32
      %dma_wait3A_259 = arith.constant 0 : i32
      %dma_wait3A_260 = arith.constant 0 : i32
      %dma_wait3A_261 = arith.constant 0 : i32
      %dma_wait3A_262 = arith.constant 0 : i32
      %dma_wait3A_263 = tpu.memref_slice %arg11[%dma_wait3A_259, %dma_wait3A_261, %dma_wait3A_262] : memref<5x128x64xf32, #tpu.memory_space<vmem>> -> memref<1x128x64xf32, #tpu.memory_space<vmem>>
      %dma_wait3A_264 = tpu.memref_squeeze %dma_wait3A_263 : memref<1x128x64xf32, #tpu.memory_space<vmem>> -> memref<128x64xf32, #tpu.memory_space<vmem>>
      %dma_wait3A_265 = arith.constant 0 : i32
      %dma_wait3A_266 = tpu.memref_slice %arg8[%add3A_258, %dma_wait3A_265] : memref<80x128xi32, #tpu.memory_space<vmem>> -> memref<1x128xi32, #tpu.memory_space<vmem>>
      %dma_wait3A_267 = tpu.memref_squeeze %dma_wait3A_266 : memref<1x128xi32, #tpu.memory_space<vmem>> -> memref<128xi32, #tpu.memory_space<vmem>>
      %dma_wait3A_268 = arith.constant 0 : i32
      %dma_wait3A_269 = arith.constant 0 : i32
      %dma_wait3A_270 = tpu.memref_slice %arg3[%dma_wait3A_268, %dma_wait3A_269] : memref<10240x64xf32, #tpu.memory_space<hbm>> -> memref<10240x64xf32, #tpu.memory_space<hbm>>
      %dma_wait3A_271 = tpu.memref_slice %arg13[%dma_wait3A_260] : memref<5x!tpu.dma_semaphore, #tpu.memory_space<semaphore_mem>> -> memref<1x!tpu.dma_semaphore, #tpu.memory_space<semaphore_mem>>
      %dma_wait3A_272 = tpu.memref_squeeze %dma_wait3A_271 : memref<1x!tpu.dma_semaphore, #tpu.memory_space<semaphore_mem>> -> memref<!tpu.dma_semaphore, #tpu.memory_space<semaphore_mem>>
      tpu.wait_indirect_dma semaphore(%dma_wait3A_272 : memref<!tpu.dma_semaphore, #tpu.memory_space<semaphore_mem>>) src(%dma_wait3A_270 : memref<10240x64xf32, #tpu.memory_space<hbm>>) dst(%dma_wait3A_264 : memref<128x64xf32, #tpu.memory_space<vmem>>)
      %dma_start3A_273 = arith.constant 0 : i32
      %dma_start3A_274 = arith.constant 0 : i32
      %dma_start3A_275 = arith.constant 0 : i32
      %dma_start3A_276 = arith.constant 0 : i32
      %dma_start3A_277 = tpu.memref_slice %arg11[%dma_start3A_273, %dma_start3A_275, %dma_start3A_276] : memref<5x128x64xf32, #tpu.memory_space<vmem>> -> memref<1x128x64xf32, #tpu.memory_space<vmem>>
      %dma_start3A_278 = tpu.memref_squeeze %dma_start3A_277 : memref<1x128x64xf32, #tpu.memory_space<vmem>> -> memref<128x64xf32, #tpu.memory_space<vmem>>
      %dma_start3A_279 = arith.constant 0 : i32
      %dma_start3A_280 = tpu.memref_slice %arg9[%add3A_258, %dma_start3A_279] : memref<80x128xi32, #tpu.memory_space<vmem>> -> memref<1x128xi32, #tpu.memory_space<vmem>>
      %dma_start3A_281 = tpu.memref_squeeze %dma_start3A_280 : memref<1x128xi32, #tpu.memory_space<vmem>> -> memref<128xi32, #tpu.memory_space<vmem>>
      %dma_start3A_282 = arith.constant 0 : i32
      %dma_start3A_283 = arith.constant 0 : i32
      %dma_start3A_284 = tpu.memref_slice %arg12[%dma_start3A_282, %dma_start3A_283] : memref<10240x64xf32, #tpu.memory_space<vmem_shared>> -> memref<10240x64xf32, #tpu.memory_space<vmem_shared>>
      %dma_start3A_285 = tpu.memref_slice %arg14[%dma_start3A_274] : memref<5x!tpu.dma_semaphore, #tpu.memory_space<semaphore_mem>> -> memref<1x!tpu.dma_semaphore, #tpu.memory_space<semaphore_mem>>
      %dma_start3A_286 = tpu.memref_squeeze %dma_start3A_285 : memref<1x!tpu.dma_semaphore, #tpu.memory_space<semaphore_mem>> -> memref<!tpu.dma_semaphore, #tpu.memory_space<semaphore_mem>>
      tpu.enqueue_indirect_dma source(%dma_start3A_278 : memref<128x64xf32, #tpu.memory_space<vmem>>) target(%dma_start3A_284 : memref<10240x64xf32, #tpu.memory_space<vmem_shared>>) offsets(%dma_start3A_281 : memref<128xi32, #tpu.memory_space<vmem>>) semaphore(%dma_start3A_286 : memref<!tpu.dma_semaphore, #tpu.memory_space<semaphore_mem>>) {add = true}
      %gt3A = arith.constant 0 : i32
      %gt3A_287 = arith.cmpi sgt, %scan3A_253, %gt3A : i32
      %convert_element_type3A = arith.extui %gt3A_287 : i1 to i32
      %cond3A = arith.constant 0 : i32
      %cond3A_288 = arith.cmpi ne, %convert_element_type3A, %cond3A : i32
      scf.if %cond3A_288 {
        %add3A_499 = arith.constant 3 : i32
        %add3A_500 = arith.addi %add3A_258, %add3A_499 : i32
        %sub3A_501 = arith.constant 5 : i32
        %sub3A_502 = arith.subi %add3A_500, %sub3A_501 : i32
        %dma_wait3A_503 = arith.constant 3 : i32
        %dma_wait3A_504 = arith.constant 3 : i32
        %dma_wait3A_505 = arith.constant 0 : i32
        %dma_wait3A_506 = arith.constant 0 : i32
        %dma_wait3A_507 = tpu.memref_slice %arg11[%dma_wait3A_503, %dma_wait3A_505, %dma_wait3A_506] : memref<5x128x64xf32, #tpu.memory_space<vmem>> -> memref<1x128x64xf32, #tpu.memory_space<vmem>>
        %dma_wait3A_508 = tpu.memref_squeeze %dma_wait3A_507 : memref<1x128x64xf32, #tpu.memory_space<vmem>> -> memref<128x64xf32, #tpu.memory_space<vmem>>
        %dma_wait3A_509 = arith.constant 0 : i32
        %dma_wait3A_510 = tpu.memref_slice %arg9[%sub3A_502, %dma_wait3A_509] : memref<80x128xi32, #tpu.memory_space<vmem>> -> memref<1x128xi32, #tpu.memory_space<vmem>>
        %dma_wait3A_511 = tpu.memref_squeeze %dma_wait3A_510 : memref<1x128xi32, #tpu.memory_space<vmem>> -> memref<128xi32, #tpu.memory_space<vmem>>
        %dma_wait3A_512 = arith.constant 0 : i32
        %dma_wait3A_513 = arith.constant 0 : i32
        %dma_wait3A_514 = tpu.memref_slice %arg12[%dma_wait3A_512, %dma_wait3A_513] : memref<10240x64xf32, #tpu.memory_space<vmem_shared>> -> memref<10240x64xf32, #tpu.memory_space<vmem_shared>>
        %dma_wait3A_515 = tpu.memref_slice %arg14[%dma_wait3A_504] : memref<5x!tpu.dma_semaphore, #tpu.memory_space<semaphore_mem>> -> memref<1x!tpu.dma_semaphore, #tpu.memory_space<semaphore_mem>>
        %dma_wait3A_516 = tpu.memref_squeeze %dma_wait3A_515 : memref<1x!tpu.dma_semaphore, #tpu.memory_space<semaphore_mem>> -> memref<!tpu.dma_semaphore, #tpu.memory_space<semaphore_mem>>
        tpu.wait_indirect_dma semaphore(%dma_wait3A_516 : memref<!tpu.dma_semaphore, #tpu.memory_space<semaphore_mem>>) src(%dma_wait3A_508 : memref<128x64xf32, #tpu.memory_space<vmem>>) dst(%dma_wait3A_514 : memref<10240x64xf32, #tpu.memory_space<vmem_shared>>)
        %add3A_517 = arith.constant 3 : i32
        %add3A_518 = arith.addi %add3A_258, %add3A_517 : i32
        %dma_start3A_519 = arith.constant 3 : i32
        %dma_start3A_520 = arith.constant 3 : i32
        %dma_start3A_521 = arith.constant 0 : i32
        %dma_start3A_522 = arith.constant 0 : i32
        %dma_start3A_523 = tpu.memref_slice %arg11[%dma_start3A_519, %dma_start3A_521, %dma_start3A_522] : memref<5x128x64xf32, #tpu.memory_space<vmem>> -> memref<1x128x64xf32, #tpu.memory_space<vmem>>
        %dma_start3A_524 = tpu.memref_squeeze %dma_start3A_523 : memref<1x128x64xf32, #tpu.memory_space<vmem>> -> memref<128x64xf32, #tpu.memory_space<vmem>>
        %dma_start3A_525 = arith.constant 0 : i32
        %dma_start3A_526 = tpu.memref_slice %arg8[%add3A_518, %dma_start3A_525] : memref<80x128xi32, #tpu.memory_space<vmem>> -> memref<1x128xi32, #tpu.memory_space<vmem>>
        %dma_start3A_527 = tpu.memref_squeeze %dma_start3A_526 : memref<1x128xi32, #tpu.memory_space<vmem>> -> memref<128xi32, #tpu.memory_space<vmem>>
        %dma_start3A_528 = arith.constant 0 : i32
        %dma_start3A_529 = arith.constant 0 : i32
        %dma_start3A_530 = tpu.memref_slice %arg3[%dma_start3A_528, %dma_start3A_529] : memref<10240x64xf32, #tpu.memory_space<hbm>> -> memref<10240x64xf32, #tpu.memory_space<hbm>>
        %dma_start3A_531 = tpu.memref_slice %arg13[%dma_start3A_520] : memref<5x!tpu.dma_semaphore, #tpu.memory_space<semaphore_mem>> -> memref<1x!tpu.dma_semaphore, #tpu.memory_space<semaphore_mem>>
        %dma_start3A_532 = tpu.memref_squeeze %dma_start3A_531 : memref<1x!tpu.dma_semaphore, #tpu.memory_space<semaphore_mem>> -> memref<!tpu.dma_semaphore, #tpu.memory_space<semaphore_mem>>
        tpu.enqueue_indirect_dma source(%dma_start3A_530 : memref<10240x64xf32, #tpu.memory_space<hbm>>) target(%dma_start3A_524 : memref<128x64xf32, #tpu.memory_space<vmem>>) offsets(%dma_start3A_527 : memref<128xi32, #tpu.memory_space<vmem>>) semaphore(%dma_start3A_532 : memref<!tpu.dma_semaphore, #tpu.memory_space<semaphore_mem>>)
      } else {
      }
      %eq3A = arith.constant 0 : i32
      %eq3A_289 = arith.cmpi eq, %scan3A_253, %eq3A : i32
      %convert_element_type3A_290 = arith.extui %eq3A_289 : i1 to i32
      %cond3A_291 = arith.constant 0 : i32
      %cond3A_292 = arith.cmpi ne, %convert_element_type3A_290, %cond3A_291 : i32
      scf.if %cond3A_292 {
        %add3A_499 = arith.constant 3 : i32
        %add3A_500 = arith.addi %add3A_258, %add3A_499 : i32
        %dma_start3A_501 = arith.constant 3 : i32
        %dma_start3A_502 = arith.constant 3 : i32
        %dma_start3A_503 = arith.constant 0 : i32
        %dma_start3A_504 = arith.constant 0 : i32
        %dma_start3A_505 = tpu.memref_slice %arg11[%dma_start3A_501, %dma_start3A_503, %dma_start3A_504] : memref<5x128x64xf32, #tpu.memory_space<vmem>> -> memref<1x128x64xf32, #tpu.memory_space<vmem>>
        %dma_start3A_506 = tpu.memref_squeeze %dma_start3A_505 : memref<1x128x64xf32, #tpu.memory_space<vmem>> -> memref<128x64xf32, #tpu.memory_space<vmem>>
        %dma_start3A_507 = arith.constant 0 : i32
        %dma_start3A_508 = tpu.memref_slice %arg8[%add3A_500, %dma_start3A_507] : memref<80x128xi32, #tpu.memory_space<vmem>> -> memref<1x128xi32, #tpu.memory_space<vmem>>
        %dma_start3A_509 = tpu.memref_squeeze %dma_start3A_508 : memref<1x128xi32, #tpu.memory_space<vmem>> -> memref<128xi32, #tpu.memory_space<vmem>>
        %dma_start3A_510 = arith.constant 0 : i32
        %dma_start3A_511 = arith.constant 0 : i32
        %dma_start3A_512 = tpu.memref_slice %arg3[%dma_start3A_510, %dma_start3A_511] : memref<10240x64xf32, #tpu.memory_space<hbm>> -> memref<10240x64xf32, #tpu.memory_space<hbm>>
        %dma_start3A_513 = tpu.memref_slice %arg13[%dma_start3A_502] : memref<5x!tpu.dma_semaphore, #tpu.memory_space<semaphore_mem>> -> memref<1x!tpu.dma_semaphore, #tpu.memory_space<semaphore_mem>>
        %dma_start3A_514 = tpu.memref_squeeze %dma_start3A_513 : memref<1x!tpu.dma_semaphore, #tpu.memory_space<semaphore_mem>> -> memref<!tpu.dma_semaphore, #tpu.memory_space<semaphore_mem>>
        tpu.enqueue_indirect_dma source(%dma_start3A_512 : memref<10240x64xf32, #tpu.memory_space<hbm>>) target(%dma_start3A_506 : memref<128x64xf32, #tpu.memory_space<vmem>>) offsets(%dma_start3A_509 : memref<128xi32, #tpu.memory_space<vmem>>) semaphore(%dma_start3A_514 : memref<!tpu.dma_semaphore, #tpu.memory_space<semaphore_mem>>)
      } else {
      }
      %mul3A_293 = arith.constant 5 : i32
      %mul3A_294 = arith.muli %scan3A_253, %mul3A_293 : i32
      %add3A_295 = arith.constant 1 : i32
      %add3A_296 = arith.addi %mul3A_294, %add3A_295 : i32
      %dma_wait3A_297 = arith.constant 1 : i32
      %dma_wait3A_298 = arith.constant 1 : i32
      %dma_wait3A_299 = arith.constant 0 : i32
      %dma_wait3A_300 = arith.constant 0 : i32
      %dma_wait3A_301 = tpu.memref_slice %arg11[%dma_wait3A_297, %dma_wait3A_299, %dma_wait3A_300] : memref<5x128x64xf32, #tpu.memory_space<vmem>> -> memref<1x128x64xf32, #tpu.memory_space<vmem>>
      %dma_wait3A_302 = tpu.memref_squeeze %dma_wait3A_301 : memref<1x128x64xf32, #tpu.memory_space<vmem>> -> memref<128x64xf32, #tpu.memory_space<vmem>>
      %dma_wait3A_303 = arith.constant 0 : i32
      %dma_wait3A_304 = tpu.memref_slice %arg8[%add3A_296, %dma_wait3A_303] : memref<80x128xi32, #tpu.memory_space<vmem>> -> memref<1x128xi32, #tpu.memory_space<vmem>>
      %dma_wait3A_305 = tpu.memref_squeeze %dma_wait3A_304 : memref<1x128xi32, #tpu.memory_space<vmem>> -> memref<128xi32, #tpu.memory_space<vmem>>
      %dma_wait3A_306 = arith.constant 0 : i32
      %dma_wait3A_307 = arith.constant 0 : i32
      %dma_wait3A_308 = tpu.memref_slice %arg3[%dma_wait3A_306, %dma_wait3A_307] : memref<10240x64xf32, #tpu.memory_space<hbm>> -> memref<10240x64xf32, #tpu.memory_space<hbm>>
      %dma_wait3A_309 = tpu.memref_slice %arg13[%dma_wait3A_298] : memref<5x!tpu.dma_semaphore, #tpu.memory_space<semaphore_mem>> -> memref<1x!tpu.dma_semaphore, #tpu.memory_space<semaphore_mem>>
      %dma_wait3A_310 = tpu.memref_squeeze %dma_wait3A_309 : memref<1x!tpu.dma_semaphore, #tpu.memory_space<semaphore_mem>> -> memref<!tpu.dma_semaphore, #tpu.memory_space<semaphore_mem>>
      tpu.wait_indirect_dma semaphore(%dma_wait3A_310 : memref<!tpu.dma_semaphore, #tpu.memory_space<semaphore_mem>>) src(%dma_wait3A_308 : memref<10240x64xf32, #tpu.memory_space<hbm>>) dst(%dma_wait3A_302 : memref<128x64xf32, #tpu.memory_space<vmem>>)
      %dma_start3A_311 = arith.constant 1 : i32
      %dma_start3A_312 = arith.constant 1 : i32
      %dma_start3A_313 = arith.constant 0 : i32
      %dma_start3A_314 = arith.constant 0 : i32
      %dma_start3A_315 = tpu.memref_slice %arg11[%dma_start3A_311, %dma_start3A_313, %dma_start3A_314] : memref<5x128x64xf32, #tpu.memory_space<vmem>> -> memref<1x128x64xf32, #tpu.memory_space<vmem>>
      %dma_start3A_316 = tpu.memref_squeeze %dma_start3A_315 : memref<1x128x64xf32, #tpu.memory_space<vmem>> -> memref<128x64xf32, #tpu.memory_space<vmem>>
      %dma_start3A_317 = arith.constant 0 : i32
      %dma_start3A_318 = tpu.memref_slice %arg9[%add3A_296, %dma_start3A_317] : memref<80x128xi32, #tpu.memory_space<vmem>> -> memref<1x128xi32, #tpu.memory_space<vmem>>
      %dma_start3A_319 = tpu.memref_squeeze %dma_start3A_318 : memref<1x128xi32, #tpu.memory_space<vmem>> -> memref<128xi32, #tpu.memory_space<vmem>>
      %dma_start3A_320 = arith.constant 0 : i32
      %dma_start3A_321 = arith.constant 0 : i32
      %dma_start3A_322 = tpu.memref_slice %arg12[%dma_start3A_320, %dma_start3A_321] : memref<10240x64xf32, #tpu.memory_space<vmem_shared>> -> memref<10240x64xf32, #tpu.memory_space<vmem_shared>>
      %dma_start3A_323 = tpu.memref_slice %arg14[%dma_start3A_312] : memref<5x!tpu.dma_semaphore, #tpu.memory_space<semaphore_mem>> -> memref<1x!tpu.dma_semaphore, #tpu.memory_space<semaphore_mem>>
      %dma_start3A_324 = tpu.memref_squeeze %dma_start3A_323 : memref<1x!tpu.dma_semaphore, #tpu.memory_space<semaphore_mem>> -> memref<!tpu.dma_semaphore, #tpu.memory_space<semaphore_mem>>
      tpu.enqueue_indirect_dma source(%dma_start3A_316 : memref<128x64xf32, #tpu.memory_space<vmem>>) target(%dma_start3A_322 : memref<10240x64xf32, #tpu.memory_space<vmem_shared>>) offsets(%dma_start3A_319 : memref<128xi32, #tpu.memory_space<vmem>>) semaphore(%dma_start3A_324 : memref<!tpu.dma_semaphore, #tpu.memory_space<semaphore_mem>>) {add = true}
      %gt3A_325 = arith.constant 0 : i32
      %gt3A_326 = arith.cmpi sgt, %scan3A_253, %gt3A_325 : i32
      %convert_element_type3A_327 = arith.extui %gt3A_326 : i1 to i32
      %cond3A_328 = arith.constant 0 : i32
      %cond3A_329 = arith.cmpi ne, %convert_element_type3A_327, %cond3A_328 : i32
      scf.if %cond3A_329 {
        %add3A_499 = arith.constant 3 : i32
        %add3A_500 = arith.addi %add3A_296, %add3A_499 : i32
        %sub3A_501 = arith.constant 5 : i32
        %sub3A_502 = arith.subi %add3A_500, %sub3A_501 : i32
        %dma_wait3A_503 = arith.constant 4 : i32
        %dma_wait3A_504 = arith.constant 4 : i32
        %dma_wait3A_505 = arith.constant 0 : i32
        %dma_wait3A_506 = arith.constant 0 : i32
        %dma_wait3A_507 = tpu.memref_slice %arg11[%dma_wait3A_503, %dma_wait3A_505, %dma_wait3A_506] : memref<5x128x64xf32, #tpu.memory_space<vmem>> -> memref<1x128x64xf32, #tpu.memory_space<vmem>>
        %dma_wait3A_508 = tpu.memref_squeeze %dma_wait3A_507 : memref<1x128x64xf32, #tpu.memory_space<vmem>> -> memref<128x64xf32, #tpu.memory_space<vmem>>
        %dma_wait3A_509 = arith.constant 0 : i32
        %dma_wait3A_510 = tpu.memref_slice %arg9[%sub3A_502, %dma_wait3A_509] : memref<80x128xi32, #tpu.memory_space<vmem>> -> memref<1x128xi32, #tpu.memory_space<vmem>>
        %dma_wait3A_511 = tpu.memref_squeeze %dma_wait3A_510 : memref<1x128xi32, #tpu.memory_space<vmem>> -> memref<128xi32, #tpu.memory_space<vmem>>
        %dma_wait3A_512 = arith.constant 0 : i32
        %dma_wait3A_513 = arith.constant 0 : i32
        %dma_wait3A_514 = tpu.memref_slice %arg12[%dma_wait3A_512, %dma_wait3A_513] : memref<10240x64xf32, #tpu.memory_space<vmem_shared>> -> memref<10240x64xf32, #tpu.memory_space<vmem_shared>>
        %dma_wait3A_515 = tpu.memref_slice %arg14[%dma_wait3A_504] : memref<5x!tpu.dma_semaphore, #tpu.memory_space<semaphore_mem>> -> memref<1x!tpu.dma_semaphore, #tpu.memory_space<semaphore_mem>>
        %dma_wait3A_516 = tpu.memref_squeeze %dma_wait3A_515 : memref<1x!tpu.dma_semaphore, #tpu.memory_space<semaphore_mem>> -> memref<!tpu.dma_semaphore, #tpu.memory_space<semaphore_mem>>
        tpu.wait_indirect_dma semaphore(%dma_wait3A_516 : memref<!tpu.dma_semaphore, #tpu.memory_space<semaphore_mem>>) src(%dma_wait3A_508 : memref<128x64xf32, #tpu.memory_space<vmem>>) dst(%dma_wait3A_514 : memref<10240x64xf32, #tpu.memory_space<vmem_shared>>)
        %add3A_517 = arith.constant 3 : i32
        %add3A_518 = arith.addi %add3A_296, %add3A_517 : i32
        %dma_start3A_519 = arith.constant 4 : i32
        %dma_start3A_520 = arith.constant 4 : i32
        %dma_start3A_521 = arith.constant 0 : i32
        %dma_start3A_522 = arith.constant 0 : i32
        %dma_start3A_523 = tpu.memref_slice %arg11[%dma_start3A_519, %dma_start3A_521, %dma_start3A_522] : memref<5x128x64xf32, #tpu.memory_space<vmem>> -> memref<1x128x64xf32, #tpu.memory_space<vmem>>
        %dma_start3A_524 = tpu.memref_squeeze %dma_start3A_523 : memref<1x128x64xf32, #tpu.memory_space<vmem>> -> memref<128x64xf32, #tpu.memory_space<vmem>>
        %dma_start3A_525 = arith.constant 0 : i32
        %dma_start3A_526 = tpu.memref_slice %arg8[%add3A_518, %dma_start3A_525] : memref<80x128xi32, #tpu.memory_space<vmem>> -> memref<1x128xi32, #tpu.memory_space<vmem>>
        %dma_start3A_527 = tpu.memref_squeeze %dma_start3A_526 : memref<1x128xi32, #tpu.memory_space<vmem>> -> memref<128xi32, #tpu.memory_space<vmem>>
        %dma_start3A_528 = arith.constant 0 : i32
        %dma_start3A_529 = arith.constant 0 : i32
        %dma_start3A_530 = tpu.memref_slice %arg3[%dma_start3A_528, %dma_start3A_529] : memref<10240x64xf32, #tpu.memory_space<hbm>> -> memref<10240x64xf32, #tpu.memory_space<hbm>>
        %dma_start3A_531 = tpu.memref_slice %arg13[%dma_start3A_520] : memref<5x!tpu.dma_semaphore, #tpu.memory_space<semaphore_mem>> -> memref<1x!tpu.dma_semaphore, #tpu.memory_space<semaphore_mem>>
        %dma_start3A_532 = tpu.memref_squeeze %dma_start3A_531 : memref<1x!tpu.dma_semaphore, #tpu.memory_space<semaphore_mem>> -> memref<!tpu.dma_semaphore, #tpu.memory_space<semaphore_mem>>
        tpu.enqueue_indirect_dma source(%dma_start3A_530 : memref<10240x64xf32, #tpu.memory_space<hbm>>) target(%dma_start3A_524 : memref<128x64xf32, #tpu.memory_space<vmem>>) offsets(%dma_start3A_527 : memref<128xi32, #tpu.memory_space<vmem>>) semaphore(%dma_start3A_532 : memref<!tpu.dma_semaphore, #tpu.memory_space<semaphore_mem>>)
      } else {
      }
      %eq3A_330 = arith.constant 0 : i32
      %eq3A_331 = arith.cmpi eq, %scan3A_253, %eq3A_330 : i32
      %convert_element_type3A_332 = arith.extui %eq3A_331 : i1 to i32
      %cond3A_333 = arith.constant 0 : i32
      %cond3A_334 = arith.cmpi ne, %convert_element_type3A_332, %cond3A_333 : i32
      scf.if %cond3A_334 {
        %add3A_499 = arith.constant 3 : i32
        %add3A_500 = arith.addi %add3A_296, %add3A_499 : i32
        %dma_start3A_501 = arith.constant 4 : i32
        %dma_start3A_502 = arith.constant 4 : i32
        %dma_start3A_503 = arith.constant 0 : i32
        %dma_start3A_504 = arith.constant 0 : i32
        %dma_start3A_505 = tpu.memref_slice %arg11[%dma_start3A_501, %dma_start3A_503, %dma_start3A_504] : memref<5x128x64xf32, #tpu.memory_space<vmem>> -> memref<1x128x64xf32, #tpu.memory_space<vmem>>
        %dma_start3A_506 = tpu.memref_squeeze %dma_start3A_505 : memref<1x128x64xf32, #tpu.memory_space<vmem>> -> memref<128x64xf32, #tpu.memory_space<vmem>>
        %dma_start3A_507 = arith.constant 0 : i32
        %dma_start3A_508 = tpu.memref_slice %arg8[%add3A_500, %dma_start3A_507] : memref<80x128xi32, #tpu.memory_space<vmem>> -> memref<1x128xi32, #tpu.memory_space<vmem>>
        %dma_start3A_509 = tpu.memref_squeeze %dma_start3A_508 : memref<1x128xi32, #tpu.memory_space<vmem>> -> memref<128xi32, #tpu.memory_space<vmem>>
        %dma_start3A_510 = arith.constant 0 : i32
        %dma_start3A_511 = arith.constant 0 : i32
        %dma_start3A_512 = tpu.memref_slice %arg3[%dma_start3A_510, %dma_start3A_511] : memref<10240x64xf32, #tpu.memory_space<hbm>> -> memref<10240x64xf32, #tpu.memory_space<hbm>>
        %dma_start3A_513 = tpu.memref_slice %arg13[%dma_start3A_502] : memref<5x!tpu.dma_semaphore, #tpu.memory_space<semaphore_mem>> -> memref<1x!tpu.dma_semaphore, #tpu.memory_space<semaphore_mem>>
        %dma_start3A_514 = tpu.memref_squeeze %dma_start3A_513 : memref<1x!tpu.dma_semaphore, #tpu.memory_space<semaphore_mem>> -> memref<!tpu.dma_semaphore, #tpu.memory_space<semaphore_mem>>
        tpu.enqueue_indirect_dma source(%dma_start3A_512 : memref<10240x64xf32, #tpu.memory_space<hbm>>) target(%dma_start3A_506 : memref<128x64xf32, #tpu.memory_space<vmem>>) offsets(%dma_start3A_509 : memref<128xi32, #tpu.memory_space<vmem>>) semaphore(%dma_start3A_514 : memref<!tpu.dma_semaphore, #tpu.memory_space<semaphore_mem>>)
      } else {
      }
      %mul3A_335 = arith.constant 5 : i32
      %mul3A_336 = arith.muli %scan3A_253, %mul3A_335 : i32
      %add3A_337 = arith.constant 2 : i32
      %add3A_338 = arith.addi %mul3A_336, %add3A_337 : i32
      %dma_wait3A_339 = arith.constant 2 : i32
      %dma_wait3A_340 = arith.constant 2 : i32
      %dma_wait3A_341 = arith.constant 0 : i32
      %dma_wait3A_342 = arith.constant 0 : i32
      %dma_wait3A_343 = tpu.memref_slice %arg11[%dma_wait3A_339, %dma_wait3A_341, %dma_wait3A_342] : memref<5x128x64xf32, #tpu.memory_space<vmem>> -> memref<1x128x64xf32, #tpu.memory_space<vmem>>
      %dma_wait3A_344 = tpu.memref_squeeze %dma_wait3A_343 : memref<1x128x64xf32, #tpu.memory_space<vmem>> -> memref<128x64xf32, #tpu.memory_space<vmem>>
      %dma_wait3A_345 = arith.constant 0 : i32
      %dma_wait3A_346 = tpu.memref_slice %arg8[%add3A_338, %dma_wait3A_345] : memref<80x128xi32, #tpu.memory_space<vmem>> -> memref<1x128xi32, #tpu.memory_space<vmem>>
      %dma_wait3A_347 = tpu.memref_squeeze %dma_wait3A_346 : memref<1x128xi32, #tpu.memory_space<vmem>> -> memref<128xi32, #tpu.memory_space<vmem>>
      %dma_wait3A_348 = arith.constant 0 : i32
      %dma_wait3A_349 = arith.constant 0 : i32
      %dma_wait3A_350 = tpu.memref_slice %arg3[%dma_wait3A_348, %dma_wait3A_349] : memref<10240x64xf32, #tpu.memory_space<hbm>> -> memref<10240x64xf32, #tpu.memory_space<hbm>>
      %dma_wait3A_351 = tpu.memref_slice %arg13[%dma_wait3A_340] : memref<5x!tpu.dma_semaphore, #tpu.memory_space<semaphore_mem>> -> memref<1x!tpu.dma_semaphore, #tpu.memory_space<semaphore_mem>>
      %dma_wait3A_352 = tpu.memref_squeeze %dma_wait3A_351 : memref<1x!tpu.dma_semaphore, #tpu.memory_space<semaphore_mem>> -> memref<!tpu.dma_semaphore, #tpu.memory_space<semaphore_mem>>
      tpu.wait_indirect_dma semaphore(%dma_wait3A_352 : memref<!tpu.dma_semaphore, #tpu.memory_space<semaphore_mem>>) src(%dma_wait3A_350 : memref<10240x64xf32, #tpu.memory_space<hbm>>) dst(%dma_wait3A_344 : memref<128x64xf32, #tpu.memory_space<vmem>>)
      %dma_start3A_353 = arith.constant 2 : i32
      %dma_start3A_354 = arith.constant 2 : i32
      %dma_start3A_355 = arith.constant 0 : i32
      %dma_start3A_356 = arith.constant 0 : i32
      %dma_start3A_357 = tpu.memref_slice %arg11[%dma_start3A_353, %dma_start3A_355, %dma_start3A_356] : memref<5x128x64xf32, #tpu.memory_space<vmem>> -> memref<1x128x64xf32, #tpu.memory_space<vmem>>
      %dma_start3A_358 = tpu.memref_squeeze %dma_start3A_357 : memref<1x128x64xf32, #tpu.memory_space<vmem>> -> memref<128x64xf32, #tpu.memory_space<vmem>>
      %dma_start3A_359 = arith.constant 0 : i32
      %dma_start3A_360 = tpu.memref_slice %arg9[%add3A_338, %dma_start3A_359] : memref<80x128xi32, #tpu.memory_space<vmem>> -> memref<1x128xi32, #tpu.memory_space<vmem>>
      %dma_start3A_361 = tpu.memref_squeeze %dma_start3A_360 : memref<1x128xi32, #tpu.memory_space<vmem>> -> memref<128xi32, #tpu.memory_space<vmem>>
      %dma_start3A_362 = arith.constant 0 : i32
      %dma_start3A_363 = arith.constant 0 : i32
      %dma_start3A_364 = tpu.memref_slice %arg12[%dma_start3A_362, %dma_start3A_363] : memref<10240x64xf32, #tpu.memory_space<vmem_shared>> -> memref<10240x64xf32, #tpu.memory_space<vmem_shared>>
      %dma_start3A_365 = tpu.memref_slice %arg14[%dma_start3A_354] : memref<5x!tpu.dma_semaphore, #tpu.memory_space<semaphore_mem>> -> memref<1x!tpu.dma_semaphore, #tpu.memory_space<semaphore_mem>>
      %dma_start3A_366 = tpu.memref_squeeze %dma_start3A_365 : memref<1x!tpu.dma_semaphore, #tpu.memory_space<semaphore_mem>> -> memref<!tpu.dma_semaphore, #tpu.memory_space<semaphore_mem>>
      tpu.enqueue_indirect_dma source(%dma_start3A_358 : memref<128x64xf32, #tpu.memory_space<vmem>>) target(%dma_start3A_364 : memref<10240x64xf32, #tpu.memory_space<vmem_shared>>) offsets(%dma_start3A_361 : memref<128xi32, #tpu.memory_space<vmem>>) semaphore(%dma_start3A_366 : memref<!tpu.dma_semaphore, #tpu.memory_space<semaphore_mem>>) {add = true}
      %add3A_367 = arith.constant 3 : i32
      %add3A_368 = arith.addi %add3A_338, %add3A_367 : i32
      %sub3A = arith.constant 5 : i32
      %sub3A_369 = arith.subi %add3A_368, %sub3A : i32
      %dma_wait3A_370 = arith.constant 0 : i32
      %dma_wait3A_371 = arith.constant 0 : i32
      %dma_wait3A_372 = arith.constant 0 : i32
      %dma_wait3A_373 = arith.constant 0 : i32
      %dma_wait3A_374 = tpu.memref_slice %arg11[%dma_wait3A_370, %dma_wait3A_372, %dma_wait3A_373] : memref<5x128x64xf32, #tpu.memory_space<vmem>> -> memref<1x128x64xf32, #tpu.memory_space<vmem>>
      %dma_wait3A_375 = tpu.memref_squeeze %dma_wait3A_374 : memref<1x128x64xf32, #tpu.memory_space<vmem>> -> memref<128x64xf32, #tpu.memory_space<vmem>>
      %dma_wait3A_376 = arith.constant 0 : i32
      %dma_wait3A_377 = tpu.memref_slice %arg9[%sub3A_369, %dma_wait3A_376] : memref<80x128xi32, #tpu.memory_space<vmem>> -> memref<1x128xi32, #tpu.memory_space<vmem>>
      %dma_wait3A_378 = tpu.memref_squeeze %dma_wait3A_377 : memref<1x128xi32, #tpu.memory_space<vmem>> -> memref<128xi32, #tpu.memory_space<vmem>>
      %dma_wait3A_379 = arith.constant 0 : i32
      %dma_wait3A_380 = arith.constant 0 : i32
      %dma_wait3A_381 = tpu.memref_slice %arg12[%dma_wait3A_379, %dma_wait3A_380] : memref<10240x64xf32, #tpu.memory_space<vmem_shared>> -> memref<10240x64xf32, #tpu.memory_space<vmem_shared>>
      %dma_wait3A_382 = tpu.memref_slice %arg14[%dma_wait3A_371] : memref<5x!tpu.dma_semaphore, #tpu.memory_space<semaphore_mem>> -> memref<1x!tpu.dma_semaphore, #tpu.memory_space<semaphore_mem>>
      %dma_wait3A_383 = tpu.memref_squeeze %dma_wait3A_382 : memref<1x!tpu.dma_semaphore, #tpu.memory_space<semaphore_mem>> -> memref<!tpu.dma_semaphore, #tpu.memory_space<semaphore_mem>>
      tpu.wait_indirect_dma semaphore(%dma_wait3A_383 : memref<!tpu.dma_semaphore, #tpu.memory_space<semaphore_mem>>) src(%dma_wait3A_375 : memref<128x64xf32, #tpu.memory_space<vmem>>) dst(%dma_wait3A_381 : memref<10240x64xf32, #tpu.memory_space<vmem_shared>>)
      %lt3A = arith.constant 15 : i32
      %lt3A_384 = arith.cmpi slt, %scan3A_253, %lt3A : i32
      %convert_element_type3A_385 = arith.extui %lt3A_384 : i1 to i32
      %cond3A_386 = arith.constant 0 : i32
      %cond3A_387 = arith.cmpi ne, %convert_element_type3A_385, %cond3A_386 : i32
      scf.if %cond3A_387 {
        %add3A_499 = arith.constant 3 : i32
        %add3A_500 = arith.addi %add3A_338, %add3A_499 : i32
        %dma_start3A_501 = arith.constant 0 : i32
        %dma_start3A_502 = arith.constant 0 : i32
        %dma_start3A_503 = arith.constant 0 : i32
        %dma_start3A_504 = arith.constant 0 : i32
        %dma_start3A_505 = tpu.memref_slice %arg11[%dma_start3A_501, %dma_start3A_503, %dma_start3A_504] : memref<5x128x64xf32, #tpu.memory_space<vmem>> -> memref<1x128x64xf32, #tpu.memory_space<vmem>>
        %dma_start3A_506 = tpu.memref_squeeze %dma_start3A_505 : memref<1x128x64xf32, #tpu.memory_space<vmem>> -> memref<128x64xf32, #tpu.memory_space<vmem>>
        %dma_start3A_507 = arith.constant 0 : i32
        %dma_start3A_508 = tpu.memref_slice %arg8[%add3A_500, %dma_start3A_507] : memref<80x128xi32, #tpu.memory_space<vmem>> -> memref<1x128xi32, #tpu.memory_space<vmem>>
        %dma_start3A_509 = tpu.memref_squeeze %dma_start3A_508 : memref<1x128xi32, #tpu.memory_space<vmem>> -> memref<128xi32, #tpu.memory_space<vmem>>
        %dma_start3A_510 = arith.constant 0 : i32
        %dma_start3A_511 = arith.constant 0 : i32
        %dma_start3A_512 = tpu.memref_slice %arg3[%dma_start3A_510, %dma_start3A_511] : memref<10240x64xf32, #tpu.memory_space<hbm>> -> memref<10240x64xf32, #tpu.memory_space<hbm>>
        %dma_start3A_513 = tpu.memref_slice %arg13[%dma_start3A_502] : memref<5x!tpu.dma_semaphore, #tpu.memory_space<semaphore_mem>> -> memref<1x!tpu.dma_semaphore, #tpu.memory_space<semaphore_mem>>
        %dma_start3A_514 = tpu.memref_squeeze %dma_start3A_513 : memref<1x!tpu.dma_semaphore, #tpu.memory_space<semaphore_mem>> -> memref<!tpu.dma_semaphore, #tpu.memory_space<semaphore_mem>>
        tpu.enqueue_indirect_dma source(%dma_start3A_512 : memref<10240x64xf32, #tpu.memory_space<hbm>>) target(%dma_start3A_506 : memref<128x64xf32, #tpu.memory_space<vmem>>) offsets(%dma_start3A_509 : memref<128xi32, #tpu.memory_space<vmem>>) semaphore(%dma_start3A_514 : memref<!tpu.dma_semaphore, #tpu.memory_space<semaphore_mem>>)
      } else {
      }
      %mul3A_388 = arith.constant 5 : i32
      %mul3A_389 = arith.muli %scan3A_253, %mul3A_388 : i32
      %add3A_390 = arith.constant 3 : i32
      %add3A_391 = arith.addi %mul3A_389, %add3A_390 : i32
      %dma_wait3A_392 = arith.constant 3 : i32
      %dma_wait3A_393 = arith.constant 3 : i32
      %dma_wait3A_394 = arith.constant 0 : i32
      %dma_wait3A_395 = arith.constant 0 : i32
      %dma_wait3A_396 = tpu.memref_slice %arg11[%dma_wait3A_392, %dma_wait3A_394, %dma_wait3A_395] : memref<5x128x64xf32, #tpu.memory_space<vmem>> -> memref<1x128x64xf32, #tpu.memory_space<vmem>>
      %dma_wait3A_397 = tpu.memref_squeeze %dma_wait3A_396 : memref<1x128x64xf32, #tpu.memory_space<vmem>> -> memref<128x64xf32, #tpu.memory_space<vmem>>
      %dma_wait3A_398 = arith.constant 0 : i32
      %dma_wait3A_399 = tpu.memref_slice %arg8[%add3A_391, %dma_wait3A_398] : memref<80x128xi32, #tpu.memory_space<vmem>> -> memref<1x128xi32, #tpu.memory_space<vmem>>
      %dma_wait3A_400 = tpu.memref_squeeze %dma_wait3A_399 : memref<1x128xi32, #tpu.memory_space<vmem>> -> memref<128xi32, #tpu.memory_space<vmem>>
      %dma_wait3A_401 = arith.constant 0 : i32
      %dma_wait3A_402 = arith.constant 0 : i32
      %dma_wait3A_403 = tpu.memref_slice %arg3[%dma_wait3A_401, %dma_wait3A_402] : memref<10240x64xf32, #tpu.memory_space<hbm>> -> memref<10240x64xf32, #tpu.memory_space<hbm>>
      %dma_wait3A_404 = tpu.memref_slice %arg13[%dma_wait3A_393] : memref<5x!tpu.dma_semaphore, #tpu.memory_space<semaphore_mem>> -> memref<1x!tpu.dma_semaphore, #tpu.memory_space<semaphore_mem>>
      %dma_wait3A_405 = tpu.memref_squeeze %dma_wait3A_404 : memref<1x!tpu.dma_semaphore, #tpu.memory_space<semaphore_mem>> -> memref<!tpu.dma_semaphore, #tpu.memory_space<semaphore_mem>>
      tpu.wait_indirect_dma semaphore(%dma_wait3A_405 : memref<!tpu.dma_semaphore, #tpu.memory_space<semaphore_mem>>) src(%dma_wait3A_403 : memref<10240x64xf32, #tpu.memory_space<hbm>>) dst(%dma_wait3A_397 : memref<128x64xf32, #tpu.memory_space<vmem>>)
      %dma_start3A_406 = arith.constant 3 : i32
      %dma_start3A_407 = arith.constant 3 : i32
      %dma_start3A_408 = arith.constant 0 : i32
      %dma_start3A_409 = arith.constant 0 : i32
      %dma_start3A_410 = tpu.memref_slice %arg11[%dma_start3A_406, %dma_start3A_408, %dma_start3A_409] : memref<5x128x64xf32, #tpu.memory_space<vmem>> -> memref<1x128x64xf32, #tpu.memory_space<vmem>>
      %dma_start3A_411 = tpu.memref_squeeze %dma_start3A_410 : memref<1x128x64xf32, #tpu.memory_space<vmem>> -> memref<128x64xf32, #tpu.memory_space<vmem>>
      %dma_start3A_412 = arith.constant 0 : i32
      %dma_start3A_413 = tpu.memref_slice %arg9[%add3A_391, %dma_start3A_412] : memref<80x128xi32, #tpu.memory_space<vmem>> -> memref<1x128xi32, #tpu.memory_space<vmem>>
      %dma_start3A_414 = tpu.memref_squeeze %dma_start3A_413 : memref<1x128xi32, #tpu.memory_space<vmem>> -> memref<128xi32, #tpu.memory_space<vmem>>
      %dma_start3A_415 = arith.constant 0 : i32
      %dma_start3A_416 = arith.constant 0 : i32
      %dma_start3A_417 = tpu.memref_slice %arg12[%dma_start3A_415, %dma_start3A_416] : memref<10240x64xf32, #tpu.memory_space<vmem_shared>> -> memref<10240x64xf32, #tpu.memory_space<vmem_shared>>
      %dma_start3A_418 = tpu.memref_slice %arg14[%dma_start3A_407] : memref<5x!tpu.dma_semaphore, #tpu.memory_space<semaphore_mem>> -> memref<1x!tpu.dma_semaphore, #tpu.memory_space<semaphore_mem>>
      %dma_start3A_419 = tpu.memref_squeeze %dma_start3A_418 : memref<1x!tpu.dma_semaphore, #tpu.memory_space<semaphore_mem>> -> memref<!tpu.dma_semaphore, #tpu.memory_space<semaphore_mem>>
      tpu.enqueue_indirect_dma source(%dma_start3A_411 : memref<128x64xf32, #tpu.memory_space<vmem>>) target(%dma_start3A_417 : memref<10240x64xf32, #tpu.memory_space<vmem_shared>>) offsets(%dma_start3A_414 : memref<128xi32, #tpu.memory_space<vmem>>) semaphore(%dma_start3A_419 : memref<!tpu.dma_semaphore, #tpu.memory_space<semaphore_mem>>) {add = true}
      %add3A_420 = arith.constant 3 : i32
      %add3A_421 = arith.addi %add3A_391, %add3A_420 : i32
      %sub3A_422 = arith.constant 5 : i32
      %sub3A_423 = arith.subi %add3A_421, %sub3A_422 : i32
      %dma_wait3A_424 = arith.constant 1 : i32
      %dma_wait3A_425 = arith.constant 1 : i32
      %dma_wait3A_426 = arith.constant 0 : i32
      %dma_wait3A_427 = arith.constant 0 : i32
      %dma_wait3A_428 = tpu.memref_slice %arg11[%dma_wait3A_424, %dma_wait3A_426, %dma_wait3A_427] : memref<5x128x64xf32, #tpu.memory_space<vmem>> -> memref<1x128x64xf32, #tpu.memory_space<vmem>>
      %dma_wait3A_429 = tpu.memref_squeeze %dma_wait3A_428 : memref<1x128x64xf32, #tpu.memory_space<vmem>> -> memref<128x64xf32, #tpu.memory_space<vmem>>
      %dma_wait3A_430 = arith.constant 0 : i32
      %dma_wait3A_431 = tpu.memref_slice %arg9[%sub3A_423, %dma_wait3A_430] : memref<80x128xi32, #tpu.memory_space<vmem>> -> memref<1x128xi32, #tpu.memory_space<vmem>>
      %dma_wait3A_432 = tpu.memref_squeeze %dma_wait3A_431 : memref<1x128xi32, #tpu.memory_space<vmem>> -> memref<128xi32, #tpu.memory_space<vmem>>
      %dma_wait3A_433 = arith.constant 0 : i32
      %dma_wait3A_434 = arith.constant 0 : i32
      %dma_wait3A_435 = tpu.memref_slice %arg12[%dma_wait3A_433, %dma_wait3A_434] : memref<10240x64xf32, #tpu.memory_space<vmem_shared>> -> memref<10240x64xf32, #tpu.memory_space<vmem_shared>>
      %dma_wait3A_436 = tpu.memref_slice %arg14[%dma_wait3A_425] : memref<5x!tpu.dma_semaphore, #tpu.memory_space<semaphore_mem>> -> memref<1x!tpu.dma_semaphore, #tpu.memory_space<semaphore_mem>>
      %dma_wait3A_437 = tpu.memref_squeeze %dma_wait3A_436 : memref<1x!tpu.dma_semaphore, #tpu.memory_space<semaphore_mem>> -> memref<!tpu.dma_semaphore, #tpu.memory_space<semaphore_mem>>
      tpu.wait_indirect_dma semaphore(%dma_wait3A_437 : memref<!tpu.dma_semaphore, #tpu.memory_space<semaphore_mem>>) src(%dma_wait3A_429 : memref<128x64xf32, #tpu.memory_space<vmem>>) dst(%dma_wait3A_435 : memref<10240x64xf32, #tpu.memory_space<vmem_shared>>)
      %lt3A_438 = arith.constant 15 : i32
      %lt3A_439 = arith.cmpi slt, %scan3A_253, %lt3A_438 : i32
      %convert_element_type3A_440 = arith.extui %lt3A_439 : i1 to i32
      %cond3A_441 = arith.constant 0 : i32
      %cond3A_442 = arith.cmpi ne, %convert_element_type3A_440, %cond3A_441 : i32
      scf.if %cond3A_442 {
        %add3A_499 = arith.constant 3 : i32
        %add3A_500 = arith.addi %add3A_391, %add3A_499 : i32
        %dma_start3A_501 = arith.constant 1 : i32
        %dma_start3A_502 = arith.constant 1 : i32
        %dma_start3A_503 = arith.constant 0 : i32
        %dma_start3A_504 = arith.constant 0 : i32
        %dma_start3A_505 = tpu.memref_slice %arg11[%dma_start3A_501, %dma_start3A_503, %dma_start3A_504] : memref<5x128x64xf32, #tpu.memory_space<vmem>> -> memref<1x128x64xf32, #tpu.memory_space<vmem>>
        %dma_start3A_506 = tpu.memref_squeeze %dma_start3A_505 : memref<1x128x64xf32, #tpu.memory_space<vmem>> -> memref<128x64xf32, #tpu.memory_space<vmem>>
        %dma_start3A_507 = arith.constant 0 : i32
        %dma_start3A_508 = tpu.memref_slice %arg8[%add3A_500, %dma_start3A_507] : memref<80x128xi32, #tpu.memory_space<vmem>> -> memref<1x128xi32, #tpu.memory_space<vmem>>
        %dma_start3A_509 = tpu.memref_squeeze %dma_start3A_508 : memref<1x128xi32, #tpu.memory_space<vmem>> -> memref<128xi32, #tpu.memory_space<vmem>>
        %dma_start3A_510 = arith.constant 0 : i32
        %dma_start3A_511 = arith.constant 0 : i32
        %dma_start3A_512 = tpu.memref_slice %arg3[%dma_start3A_510, %dma_start3A_511] : memref<10240x64xf32, #tpu.memory_space<hbm>> -> memref<10240x64xf32, #tpu.memory_space<hbm>>
        %dma_start3A_513 = tpu.memref_slice %arg13[%dma_start3A_502] : memref<5x!tpu.dma_semaphore, #tpu.memory_space<semaphore_mem>> -> memref<1x!tpu.dma_semaphore, #tpu.memory_space<semaphore_mem>>
        %dma_start3A_514 = tpu.memref_squeeze %dma_start3A_513 : memref<1x!tpu.dma_semaphore, #tpu.memory_space<semaphore_mem>> -> memref<!tpu.dma_semaphore, #tpu.memory_space<semaphore_mem>>
        tpu.enqueue_indirect_dma source(%dma_start3A_512 : memref<10240x64xf32, #tpu.memory_space<hbm>>) target(%dma_start3A_506 : memref<128x64xf32, #tpu.memory_space<vmem>>) offsets(%dma_start3A_509 : memref<128xi32, #tpu.memory_space<vmem>>) semaphore(%dma_start3A_514 : memref<!tpu.dma_semaphore, #tpu.memory_space<semaphore_mem>>)
      } else {
      }
      %mul3A_443 = arith.constant 5 : i32
      %mul3A_444 = arith.muli %scan3A_253, %mul3A_443 : i32
      %add3A_445 = arith.constant 4 : i32
      %add3A_446 = arith.addi %mul3A_444, %add3A_445 : i32
      %dma_wait3A_447 = arith.constant 4 : i32
      %dma_wait3A_448 = arith.constant 4 : i32
      %dma_wait3A_449 = arith.constant 0 : i32
      %dma_wait3A_450 = arith.constant 0 : i32
      %dma_wait3A_451 = tpu.memref_slice %arg11[%dma_wait3A_447, %dma_wait3A_449, %dma_wait3A_450] : memref<5x128x64xf32, #tpu.memory_space<vmem>> -> memref<1x128x64xf32, #tpu.memory_space<vmem>>
      %dma_wait3A_452 = tpu.memref_squeeze %dma_wait3A_451 : memref<1x128x64xf32, #tpu.memory_space<vmem>> -> memref<128x64xf32, #tpu.memory_space<vmem>>
      %dma_wait3A_453 = arith.constant 0 : i32
      %dma_wait3A_454 = tpu.memref_slice %arg8[%add3A_446, %dma_wait3A_453] : memref<80x128xi32, #tpu.memory_space<vmem>> -> memref<1x128xi32, #tpu.memory_space<vmem>>
      %dma_wait3A_455 = tpu.memref_squeeze %dma_wait3A_454 : memref<1x128xi32, #tpu.memory_space<vmem>> -> memref<128xi32, #tpu.memory_space<vmem>>
      %dma_wait3A_456 = arith.constant 0 : i32
      %dma_wait3A_457 = arith.constant 0 : i32
      %dma_wait3A_458 = tpu.memref_slice %arg3[%dma_wait3A_456, %dma_wait3A_457] : memref<10240x64xf32, #tpu.memory_space<hbm>> -> memref<10240x64xf32, #tpu.memory_space<hbm>>
      %dma_wait3A_459 = tpu.memref_slice %arg13[%dma_wait3A_448] : memref<5x!tpu.dma_semaphore, #tpu.memory_space<semaphore_mem>> -> memref<1x!tpu.dma_semaphore, #tpu.memory_space<semaphore_mem>>
      %dma_wait3A_460 = tpu.memref_squeeze %dma_wait3A_459 : memref<1x!tpu.dma_semaphore, #tpu.memory_space<semaphore_mem>> -> memref<!tpu.dma_semaphore, #tpu.memory_space<semaphore_mem>>
      tpu.wait_indirect_dma semaphore(%dma_wait3A_460 : memref<!tpu.dma_semaphore, #tpu.memory_space<semaphore_mem>>) src(%dma_wait3A_458 : memref<10240x64xf32, #tpu.memory_space<hbm>>) dst(%dma_wait3A_452 : memref<128x64xf32, #tpu.memory_space<vmem>>)
      %dma_start3A_461 = arith.constant 4 : i32
      %dma_start3A_462 = arith.constant 4 : i32
      %dma_start3A_463 = arith.constant 0 : i32
      %dma_start3A_464 = arith.constant 0 : i32
      %dma_start3A_465 = tpu.memref_slice %arg11[%dma_start3A_461, %dma_start3A_463, %dma_start3A_464] : memref<5x128x64xf32, #tpu.memory_space<vmem>> -> memref<1x128x64xf32, #tpu.memory_space<vmem>>
      %dma_start3A_466 = tpu.memref_squeeze %dma_start3A_465 : memref<1x128x64xf32, #tpu.memory_space<vmem>> -> memref<128x64xf32, #tpu.memory_space<vmem>>
      %dma_start3A_467 = arith.constant 0 : i32
      %dma_start3A_468 = tpu.memref_slice %arg9[%add3A_446, %dma_start3A_467] : memref<80x128xi32, #tpu.memory_space<vmem>> -> memref<1x128xi32, #tpu.memory_space<vmem>>
      %dma_start3A_469 = tpu.memref_squeeze %dma_start3A_468 : memref<1x128xi32, #tpu.memory_space<vmem>> -> memref<128xi32, #tpu.memory_space<vmem>>
      %dma_start3A_470 = arith.constant 0 : i32
      %dma_start3A_471 = arith.constant 0 : i32
      %dma_start3A_472 = tpu.memref_slice %arg12[%dma_start3A_470, %dma_start3A_471] : memref<10240x64xf32, #tpu.memory_space<vmem_shared>> -> memref<10240x64xf32, #tpu.memory_space<vmem_shared>>
      %dma_start3A_473 = tpu.memref_slice %arg14[%dma_start3A_462] : memref<5x!tpu.dma_semaphore, #tpu.memory_space<semaphore_mem>> -> memref<1x!tpu.dma_semaphore, #tpu.memory_space<semaphore_mem>>
      %dma_start3A_474 = tpu.memref_squeeze %dma_start3A_473 : memref<1x!tpu.dma_semaphore, #tpu.memory_space<semaphore_mem>> -> memref<!tpu.dma_semaphore, #tpu.memory_space<semaphore_mem>>
      tpu.enqueue_indirect_dma source(%dma_start3A_466 : memref<128x64xf32, #tpu.memory_space<vmem>>) target(%dma_start3A_472 : memref<10240x64xf32, #tpu.memory_space<vmem_shared>>) offsets(%dma_start3A_469 : memref<128xi32, #tpu.memory_space<vmem>>) semaphore(%dma_start3A_474 : memref<!tpu.dma_semaphore, #tpu.memory_space<semaphore_mem>>) {add = true}
      %add3A_475 = arith.constant 3 : i32
      %add3A_476 = arith.addi %add3A_446, %add3A_475 : i32
      %sub3A_477 = arith.constant 5 : i32
      %sub3A_478 = arith.subi %add3A_476, %sub3A_477 : i32
      %dma_wait3A_479 = arith.constant 2 : i32
      %dma_wait3A_480 = arith.constant 2 : i32
      %dma_wait3A_481 = arith.constant 0 : i32
      %dma_wait3A_482 = arith.constant 0 : i32
      %dma_wait3A_483 = tpu.memref_slice %arg11[%dma_wait3A_479, %dma_wait3A_481, %dma_wait3A_482] : memref<5x128x64xf32, #tpu.memory_space<vmem>> -> memref<1x128x64xf32, #tpu.memory_space<vmem>>
      %dma_wait3A_484 = tpu.memref_squeeze %dma_wait3A_483 : memref<1x128x64xf32, #tpu.memory_space<vmem>> -> memref<128x64xf32, #tpu.memory_space<vmem>>
      %dma_wait3A_485 = arith.constant 0 : i32
      %dma_wait3A_486 = tpu.memref_slice %arg9[%sub3A_478, %dma_wait3A_485] : memref<80x128xi32, #tpu.memory_space<vmem>> -> memref<1x128xi32, #tpu.memory_space<vmem>>
      %dma_wait3A_487 = tpu.memref_squeeze %dma_wait3A_486 : memref<1x128xi32, #tpu.memory_space<vmem>> -> memref<128xi32, #tpu.memory_space<vmem>>
      %dma_wait3A_488 = arith.constant 0 : i32
      %dma_wait3A_489 = arith.constant 0 : i32
      %dma_wait3A_490 = tpu.memref_slice %arg12[%dma_wait3A_488, %dma_wait3A_489] : memref<10240x64xf32, #tpu.memory_space<vmem_shared>> -> memref<10240x64xf32, #tpu.memory_space<vmem_shared>>
      %dma_wait3A_491 = tpu.memref_slice %arg14[%dma_wait3A_480] : memref<5x!tpu.dma_semaphore, #tpu.memory_space<semaphore_mem>> -> memref<1x!tpu.dma_semaphore, #tpu.memory_space<semaphore_mem>>
      %dma_wait3A_492 = tpu.memref_squeeze %dma_wait3A_491 : memref<1x!tpu.dma_semaphore, #tpu.memory_space<semaphore_mem>> -> memref<!tpu.dma_semaphore, #tpu.memory_space<semaphore_mem>>
      tpu.wait_indirect_dma semaphore(%dma_wait3A_492 : memref<!tpu.dma_semaphore, #tpu.memory_space<semaphore_mem>>) src(%dma_wait3A_484 : memref<128x64xf32, #tpu.memory_space<vmem>>) dst(%dma_wait3A_490 : memref<10240x64xf32, #tpu.memory_space<vmem_shared>>)
      %lt3A_493 = arith.constant 15 : i32
      %lt3A_494 = arith.cmpi slt, %scan3A_253, %lt3A_493 : i32
      %convert_element_type3A_495 = arith.extui %lt3A_494 : i1 to i32
      %cond3A_496 = arith.constant 0 : i32
      %cond3A_497 = arith.cmpi ne, %convert_element_type3A_495, %cond3A_496 : i32
      scf.if %cond3A_497 {
        %add3A_499 = arith.constant 3 : i32
        %add3A_500 = arith.addi %add3A_446, %add3A_499 : i32
        %dma_start3A_501 = arith.constant 2 : i32
        %dma_start3A_502 = arith.constant 2 : i32
        %dma_start3A_503 = arith.constant 0 : i32
        %dma_start3A_504 = arith.constant 0 : i32
        %dma_start3A_505 = tpu.memref_slice %arg11[%dma_start3A_501, %dma_start3A_503, %dma_start3A_504] : memref<5x128x64xf32, #tpu.memory_space<vmem>> -> memref<1x128x64xf32, #tpu.memory_space<vmem>>
        %dma_start3A_506 = tpu.memref_squeeze %dma_start3A_505 : memref<1x128x64xf32, #tpu.memory_space<vmem>> -> memref<128x64xf32, #tpu.memory_space<vmem>>
        %dma_start3A_507 = arith.constant 0 : i32
        %dma_start3A_508 = tpu.memref_slice %arg8[%add3A_500, %dma_start3A_507] : memref<80x128xi32, #tpu.memory_space<vmem>> -> memref<1x128xi32, #tpu.memory_space<vmem>>
        %dma_start3A_509 = tpu.memref_squeeze %dma_start3A_508 : memref<1x128xi32, #tpu.memory_space<vmem>> -> memref<128xi32, #tpu.memory_space<vmem>>
        %dma_start3A_510 = arith.constant 0 : i32
        %dma_start3A_511 = arith.constant 0 : i32
        %dma_start3A_512 = tpu.memref_slice %arg3[%dma_start3A_510, %dma_start3A_511] : memref<10240x64xf32, #tpu.memory_space<hbm>> -> memref<10240x64xf32, #tpu.memory_space<hbm>>
        %dma_start3A_513 = tpu.memref_slice %arg13[%dma_start3A_502] : memref<5x!tpu.dma_semaphore, #tpu.memory_space<semaphore_mem>> -> memref<1x!tpu.dma_semaphore, #tpu.memory_space<semaphore_mem>>
        %dma_start3A_514 = tpu.memref_squeeze %dma_start3A_513 : memref<1x!tpu.dma_semaphore, #tpu.memory_space<semaphore_mem>> -> memref<!tpu.dma_semaphore, #tpu.memory_space<semaphore_mem>>
        tpu.enqueue_indirect_dma source(%dma_start3A_512 : memref<10240x64xf32, #tpu.memory_space<hbm>>) target(%dma_start3A_506 : memref<128x64xf32, #tpu.memory_space<vmem>>) offsets(%dma_start3A_509 : memref<128xi32, #tpu.memory_space<vmem>>) semaphore(%dma_start3A_514 : memref<!tpu.dma_semaphore, #tpu.memory_space<semaphore_mem>>)
      } else {
      }
      %scan3A_498 = arith.constant 0 : i32
      scf.yield %scan3A_498 : i32
    }
    %scan3A_201 = arith.constant 16 : i32
    %dma_wait3A_202 = arith.constant 3 : i32
    %dma_wait3A_203 = arith.constant 78 : i32
    %dma_wait3A_204 = arith.constant 3 : i32
    %dma_wait3A_205 = arith.constant 0 : i32
    %dma_wait3A_206 = arith.constant 0 : i32
    %dma_wait3A_207 = tpu.memref_slice %arg11[%dma_wait3A_202, %dma_wait3A_205, %dma_wait3A_206] : memref<5x128x64xf32, #tpu.memory_space<vmem>> -> memref<1x128x64xf32, #tpu.memory_space<vmem>>
    %dma_wait3A_208 = tpu.memref_squeeze %dma_wait3A_207 : memref<1x128x64xf32, #tpu.memory_space<vmem>> -> memref<128x64xf32, #tpu.memory_space<vmem>>
    %dma_wait3A_209 = arith.constant 0 : i32
    %dma_wait3A_210 = tpu.memref_slice %arg9[%dma_wait3A_203, %dma_wait3A_209] : memref<80x128xi32, #tpu.memory_space<vmem>> -> memref<1x128xi32, #tpu.memory_space<vmem>>
    %dma_wait3A_211 = tpu.memref_squeeze %dma_wait3A_210 : memref<1x128xi32, #tpu.memory_space<vmem>> -> memref<128xi32, #tpu.memory_space<vmem>>
    %dma_wait3A_212 = arith.constant 0 : i32
    %dma_wait3A_213 = arith.constant 0 : i32
    %dma_wait3A_214 = tpu.memref_slice %arg12[%dma_wait3A_212, %dma_wait3A_213] : memref<10240x64xf32, #tpu.memory_space<vmem_shared>> -> memref<10240x64xf32, #tpu.memory_space<vmem_shared>>
    %dma_wait3A_215 = tpu.memref_slice %arg14[%dma_wait3A_204] : memref<5x!tpu.dma_semaphore, #tpu.memory_space<semaphore_mem>> -> memref<1x!tpu.dma_semaphore, #tpu.memory_space<semaphore_mem>>
    %dma_wait3A_216 = tpu.memref_squeeze %dma_wait3A_215 : memref<1x!tpu.dma_semaphore, #tpu.memory_space<semaphore_mem>> -> memref<!tpu.dma_semaphore, #tpu.memory_space<semaphore_mem>>
    tpu.wait_indirect_dma semaphore(%dma_wait3A_216 : memref<!tpu.dma_semaphore, #tpu.memory_space<semaphore_mem>>) src(%dma_wait3A_208 : memref<128x64xf32, #tpu.memory_space<vmem>>) dst(%dma_wait3A_214 : memref<10240x64xf32, #tpu.memory_space<vmem_shared>>)
    %dma_wait3A_217 = arith.constant 4 : i32
    %dma_wait3A_218 = arith.constant 79 : i32
    %dma_wait3A_219 = arith.constant 4 : i32
    %dma_wait3A_220 = arith.constant 0 : i32
    %dma_wait3A_221 = arith.constant 0 : i32
    %dma_wait3A_222 = tpu.memref_slice %arg11[%dma_wait3A_217, %dma_wait3A_220, %dma_wait3A_221] : memref<5x128x64xf32, #tpu.memory_space<vmem>> -> memref<1x128x64xf32, #tpu.memory_space<vmem>>
    %dma_wait3A_223 = tpu.memref_squeeze %dma_wait3A_222 : memref<1x128x64xf32, #tpu.memory_space<vmem>> -> memref<128x64xf32, #tpu.memory_space<vmem>>
    %dma_wait3A_224 = arith.constant 0 : i32
    %dma_wait3A_225 = tpu.memref_slice %arg9[%dma_wait3A_218, %dma_wait3A_224] : memref<80x128xi32, #tpu.memory_space<vmem>> -> memref<1x128xi32, #tpu.memory_space<vmem>>
    %dma_wait3A_226 = tpu.memref_squeeze %dma_wait3A_225 : memref<1x128xi32, #tpu.memory_space<vmem>> -> memref<128xi32, #tpu.memory_space<vmem>>
    %dma_wait3A_227 = arith.constant 0 : i32
    %dma_wait3A_228 = arith.constant 0 : i32
    %dma_wait3A_229 = tpu.memref_slice %arg12[%dma_wait3A_227, %dma_wait3A_228] : memref<10240x64xf32, #tpu.memory_space<vmem_shared>> -> memref<10240x64xf32, #tpu.memory_space<vmem_shared>>
    %dma_wait3A_230 = tpu.memref_slice %arg14[%dma_wait3A_219] : memref<5x!tpu.dma_semaphore, #tpu.memory_space<semaphore_mem>> -> memref<1x!tpu.dma_semaphore, #tpu.memory_space<semaphore_mem>>
    %dma_wait3A_231 = tpu.memref_squeeze %dma_wait3A_230 : memref<1x!tpu.dma_semaphore, #tpu.memory_space<semaphore_mem>> -> memref<!tpu.dma_semaphore, #tpu.memory_space<semaphore_mem>>
    tpu.wait_indirect_dma semaphore(%dma_wait3A_231 : memref<!tpu.dma_semaphore, #tpu.memory_space<semaphore_mem>>) src(%dma_wait3A_223 : memref<128x64xf32, #tpu.memory_space<vmem>>) dst(%dma_wait3A_229 : memref<10240x64xf32, #tpu.memory_space<vmem_shared>>)
    %barrier3A_232 = arith.constant 0 : index
    tpu.barrier barrier_id(%barrier3A_232)
    %mul3A_233 = arith.constant 640 : i32
    %mul3A_234 = arith.muli %arg1, %mul3A_233 : i32
    %add3A_235 = arith.constant 0 : i32
    %add3A_236 = arith.addi %mul3A_234, %add3A_235 : i32
    "tpu.region"() ({
      %run_scoped3A = tpu.sem_alloc : memref<!tpu.dma_semaphore, #tpu.memory_space<semaphore_mem>>
      %dma_start3A_253 = arith.constant 0 : i32
      %dma_start3A_254 = tpu.memref_slice %arg7[%arg0, %add3A_236, %dma_start3A_253] : memref<2x10240x64xf32, #tpu.memory_space<hbm>> -> memref<1x128x64xf32, #tpu.memory_space<hbm>>
      %dma_start3A_255 = tpu.memref_squeeze %dma_start3A_254 : memref<1x128x64xf32, #tpu.memory_space<hbm>> -> memref<128x64xf32, #tpu.memory_space<hbm>>
      %dma_start3A_256 = arith.constant 0 : i32
      %dma_start3A_257 = tpu.memref_slice %arg12[%add3A_236, %dma_start3A_256] : memref<10240x64xf32, #tpu.memory_space<vmem_shared>> -> memref<128x64xf32, #tpu.memory_space<vmem_shared>>
      tpu.enqueue_dma source(%dma_start3A_257 : memref<128x64xf32, #tpu.memory_space<vmem_shared>>) target(%dma_start3A_255 : memref<128x64xf32, #tpu.memory_space<hbm>>) target_semaphore(%run_scoped3A : memref<!tpu.dma_semaphore, #tpu.memory_space<semaphore_mem>>)
      %dma_wait3A_258 = arith.constant 0 : i32
      %dma_wait3A_259 = tpu.memref_slice %arg7[%arg0, %add3A_236, %dma_wait3A_258] : memref<2x10240x64xf32, #tpu.memory_space<hbm>> -> memref<1x128x64xf32, #tpu.memory_space<hbm>>
      %dma_wait3A_260 = tpu.memref_squeeze %dma_wait3A_259 : memref<1x128x64xf32, #tpu.memory_space<hbm>> -> memref<128x64xf32, #tpu.memory_space<hbm>>
      %dma_wait3A_261 = arith.constant 0 : i32
      %dma_wait3A_262 = tpu.memref_slice %arg12[%add3A_236, %dma_wait3A_261] : memref<10240x64xf32, #tpu.memory_space<vmem_shared>> -> memref<128x64xf32, #tpu.memory_space<vmem_shared>>
      tpu.wait_dma2 semaphore(%run_scoped3A : memref<!tpu.dma_semaphore, #tpu.memory_space<semaphore_mem>>) src(%dma_wait3A_262 : memref<128x64xf32, #tpu.memory_space<vmem_shared>>) dst(%dma_wait3A_260 : memref<128x64xf32, #tpu.memory_space<hbm>>)
      tpu.yield
    }) : () -> ()
    %mul3A_237 = arith.constant 640 : i32
    %mul3A_238 = arith.muli %arg1, %mul3A_237 : i32
    %add3A_239 = arith.constant 128 : i32
    %add3A_240 = arith.addi %mul3A_238, %add3A_239 : i32
    "tpu.region"() ({
      %run_scoped3A = tpu.sem_alloc : memref<!tpu.dma_semaphore, #tpu.memory_space<semaphore_mem>>
      %dma_start3A_253 = arith.constant 0 : i32
      %dma_start3A_254 = tpu.memref_slice %arg7[%arg0, %add3A_240, %dma_start3A_253] : memref<2x10240x64xf32, #tpu.memory_space<hbm>> -> memref<1x128x64xf32, #tpu.memory_space<hbm>>
      %dma_start3A_255 = tpu.memref_squeeze %dma_start3A_254 : memref<1x128x64xf32, #tpu.memory_space<hbm>> -> memref<128x64xf32, #tpu.memory_space<hbm>>
      %dma_start3A_256 = arith.constant 0 : i32
      %dma_start3A_257 = tpu.memref_slice %arg12[%add3A_240, %dma_start3A_256] : memref<10240x64xf32, #tpu.memory_space<vmem_shared>> -> memref<128x64xf32, #tpu.memory_space<vmem_shared>>
      tpu.enqueue_dma source(%dma_start3A_257 : memref<128x64xf32, #tpu.memory_space<vmem_shared>>) target(%dma_start3A_255 : memref<128x64xf32, #tpu.memory_space<hbm>>) target_semaphore(%run_scoped3A : memref<!tpu.dma_semaphore, #tpu.memory_space<semaphore_mem>>)
      %dma_wait3A_258 = arith.constant 0 : i32
      %dma_wait3A_259 = tpu.memref_slice %arg7[%arg0, %add3A_240, %dma_wait3A_258] : memref<2x10240x64xf32, #tpu.memory_space<hbm>> -> memref<1x128x64xf32, #tpu.memory_space<hbm>>
      %dma_wait3A_260 = tpu.memref_squeeze %dma_wait3A_259 : memref<1x128x64xf32, #tpu.memory_space<hbm>> -> memref<128x64xf32, #tpu.memory_space<hbm>>
      %dma_wait3A_261 = arith.constant 0 : i32
      %dma_wait3A_262 = tpu.memref_slice %arg12[%add3A_240, %dma_wait3A_261] : memref<10240x64xf32, #tpu.memory_space<vmem_shared>> -> memref<128x64xf32, #tpu.memory_space<vmem_shared>>
      tpu.wait_dma2 semaphore(%run_scoped3A : memref<!tpu.dma_semaphore, #tpu.memory_space<semaphore_mem>>) src(%dma_wait3A_262 : memref<128x64xf32, #tpu.memory_space<vmem_shared>>) dst(%dma_wait3A_260 : memref<128x64xf32, #tpu.memory_space<hbm>>)
      tpu.yield
    }) : () -> ()
    %mul3A_241 = arith.constant 640 : i32
    %mul3A_242 = arith.muli %arg1, %mul3A_241 : i32
    %add3A_243 = arith.constant 256 : i32
    %add3A_244 = arith.addi %mul3A_242, %add3A_243 : i32
    "tpu.region"() ({
      %run_scoped3A = tpu.sem_alloc : memref<!tpu.dma_semaphore, #tpu.memory_space<semaphore_mem>>
      %dma_start3A_253 = arith.constant 0 : i32
      %dma_start3A_254 = tpu.memref_slice %arg7[%arg0, %add3A_244, %dma_start3A_253] : memref<2x10240x64xf32, #tpu.memory_space<hbm>> -> memref<1x128x64xf32, #tpu.memory_space<hbm>>
      %dma_start3A_255 = tpu.memref_squeeze %dma_start3A_254 : memref<1x128x64xf32, #tpu.memory_space<hbm>> -> memref<128x64xf32, #tpu.memory_space<hbm>>
      %dma_start3A_256 = arith.constant 0 : i32
      %dma_start3A_257 = tpu.memref_slice %arg12[%add3A_244, %dma_start3A_256] : memref<10240x64xf32, #tpu.memory_space<vmem_shared>> -> memref<128x64xf32, #tpu.memory_space<vmem_shared>>
      tpu.enqueue_dma source(%dma_start3A_257 : memref<128x64xf32, #tpu.memory_space<vmem_shared>>) target(%dma_start3A_255 : memref<128x64xf32, #tpu.memory_space<hbm>>) target_semaphore(%run_scoped3A : memref<!tpu.dma_semaphore, #tpu.memory_space<semaphore_mem>>)
      %dma_wait3A_258 = arith.constant 0 : i32
      %dma_wait3A_259 = tpu.memref_slice %arg7[%arg0, %add3A_244, %dma_wait3A_258] : memref<2x10240x64xf32, #tpu.memory_space<hbm>> -> memref<1x128x64xf32, #tpu.memory_space<hbm>>
      %dma_wait3A_260 = tpu.memref_squeeze %dma_wait3A_259 : memref<1x128x64xf32, #tpu.memory_space<hbm>> -> memref<128x64xf32, #tpu.memory_space<hbm>>
      %dma_wait3A_261 = arith.constant 0 : i32
      %dma_wait3A_262 = tpu.memref_slice %arg12[%add3A_244, %dma_wait3A_261] : memref<10240x64xf32, #tpu.memory_space<vmem_shared>> -> memref<128x64xf32, #tpu.memory_space<vmem_shared>>
      tpu.wait_dma2 semaphore(%run_scoped3A : memref<!tpu.dma_semaphore, #tpu.memory_space<semaphore_mem>>) src(%dma_wait3A_262 : memref<128x64xf32, #tpu.memory_space<vmem_shared>>) dst(%dma_wait3A_260 : memref<128x64xf32, #tpu.memory_space<hbm>>)
      tpu.yield
    }) : () -> ()
    %mul3A_245 = arith.constant 640 : i32
    %mul3A_246 = arith.muli %arg1, %mul3A_245 : i32
    %add3A_247 = arith.constant 384 : i32
    %add3A_248 = arith.addi %mul3A_246, %add3A_247 : i32
    "tpu.region"() ({
      %run_scoped3A = tpu.sem_alloc : memref<!tpu.dma_semaphore, #tpu.memory_space<semaphore_mem>>
      %dma_start3A_253 = arith.constant 0 : i32
      %dma_start3A_254 = tpu.memref_slice %arg7[%arg0, %add3A_248, %dma_start3A_253] : memref<2x10240x64xf32, #tpu.memory_space<hbm>> -> memref<1x128x64xf32, #tpu.memory_space<hbm>>
      %dma_start3A_255 = tpu.memref_squeeze %dma_start3A_254 : memref<1x128x64xf32, #tpu.memory_space<hbm>> -> memref<128x64xf32, #tpu.memory_space<hbm>>
      %dma_start3A_256 = arith.constant 0 : i32
      %dma_start3A_257 = tpu.memref_slice %arg12[%add3A_248, %dma_start3A_256] : memref<10240x64xf32, #tpu.memory_space<vmem_shared>> -> memref<128x64xf32, #tpu.memory_space<vmem_shared>>
      tpu.enqueue_dma source(%dma_start3A_257 : memref<128x64xf32, #tpu.memory_space<vmem_shared>>) target(%dma_start3A_255 : memref<128x64xf32, #tpu.memory_space<hbm>>) target_semaphore(%run_scoped3A : memref<!tpu.dma_semaphore, #tpu.memory_space<semaphore_mem>>)
      %dma_wait3A_258 = arith.constant 0 : i32
      %dma_wait3A_259 = tpu.memref_slice %arg7[%arg0, %add3A_248, %dma_wait3A_258] : memref<2x10240x64xf32, #tpu.memory_space<hbm>> -> memref<1x128x64xf32, #tpu.memory_space<hbm>>
      %dma_wait3A_260 = tpu.memref_squeeze %dma_wait3A_259 : memref<1x128x64xf32, #tpu.memory_space<hbm>> -> memref<128x64xf32, #tpu.memory_space<hbm>>
      %dma_wait3A_261 = arith.constant 0 : i32
      %dma_wait3A_262 = tpu.memref_slice %arg12[%add3A_248, %dma_wait3A_261] : memref<10240x64xf32, #tpu.memory_space<vmem_shared>> -> memref<128x64xf32, #tpu.memory_space<vmem_shared>>
      tpu.wait_dma2 semaphore(%run_scoped3A : memref<!tpu.dma_semaphore, #tpu.memory_space<semaphore_mem>>) src(%dma_wait3A_262 : memref<128x64xf32, #tpu.memory_space<vmem_shared>>) dst(%dma_wait3A_260 : memref<128x64xf32, #tpu.memory_space<hbm>>)
      tpu.yield
    }) : () -> ()
    %mul3A_249 = arith.constant 640 : i32
    %mul3A_250 = arith.muli %arg1, %mul3A_249 : i32
    %add3A_251 = arith.constant 512 : i32
    %add3A_252 = arith.addi %mul3A_250, %add3A_251 : i32
    "tpu.region"() ({
      %run_scoped3A = tpu.sem_alloc : memref<!tpu.dma_semaphore, #tpu.memory_space<semaphore_mem>>
      %dma_start3A_253 = arith.constant 0 : i32
      %dma_start3A_254 = tpu.memref_slice %arg7[%arg0, %add3A_252, %dma_start3A_253] : memref<2x10240x64xf32, #tpu.memory_space<hbm>> -> memref<1x128x64xf32, #tpu.memory_space<hbm>>
      %dma_start3A_255 = tpu.memref_squeeze %dma_start3A_254 : memref<1x128x64xf32, #tpu.memory_space<hbm>> -> memref<128x64xf32, #tpu.memory_space<hbm>>
      %dma_start3A_256 = arith.constant 0 : i32
      %dma_start3A_257 = tpu.memref_slice %arg12[%add3A_252, %dma_start3A_256] : memref<10240x64xf32, #tpu.memory_space<vmem_shared>> -> memref<128x64xf32, #tpu.memory_space<vmem_shared>>
      tpu.enqueue_dma source(%dma_start3A_257 : memref<128x64xf32, #tpu.memory_space<vmem_shared>>) target(%dma_start3A_255 : memref<128x64xf32, #tpu.memory_space<hbm>>) target_semaphore(%run_scoped3A : memref<!tpu.dma_semaphore, #tpu.memory_space<semaphore_mem>>)
      %dma_wait3A_258 = arith.constant 0 : i32
      %dma_wait3A_259 = tpu.memref_slice %arg7[%arg0, %add3A_252, %dma_wait3A_258] : memref<2x10240x64xf32, #tpu.memory_space<hbm>> -> memref<1x128x64xf32, #tpu.memory_space<hbm>>
      %dma_wait3A_260 = tpu.memref_squeeze %dma_wait3A_259 : memref<1x128x64xf32, #tpu.memory_space<hbm>> -> memref<128x64xf32, #tpu.memory_space<hbm>>
      %dma_wait3A_261 = arith.constant 0 : i32
      %dma_wait3A_262 = tpu.memref_slice %arg12[%add3A_252, %dma_wait3A_261] : memref<10240x64xf32, #tpu.memory_space<vmem_shared>> -> memref<128x64xf32, #tpu.memory_space<vmem_shared>>
      tpu.wait_dma2 semaphore(%run_scoped3A : memref<!tpu.dma_semaphore, #tpu.memory_space<semaphore_mem>>) src(%dma_wait3A_262 : memref<128x64xf32, #tpu.memory_space<vmem_shared>>) dst(%dma_wait3A_260 : memref<128x64xf32, #tpu.memory_space<hbm>>)
      tpu.yield
    }) : () -> ()
    return
  }
}

module attributes {stable_mosaic.version = 14 : i64} {
  func.func @_mm1_body(%arg0: i32, %arg1: memref<2x1024x16xf32, #tpu.memory_space<vmem>>, %arg2: memref<1024x128xf32, #tpu.memory_space<vmem>>, %arg3: memref<128x128xf32, #tpu.memory_space<vmem>>, %arg4: memref<1024x64xf32, #tpu.memory_space<vmem>>, %arg5: memref<1024x64xf32, #tpu.memory_space<vmem>>, %arg6: memref<1024x128xf32, #tpu.memory_space<vmem>>) attributes {dimension_semantics = [#tpu.dimension_semantics<arbitrary>], iteration_bounds = array<i64: 10>, scalar_prefetch = 0 : i64, scratch_operands = 0 : i64, tpu.core_type = #tpu.core_type<tc>, window_params = [{transform_indices = @transform_0, window_bounds = array<i64: 2, 1024, 16>}, {transform_indices = @transform_1, window_bounds = array<i64: 1024, 128>}, {pipeline_mode = #tpu.pipeline_mode<synchronous>, transform_indices = @transform_2, window_bounds = array<i64: 128, 128>}, {transform_indices = @transform_3, window_bounds = array<i64: 1024, 64>}, {transform_indices = @transform_4, window_bounds = array<i64: 1024, 64>}, {transform_indices = @transform_5, window_bounds = array<i64: 1024, 128>}]} {
    %get3A = arith.constant 0 : index
    %get3A_0 = arith.constant 0 : index
    %get3A_1 = arith.constant 0 : index
    %get3A_2 = vector.load %arg1[%get3A, %get3A_0, %get3A_1] : memref<2x1024x16xf32, #tpu.memory_space<vmem>>, vector<2x1024x16xf32>
    %slice3A = vector.extract_strided_slice %get3A_2 {offsets = [0, 0, 0], sizes = [1, 1024, 16], strides = [1, 1, 1]} : vector<2x1024x16xf32> to vector<1x1024x16xf32>
    %squeeze3A = vector.shape_cast %slice3A : vector<1x1024x16xf32> to vector<1024x16xf32>
    %slice3A_3 = vector.extract_strided_slice %get3A_2 {offsets = [1, 0, 0], sizes = [1, 1024, 16], strides = [1, 1, 1]} : vector<2x1024x16xf32> to vector<1x1024x16xf32>
    %squeeze3A_4 = vector.shape_cast %slice3A_3 : vector<1x1024x16xf32> to vector<1024x16xf32>
    %add3A = arith.addf %squeeze3A, %squeeze3A_4 : vector<1024x16xf32>
    %add3A_5 = arith.constant 1.000000e+00 : f32
    %add3A_6 = vector.broadcast %add3A_5 : f32 to vector<1024x16xf32>
    %add3A_7 = arith.addf %add3A, %add3A_6 : vector<1024x16xf32>
    %rsqrt3A = math.rsqrt %add3A_7 : vector<1024x16xf32>
    %slice3A_8 = vector.extract_strided_slice %rsqrt3A {offsets = [0, 0], sizes = [1024, 1], strides = [1, 1]} : vector<1024x16xf32> to vector<1024x1xf32>
    %broadcast_in_dim3A = vector.shape_cast %slice3A_8 : vector<1024x1xf32> to vector<1024x1xf32>
    %broadcast_in_dim3A_9 = vector.broadcast %broadcast_in_dim3A : vector<1024x1xf32> to vector<1024x128xf32>
    %get3A_10 = arith.constant 0 : index
    %get3A_11 = arith.constant 0 : index
    %get3A_12 = vector.load %arg2[%get3A_10, %get3A_11] : memref<1024x128xf32, #tpu.memory_space<vmem>>, vector<1024x128xf32>
    %get3A_13 = arith.constant 0 : index
    %get3A_14 = arith.constant 0 : index
    %get3A_15 = vector.load %arg3[%get3A_13, %get3A_14] : memref<128x128xf32, #tpu.memory_space<vmem>>, vector<128x128xf32>
    %dot_general3A = arith.constant dense<0.000000e+00> : vector<1024x128xf32>
    %dot_general3A_16 = tpu.matmul %get3A_12, %get3A_15, %dot_general3A {dimension_numbers = #tpu.dot_dimension_numbers<[1], [0], [0], [1], [0, 0, 1, 1], [], []>, transpose_lhs_hint = false} : vector<1024x128xf32>, vector<128x128xf32>, vector<1024x128xf32> -> vector<1024x128xf32>
    %mul3A = arith.mulf %dot_general3A_16, %broadcast_in_dim3A_9 : vector<1024x128xf32>
    %slice3A_17 = vector.extract_strided_slice %mul3A {offsets = [0, 0], sizes = [1024, 64], strides = [1, 1]} : vector<1024x128xf32> to vector<1024x64xf32>
    %swap3A = arith.constant 0 : index
    %swap3A_18 = arith.constant 0 : index
    %swap3A_19 = vector.load %arg4[%swap3A, %swap3A_18] : memref<1024x64xf32, #tpu.memory_space<vmem>>, vector<1024x64xf32>
    tpu.vector_store %arg4[%swap3A, %swap3A_18], %slice3A_17 {strides = array<i32>} : memref<1024x64xf32, #tpu.memory_space<vmem>>, vector<1024x64xf32>,
    %slice3A_20 = vector.extract_strided_slice %mul3A {offsets = [0, 64], sizes = [1024, 64], strides = [1, 1]} : vector<1024x128xf32> to vector<1024x64xf32>
    %swap3A_21 = arith.constant 0 : index
    %swap3A_22 = arith.constant 0 : index
    %swap3A_23 = vector.load %arg5[%swap3A_21, %swap3A_22] : memref<1024x64xf32, #tpu.memory_space<vmem>>, vector<1024x64xf32>
    tpu.vector_store %arg5[%swap3A_21, %swap3A_22], %slice3A_20 {strides = array<i32>} : memref<1024x64xf32, #tpu.memory_space<vmem>>, vector<1024x64xf32>,
    %swap3A_24 = arith.constant 0 : index
    %swap3A_25 = arith.constant 0 : index
    %swap3A_26 = vector.load %arg6[%swap3A_24, %swap3A_25] : memref<1024x128xf32, #tpu.memory_space<vmem>>, vector<1024x128xf32>
    tpu.vector_store %arg6[%swap3A_24, %swap3A_25], %broadcast_in_dim3A_9 {strides = array<i32>} : memref<1024x128xf32, #tpu.memory_space<vmem>>, vector<1024x128xf32>,
    return
  }
  func.func @transform_0(%arg0: i32) -> (i32, i32, i32) {
    %c0_i32 = arith.constant 0 : i32
    %c0_i32_0 = arith.constant 0 : i32
    %c0_i32_1 = arith.constant 0 : i32
    return %c0_i32, %arg0, %c0_i32_0 : i32, i32, i32
  }
  func.func @transform_1(%arg0: i32) -> (i32, i32) {
    %c0_i32 = arith.constant 0 : i32
    %c0_i32_0 = arith.constant 0 : i32
    return %arg0, %c0_i32 : i32, i32
  }
  func.func @transform_2(%arg0: i32) -> (i32, i32) {
    %c0_i32 = arith.constant 0 : i32
    %c0_i32_0 = arith.constant 0 : i32
    %c0_i32_1 = arith.constant 0 : i32
    return %c0_i32, %c0_i32_0 : i32, i32
  }
  func.func @transform_3(%arg0: i32) -> (i32, i32) {
    %c0_i32 = arith.constant 0 : i32
    %c0_i32_0 = arith.constant 0 : i32
    return %arg0, %c0_i32 : i32, i32
  }
  func.func @transform_4(%arg0: i32) -> (i32, i32) {
    %c0_i32 = arith.constant 0 : i32
    %c0_i32_0 = arith.constant 0 : i32
    return %arg0, %c0_i32 : i32, i32
  }
  func.func @transform_5(%arg0: i32) -> (i32, i32) {
    %c0_i32 = arith.constant 0 : i32
    %c0_i32_0 = arith.constant 0 : i32
    return %arg0, %c0_i32 : i32, i32
  }
}

module attributes {stable_mosaic.version = 14 : i64} {
  func.func @_mm2_body(%arg0: i32, %arg1: memref<2x1024x64xf32, #tpu.memory_space<vmem>>, %arg2: memref<2x1024x64xf32, #tpu.memory_space<vmem>>, %arg3: memref<1024x64xf32, #tpu.memory_space<vmem>>, %arg4: memref<1024x64xf32, #tpu.memory_space<vmem>>, %arg5: memref<1024x128xf32, #tpu.memory_space<vmem>>, %arg6: memref<128x128xf32, #tpu.memory_space<vmem>>, %arg7: memref<1x128xf32, #tpu.memory_space<vmem>>, %arg8: memref<1024x64xf32, #tpu.memory_space<vmem>>, %arg9: memref<1024x64xf32, #tpu.memory_space<vmem>>) attributes {dimension_semantics = [#tpu.dimension_semantics<arbitrary>], iteration_bounds = array<i64: 10>, scalar_prefetch = 0 : i64, scratch_operands = 0 : i64, tpu.core_type = #tpu.core_type<tc>, window_params = [{transform_indices = @transform_0, window_bounds = array<i64: 2, 1024, 64>}, {transform_indices = @transform_1, window_bounds = array<i64: 2, 1024, 64>}, {transform_indices = @transform_2, window_bounds = array<i64: 1024, 64>}, {transform_indices = @transform_3, window_bounds = array<i64: 1024, 64>}, {transform_indices = @transform_4, window_bounds = array<i64: 1024, 128>}, {pipeline_mode = #tpu.pipeline_mode<synchronous>, transform_indices = @transform_5, window_bounds = array<i64: 128, 128>}, {pipeline_mode = #tpu.pipeline_mode<synchronous>, transform_indices = @transform_6, window_bounds = array<i64: 1, 128>}, {transform_indices = @transform_7, window_bounds = array<i64: 1024, 64>}, {transform_indices = @transform_8, window_bounds = array<i64: 1024, 64>}]} {
    %get3A = arith.constant 0 : index
    %get3A_0 = arith.constant 0 : index
    %get3A_1 = arith.constant 0 : index
    %get3A_2 = vector.load %arg1[%get3A, %get3A_0, %get3A_1] : memref<2x1024x64xf32, #tpu.memory_space<vmem>>, vector<1x1024x64xf32>
    %get3A_3 = vector.shape_cast %get3A_2 : vector<1x1024x64xf32> to vector<1024x64xf32>
    %get3A_4 = arith.constant 1 : index
    %get3A_5 = arith.constant 0 : index
    %get3A_6 = arith.constant 0 : index
    %get3A_7 = vector.load %arg1[%get3A_4, %get3A_5, %get3A_6] : memref<2x1024x64xf32, #tpu.memory_space<vmem>>, vector<1x1024x64xf32>
    %get3A_8 = vector.shape_cast %get3A_7 : vector<1x1024x64xf32> to vector<1024x64xf32>
    %add3A = arith.addf %get3A_3, %get3A_8 : vector<1024x64xf32>
    %get3A_9 = arith.constant 0 : index
    %get3A_10 = arith.constant 0 : index
    %get3A_11 = arith.constant 0 : index
    %get3A_12 = vector.load %arg2[%get3A_9, %get3A_10, %get3A_11] : memref<2x1024x64xf32, #tpu.memory_space<vmem>>, vector<1x1024x64xf32>
    %get3A_13 = vector.shape_cast %get3A_12 : vector<1x1024x64xf32> to vector<1024x64xf32>
    %get3A_14 = arith.constant 1 : index
    %get3A_15 = arith.constant 0 : index
    %get3A_16 = arith.constant 0 : index
    %get3A_17 = vector.load %arg2[%get3A_14, %get3A_15, %get3A_16] : memref<2x1024x64xf32, #tpu.memory_space<vmem>>, vector<1x1024x64xf32>
    %get3A_18 = vector.shape_cast %get3A_17 : vector<1x1024x64xf32> to vector<1024x64xf32>
    %add3A_19 = arith.addf %get3A_13, %get3A_18 : vector<1024x64xf32>
    %concatenate3A = tpu.concatenate %add3A, %add3A_19 in 1 : vector<1024x64xf32>, vector<1024x64xf32> -> vector<1024x128xf32>
    %get3A_20 = arith.constant 0 : index
    %get3A_21 = arith.constant 0 : index
    %get3A_22 = vector.load %arg3[%get3A_20, %get3A_21] : memref<1024x64xf32, #tpu.memory_space<vmem>>, vector<1024x64xf32>
    %get3A_23 = arith.constant 0 : index
    %get3A_24 = arith.constant 0 : index
    %get3A_25 = vector.load %arg4[%get3A_23, %get3A_24] : memref<1024x64xf32, #tpu.memory_space<vmem>>, vector<1024x64xf32>
    %concatenate3A_26 = tpu.concatenate %get3A_22, %get3A_25 in 1 : vector<1024x64xf32>, vector<1024x64xf32> -> vector<1024x128xf32>
    %add3A_27 = arith.addf %concatenate3A, %concatenate3A_26 : vector<1024x128xf32>
    %get3A_28 = arith.constant 0 : index
    %get3A_29 = arith.constant 0 : index
    %get3A_30 = vector.load %arg5[%get3A_28, %get3A_29] : memref<1024x128xf32, #tpu.memory_space<vmem>>, vector<1024x128xf32>
    %mul3A = arith.mulf %add3A_27, %get3A_30 : vector<1024x128xf32>
    %get3A_31 = arith.constant 0 : index
    %get3A_32 = arith.constant 0 : index
    %get3A_33 = vector.load %arg7[%get3A_31, %get3A_32] : memref<1x128xf32, #tpu.memory_space<vmem>>, vector<1x128xf32>
    %add3A_34 = vector.broadcast %get3A_33 : vector<1x128xf32> to vector<1024x128xf32>
    %add3A_35 = arith.addf %mul3A, %add3A_34 : vector<1024x128xf32>
    %gt3A = arith.constant 0.000000e+00 : f32
    %gt3A_36 = vector.broadcast %gt3A : f32 to vector<1024x128xf32>
    %gt3A_37 = arith.cmpf ogt, %add3A_35, %gt3A_36 : vector<1024x128xf32>
    %mul3A_38 = arith.constant 0.00999999977 : f32
    %mul3A_39 = vector.broadcast %mul3A_38 : f32 to vector<1024x128xf32>
    %mul3A_40 = arith.mulf %mul3A_39, %add3A_35 : vector<1024x128xf32>
    %select_n3A = arith.select %gt3A_37, %add3A_35, %mul3A_40 : vector<1024x128xi1>, vector<1024x128xf32>
    %get3A_41 = arith.constant 0 : index
    %get3A_42 = arith.constant 0 : index
    %get3A_43 = vector.load %arg6[%get3A_41, %get3A_42] : memref<128x128xf32, #tpu.memory_space<vmem>>, vector<128x128xf32>
    %dot_general3A = arith.constant dense<0.000000e+00> : vector<1024x128xf32>
    %dot_general3A_44 = tpu.matmul %select_n3A, %get3A_43, %dot_general3A {dimension_numbers = #tpu.dot_dimension_numbers<[1], [0], [0], [1], [0, 0, 1, 1], [], []>, transpose_lhs_hint = false} : vector<1024x128xf32>, vector<128x128xf32>, vector<1024x128xf32> -> vector<1024x128xf32>
    %get3A_45 = arith.constant 0 : index
    %get3A_46 = arith.constant 0 : index
    %get3A_47 = vector.load %arg5[%get3A_45, %get3A_46] : memref<1024x128xf32, #tpu.memory_space<vmem>>, vector<1024x128xf32>
    %mul3A_48 = arith.mulf %dot_general3A_44, %get3A_47 : vector<1024x128xf32>
    %slice3A = vector.extract_strided_slice %mul3A_48 {offsets = [0, 0], sizes = [1024, 64], strides = [1, 1]} : vector<1024x128xf32> to vector<1024x64xf32>
    %swap3A = arith.constant 0 : index
    %swap3A_49 = arith.constant 0 : index
    %swap3A_50 = vector.load %arg8[%swap3A, %swap3A_49] : memref<1024x64xf32, #tpu.memory_space<vmem>>, vector<1024x64xf32>
    tpu.vector_store %arg8[%swap3A, %swap3A_49], %slice3A {strides = array<i32>} : memref<1024x64xf32, #tpu.memory_space<vmem>>, vector<1024x64xf32>,
    %slice3A_51 = vector.extract_strided_slice %mul3A_48 {offsets = [0, 64], sizes = [1024, 64], strides = [1, 1]} : vector<1024x128xf32> to vector<1024x64xf32>
    %swap3A_52 = arith.constant 0 : index
    %swap3A_53 = arith.constant 0 : index
    %swap3A_54 = vector.load %arg9[%swap3A_52, %swap3A_53] : memref<1024x64xf32, #tpu.memory_space<vmem>>, vector<1024x64xf32>
    tpu.vector_store %arg9[%swap3A_52, %swap3A_53], %slice3A_51 {strides = array<i32>} : memref<1024x64xf32, #tpu.memory_space<vmem>>, vector<1024x64xf32>,
    return
  }
  func.func @transform_0(%arg0: i32) -> (i32, i32, i32) {
    %c0_i32 = arith.constant 0 : i32
    %c0_i32_0 = arith.constant 0 : i32
    %c0_i32_1 = arith.constant 0 : i32
    return %c0_i32, %arg0, %c0_i32_0 : i32, i32, i32
  }
  func.func @transform_1(%arg0: i32) -> (i32, i32, i32) {
    %c0_i32 = arith.constant 0 : i32
    %c0_i32_0 = arith.constant 0 : i32
    %c0_i32_1 = arith.constant 0 : i32
    return %c0_i32, %arg0, %c0_i32_0 : i32, i32, i32
  }
  func.func @transform_2(%arg0: i32) -> (i32, i32) {
    %c0_i32 = arith.constant 0 : i32
    %c0_i32_0 = arith.constant 0 : i32
    return %arg0, %c0_i32 : i32, i32
  }
  func.func @transform_3(%arg0: i32) -> (i32, i32) {
    %c0_i32 = arith.constant 0 : i32
    %c0_i32_0 = arith.constant 0 : i32
    return %arg0, %c0_i32 : i32, i32
  }
  func.func @transform_4(%arg0: i32) -> (i32, i32) {
    %c0_i32 = arith.constant 0 : i32
    %c0_i32_0 = arith.constant 0 : i32
    return %arg0, %c0_i32 : i32, i32
  }
  func.func @transform_5(%arg0: i32) -> (i32, i32) {
    %c0_i32 = arith.constant 0 : i32
    %c0_i32_0 = arith.constant 0 : i32
    %c0_i32_1 = arith.constant 0 : i32
    return %c0_i32, %c0_i32_0 : i32, i32
  }
  func.func @transform_6(%arg0: i32) -> (i32, i32) {
    %c0_i32 = arith.constant 0 : i32
    %c0_i32_0 = arith.constant 0 : i32
    %c0_i32_1 = arith.constant 0 : i32
    return %c0_i32, %c0_i32_0 : i32, i32
  }
  func.func @transform_7(%arg0: i32) -> (i32, i32) {
    %c0_i32 = arith.constant 0 : i32
    %c0_i32_0 = arith.constant 0 : i32
    return %arg0, %c0_i32 : i32, i32
  }
  func.func @transform_8(%arg0: i32) -> (i32, i32) {
    %c0_i32 = arith.constant 0 : i32
    %c0_i32_0 = arith.constant 0 : i32
    return %arg0, %c0_i32 : i32, i32
  }
}

module attributes {stable_mosaic.version = 14 : i64} {
  func.func @_fin_body(%arg0: i32, %arg1: memref<2x1024x64xf32, #tpu.memory_space<vmem>>, %arg2: memref<2x1024x64xf32, #tpu.memory_space<vmem>>, %arg3: memref<1024x64xf32, #tpu.memory_space<vmem>>, %arg4: memref<1024x64xf32, #tpu.memory_space<vmem>>, %arg5: memref<1024x128xf32, #tpu.memory_space<vmem>>, %arg6: memref<1x128xf32, #tpu.memory_space<vmem>>, %arg7: memref<1024x128xf32, #tpu.memory_space<vmem>>) attributes {dimension_semantics = [#tpu.dimension_semantics<arbitrary>], iteration_bounds = array<i64: 10>, scalar_prefetch = 0 : i64, scratch_operands = 0 : i64, tpu.core_type = #tpu.core_type<tc>, window_params = [{transform_indices = @transform_0, window_bounds = array<i64: 2, 1024, 64>}, {transform_indices = @transform_1, window_bounds = array<i64: 2, 1024, 64>}, {transform_indices = @transform_2, window_bounds = array<i64: 1024, 64>}, {transform_indices = @transform_3, window_bounds = array<i64: 1024, 64>}, {transform_indices = @transform_4, window_bounds = array<i64: 1024, 128>}, {pipeline_mode = #tpu.pipeline_mode<synchronous>, transform_indices = @transform_5, window_bounds = array<i64: 1, 128>}, {transform_indices = @transform_6, window_bounds = array<i64: 1024, 128>}]} {
    %get3A = arith.constant 0 : index
    %get3A_0 = arith.constant 0 : index
    %get3A_1 = arith.constant 0 : index
    %get3A_2 = vector.load %arg1[%get3A, %get3A_0, %get3A_1] : memref<2x1024x64xf32, #tpu.memory_space<vmem>>, vector<1x1024x64xf32>
    %get3A_3 = vector.shape_cast %get3A_2 : vector<1x1024x64xf32> to vector<1024x64xf32>
    %get3A_4 = arith.constant 1 : index
    %get3A_5 = arith.constant 0 : index
    %get3A_6 = arith.constant 0 : index
    %get3A_7 = vector.load %arg1[%get3A_4, %get3A_5, %get3A_6] : memref<2x1024x64xf32, #tpu.memory_space<vmem>>, vector<1x1024x64xf32>
    %get3A_8 = vector.shape_cast %get3A_7 : vector<1x1024x64xf32> to vector<1024x64xf32>
    %add3A = arith.addf %get3A_3, %get3A_8 : vector<1024x64xf32>
    %get3A_9 = arith.constant 0 : index
    %get3A_10 = arith.constant 0 : index
    %get3A_11 = arith.constant 0 : index
    %get3A_12 = vector.load %arg2[%get3A_9, %get3A_10, %get3A_11] : memref<2x1024x64xf32, #tpu.memory_space<vmem>>, vector<1x1024x64xf32>
    %get3A_13 = vector.shape_cast %get3A_12 : vector<1x1024x64xf32> to vector<1024x64xf32>
    %get3A_14 = arith.constant 1 : index
    %get3A_15 = arith.constant 0 : index
    %get3A_16 = arith.constant 0 : index
    %get3A_17 = vector.load %arg2[%get3A_14, %get3A_15, %get3A_16] : memref<2x1024x64xf32, #tpu.memory_space<vmem>>, vector<1x1024x64xf32>
    %get3A_18 = vector.shape_cast %get3A_17 : vector<1x1024x64xf32> to vector<1024x64xf32>
    %add3A_19 = arith.addf %get3A_13, %get3A_18 : vector<1024x64xf32>
    %concatenate3A = tpu.concatenate %add3A, %add3A_19 in 1 : vector<1024x64xf32>, vector<1024x64xf32> -> vector<1024x128xf32>
    %get3A_20 = arith.constant 0 : index
    %get3A_21 = arith.constant 0 : index
    %get3A_22 = vector.load %arg3[%get3A_20, %get3A_21] : memref<1024x64xf32, #tpu.memory_space<vmem>>, vector<1024x64xf32>
    %get3A_23 = arith.constant 0 : index
    %get3A_24 = arith.constant 0 : index
    %get3A_25 = vector.load %arg4[%get3A_23, %get3A_24] : memref<1024x64xf32, #tpu.memory_space<vmem>>, vector<1024x64xf32>
    %concatenate3A_26 = tpu.concatenate %get3A_22, %get3A_25 in 1 : vector<1024x64xf32>, vector<1024x64xf32> -> vector<1024x128xf32>
    %add3A_27 = arith.addf %concatenate3A, %concatenate3A_26 : vector<1024x128xf32>
    %get3A_28 = arith.constant 0 : index
    %get3A_29 = arith.constant 0 : index
    %get3A_30 = vector.load %arg5[%get3A_28, %get3A_29] : memref<1024x128xf32, #tpu.memory_space<vmem>>, vector<1024x128xf32>
    %mul3A = arith.mulf %add3A_27, %get3A_30 : vector<1024x128xf32>
    %get3A_31 = arith.constant 0 : index
    %get3A_32 = arith.constant 0 : index
    %get3A_33 = vector.load %arg6[%get3A_31, %get3A_32] : memref<1x128xf32, #tpu.memory_space<vmem>>, vector<1x128xf32>
    %add3A_34 = vector.broadcast %get3A_33 : vector<1x128xf32> to vector<1024x128xf32>
    %add3A_35 = arith.addf %mul3A, %add3A_34 : vector<1024x128xf32>
    %swap3A = arith.constant 0 : index
    %swap3A_36 = arith.constant 0 : index
    %swap3A_37 = vector.load %arg7[%swap3A, %swap3A_36] : memref<1024x128xf32, #tpu.memory_space<vmem>>, vector<1024x128xf32>
    tpu.vector_store %arg7[%swap3A, %swap3A_36], %add3A_35 {strides = array<i32>} : memref<1024x128xf32, #tpu.memory_space<vmem>>, vector<1024x128xf32>,
    return
  }
  func.func @transform_0(%arg0: i32) -> (i32, i32, i32) {
    %c0_i32 = arith.constant 0 : i32
    %c0_i32_0 = arith.constant 0 : i32
    %c0_i32_1 = arith.constant 0 : i32
    return %c0_i32, %arg0, %c0_i32_0 : i32, i32, i32
  }
  func.func @transform_1(%arg0: i32) -> (i32, i32, i32) {
    %c0_i32 = arith.constant 0 : i32
    %c0_i32_0 = arith.constant 0 : i32
    %c0_i32_1 = arith.constant 0 : i32
    return %c0_i32, %arg0, %c0_i32_0 : i32, i32, i32
  }
  func.func @transform_2(%arg0: i32) -> (i32, i32) {
    %c0_i32 = arith.constant 0 : i32
    %c0_i32_0 = arith.constant 0 : i32
    return %arg0, %c0_i32 : i32, i32
  }
  func.func @transform_3(%arg0: i32) -> (i32, i32) {
    %c0_i32 = arith.constant 0 : i32
    %c0_i32_0 = arith.constant 0 : i32
    return %arg0, %c0_i32 : i32, i32
  }
  func.func @transform_4(%arg0: i32) -> (i32, i32) {
    %c0_i32 = arith.constant 0 : i32
    %c0_i32_0 = arith.constant 0 : i32
    return %arg0, %c0_i32 : i32, i32
  }
  func.func @transform_5(%arg0: i32) -> (i32, i32) {
    %c0_i32 = arith.constant 0 : i32
    %c0_i32_0 = arith.constant 0 : i32
    %c0_i32_1 = arith.constant 0 : i32
    return %c0_i32, %c0_i32_0 : i32, i32
  }
  func.func @transform_6(%arg0: i32) -> (i32, i32) {
    %c0_i32 = arith.constant 0 : i32
    %c0_i32_0 = arith.constant 0 : i32
    return %arg0, %c0_i32 : i32, i32
  }
}

</mosaic_0001>

<sc_bundles>
// kernel: kernel.11.cloned.1.call-start
scs
__scs_entry_jumppad:
0x0: {  	(pc) =	sbr.rel $0x88, $3  }
0x1: {  	(tag) =	ssettag $0x0;
	lr =	simm.s32 $0x1  }
0x2: {  	[smem:$0x3F9B] =	sst lr;
	_ =	strace $0xD0000000  }
0x3: {  	_ = 	snop  }
0x4: {  	_ = 	snop  }
0x5: {  	_ = 	snop  }
0x6: {  	_ = 	snop  }
0x7: {  	_ = 	snop  }
__scs_overlays_trampoline_lowered:
0x8: {  	[smem:$0x3FAA] =	sst s0  }
0x9: {  	[smem:$0x3FAB] =	sst s1  }
0xa: {  	[smem:$0x3FAC] =	sst s2  }
0xb: {  	[smem:$0x3FAD] =	sst s3  }
0xc: {  	[smem:$0x3FAE] =	sst s4  }
0xd: {  	[smem:$0x3FAF] =	sst s5  }
0xe: {  	[smem:$0x3FB0] =	sst s6  }
0xf: {  	[smem:$0x3FB1] =	sst s7  }
0x10: {  	[smem:$0x3FB2] =	sst s8  }
0x11: {  	[smem:$0x3FB3] =	sst s9;
	s0 =	simm.s32 @!p0 $0x0  }
0x12: {  	s1 =	sld [smem:$0x3F99];
	s0 =	simm.s32 @p0 $0x1  }
0x13: {  	[smem:$0x3FB4] =	sst s0;
	s0 =	simm.s32 @!p1 $0x0  }
0x14: {  	s2 =	sld [smem:$0x3F98];
	s0 =	simm.s32 @p1 $0x1  }
0x15: {  	[smem:$0x3FB5] =	sst s0;
	s0 =	simm.s32 @!p2 $0x0  }
0x16: {  	s3 =	sld [smem:$0x3FDB];
	s0 =	simm.s32 @p2 $0x1  }
0x17: {  	s4 =	simm.s32 $0x1BF5;
	[smem:$0x3FB7] =	sst s0  }
0x18: {  	s0 =	sld [smem:$0x3F9A];
	_ =	swait.ge [sflag:s4], $0x0  }
0x19: {  	s7 =	sld [smem:$0x3F9B]  }
0x1a: {  	s8 =	sadd.s32 $0xFFFFE003, lr  }
0x1b: {  	s9 =	sadd.s32 $0xFFFFFEF7, lr;
	s5 =	simm.s32 $0xFFFFFFFF;
	p2 =	slt.u32 s8, $0xFFFFF086  }
0x1c: {  	p1 =	slt.u32 s9, $0xF7A;
	s5 =	simm.s32 @!p2 $0x0  }
0x1d: {  	s5 =	simm.s32 @p1 $0x1;
	p0 =	seq.s32 s7, s2  }
0x1e: {  	s7 =	smul.u32 @!p0 $0xF7A, s2;
	p2 =	seq.s32 @!p0 s5, $0x0  }
0x1f: {  	s9 =	smul.u32 $0xF7A, s1;
	s8 =	simm.s32 @!p0 $0x1BF5;
	p2 =	por !p2, p0  }
0x20: {  	[sflag:s8] =	ssyncset.s32 @!p0 $0xFFFFF086;
	s6 =	sadd.s32 @!p0 s3, s7;
	s7 =	simm.s32 @!p0 $0x108  }
0x21: {  	s3 =	sadd.s32 s3, s9;
	s6 =	sadd.s32 @!p0 $0x88, s6;
	s7 =	simm.s32 @p2 $0x1082  }
0x22: {  	[simem:s7], [sflag:s8] =	dma.local @!p0 [hbm:s6], $0xF7A  }
0x23: {  	s9 =	sor.u32 $0xD0000000, s2;
	s6 =	simm.s32 $0x108;
	_ =	swait.ge @!p0 [sflag:s8], $0x0  }
0x24: {  	s3 =	sadd.s32 $0x88, s3;
	s6 =	simm.s32 @!p1 $0x1082;
	[sflag:s4] =	ssyncset.s32 $0xFFFFF086  }
0x25: {  	[simem:s6], [sflag:s4] =	dma.local [hbm:s3], $0xF7A  }
0x26: {  	[smem:$0x3F9B] =	sst s1;
	(tag) =	ssettag s2;
	_ =	strace s9  }
0x27: {  	s1 =	sld [smem:$0x3FAB]  }
0x28: {  	s2 =	sld [smem:$0x3FAC]  }
0x29: {  	s4 =	sld [smem:$0x3FAE]  }
0x2a: {  	p0 =	seq.s32 s5, $0x0;
	s5 =	sld [smem:$0x3FAF]  }
0x2b: {  	s6 =	sld [smem:$0x3FB0]  }
0x2c: {  	s7 =	sld [smem:$0x3FB1]  }
0x2d: {  	s3 =	simm.s32 $0x108;
	s8 =	sld [smem:$0x3FB2]  }
0x2e: {  	s3 =	simm.s32 @!p0 $0x1082;
	s9 =	sld [smem:$0x3FB3]  }
0x2f: {  	lr =	sadd.s32 s0, s3;
	s0 =	sld [smem:$0x3FAA]  }
0x30: {  	s3 =	sld [smem:$0x3FAD]  }
0x31: {  	[smem:$0x3FB6] =	sst s10  }
0x32: {  	s10 =	sld [smem:$0x3FB4];
	_ =	sdelay $0x3  }
0x33: {  	p0 =	seq.s32 s10, $0x1;
	s10 =	sld [smem:$0x3FB6];
	_ =	sdelay $0x3  }
0x34: {  	[smem:$0x3FB6] =	sst s10  }
0x35: {  	s10 =	sld [smem:$0x3FB5];
	_ =	sdelay $0x3  }
0x36: {  	p1 =	seq.s32 s10, $0x1;
	s10 =	sld [smem:$0x3FB6];
	_ =	sdelay $0x3  }
0x37: {  	[smem:$0x3FB6] =	sst s10  }
0x38: {  	s10 =	sld [smem:$0x3FB7]  }
0x39: {  	_ = 	snop;
	(pc) =	sbr.ind lr, $3  }
0x3a: {  	_ = 	snop  }
0x3b: {  	_ = 	snop  }
0x3c: {  	p2 =	seq.s32 s10, $0x1;
	s10 =	sld [smem:$0x3FB6]  }
0x3d: {  	_ =	shalt  }
0x3e: {  	_ =	shalt  }
0x3f: {  	_ =	shalt  }
0x40: {  	_ =	shalt  }
0x41: {  	_ =	shalt  }
0x42: {  	_ =	shalt  }
0x43: {  	_ =	shalt  }
0x44: {  	_ =	shalt  }
0x45: {  	_ =	shalt  }
0x46: {  	_ =	shalt  }
0x47: {  	_ =	shalt  }
0x48: {  	_ =	shalt  }
0x49: {  	_ =	shalt  }
0x4a: {  	_ =	shalt  }
0x4b: {  	_ =	shalt  }
0x4c: {  	_ =	shalt  }
0x4d: {  	_ =	shalt  }
0x4e: {  	_ =	shalt  }
0x4f: {  	_ =	shalt  }
0x50: {  	_ =	shalt  }
0x51: {  	_ =	shalt  }
0x52: {  	_ =	shalt  }
0x53: {  	_ =	shalt  }
0x54: {  	_ =	shalt  }
0x55: {  	_ =	shalt  }
0x56: {  	_ =	shalt  }
0x57: {  	_ =	shalt  }
0x58: {  	_ =	shalt  }
0x59: {  	_ =	shalt  }
0x5a: {  	_ =	shalt  }
0x5b: {  	_ =	shalt  }
0x5c: {  	_ =	shalt  }
0x5d: {  	_ =	shalt  }
0x5e: {  	_ =	shalt  }
0x5f: {  	_ =	shalt  }
0x60: {  	_ =	shalt  }
0x61: {  	_ =	shalt  }
0x62: {  	_ =	shalt  }
0x63: {  	_ =	shalt  }
0x64: {  	_ =	shalt  }
0x65: {  	_ =	shalt  }
0x66: {  	_ =	shalt  }
0x67: {  	_ =	shalt  }
0x68: {  	_ =	shalt  }
0x69: {  	_ =	shalt  }
0x6a: {  	_ =	shalt  }
0x6b: {  	_ =	shalt  }
0x6c: {  	_ =	shalt  }
0x6d: {  	_ =	shalt  }
0x6e: {  	_ =	shalt  }
0x6f: {  	_ =	shalt  }
0x70: {  	_ =	shalt  }
0x71: {  	_ =	shalt  }
0x72: {  	_ =	shalt  }
0x73: {  	_ =	shalt  }
0x74: {  	_ =	shalt  }
0x75: {  	_ =	shalt  }
0x76: {  	_ =	shalt  }
0x77: {  	_ =	shalt  }
0x78: {  	_ =	shalt  }
0x79: {  	_ =	shalt  }
0x7a: {  	_ =	shalt  }
0x7b: {  	_ =	shalt  }
0x7c: {  	_ =	shalt  }
0x7d: {  	_ =	shalt  }
0x7e: {  	_ =	shalt  }
0x7f: {  	_ =	shalt  }
0x80: {  	_ =	shalt  }
0x81: {  	_ =	shalt  }
0x82: {  	_ =	shalt  }
0x83: {  	_ =	shalt  }
0x84: {  	_ =	shalt  }
0x85: {  	_ =	shalt  }
0x86: {  	_ =	shalt  }
0x87: {  	_ =	shalt  }
.Lfunc_end0:
.L_simem_size_0:
called_computation.1_lowered:
.L_overlay_start_0:
0x88: {  	s2 =	sld [smem:$0x3FD9]  }
0x89: {  	s3 =	sld [smem:$0x3FFE];
	_ =	sdelay $0x1  }
0x8a: {  	s1 =	srdreg.scid  }
0x8b: {  	s0 =	sand.u32 $0x1, s1  }
0x8c: {  	s17 =	sshll.u32 s0, $0xA;
	s2 =	sadd.s32 s3, s2  }
0x8d: {  	s2 =	sadd.s32 s2, s17  }
0x8e: {  	[smem:$0x3FC2] =	sst s2  }
0x8f: {  	_ = 	snop  }
0x90: {  	s2 =	sld [smem:$0x3FD0];
	(tm) =	ssettm $0x1  }
0x91: {  	s18 =	sld [smem:$0x3FFB];
	_ =	sdelay $0x3  }
0x92: {  	_ =	strace s18  }
0x93: {  	s3 =	sld [smem:$0x3FFC];
	_ =	sdelay $0x3  }
0x94: {  	_ =	strace s3  }
0x95: {  	s3 =	sld [smem:$0x3FFD];
	_ =	sdelay $0x3  }
0x96: {  	_ =	strace s3  }
0x97: {  	_ =	strace $0x8FFFFFFF  }
0x98: {  	s19 =	sld [smem:$0x3FDB];
	_ =	sdelay $0x1  }
0x99: {  	s4 =	simm.s32 $_scs_section_size  }
0x9a: {  	s5 =	simm.s32 $_size__tile_overlayer_lowered;
	s6 =	simm.s32 $_tile_overlayer_lowered  }
0x9b: {  	s22 =	simm.s32 $0x1BFF;
	s21 =	sshll.u32 s6, $0x1;
	s3 =	sadd.s32 s4, s19  }
0x9c: {  	s7 =	simm.s32 $0x0;
	s20 =	sshll.u32 s5, $0x1;
	s5 =	sadd.s32 s21, s3  }
0x9d: {  	[timem:s7], [sflag:s22] =	dma.local [hbm:s5], s20  }
0x9e: {  	_ =	swait.ge [sflag:s22], s20  }
0x9f: {  	s4 =	ssub.s32 $0x0, s20;
	[sflag:s22] =	ssyncset.done $0x0  }
0xa0: {  	[sflag:s22] =	ssyncadd.s32 s4;
	_ =	sdelay $0x1  }
0xa1: {  	s23 =	simm.s32 $0x1B8B  }
0xa2: {  	_ =	swait.ge [sflag:s23], $0x1  }
0xa3: {  	[sflag:s23] =	ssyncset.done $0x0  }
0xa4: {  	s25 =	simm.s32 $0x1B8E;
	s24 =	sld [smem:$0x3FFE];
	[sflag:s23] =	ssyncadd.s32 $0xFFFFFFFF  }
0xa5: {  	s26 =	simm.s32 $execute0_lowered;
	[smem:$0x3FD2] =	sst s25  }
0xa6: {  	s5 =	sshll.u32 s26, $0x1;
	_ =	strace $0x80000049;
	[dreg:$0x1] =	wrdreg $0xFFFFFFFF  }
0xa7: {  	s28 =	simm.s32 $_size_execute0_lowered;
	s3 =	sadd.s32 s3, s5;
	[dreg:$0x0] =	wrdreg $0x0  }
0xa8: {  	s5 =	sshll.u32 s28, $0x1;
	[dreg:$0x2] =	wrdreg s3  }
0xa9: {  	[dreg:$0x3] =	wrdreg s5  }
0xaa: {  	[dreg:$0x4] =	wrdreg $0xC0  }
0xab: {  	_ =	task [dreg:s7], $0x5FFFF  }
0xac: {  	[dreg:$0x1] =	wrdreg $0xFFFFFFFF  }
0xad: {  	[dreg:$0x0] =	wrdreg $0x60  }
0xae: {  	[dreg:$0x2] =	wrdreg s2  }
0xaf: {  	[dreg:$0x3] =	wrdreg s24  }
0xb0: {  	[dreg:$0x4] =	wrdreg $0x110000  }
0xb1: {  	[dreg:$0x5] =	wrdreg $0x9  }
0xb2: {  	_ =	task.clear_ibuf [dreg:s7], $0x6FFFF;
	_ =	strace $0x90000049  }
0xb3: {  	s29 =	simm.s32 $0x9;
	_ =	strace $0x8000004B  }
0xb4: {  	_ =	swait.ge [sflag:s29], $0x1  }
0xb5: {  	[sflag:s29] =	ssyncadd.s32 $0xFFFFFFFF  }
0xb6: {  	_ =	strace $0x9000004B  }
0xb7: {  	_ =	sfence  }
0xb8: {  	s30 =	sld [smem:$0x0];
	_ =	sdelay $0x2  }
0xb9: {  	s31 =	sshll.u32 s1, $0xD;
	s1 =	sshrl.u32 s1, $0x2  }
0xba: {  	s3 =	sand.u32 $0x4000, s31;
	s1 =	sadd.s32 s1, s30  }
0xbb: {  	s0 =	sor.u32 s3, s0;
	s1 =	sshll.u32 s1, $0x11  }
0xbc: {  	s0 =	sor.u32 s1, s0  }
0xbd: {  	s0 =	sadd.s32 $0x8F2B, s0  }
0xbe: {  	[sflag:s0] =	ssyncadd.remote.s32 $0x1  }
0xbf: {  	_ =	sfence.sel $0xFFFF  }
0xc0: {  	[dreg:$0x0] =	wrdreg $0xFFFFFFFF;
	(pc) =	sbr.abs _section_cstart, $3  }
0xc1: {  	[dreg:$0x1] =	wrdreg $0xFFFFFFFF  }
0xc2: {  	_ =	task.clear_ibuf [dreg:s7], $0x2FFFF;
	_ =	strace $0x9FFFFFFF  }
0xc3: {  	(tm) =	ssettm $0x7FFFFFFF  }
tec
execute0_lowered:
.L_overlay_start_1:
0x0: {  	(tag) =	ssettag $0x1  }
0x1: {  	s1 =	rddreg [dreg:$0x0]  }
0x2: {  	s0 =	rddreg [dreg:$0x1]  }
0x3: {  	s2 =	srdreg.scid;
	s8 =	stileid.u32  }
0x4: {  	s3 =	rddreg [dreg:$0x2];
	s5 =	simm.s32 $0x0;
	s28 =	simm.s32 $0x80  }
0x5: {  	s29 =	simm.s32 $0x7000;
	s30 =	simm.s32 $0x9000;
	s31 =	simm.s32 $0x5  }
0x6: {  	s2 =	sand.u32 $0x1, s2;
	s4 =	sshll.u32 s8, $0x1;
	[smem:$0x7FF] =	sst s5  }
0x7: {  	s5 =	sadd.s32 $0x2CC00, s0;
	s8 =	smul.u32 $0xA000, s8;
	s9 =	sadd.s32 $0x90C00, s0  }
0x8: {  	s4 =	sor.u32 s2, s4;
	s6 =	ssub.s32 $0x2, s2;
	s2 =	smul.u32 $0xA0000, s2  }
0x9: {  	_ =	strace $0x8000004A;
	s4 =	smul.u32 $0x500, s4;
	s7 =	sshrl.u32 s6, $0x1  }
0xa: {  	s13 =	sadd.s32 $0x2000, s8;
	s14 =	sadd.s32 $0x4000, s8;
	s10 =	sadd.s32 $0x6000, s8  }
0xb: {  	s6 =	ssub.s32 s6, s7;
	s20 =	sadd.s32 s13, s3;
	s22 =	sadd.s32 s14, s3  }
0xc: {  	s26 =	sadd.s32 s10, s3;
	s11 =	sadd.s32 s8, s2;
	[dreg:$0x7] =	wrdreg s20  }
0xd: {  	s7 =	sadd.s32 s2, s14;
	s10 =	sadd.s32 s2, s10;
	[dreg:$0x8] =	wrdreg s22  }
0xe: {  	s4 =	sadd.s32 s4, s0;
	s25 =	smax.u32 s6, $0x1;
	[dreg:$0x9] =	wrdreg s26  }
0xf: {  	s0 =	sadd.s32 $0x68C00, s0;
	s12 =	sadd.s32 $0x5EC00, s4;
	[dreg:$0x15] =	wrdreg s25  }
0x10: {  	s11 =	sshrl.u32 s11, $0x3;
	s4 =	sadd.s32 $0x54C00, s4;
	[dreg:$0x4] =	wrdreg s12  }
0x11: {  	s7 =	sshrl.u32 s7, $0x3;
	s15 =	sadd.s32 s9, s11;
	[dreg:$0x5] =	wrdreg s4  }
0x12: {  	s17 =	sshrl.u32 s10, $0x3;
	s18 =	sadd.s32 s9, s7;
	[dreg:$0xb] =	wrdreg s15  }
0x13: {  	s6 =	simm.s32 $0xD000;
	s19 =	sadd.s32 s9, s17;
	[dreg:$0xd] =	wrdreg s18  }
0x14: {  	s21 =	sadd.s32 s0, s11;
	s23 =	sadd.s32 s0, s7;
	[dreg:$0xe] =	wrdreg s19  }
0x15: {  	s24 =	sadd.s32 s0, s17;
	s7 =	simm.s32 $0x2;
	[dreg:$0x10] =	wrdreg s21  }
0x16: {  	s17 =	simm.s32 $0x9;
	s12 =	sadd.s32 s8, s3;
	[dreg:$0x12] =	wrdreg s23  }
0x17: {  	s4 =	sadd.s32 s2, s13;
	s8 =	sadd.s32 $0x8000, s8;
	[dreg:$0x13] =	wrdreg s24  }
0x18: {  	s24 =	simm.s32 $0xB;
	s15 =	simm.s32 $0xF000;
	s18 =	simm.s32 $0x6  }
0x19: {  	s19 =	simm.s32 $0xA;
	s21 =	simm.s32 $0x0;
	s4 =	sshrl.u32 s4, $0x3  }
0x1a: {  	s13 =	sadd.s32 s8, s3;
	s2 =	sadd.s32 s2, s8;
	[dreg:$0x6] =	wrdreg s12  }
.Ltmp0:
0x1b: {  	[dreg:$0xa] =	wrdreg s13;
	s16 =	sadd.s32 s9, s4;
	(pc) =	sbr.rel .LBB2_1-.Ltmp0, $4  }
0x1c: {  	s2 =	sshrl.u32 s2, $0x3;
	s4 =	sadd.s32 s0, s4;
	[dreg:$0xc] =	wrdreg s16  }
0x1d: {  	s13 =	simm.s32 $0x8;
	s9 =	sadd.s32 s9, s2;
	[dreg:$0x11] =	wrdreg s4  }
0x1e: {  	s0 =	sadd.s32 s0, s2;
	s2 =	simm.s32 $0xB000;
	[dreg:$0xf] =	wrdreg s9  }
0x1f: {  	v0 =	vimm.f32 $0.0e+00;
	s16 =	simm.s32 $0x3;
	[dreg:$0x14] =	wrdreg s0;
	s0 =	simm.s32 $0x1  }
.LBB2_9:
0x20: {  	_ =	swait.ge [sflag:s17], $0x2000  }
0x21: {  	[sflag:s17] =	ssyncset.done $0x0  }
0x22: {  	[sflag:s17] =	ssyncadd.s32 $0xFFFFE000  }
0x23: {  	_ =	swait.ge [sflag:s19], $0x2000  }
0x24: {  	[sflag:s19] =	ssyncset.done $0x0  }
0x25: {  	[sflag:s19] =	ssyncadd.s32 $0xFFFFE000  }
0x26: {  	[bflag:$0x0] =	sbarrier.arrive $0xFFFF  }
0x27: {  	s10 =	rddreg [dreg:$0x10]  }
0x28: {  	[hbm:s10], [sflag:s23] =	dma.local [spmem:s4], $0x400  }
0x29: {  	_ =	swait.ge [sflag:s24], $0x400  }
0x2a: {  	[sflag:s24] =	ssyncset.done $0x0  }
0x2b: {  	s12 =	rddreg [dreg:$0x11];
	[sflag:s24] =	ssyncadd.s32 $0xFFFFFC00  }
0x2c: {  	[hbm:s12], [sflag:s23] =	dma.local [spmem:s14], $0x400  }
0x2d: {  	_ =	swait.ge [sflag:s24], $0x400  }
0x2e: {  	[sflag:s24] =	ssyncset.done $0x0  }
0x2f: {  	s20 =	rddreg [dreg:$0x12];
	[sflag:s24] =	ssyncadd.s32 $0xFFFFFC00  }
0x30: {  	[hbm:s20], [sflag:s23] =	dma.local [spmem:s25], $0x400  }
0x31: {  	_ =	swait.ge [sflag:s24], $0x400  }
0x32: {  	[sflag:s24] =	ssyncset.done $0x0  }
0x33: {  	s22 =	rddreg [dreg:$0x13];
	[sflag:s24] =	ssyncadd.s32 $0xFFFFFC00  }
0x34: {  	[hbm:s22], [sflag:s23] =	dma.local [spmem:s8], $0x400  }
0x35: {  	_ =	swait.ge [sflag:s24], $0x400  }
0x36: {  	[sflag:s24] =	ssyncset.done $0x0  }
0x37: {  	s25 =	rddreg [dreg:$0x14];
	[sflag:s24] =	ssyncadd.s32 $0xFFFFFC00  }
0x38: {  	[hbm:s25], [sflag:s23] =	dma.local [spmem:s9], $0x400  }
0x39: {  	_ =	swait.ge [sflag:s24], $0x400  }
0x3a: {  	s21 =	sadd.s32 $0x1, s21;
	s26 =	rddreg [dreg:$0x15]  }
0x3b: {  	p0 =	sne.s32 s21, s26  }
.Ltmp1:
0x3c: {  	_ = 	snop;
	(pc) =	sbr.rel @!p0 .LBB2_10-.Ltmp1, $4  }
0x3d: {  	s12 =	rddreg [dreg:$0x6]  }
0x3e: {  	s20 =	rddreg [dreg:$0x7]  }
0x3f: {  	[sflag:s24] =	ssyncset.done $0x0;
	s22 =	rddreg [dreg:$0x8]  }
0x40: {  	[sflag:s24] =	ssyncadd.s32 $0xFFFFFC00;
	s26 =	rddreg [dreg:$0x9]  }
.LBB2_1:
0x41: {  	s4 =	simm.s32 $0x0;
	s8 =	rddreg [dreg:$0x4]  }
0x42: {  	[tilespmem:s4], [sflag:$0xB] =	stream.linear.gather [hbm4b:s8+s4], $0x2800, $0x38;
	[tilespmem:$0x1B000] =	vst v63  }
0x43: {  	_ =	swait.ge [sflag:s24], $0x2800  }
0x44: {  	[sflag:s24] =	ssyncset.done $0x0  }
0x45: {  	s9 =	simm.s32 $0x2800;
	s25 =	rddreg [dreg:$0x5];
	[sflag:s24] =	ssyncadd.s32 $0xFFFFD800  }
0x46: {  	[tilespmem:s9], [sflag:$0xB] =	stream.linear.gather [hbm4b:s25+s4], $0x2800, $0x38;
	[tilespmem:$0x1B000] =	vst v63  }
0x47: {  	_ =	swait.ge [sflag:s24], $0x2800  }
0x48: {  	[sflag:s24] =	ssyncset.done $0x0  }
0x49: {  	s8 =	simm.s32 $0x100;
	s4 =	simm.s32 $0x0;
	[sflag:s24] =	ssyncadd.s32 $0xFFFFD800  }
.LBB2_2:
0x4a: {  	p0 =	sne.s32 s8, $0x7F00;
	[tilespmem:s4+$0x5030] =	vst v0;
	s9 =	smov.u32 s8;
	s8 =	sadd.s32 $0x100, s8  }
.Ltmp2:
0x4b: {  	[tilespmem:s4+$0x5020] =	vst v0;
	(pc) =	sbr.rel @p0 .LBB2_2-.Ltmp2, $3  }
0x4c: {  	[tilespmem:s4+$0x5000] =	vst v0  }
0x4d: {  	[tilespmem:s4+$0x5010] =	vst v0;
	_ =	sdelay $0x1  }
0x4e: {  	s4 =	sshra.s32 s9, $0x2  }
0x4f: {  	[tilespmem:s4+$0x5030] =	vst v0  }
0x50: {  	[tilespmem:s4+$0x5020] =	vst v0  }
0x51: {  	[tilespmem:s4+$0x5000] =	vst v0  }
0x52: {  	[tilespmem:s4+$0x5010] =	vst v0;
	s8 =	simm.s32 $0x5000  }
0x53: {  	[spmem:s12] =	stream.linear.scatter [tilespmem:s8], [sflag:$0xB], $0x2000, $0x38;
	[tilespmem:$0x1B000] =	vst v63  }
0x54: {  	_ =	swait.ge [sflag:s24], $0x2000  }
0x55: {  	[sflag:s24] =	ssyncset.done $0x0  }
0x56: {  	[sflag:s24] =	ssyncadd.s32 $0xFFFFE000  }
0x57: {  	[spmem:s20] =	stream.linear.scatter [tilespmem:s8], [sflag:$0xB], $0x2000, $0x38;
	[tilespmem:$0x1B000] =	vst v63  }
0x58: {  	_ =	swait.ge [sflag:s24], $0x2000  }
0x59: {  	[sflag:s24] =	ssyncset.done $0x0  }
0x5a: {  	[sflag:s24] =	ssyncadd.s32 $0xFFFFE000  }
0x5b: {  	[spmem:s22] =	stream.linear.scatter [tilespmem:s8], [sflag:$0xB], $0x2000, $0x38;
	[tilespmem:$0x1B000] =	vst v63  }
0x5c: {  	_ =	swait.ge [sflag:s24], $0x2000  }
0x5d: {  	[sflag:s24] =	ssyncset.done $0x0  }
0x5e: {  	[sflag:s24] =	ssyncadd.s32 $0xFFFFE000  }
0x5f: {  	[spmem:s26] =	stream.linear.scatter [tilespmem:s8], [sflag:$0xB], $0x2000, $0x38;
	[tilespmem:$0x1B000] =	vst v63  }
0x60: {  	_ =	swait.ge [sflag:s24], $0x2000  }
0x61: {  	[sflag:s24] =	ssyncset.done $0x0  }
0x62: {  	s23 =	rddreg [dreg:$0xa];
	[sflag:s24] =	ssyncadd.s32 $0xFFFFE000  }
0x63: {  	[spmem:s23] =	stream.linear.scatter [tilespmem:s8], [sflag:$0xB], $0x2000, $0x38;
	[tilespmem:$0x1B000] =	vst v63  }
0x64: {  	_ =	swait.ge [sflag:s24], $0x2000  }
0x65: {  	[sflag:s24] =	ssyncset.done $0x0  }
0x66: {  	[sflag:s24] =	ssyncadd.s32 $0xFFFFE000  }
0x67: {  	s4 =	simm.s32 $0x0;
	[bflag:$0x0] =	sbarrier.arrive $0xFFFF  }
0x68: {  	[tilespmem:s29], [sflag:$0x1] =	stream.indirect.gather [hbm4b:s1+s28], $0x40, s4, s28, $0xb8;
	[tilespmem:$0x1B000] =	vst v63  }
0x69: {  	_ = 	snop  }
0x6a: {  	[tilespmem:s30], [sflag:$0x2] =	stream.indirect.gather [hbm4b:s1+s28], $0x40, s28, s28, $0xb8;
	[tilespmem:$0x1B000] =	vst v63  }
0x6b: {  	s25 =	simm.s32 $0x100  }
0x6c: {  	[tilespmem:s2], [sflag:$0x3] =	stream.indirect.gather [hbm4b:s1+s28], $0x40, s25, s28, $0xb8;
	[tilespmem:$0x1B000] =	vst v63  }
0x6d: {  	_ =	swait.ge [sflag:s0], $0x2000  }
0x6e: {  	[sflag:s0] =	ssyncset.done $0x0  }
0x6f: {  	s9 =	simm.s32 $0x2800;
	[sflag:s0] =	ssyncadd.s32 $0xFFFFE000  }
0x70: {  	[spmem:s3] =	stream.indirect.scatter.add.f32 [tilespmem:s29], [sflag:$0x6], $0x40, s9, s28, $0xb8;
	[tilespmem:$0x1B000] =	vst v63  }
0x71: {  	s10 =	simm.s32 $0x180  }
0x72: {  	[tilespmem:s6], [sflag:$0x4] =	stream.indirect.gather [hbm4b:s1+s28], $0x40, s10, s28, $0xb8;
	[tilespmem:$0x1B000] =	vst v63  }
0x73: {  	_ =	swait.ge [sflag:s7], $0x2000  }
0x74: {  	[sflag:s7] =	ssyncset.done $0x0  }
0x75: {  	s11 =	simm.s32 $0x2880;
	[sflag:s7] =	ssyncadd.s32 $0xFFFFE000  }
0x76: {  	[spmem:s3] =	stream.indirect.scatter.add.f32 [tilespmem:s30], [sflag:$0x7], $0x40, s11, s28, $0xb8;
	[tilespmem:$0x1B000] =	vst v63  }
0x77: {  	s14 =	simm.s32 $0x200  }
0x78: {  	[tilespmem:s15], [sflag:$0x5] =	stream.indirect.gather [hbm4b:s1+s28], $0x40, s14, s28, $0xb8;
	[tilespmem:$0x1B000] =	vst v63  }
0x79: {  	_ =	swait.ge [sflag:s16], $0x2000  }
0x7a: {  	[sflag:s16] =	ssyncset.done $0x0  }
0x7b: {  	s23 =	simm.s32 $0x2900;
	[sflag:s16] =	ssyncadd.s32 $0xFFFFE000  }
0x7c: {  	[spmem:s3] =	stream.indirect.scatter.add.f32 [tilespmem:s2], [sflag:$0x8], $0x40, s23, s28, $0xb8;
	[tilespmem:$0x1B000] =	vst v63  }
0x7d: {  	_ =	swait.ge [sflag:s18], $0x2000  }
0x7e: {  	[sflag:s18] =	ssyncset.done $0x0  }
0x7f: {  	s25 =	simm.s32 $0x280;
	s9 =	simm.s32 $0x4;
	[sflag:s18] =	ssyncadd.s32 $0xFFFFE000  }
0x80: {  	[tilespmem:s29], [sflag:$0x1] =	stream.indirect.gather [hbm4b:s1+s28], $0x40, s25, s28, $0xb8;
	[tilespmem:$0x1B000] =	vst v63  }
0x81: {  	_ =	swait.ge [sflag:s9], $0x2000  }
0x82: {  	[sflag:s9] =	ssyncset.done $0x0  }
0x83: {  	s10 =	simm.s32 $0x2980;
	s11 =	simm.s32 $0x7;
	[sflag:s9] =	ssyncadd.s32 $0xFFFFE000  }
0x84: {  	[spmem:s3] =	stream.indirect.scatter.add.f32 [tilespmem:s6], [sflag:$0x9], $0x40, s10, s28, $0xb8;
	[tilespmem:$0x1B000] =	vst v63  }
0x85: {  	_ =	swait.ge [sflag:s11], $0x2000  }
0x86: {  	[sflag:s11] =	ssyncset.done $0x0  }
0x87: {  	s14 =	simm.s32 $0x300;
	[sflag:s11] =	ssyncadd.s32 $0xFFFFE000  }
0x88: {  	[tilespmem:s30], [sflag:$0x2] =	stream.indirect.gather [hbm4b:s1+s28], $0x40, s14, s28, $0xb8;
	[tilespmem:$0x1B000] =	vst v63  }
0x89: {  	_ =	swait.ge [sflag:s31], $0x2000  }
0x8a: {  	[sflag:s31] =	ssyncset.done $0x0  }
0x8b: {  	s23 =	simm.s32 $0x2A00;
	[sflag:s31] =	ssyncadd.s32 $0xFFFFE000  }
0x8c: {  	[spmem:s3] =	stream.indirect.scatter.add.f32 [tilespmem:s15], [sflag:$0xA], $0x40, s23, s28, $0xb8;
	[tilespmem:$0x1B000] =	vst v63  }
0x8d: {  	_ =	swait.ge [sflag:s13], $0x2000  }
0x8e: {  	[sflag:s13] =	ssyncset.done $0x0  }
0x8f: {  	s25 =	simm.s32 $0x380;
	[sflag:s13] =	ssyncadd.s32 $0xFFFFE000  }
0x90: {  	[tilespmem:s2], [sflag:$0x3] =	stream.indirect.gather [hbm4b:s1+s28], $0x40, s25, s28, $0xb8;
	[tilespmem:$0x1B000] =	vst v63  }
.LBB2_4:
0x91: {  	_ =	swait.ge [sflag:s0], $0x2000  }
0x92: {  	s8 =	sshra.s32 s4, $0x2;
	[sflag:s0] =	ssyncset.done $0x0  }
0x93: {  	s9 =	sadd.s32 $0x2A80, s8;
	[sflag:s0] =	ssyncadd.s32 $0xFFFFE000  }
0x94: {  	[spmem:s3] =	stream.indirect.scatter.add.f32 [tilespmem:s29], [sflag:$0x6], $0x40, s9, s28, $0xb8;
	[tilespmem:$0x1B000] =	vst v63  }
0x95: {  	_ =	swait.ge [sflag:s17], $0x2000  }
0x96: {  	[sflag:s17] =	ssyncset.done $0x0  }
0x97: {  	s10 =	sadd.s32 $0x400, s8;
	[sflag:s17] =	ssyncadd.s32 $0xFFFFE000  }
0x98: {  	[tilespmem:s6], [sflag:$0x4] =	stream.indirect.gather [hbm4b:s1+s28], $0x40, s10, s28, $0xb8;
	[tilespmem:$0x1B000] =	vst v63  }
0x99: {  	_ =	swait.ge [sflag:s7], $0x2000  }
0x9a: {  	[sflag:s7] =	ssyncset.done $0x0  }
0x9b: {  	s11 =	sadd.s32 $0x2B00, s8;
	[sflag:s7] =	ssyncadd.s32 $0xFFFFE000  }
0x9c: {  	[spmem:s3] =	stream.indirect.scatter.add.f32 [tilespmem:s30], [sflag:$0x7], $0x40, s11, s28, $0xb8;
	[tilespmem:$0x1B000] =	vst v63  }
0x9d: {  	_ =	swait.ge [sflag:s19], $0x2000  }
0x9e: {  	[sflag:s19] =	ssyncset.done $0x0  }
0x9f: {  	s14 =	sadd.s32 $0x480, s8;
	[sflag:s19] =	ssyncadd.s32 $0xFFFFE000  }
0xa0: {  	[tilespmem:s15], [sflag:$0x5] =	stream.indirect.gather [hbm4b:s1+s28], $0x40, s14, s28, $0xb8;
	[tilespmem:$0x1B000] =	vst v63  }
0xa1: {  	_ =	swait.ge [sflag:s16], $0x2000  }
0xa2: {  	[sflag:s16] =	ssyncset.done $0x0  }
0xa3: {  	s23 =	sadd.s32 $0x2B80, s8;
	[sflag:s16] =	ssyncadd.s32 $0xFFFFE000  }
0xa4: {  	[spmem:s3] =	stream.indirect.scatter.add.f32 [tilespmem:s2], [sflag:$0x8], $0x40, s23, s28, $0xb8;
	[tilespmem:$0x1B000] =	vst v63  }
0xa5: {  	_ =	swait.ge [sflag:s18], $0x2000  }
0xa6: {  	p0 =	seq.s32 s4, $0x8C00;
	[sflag:s18] =	ssyncset.done $0x0  }
0xa7: {  	s9 =	simm.s32 @p0 $0x4;
	[sflag:s18] =	ssyncadd.s32 $0xFFFFE000  }
0xa8: {  	_ =	swait.ge @p0 [sflag:s9], $0x2000  }
0xa9: {  	[sflag:s9] =	ssyncset.done @p0 $0x0  }
0xaa: {  	[sflag:s9] =	ssyncadd.s32 @p0 $0xFFFFE000;
	s9 =	sshra.s32 @p0 s4, $0x2  }
0xab: {  	s10 =	simm.s32 @p0 $0x80;
	s11 =	simm.s32 @p0 $0xD000;
	s9 =	sadd.s32 @p0 $0x2C00, s9  }
0xac: {  	[spmem:s3] =	stream.indirect.scatter.add.f32 @p0 [tilespmem:s11], [sflag:$0x9], $0x40, s9, s10, $0xb8;
	[tilespmem:$0x1B000] =	vst v63  }
0xad: {  	s9 =	simm.s32 @p0 $0x7  }
0xae: {  	_ =	swait.ge @p0 [sflag:s9], $0x2000  }
0xaf: {  	[sflag:s9] =	ssyncset.done @p0 $0x0  }
0xb0: {  	[sflag:s9] =	ssyncadd.s32 @p0 $0xFFFFE000;
	s9 =	sshra.s32 @!p0 s4, $0x2  }
0xb1: {  	s14 =	simm.s32 @!p0 $0x7000;
	s11 =	simm.s32 @!p0 $0x80;
	s10 =	sadd.s32 @!p0 $0x500, s9  }
0xb2: {  	[tilespmem:s14], [sflag:$0x1] =	stream.indirect.gather @!p0 [hbm4b:s1+s11], $0x40, s10, s11, $0xb8;
	[tilespmem:$0x1B000] =	vst v63  }
0xb3: {  	s10 =	simm.s32 @!p0 $0x4  }
0xb4: {  	_ =	swait.ge @!p0 [sflag:s10], $0x2000  }
0xb5: {  	[sflag:s10] =	ssyncset.done @!p0 $0x0  }
0xb6: {  	s14 =	simm.s32 @!p0 $0xD000;
	[sflag:s10] =	ssyncadd.s32 @!p0 $0xFFFFE000;
	s10 =	sadd.s32 @!p0 $0x2C00, s9  }
0xb7: {  	[spmem:s3] =	stream.indirect.scatter.add.f32 @!p0 [tilespmem:s14], [sflag:$0x9], $0x40, s10, s11, $0xb8;
	[tilespmem:$0x1B000] =	vst v63  }
0xb8: {  	s10 =	simm.s32 @!p0 $0x7  }
0xb9: {  	_ =	swait.ge @!p0 [sflag:s10], $0x2000  }
0xba: {  	[sflag:s10] =	ssyncset.done @!p0 $0x0  }
0xbb: {  	s9 =	sadd.s32 @!p0 $0x580, s9;
	[sflag:s10] =	ssyncadd.s32 @!p0 $0xFFFFE000;
	s10 =	simm.s32 @!p0 $0x9000  }
0xbc: {  	[tilespmem:s10], [sflag:$0x2] =	stream.indirect.gather @!p0 [hbm4b:s1+s11], $0x40, s9, s11, $0xb8;
	[tilespmem:$0x1B000] =	vst v63  }
0xbd: {  	_ =	swait.ge [sflag:s31], $0x2000  }
0xbe: {  	[sflag:s31] =	ssyncset.done $0x0  }
.Ltmp3:
0xbf: {  	s25 =	sadd.s32 $0x2C80, s8;
	[sflag:s31] =	ssyncadd.s32 $0xFFFFE000;
	(pc) =	sbr.rel @p0 .LBB2_6-.Ltmp3, $4  }
0xc0: {  	[spmem:s3] =	stream.indirect.scatter.add.f32 [tilespmem:s15], [sflag:$0xA], $0x40, s25, s28, $0xb8;
	[tilespmem:$0x1B000] =	vst v63  }
0xc1: {  	_ =	swait.ge [sflag:s13], $0x2000  }
0xc2: {  	[sflag:s13] =	ssyncset.done $0x0  }
0xc3: {  	[sflag:s13] =	ssyncadd.s32 $0xFFFFE000  }
.Ltmp4:
0xc4: {  	(pc) =	sbr.rel .LBB2_4-.Ltmp4, $3  }
0xc5: {  	_ =	sdelay $0x1  }
0xc6: {  	s8 =	sadd.s32 $0x600, s8;
	s4 =	sadd.s32 $0xA00, s4  }
0xc7: {  	[tilespmem:s2], [sflag:$0x3] =	stream.indirect.gather [hbm4b:s1+s28], $0x40, s8, s28, $0xb8;
	[tilespmem:$0x1B000] =	vst v63  }
.LBB2_6:
0xc8: {  	_ =	swait.ge [sflag:s17], $0x2000  }
0xc9: {  	[sflag:s17] =	ssyncset.done $0x0  }
0xca: {  	[sflag:s17] =	ssyncadd.s32 $0xFFFFE000  }
0xcb: {  	_ =	swait.ge [sflag:s19], $0x2000  }
0xcc: {  	[sflag:s19] =	ssyncset.done $0x0  }
0xcd: {  	s4 =	stileid.u32;
	[sflag:s19] =	ssyncadd.s32 $0xFFFFE000  }
0xce: {  	s4 =	sshll.u32 s4, $0x6;
	[bflag:$0x0] =	sbarrier.arrive $0xFFFF  }
0xcf: {  	s23 =	sor.u32 $0x1C0B, s4;
	s4 =	sshrl.u32 s12, $0x3;
	s8 =	rddreg [dreg:$0xb]  }
0xd0: {  	[hbm:s8], [sflag:s23] =	dma.local [spmem:s4], $0x400  }
0xd1: {  	_ =	swait.ge [sflag:s24], $0x400  }
0xd2: {  	[sflag:s24] =	ssyncset.done $0x0  }
0xd3: {  	s14 =	sshrl.u32 s20, $0x3;
	s10 =	rddreg [dreg:$0xc];
	[sflag:s24] =	ssyncadd.s32 $0xFFFFFC00  }
0xd4: {  	[hbm:s10], [sflag:s23] =	dma.local [spmem:s14], $0x400  }
0xd5: {  	_ =	swait.ge [sflag:s24], $0x400  }
0xd6: {  	[sflag:s24] =	ssyncset.done $0x0  }
0xd7: {  	s25 =	sshrl.u32 s22, $0x3;
	s11 =	rddreg [dreg:$0xd];
	[sflag:s24] =	ssyncadd.s32 $0xFFFFFC00  }
0xd8: {  	[hbm:s11], [sflag:s23] =	dma.local [spmem:s25], $0x400  }
0xd9: {  	_ =	swait.ge [sflag:s24], $0x400  }
0xda: {  	[sflag:s24] =	ssyncset.done $0x0  }
0xdb: {  	s8 =	sshrl.u32 s26, $0x3;
	s9 =	rddreg [dreg:$0xe];
	[sflag:s24] =	ssyncadd.s32 $0xFFFFFC00  }
0xdc: {  	[hbm:s9], [sflag:s23] =	dma.local [spmem:s8], $0x400  }
0xdd: {  	_ =	swait.ge [sflag:s24], $0x400  }
0xde: {  	[sflag:s24] =	ssyncset.done $0x0;
	s10 =	rddreg [dreg:$0xa]  }
0xdf: {  	s11 =	rddreg [dreg:$0xf];
	[sflag:s24] =	ssyncadd.s32 $0xFFFFFC00;
	s9 =	sshrl.u32 s10, $0x3  }
0xe0: {  	[hbm:s11], [sflag:s23] =	dma.local [spmem:s9], $0x400  }
0xe1: {  	_ =	swait.ge [sflag:s24], $0x400  }
0xe2: {  	[sflag:s24] =	ssyncset.done $0x0  }
0xe3: {  	s11 =	simm.s32 $0x5000;
	[sflag:s24] =	ssyncadd.s32 $0xFFFFFC00  }
0xe4: {  	[spmem:s12] =	stream.linear.scatter [tilespmem:s11], [sflag:$0xB], $0x2000, $0x38;
	[tilespmem:$0x1B000] =	vst v63  }
0xe5: {  	_ =	swait.ge [sflag:s24], $0x2000  }
0xe6: {  	[sflag:s24] =	ssyncset.done $0x0  }
0xe7: {  	[sflag:s24] =	ssyncadd.s32 $0xFFFFE000  }
0xe8: {  	[spmem:s20] =	stream.linear.scatter [tilespmem:s11], [sflag:$0xB], $0x2000, $0x38;
	[tilespmem:$0x1B000] =	vst v63  }
0xe9: {  	_ =	swait.ge [sflag:s24], $0x2000  }
0xea: {  	[sflag:s24] =	ssyncset.done $0x0  }
0xeb: {  	[sflag:s24] =	ssyncadd.s32 $0xFFFFE000  }
0xec: {  	[spmem:s22] =	stream.linear.scatter [tilespmem:s11], [sflag:$0xB], $0x2000, $0x38;
	[tilespmem:$0x1B000] =	vst v63  }
0xed: {  	_ =	swait.ge [sflag:s24], $0x2000  }
0xee: {  	[sflag:s24] =	ssyncset.done $0x0  }
0xef: {  	[sflag:s24] =	ssyncadd.s32 $0xFFFFE000  }
0xf0: {  	[spmem:s26] =	stream.linear.scatter [tilespmem:s11], [sflag:$0xB], $0x2000, $0x38;
	[tilespmem:$0x1B000] =	vst v63  }
0xf1: {  	_ =	swait.ge [sflag:s24], $0x2000  }
0xf2: {  	[sflag:s24] =	ssyncset.done $0x0  }
0xf3: {  	[sflag:s24] =	ssyncadd.s32 $0xFFFFE000  }
0xf4: {  	[spmem:s10] =	stream.linear.scatter [tilespmem:s11], [sflag:$0xB], $0x2000, $0x38;
	[tilespmem:$0x1B000] =	vst v63  }
0xf5: {  	_ =	swait.ge [sflag:s24], $0x2000  }
0xf6: {  	[sflag:s24] =	ssyncset.done $0x0  }
0xf7: {  	[sflag:s24] =	ssyncadd.s32 $0xFFFFE000  }
0xf8: {  	s10 =	simm.s32 $0x0;
	[bflag:$0x0] =	sbarrier.arrive $0xFFFF  }
0xf9: {  	[tilespmem:s29], [sflag:$0x1] =	stream.indirect.gather [hbm4b:s5+s28], $0x40, s10, s28, $0xb8;
	[tilespmem:$0x1B000] =	vst v63  }
0xfa: {  	_ = 	snop  }
0xfb: {  	[tilespmem:s30], [sflag:$0x2] =	stream.indirect.gather [hbm4b:s5+s28], $0x40, s28, s28, $0xb8;
	[tilespmem:$0x1B000] =	vst v63  }
0xfc: {  	s26 =	simm.s32 $0x100  }
0xfd: {  	[tilespmem:s2], [sflag:$0x3] =	stream.indirect.gather [hbm4b:s5+s28], $0x40, s26, s28, $0xb8;
	[tilespmem:$0x1B000] =	vst v63  }
0xfe: {  	_ =	swait.ge [sflag:s0], $0x2000  }
0xff: {  	[sflag:s0] =	ssyncset.done $0x0  }
0x100: {  	s12 =	simm.s32 $0x2800;
	[sflag:s0] =	ssyncadd.s32 $0xFFFFE000  }
0x101: {  	[spmem:s3] =	stream.indirect.scatter.add.f32 [tilespmem:s29], [sflag:$0x6], $0x40, s12, s28, $0xb8;
	[tilespmem:$0x1B000] =	vst v63  }
0x102: {  	s20 =	simm.s32 $0x180  }
0x103: {  	[tilespmem:s6], [sflag:$0x4] =	stream.indirect.gather [hbm4b:s5+s28], $0x40, s20, s28, $0xb8;
	[tilespmem:$0x1B000] =	vst v63  }
0x104: {  	_ =	swait.ge [sflag:s7], $0x2000  }
0x105: {  	[sflag:s7] =	ssyncset.done $0x0  }
0x106: {  	s22 =	simm.s32 $0x2880;
	[sflag:s7] =	ssyncadd.s32 $0xFFFFE000  }
0x107: {  	[spmem:s3] =	stream.indirect.scatter.add.f32 [tilespmem:s30], [sflag:$0x7], $0x40, s22, s28, $0xb8;
	[tilespmem:$0x1B000] =	vst v63  }
0x108: {  	s26 =	simm.s32 $0x200  }
0x109: {  	[tilespmem:s15], [sflag:$0x5] =	stream.indirect.gather [hbm4b:s5+s28], $0x40, s26, s28, $0xb8;
	[tilespmem:$0x1B000] =	vst v63  }
0x10a: {  	_ =	swait.ge [sflag:s16], $0x2000  }
0x10b: {  	[sflag:s16] =	ssyncset.done $0x0  }
0x10c: {  	s12 =	simm.s32 $0x2900;
	[sflag:s16] =	ssyncadd.s32 $0xFFFFE000  }
0x10d: {  	[spmem:s3] =	stream.indirect.scatter.add.f32 [tilespmem:s2], [sflag:$0x8], $0x40, s12, s28, $0xb8;
	[tilespmem:$0x1B000] =	vst v63  }
0x10e: {  	_ =	swait.ge [sflag:s18], $0x2000  }
0x10f: {  	[sflag:s18] =	ssyncset.done $0x0  }
0x110: {  	s20 =	simm.s32 $0x280;
	s22 =	simm.s32 $0x4;
	[sflag:s18] =	ssyncadd.s32 $0xFFFFE000  }
0x111: {  	[tilespmem:s29], [sflag:$0x1] =	stream.indirect.gather [hbm4b:s5+s28], $0x40, s20, s28, $0xb8;
	[tilespmem:$0x1B000] =	vst v63  }
0x112: {  	_ =	swait.ge [sflag:s22], $0x2000  }
0x113: {  	[sflag:s22] =	ssyncset.done $0x0  }
0x114: {  	s26 =	simm.s32 $0x2980;
	s12 =	simm.s32 $0x7;
	[sflag:s22] =	ssyncadd.s32 $0xFFFFE000  }
0x115: {  	[spmem:s3] =	stream.indirect.scatter.add.f32 [tilespmem:s6], [sflag:$0x9], $0x40, s26, s28, $0xb8;
	[tilespmem:$0x1B000] =	vst v63  }
0x116: {  	_ =	swait.ge [sflag:s12], $0x2000  }
0x117: {  	[sflag:s12] =	ssyncset.done $0x0  }
0x118: {  	s20 =	simm.s32 $0x300;
	[sflag:s12] =	ssyncadd.s32 $0xFFFFE000  }
0x119: {  	[tilespmem:s30], [sflag:$0x2] =	stream.indirect.gather [hbm4b:s5+s28], $0x40, s20, s28, $0xb8;
	[tilespmem:$0x1B000] =	vst v63  }
0x11a: {  	_ =	swait.ge [sflag:s31], $0x2000  }
0x11b: {  	[sflag:s31] =	ssyncset.done $0x0  }
0x11c: {  	s22 =	simm.s32 $0x2A00;
	[sflag:s31] =	ssyncadd.s32 $0xFFFFE000  }
0x11d: {  	[spmem:s3] =	stream.indirect.scatter.add.f32 [tilespmem:s15], [sflag:$0xA], $0x40, s22, s28, $0xb8;
	[tilespmem:$0x1B000] =	vst v63  }
0x11e: {  	_ =	swait.ge [sflag:s13], $0x2000  }
0x11f: {  	[sflag:s13] =	ssyncset.done $0x0  }
0x120: {  	s26 =	simm.s32 $0x380;
	[sflag:s13] =	ssyncadd.s32 $0xFFFFE000  }
0x121: {  	[tilespmem:s2], [sflag:$0x3] =	stream.indirect.gather [hbm4b:s5+s28], $0x40, s26, s28, $0xb8;
	[tilespmem:$0x1B000] =	vst v63  }
.LBB2_7:
0x122: {  	_ =	swait.ge [sflag:s0], $0x2000  }
0x123: {  	s11 =	sshra.s32 s10, $0x2;
	[sflag:s0] =	ssyncset.done $0x0  }
0x124: {  	s12 =	sadd.s32 $0x2A80, s11;
	[sflag:s0] =	ssyncadd.s32 $0xFFFFE000  }
0x125: {  	[spmem:s3] =	stream.indirect.scatter.add.f32 [tilespmem:s29], [sflag:$0x6], $0x40, s12, s28, $0xb8;
	[tilespmem:$0x1B000] =	vst v63  }
0x126: {  	_ =	swait.ge [sflag:s17], $0x2000  }
0x127: {  	[sflag:s17] =	ssyncset.done $0x0  }
0x128: {  	s22 =	sadd.s32 $0x400, s11;
	[sflag:s17] =	ssyncadd.s32 $0xFFFFE000  }
0x129: {  	[tilespmem:s6], [sflag:$0x4] =	stream.indirect.gather [hbm4b:s5+s28], $0x40, s22, s28, $0xb8;
	[tilespmem:$0x1B000] =	vst v63  }
0x12a: {  	_ =	swait.ge [sflag:s7], $0x2000  }
0x12b: {  	[sflag:s7] =	ssyncset.done $0x0  }
0x12c: {  	s26 =	sadd.s32 $0x2B00, s11;
	[sflag:s7] =	ssyncadd.s32 $0xFFFFE000  }
0x12d: {  	[spmem:s3] =	stream.indirect.scatter.add.f32 [tilespmem:s30], [sflag:$0x7], $0x40, s26, s28, $0xb8;
	[tilespmem:$0x1B000] =	vst v63  }
0x12e: {  	_ =	swait.ge [sflag:s19], $0x2000  }
0x12f: {  	[sflag:s19] =	ssyncset.done $0x0  }
0x130: {  	s20 =	sadd.s32 $0x480, s11;
	[sflag:s19] =	ssyncadd.s32 $0xFFFFE000  }
0x131: {  	[tilespmem:s15], [sflag:$0x5] =	stream.indirect.gather [hbm4b:s5+s28], $0x40, s20, s28, $0xb8;
	[tilespmem:$0x1B000] =	vst v63  }
0x132: {  	_ =	swait.ge [sflag:s16], $0x2000  }
0x133: {  	[sflag:s16] =	ssyncset.done $0x0  }
0x134: {  	s22 =	sadd.s32 $0x2B80, s11;
	[sflag:s16] =	ssyncadd.s32 $0xFFFFE000  }
0x135: {  	[spmem:s3] =	stream.indirect.scatter.add.f32 [tilespmem:s2], [sflag:$0x8], $0x40, s22, s28, $0xb8;
	[tilespmem:$0x1B000] =	vst v63  }
0x136: {  	_ =	swait.ge [sflag:s18], $0x2000  }
0x137: {  	p0 =	seq.s32 s10, $0x8C00;
	[sflag:s18] =	ssyncset.done $0x0  }
0x138: {  	s12 =	simm.s32 @p0 $0x4;
	[sflag:s18] =	ssyncadd.s32 $0xFFFFE000  }
0x139: {  	_ =	swait.ge @p0 [sflag:s12], $0x2000  }
0x13a: {  	[sflag:s12] =	ssyncset.done @p0 $0x0  }
0x13b: {  	[sflag:s12] =	ssyncadd.s32 @p0 $0xFFFFE000;
	s12 =	sshra.s32 @p0 s10, $0x2  }
0x13c: {  	s20 =	simm.s32 @p0 $0x80;
	s22 =	simm.s32 @p0 $0xD000;
	s12 =	sadd.s32 @p0 $0x2C00, s12  }
0x13d: {  	[spmem:s3] =	stream.indirect.scatter.add.f32 @p0 [tilespmem:s22], [sflag:$0x9], $0x40, s12, s20, $0xb8;
	[tilespmem:$0x1B000] =	vst v63  }
0x13e: {  	s12 =	simm.s32 @p0 $0x7  }
0x13f: {  	_ =	swait.ge @p0 [sflag:s12], $0x2000  }
0x140: {  	[sflag:s12] =	ssyncset.done @p0 $0x0  }
0x141: {  	[sflag:s12] =	ssyncadd.s32 @p0 $0xFFFFE000;
	s12 =	sshra.s32 @!p0 s10, $0x2  }
0x142: {  	s26 =	simm.s32 @!p0 $0x7000;
	s22 =	simm.s32 @!p0 $0x80;
	s20 =	sadd.s32 @!p0 $0x500, s12  }
0x143: {  	[tilespmem:s26], [sflag:$0x1] =	stream.indirect.gather @!p0 [hbm4b:s5+s22], $0x40, s20, s22, $0xb8;
	[tilespmem:$0x1B000] =	vst v63  }
0x144: {  	s20 =	simm.s32 @!p0 $0x4  }
0x145: {  	_ =	swait.ge @!p0 [sflag:s20], $0x2000  }
0x146: {  	[sflag:s20] =	ssyncset.done @!p0 $0x0  }
0x147: {  	s26 =	simm.s32 @!p0 $0xD000;
	[sflag:s20] =	ssyncadd.s32 @!p0 $0xFFFFE000;
	s20 =	sadd.s32 @!p0 $0x2C00, s12  }
0x148: {  	[spmem:s3] =	stream.indirect.scatter.add.f32 @!p0 [tilespmem:s26], [sflag:$0x9], $0x40, s20, s22, $0xb8;
	[tilespmem:$0x1B000] =	vst v63  }
0x149: {  	s20 =	simm.s32 @!p0 $0x7  }
0x14a: {  	_ =	swait.ge @!p0 [sflag:s20], $0x2000  }
0x14b: {  	[sflag:s20] =	ssyncset.done @!p0 $0x0  }
0x14c: {  	s12 =	sadd.s32 @!p0 $0x580, s12;
	[sflag:s20] =	ssyncadd.s32 @!p0 $0xFFFFE000;
	s20 =	simm.s32 @!p0 $0x9000  }
0x14d: {  	[tilespmem:s20], [sflag:$0x2] =	stream.indirect.gather @!p0 [hbm4b:s5+s22], $0x40, s12, s22, $0xb8;
	[tilespmem:$0x1B000] =	vst v63  }
0x14e: {  	_ =	swait.ge [sflag:s31], $0x2000  }
0x14f: {  	[sflag:s31] =	ssyncset.done $0x0  }
.Ltmp5:
0x150: {  	s26 =	sadd.s32 $0x2C80, s11;
	[sflag:s31] =	ssyncadd.s32 $0xFFFFE000;
	(pc) =	sbr.rel @p0 .LBB2_9-.Ltmp5, $4  }
0x151: {  	[spmem:s3] =	stream.indirect.scatter.add.f32 [tilespmem:s15], [sflag:$0xA], $0x40, s26, s28, $0xb8;
	[tilespmem:$0x1B000] =	vst v63  }
0x152: {  	_ =	swait.ge [sflag:s13], $0x2000  }
0x153: {  	[sflag:s13] =	ssyncset.done $0x0  }
0x154: {  	[sflag:s13] =	ssyncadd.s32 $0xFFFFE000  }
.Ltmp6:
0x155: {  	(pc) =	sbr.rel .LBB2_7-.Ltmp6, $3  }
0x156: {  	_ =	sdelay $0x1  }
0x157: {  	s11 =	sadd.s32 $0x600, s11;
	s10 =	sadd.s32 $0xA00, s10  }
0x158: {  	[tilespmem:s2], [sflag:$0x3] =	stream.indirect.gather [hbm4b:s5+s28], $0x40, s11, s28, $0xb8;
	[tilespmem:$0x1B000] =	vst v63  }
.LBB2_10:
0x159: {  	_ =	sfence.sel $0x180000  }
0x15a: {  	[bflag:$0x0] =	sbarrier.arrive $0xFFFF  }
0x15b: {  	_ =	strace $0x9000004A  }
0x15c: {  	s0 =	stileid.u32;
	[bflag:$0x2] =	sbarrier.arrive $0xFFFF  }
0x15d: {  	p0 =	sne.s32 s0, $0x0;
	s0 =	rddreg [dreg:$0x3]  }
0x15e: {  	s0 =	sadd.s32 @!p0 $0x100000, s0  }
0x15f: {  	[sflag:s0] =	ssyncadd.tile.s32 @!p0 $0x1;
	_ =	shalt  }
.Lfunc_end2:
_tile_overlayer_lowered:
.L_overlay_start_2:
0x160: {  	(tag) =	ssettag $0x2  }
0x161: {  	s0 =	rddreg [dreg:$0x0];
	s2 =	stileid.u32  }
0x162: {  	s1 =	rddreg [dreg:$0x1];
	p0 =	sne.s32 s2, $0x0  }
0x163: {  	s3 =	rddreg [dreg:$0x2];
	[bflag:$0x3] =	sbarrier.arrive $0xFFFF;
	s2 =	simm.s32 @!p0 $0x1C0B  }
0x164: {  	[timem:s3], [sflag:s2] =	dma.local @!p0 [hbm:s0], s1  }
0x165: {  	s0 =	simm.s32 @!p0 $0xB  }
0x166: {  	_ =	swait.ge @!p0 [sflag:s0], s1  }
0x167: {  	s1 =	ssub.s32 @!p0 $0x0, s1;
	[sflag:s0] =	ssyncset.done @!p0 $0x0  }
0x168: {  	[sflag:s0] =	ssyncadd.s32 @!p0 s1  }
0x169: {  	[bflag:$0x3] =	sbarrier.arrive $0xFFFF  }
0x16a: {  	_ =	shalt  }

// kernel: kernel.14.cloned.1.call-start
scs
__scs_entry_jumppad:
0x0: {  	(pc) =	sbr.rel $0x88, $3  }
0x1: {  	(tag) =	ssettag $0x0;
	lr =	simm.s32 $0x1  }
0x2: {  	[smem:$0x3F9B] =	sst lr;
	_ =	strace $0xD0000000  }
0x3: {  	_ = 	snop  }
0x4: {  	_ = 	snop  }
0x5: {  	_ = 	snop  }
0x6: {  	_ = 	snop  }
0x7: {  	_ = 	snop  }
__scs_overlays_trampoline_lowered:
0x8: {  	[smem:$0x3FAA] =	sst s0  }
0x9: {  	[smem:$0x3FAB] =	sst s1  }
0xa: {  	[smem:$0x3FAC] =	sst s2  }
0xb: {  	[smem:$0x3FAD] =	sst s3  }
0xc: {  	[smem:$0x3FAE] =	sst s4  }
0xd: {  	[smem:$0x3FAF] =	sst s5  }
0xe: {  	[smem:$0x3FB0] =	sst s6  }
0xf: {  	[smem:$0x3FB1] =	sst s7  }
0x10: {  	[smem:$0x3FB2] =	sst s8  }
0x11: {  	[smem:$0x3FB3] =	sst s9;
	s0 =	simm.s32 @!p0 $0x0  }
0x12: {  	s1 =	sld [smem:$0x3F99];
	s0 =	simm.s32 @p0 $0x1  }
0x13: {  	[smem:$0x3FB4] =	sst s0;
	s0 =	simm.s32 @!p1 $0x0  }
0x14: {  	s2 =	sld [smem:$0x3F98];
	s0 =	simm.s32 @p1 $0x1  }
0x15: {  	[smem:$0x3FB5] =	sst s0;
	s0 =	simm.s32 @!p2 $0x0  }
0x16: {  	s3 =	sld [smem:$0x3FDB];
	s0 =	simm.s32 @p2 $0x1  }
0x17: {  	s4 =	simm.s32 $0x1BF5;
	[smem:$0x3FB7] =	sst s0  }
0x18: {  	s0 =	sld [smem:$0x3F9A];
	_ =	swait.ge [sflag:s4], $0x0  }
0x19: {  	s7 =	sld [smem:$0x3F9B]  }
0x1a: {  	s8 =	sadd.s32 $0xFFFFE003, lr  }
0x1b: {  	s9 =	sadd.s32 $0xFFFFFEF7, lr;
	s5 =	simm.s32 $0xFFFFFFFF;
	p2 =	slt.u32 s8, $0xFFFFF086  }
0x1c: {  	p1 =	slt.u32 s9, $0xF7A;
	s5 =	simm.s32 @!p2 $0x0  }
0x1d: {  	s5 =	simm.s32 @p1 $0x1;
	p0 =	seq.s32 s7, s2  }
0x1e: {  	s7 =	smul.u32 @!p0 $0xF7A, s2;
	p2 =	seq.s32 @!p0 s5, $0x0  }
0x1f: {  	s9 =	smul.u32 $0xF7A, s1;
	s8 =	simm.s32 @!p0 $0x1BF5;
	p2 =	por !p2, p0  }
0x20: {  	[sflag:s8] =	ssyncset.s32 @!p0 $0xFFFFF086;
	s6 =	sadd.s32 @!p0 s3, s7;
	s7 =	simm.s32 @!p0 $0x108  }
0x21: {  	s3 =	sadd.s32 s3, s9;
	s6 =	sadd.s32 @!p0 $0x88, s6;
	s7 =	simm.s32 @p2 $0x1082  }
0x22: {  	[simem:s7], [sflag:s8] =	dma.local @!p0 [hbm:s6], $0xF7A  }
0x23: {  	s9 =	sor.u32 $0xD0000000, s2;
	s6 =	simm.s32 $0x108;
	_ =	swait.ge @!p0 [sflag:s8], $0x0  }
0x24: {  	s3 =	sadd.s32 $0x88, s3;
	s6 =	simm.s32 @!p1 $0x1082;
	[sflag:s4] =	ssyncset.s32 $0xFFFFF086  }
0x25: {  	[simem:s6], [sflag:s4] =	dma.local [hbm:s3], $0xF7A  }
0x26: {  	[smem:$0x3F9B] =	sst s1;
	(tag) =	ssettag s2;
	_ =	strace s9  }
0x27: {  	s1 =	sld [smem:$0x3FAB]  }
0x28: {  	s2 =	sld [smem:$0x3FAC]  }
0x29: {  	s4 =	sld [smem:$0x3FAE]  }
0x2a: {  	p0 =	seq.s32 s5, $0x0;
	s5 =	sld [smem:$0x3FAF]  }
0x2b: {  	s6 =	sld [smem:$0x3FB0]  }
0x2c: {  	s7 =	sld [smem:$0x3FB1]  }
0x2d: {  	s3 =	simm.s32 $0x108;
	s8 =	sld [smem:$0x3FB2]  }
0x2e: {  	s3 =	simm.s32 @!p0 $0x1082;
	s9 =	sld [smem:$0x3FB3]  }
0x2f: {  	lr =	sadd.s32 s0, s3;
	s0 =	sld [smem:$0x3FAA]  }
0x30: {  	s3 =	sld [smem:$0x3FAD]  }
0x31: {  	[smem:$0x3FB6] =	sst s10  }
0x32: {  	s10 =	sld [smem:$0x3FB4];
	_ =	sdelay $0x3  }
0x33: {  	p0 =	seq.s32 s10, $0x1;
	s10 =	sld [smem:$0x3FB6];
	_ =	sdelay $0x3  }
0x34: {  	[smem:$0x3FB6] =	sst s10  }
0x35: {  	s10 =	sld [smem:$0x3FB5];
	_ =	sdelay $0x3  }
0x36: {  	p1 =	seq.s32 s10, $0x1;
	s10 =	sld [smem:$0x3FB6];
	_ =	sdelay $0x3  }
0x37: {  	[smem:$0x3FB6] =	sst s10  }
0x38: {  	s10 =	sld [smem:$0x3FB7]  }
0x39: {  	_ = 	snop;
	(pc) =	sbr.ind lr, $3  }
0x3a: {  	_ = 	snop  }
0x3b: {  	_ = 	snop  }
0x3c: {  	p2 =	seq.s32 s10, $0x1;
	s10 =	sld [smem:$0x3FB6]  }
0x3d: {  	_ =	shalt  }
0x3e: {  	_ =	shalt  }
0x3f: {  	_ =	shalt  }
0x40: {  	_ =	shalt  }
0x41: {  	_ =	shalt  }
0x42: {  	_ =	shalt  }
0x43: {  	_ =	shalt  }
0x44: {  	_ =	shalt  }
0x45: {  	_ =	shalt  }
0x46: {  	_ =	shalt  }
0x47: {  	_ =	shalt  }
0x48: {  	_ =	shalt  }
0x49: {  	_ =	shalt  }
0x4a: {  	_ =	shalt  }
0x4b: {  	_ =	shalt  }
0x4c: {  	_ =	shalt  }
0x4d: {  	_ =	shalt  }
0x4e: {  	_ =	shalt  }
0x4f: {  	_ =	shalt  }
0x50: {  	_ =	shalt  }
0x51: {  	_ =	shalt  }
0x52: {  	_ =	shalt  }
0x53: {  	_ =	shalt  }
0x54: {  	_ =	shalt  }
0x55: {  	_ =	shalt  }
0x56: {  	_ =	shalt  }
0x57: {  	_ =	shalt  }
0x58: {  	_ =	shalt  }
0x59: {  	_ =	shalt  }
0x5a: {  	_ =	shalt  }
0x5b: {  	_ =	shalt  }
0x5c: {  	_ =	shalt  }
0x5d: {  	_ =	shalt  }
0x5e: {  	_ =	shalt  }
0x5f: {  	_ =	shalt  }
0x60: {  	_ =	shalt  }
0x61: {  	_ =	shalt  }
0x62: {  	_ =	shalt  }
0x63: {  	_ =	shalt  }
0x64: {  	_ =	shalt  }
0x65: {  	_ =	shalt  }
0x66: {  	_ =	shalt  }
0x67: {  	_ =	shalt  }
0x68: {  	_ =	shalt  }
0x69: {  	_ =	shalt  }
0x6a: {  	_ =	shalt  }
0x6b: {  	_ =	shalt  }
0x6c: {  	_ =	shalt  }
0x6d: {  	_ =	shalt  }
0x6e: {  	_ =	shalt  }
0x6f: {  	_ =	shalt  }
0x70: {  	_ =	shalt  }
0x71: {  	_ =	shalt  }
0x72: {  	_ =	shalt  }
0x73: {  	_ =	shalt  }
0x74: {  	_ =	shalt  }
0x75: {  	_ =	shalt  }
0x76: {  	_ =	shalt  }
0x77: {  	_ =	shalt  }
0x78: {  	_ =	shalt  }
0x79: {  	_ =	shalt  }
0x7a: {  	_ =	shalt  }
0x7b: {  	_ =	shalt  }
0x7c: {  	_ =	shalt  }
0x7d: {  	_ =	shalt  }
0x7e: {  	_ =	shalt  }
0x7f: {  	_ =	shalt  }
0x80: {  	_ =	shalt  }
0x81: {  	_ =	shalt  }
0x82: {  	_ =	shalt  }
0x83: {  	_ =	shalt  }
0x84: {  	_ =	shalt  }
0x85: {  	_ =	shalt  }
0x86: {  	_ =	shalt  }
0x87: {  	_ =	shalt  }
.Lfunc_end0:
.L_simem_size_0:
called_computation.2_lowered:
.L_overlay_start_0:
0x88: {  	s2 =	sld [smem:$0x3FD9]  }
0x89: {  	s3 =	sld [smem:$0x3FFE];
	_ =	sdelay $0x1  }
0x8a: {  	s1 =	srdreg.scid  }
0x8b: {  	s0 =	sand.u32 $0x1, s1  }
0x8c: {  	s17 =	sshll.u32 s0, $0xA;
	s2 =	sadd.s32 s3, s2  }
0x8d: {  	s2 =	sadd.s32 s2, s17  }
0x8e: {  	[smem:$0x3FC2] =	sst s2  }
0x8f: {  	_ = 	snop  }
0x90: {  	s2 =	sld [smem:$0x3FD0];
	(tm) =	ssettm $0x1  }
0x91: {  	s18 =	sld [smem:$0x3FFB];
	_ =	sdelay $0x3  }
0x92: {  	_ =	strace s18  }
0x93: {  	s3 =	sld [smem:$0x3FFC];
	_ =	sdelay $0x3  }
0x94: {  	_ =	strace s3  }
0x95: {  	s3 =	sld [smem:$0x3FFD];
	_ =	sdelay $0x3  }
0x96: {  	_ =	strace s3  }
0x97: {  	_ =	strace $0x8FFFFFFF  }
0x98: {  	s19 =	sld [smem:$0x3FDB];
	_ =	sdelay $0x1  }
0x99: {  	s4 =	simm.s32 $_scs_section_size  }
0x9a: {  	s5 =	simm.s32 $_size__tile_overlayer_lowered;
	s6 =	simm.s32 $_tile_overlayer_lowered  }
0x9b: {  	s22 =	simm.s32 $0x1BFF;
	s21 =	sshll.u32 s6, $0x1;
	s3 =	sadd.s32 s4, s19  }
0x9c: {  	s7 =	simm.s32 $0x0;
	s20 =	sshll.u32 s5, $0x1;
	s5 =	sadd.s32 s21, s3  }
0x9d: {  	[timem:s7], [sflag:s22] =	dma.local [hbm:s5], s20  }
0x9e: {  	_ =	swait.ge [sflag:s22], s20  }
0x9f: {  	s4 =	ssub.s32 $0x0, s20;
	[sflag:s22] =	ssyncset.done $0x0  }
0xa0: {  	[sflag:s22] =	ssyncadd.s32 s4;
	_ =	sdelay $0x1  }
0xa1: {  	s23 =	simm.s32 $0x1B8B  }
0xa2: {  	_ =	swait.ge [sflag:s23], $0x1  }
0xa3: {  	[sflag:s23] =	ssyncset.done $0x0  }
0xa4: {  	s25 =	simm.s32 $0x1B8E;
	s24 =	sld [smem:$0x3FFE];
	[sflag:s23] =	ssyncadd.s32 $0xFFFFFFFF  }
0xa5: {  	s26 =	simm.s32 $execute0_lowered;
	[smem:$0x3FD2] =	sst s25  }
0xa6: {  	s5 =	sshll.u32 s26, $0x1;
	_ =	strace $0x8000004C;
	[dreg:$0x1] =	wrdreg $0xFFFFFFFF  }
0xa7: {  	s28 =	simm.s32 $_size_execute0_lowered;
	s3 =	sadd.s32 s3, s5;
	[dreg:$0x0] =	wrdreg $0x0  }
0xa8: {  	s5 =	sshll.u32 s28, $0x1;
	[dreg:$0x2] =	wrdreg s3  }
0xa9: {  	[dreg:$0x3] =	wrdreg s5  }
0xaa: {  	[dreg:$0x4] =	wrdreg $0xC0  }
0xab: {  	_ =	task [dreg:s7], $0x5FFFF  }
0xac: {  	[dreg:$0x1] =	wrdreg $0xFFFFFFFF  }
0xad: {  	[dreg:$0x0] =	wrdreg $0x60  }
0xae: {  	[dreg:$0x2] =	wrdreg s2  }
0xaf: {  	[dreg:$0x3] =	wrdreg s24  }
0xb0: {  	[dreg:$0x4] =	wrdreg $0x110000  }
0xb1: {  	[dreg:$0x5] =	wrdreg $0x9  }
0xb2: {  	_ =	task.clear_ibuf [dreg:s7], $0x6FFFF;
	_ =	strace $0x9000004C  }
0xb3: {  	s29 =	simm.s32 $0x9;
	_ =	strace $0x8000004E  }
0xb4: {  	_ =	swait.ge [sflag:s29], $0x1  }
0xb5: {  	[sflag:s29] =	ssyncadd.s32 $0xFFFFFFFF  }
0xb6: {  	_ =	strace $0x9000004E  }
0xb7: {  	_ =	sfence  }
0xb8: {  	s30 =	sld [smem:$0x0];
	_ =	sdelay $0x2  }
0xb9: {  	s31 =	sshll.u32 s1, $0xD;
	s1 =	sshrl.u32 s1, $0x2  }
0xba: {  	s3 =	sand.u32 $0x4000, s31;
	s1 =	sadd.s32 s1, s30  }
0xbb: {  	s0 =	sor.u32 s3, s0;
	s1 =	sshll.u32 s1, $0x11  }
0xbc: {  	s0 =	sor.u32 s1, s0  }
0xbd: {  	s0 =	sadd.s32 $0x8F2B, s0  }
0xbe: {  	[sflag:s0] =	ssyncadd.remote.s32 $0x1  }
0xbf: {  	_ =	sfence.sel $0xFFFF  }
0xc0: {  	[dreg:$0x0] =	wrdreg $0xFFFFFFFF;
	(pc) =	sbr.abs _section_cstart, $3  }
0xc1: {  	[dreg:$0x1] =	wrdreg $0xFFFFFFFF  }
0xc2: {  	_ =	task.clear_ibuf [dreg:s7], $0x2FFFF;
	_ =	strace $0x9FFFFFFF  }
0xc3: {  	(tm) =	ssettm $0x7FFFFFFF  }
tec
execute0_lowered:
.L_overlay_start_1:
0x0: {  	(tag) =	ssettag $0x1  }
0x1: {  	s1 =	rddreg [dreg:$0x0]  }
0x2: {  	s0 =	rddreg [dreg:$0x1]  }
0x3: {  	s2 =	srdreg.scid;
	s8 =	stileid.u32  }
0x4: {  	s3 =	rddreg [dreg:$0x2];
	s5 =	simm.s32 $0x0;
	s28 =	simm.s32 $0x80  }
0x5: {  	s29 =	simm.s32 $0x7000;
	s30 =	simm.s32 $0x9000;
	s31 =	simm.s32 $0x5  }
0x6: {  	s2 =	sand.u32 $0x1, s2;
	s4 =	sshll.u32 s8, $0x1;
	[smem:$0x7FF] =	sst s5  }
0x7: {  	s5 =	sadd.s32 $0x68C00, s0;
	s8 =	smul.u32 $0xA000, s8;
	s9 =	sadd.s32 $0xCCC00, s0  }
0x8: {  	s4 =	sor.u32 s2, s4;
	s6 =	ssub.s32 $0x2, s2;
	s2 =	smul.u32 $0xA0000, s2  }
0x9: {  	_ =	strace $0x8000004D;
	s4 =	smul.u32 $0x500, s4;
	s7 =	sshrl.u32 s6, $0x1  }
0xa: {  	s13 =	sadd.s32 $0x2000, s8;
	s14 =	sadd.s32 $0x4000, s8;
	s10 =	sadd.s32 $0x6000, s8  }
0xb: {  	s6 =	ssub.s32 s6, s7;
	s20 =	sadd.s32 s13, s3;
	s22 =	sadd.s32 s14, s3  }
0xc: {  	s26 =	sadd.s32 s10, s3;
	s11 =	sadd.s32 s8, s2;
	[dreg:$0x7] =	wrdreg s20  }
0xd: {  	s7 =	sadd.s32 s2, s14;
	s10 =	sadd.s32 s2, s10;
	[dreg:$0x8] =	wrdreg s22  }
0xe: {  	s4 =	sadd.s32 s4, s0;
	s25 =	smax.u32 s6, $0x1;
	[dreg:$0x9] =	wrdreg s26  }
0xf: {  	s0 =	sadd.s32 $0xA4C00, s0;
	s12 =	sadd.s32 $0x5EC00, s4;
	[dreg:$0x15] =	wrdreg s25  }
0x10: {  	s11 =	sshrl.u32 s11, $0x3;
	s4 =	sadd.s32 $0x54C00, s4;
	[dreg:$0x4] =	wrdreg s12  }
0x11: {  	s7 =	sshrl.u32 s7, $0x3;
	s15 =	sadd.s32 s9, s11;
	[dreg:$0x5] =	wrdreg s4  }
0x12: {  	s17 =	sshrl.u32 s10, $0x3;
	s18 =	sadd.s32 s9, s7;
	[dreg:$0xb] =	wrdreg s15  }
0x13: {  	s6 =	simm.s32 $0xD000;
	s19 =	sadd.s32 s9, s17;
	[dreg:$0xd] =	wrdreg s18  }
0x14: {  	s21 =	sadd.s32 s0, s11;
	s23 =	sadd.s32 s0, s7;
	[dreg:$0xe] =	wrdreg s19  }
0x15: {  	s24 =	sadd.s32 s0, s17;
	s7 =	simm.s32 $0x2;
	[dreg:$0x10] =	wrdreg s21  }
0x16: {  	s17 =	simm.s32 $0x9;
	s12 =	sadd.s32 s8, s3;
	[dreg:$0x12] =	wrdreg s23  }
0x17: {  	s4 =	sadd.s32 s2, s13;
	s8 =	sadd.s32 $0x8000, s8;
	[dreg:$0x13] =	wrdreg s24  }
0x18: {  	s24 =	simm.s32 $0xB;
	s15 =	simm.s32 $0xF000;
	s18 =	simm.s32 $0x6  }
0x19: {  	s19 =	simm.s32 $0xA;
	s21 =	simm.s32 $0x0;
	s4 =	sshrl.u32 s4, $0x3  }
0x1a: {  	s13 =	sadd.s32 s8, s3;
	s2 =	sadd.s32 s2, s8;
	[dreg:$0x6] =	wrdreg s12  }
.Ltmp0:
0x1b: {  	[dreg:$0xa] =	wrdreg s13;
	s16 =	sadd.s32 s9, s4;
	(pc) =	sbr.rel .LBB2_1-.Ltmp0, $4  }
0x1c: {  	s2 =	sshrl.u32 s2, $0x3;
	s4 =	sadd.s32 s0, s4;
	[dreg:$0xc] =	wrdreg s16  }
0x1d: {  	s13 =	simm.s32 $0x8;
	s9 =	sadd.s32 s9, s2;
	[dreg:$0x11] =	wrdreg s4  }
0x1e: {  	s0 =	sadd.s32 s0, s2;
	s2 =	simm.s32 $0xB000;
	[dreg:$0xf] =	wrdreg s9  }
0x1f: {  	v0 =	vimm.f32 $0.0e+00;
	s16 =	simm.s32 $0x3;
	[dreg:$0x14] =	wrdreg s0;
	s0 =	simm.s32 $0x1  }
.LBB2_9:
0x20: {  	_ =	swait.ge [sflag:s17], $0x2000  }
0x21: {  	[sflag:s17] =	ssyncset.done $0x0  }
0x22: {  	[sflag:s17] =	ssyncadd.s32 $0xFFFFE000  }
0x23: {  	_ =	swait.ge [sflag:s19], $0x2000  }
0x24: {  	[sflag:s19] =	ssyncset.done $0x0  }
0x25: {  	[sflag:s19] =	ssyncadd.s32 $0xFFFFE000  }
0x26: {  	[bflag:$0x0] =	sbarrier.arrive $0xFFFF  }
0x27: {  	s10 =	rddreg [dreg:$0x10]  }
0x28: {  	[hbm:s10], [sflag:s23] =	dma.local [spmem:s4], $0x400  }
0x29: {  	_ =	swait.ge [sflag:s24], $0x400  }
0x2a: {  	[sflag:s24] =	ssyncset.done $0x0  }
0x2b: {  	s12 =	rddreg [dreg:$0x11];
	[sflag:s24] =	ssyncadd.s32 $0xFFFFFC00  }
0x2c: {  	[hbm:s12], [sflag:s23] =	dma.local [spmem:s14], $0x400  }
0x2d: {  	_ =	swait.ge [sflag:s24], $0x400  }
0x2e: {  	[sflag:s24] =	ssyncset.done $0x0  }
0x2f: {  	s20 =	rddreg [dreg:$0x12];
	[sflag:s24] =	ssyncadd.s32 $0xFFFFFC00  }
0x30: {  	[hbm:s20], [sflag:s23] =	dma.local [spmem:s25], $0x400  }
0x31: {  	_ =	swait.ge [sflag:s24], $0x400  }
0x32: {  	[sflag:s24] =	ssyncset.done $0x0  }
0x33: {  	s22 =	rddreg [dreg:$0x13];
	[sflag:s24] =	ssyncadd.s32 $0xFFFFFC00  }
0x34: {  	[hbm:s22], [sflag:s23] =	dma.local [spmem:s8], $0x400  }
0x35: {  	_ =	swait.ge [sflag:s24], $0x400  }
0x36: {  	[sflag:s24] =	ssyncset.done $0x0  }
0x37: {  	s25 =	rddreg [dreg:$0x14];
	[sflag:s24] =	ssyncadd.s32 $0xFFFFFC00  }
0x38: {  	[hbm:s25], [sflag:s23] =	dma.local [spmem:s9], $0x400  }
0x39: {  	_ =	swait.ge [sflag:s24], $0x400  }
0x3a: {  	s21 =	sadd.s32 $0x1, s21;
	s26 =	rddreg [dreg:$0x15]  }
0x3b: {  	p0 =	sne.s32 s21, s26  }
.Ltmp1:
0x3c: {  	_ = 	snop;
	(pc) =	sbr.rel @!p0 .LBB2_10-.Ltmp1, $4  }
0x3d: {  	s12 =	rddreg [dreg:$0x6]  }
0x3e: {  	s20 =	rddreg [dreg:$0x7]  }
0x3f: {  	[sflag:s24] =	ssyncset.done $0x0;
	s22 =	rddreg [dreg:$0x8]  }
0x40: {  	[sflag:s24] =	ssyncadd.s32 $0xFFFFFC00;
	s26 =	rddreg [dreg:$0x9]  }
.LBB2_1:
0x41: {  	s4 =	simm.s32 $0x0;
	s8 =	rddreg [dreg:$0x4]  }
0x42: {  	[tilespmem:s4], [sflag:$0xB] =	stream.linear.gather [hbm4b:s8+s4], $0x2800, $0x38;
	[tilespmem:$0x1B000] =	vst v63  }
0x43: {  	_ =	swait.ge [sflag:s24], $0x2800  }
0x44: {  	[sflag:s24] =	ssyncset.done $0x0  }
0x45: {  	s9 =	simm.s32 $0x2800;
	s25 =	rddreg [dreg:$0x5];
	[sflag:s24] =	ssyncadd.s32 $0xFFFFD800  }
0x46: {  	[tilespmem:s9], [sflag:$0xB] =	stream.linear.gather [hbm4b:s25+s4], $0x2800, $0x38;
	[tilespmem:$0x1B000] =	vst v63  }
0x47: {  	_ =	swait.ge [sflag:s24], $0x2800  }
0x48: {  	[sflag:s24] =	ssyncset.done $0x0  }
0x49: {  	s8 =	simm.s32 $0x100;
	s4 =	simm.s32 $0x0;
	[sflag:s24] =	ssyncadd.s32 $0xFFFFD800  }
.LBB2_2:
0x4a: {  	p0 =	sne.s32 s8, $0x7F00;
	[tilespmem:s4+$0x5030] =	vst v0;
	s9 =	smov.u32 s8;
	s8 =	sadd.s32 $0x100, s8  }
.Ltmp2:
0x4b: {  	[tilespmem:s4+$0x5020] =	vst v0;
	(pc) =	sbr.rel @p0 .LBB2_2-.Ltmp2, $3  }
0x4c: {  	[tilespmem:s4+$0x5000] =	vst v0  }
0x4d: {  	[tilespmem:s4+$0x5010] =	vst v0;
	_ =	sdelay $0x1  }
0x4e: {  	s4 =	sshra.s32 s9, $0x2  }
0x4f: {  	[tilespmem:s4+$0x5030] =	vst v0  }
0x50: {  	[tilespmem:s4+$0x5020] =	vst v0  }
0x51: {  	[tilespmem:s4+$0x5000] =	vst v0  }
0x52: {  	[tilespmem:s4+$0x5010] =	vst v0;
	s8 =	simm.s32 $0x5000  }
0x53: {  	[spmem:s12] =	stream.linear.scatter [tilespmem:s8], [sflag:$0xB], $0x2000, $0x38;
	[tilespmem:$0x1B000] =	vst v63  }
0x54: {  	_ =	swait.ge [sflag:s24], $0x2000  }
0x55: {  	[sflag:s24] =	ssyncset.done $0x0  }
0x56: {  	[sflag:s24] =	ssyncadd.s32 $0xFFFFE000  }
0x57: {  	[spmem:s20] =	stream.linear.scatter [tilespmem:s8], [sflag:$0xB], $0x2000, $0x38;
	[tilespmem:$0x1B000] =	vst v63  }
0x58: {  	_ =	swait.ge [sflag:s24], $0x2000  }
0x59: {  	[sflag:s24] =	ssyncset.done $0x0  }
0x5a: {  	[sflag:s24] =	ssyncadd.s32 $0xFFFFE000  }
0x5b: {  	[spmem:s22] =	stream.linear.scatter [tilespmem:s8], [sflag:$0xB], $0x2000, $0x38;
	[tilespmem:$0x1B000] =	vst v63  }
0x5c: {  	_ =	swait.ge [sflag:s24], $0x2000  }
0x5d: {  	[sflag:s24] =	ssyncset.done $0x0  }
0x5e: {  	[sflag:s24] =	ssyncadd.s32 $0xFFFFE000  }
0x5f: {  	[spmem:s26] =	stream.linear.scatter [tilespmem:s8], [sflag:$0xB], $0x2000, $0x38;
	[tilespmem:$0x1B000] =	vst v63  }
0x60: {  	_ =	swait.ge [sflag:s24], $0x2000  }
0x61: {  	[sflag:s24] =	ssyncset.done $0x0  }
0x62: {  	s23 =	rddreg [dreg:$0xa];
	[sflag:s24] =	ssyncadd.s32 $0xFFFFE000  }
0x63: {  	[spmem:s23] =	stream.linear.scatter [tilespmem:s8], [sflag:$0xB], $0x2000, $0x38;
	[tilespmem:$0x1B000] =	vst v63  }
0x64: {  	_ =	swait.ge [sflag:s24], $0x2000  }
0x65: {  	[sflag:s24] =	ssyncset.done $0x0  }
0x66: {  	[sflag:s24] =	ssyncadd.s32 $0xFFFFE000  }
0x67: {  	s4 =	simm.s32 $0x0;
	[bflag:$0x0] =	sbarrier.arrive $0xFFFF  }
0x68: {  	[tilespmem:s29], [sflag:$0x1] =	stream.indirect.gather [hbm4b:s1+s28], $0x40, s4, s28, $0xb8;
	[tilespmem:$0x1B000] =	vst v63  }
0x69: {  	_ = 	snop  }
0x6a: {  	[tilespmem:s30], [sflag:$0x2] =	stream.indirect.gather [hbm4b:s1+s28], $0x40, s28, s28, $0xb8;
	[tilespmem:$0x1B000] =	vst v63  }
0x6b: {  	s25 =	simm.s32 $0x100  }
0x6c: {  	[tilespmem:s2], [sflag:$0x3] =	stream.indirect.gather [hbm4b:s1+s28], $0x40, s25, s28, $0xb8;
	[tilespmem:$0x1B000] =	vst v63  }
0x6d: {  	_ =	swait.ge [sflag:s0], $0x2000  }
0x6e: {  	[sflag:s0] =	ssyncset.done $0x0  }
0x6f: {  	s9 =	simm.s32 $0x2800;
	[sflag:s0] =	ssyncadd.s32 $0xFFFFE000  }
0x70: {  	[spmem:s3] =	stream.indirect.scatter.add.f32 [tilespmem:s29], [sflag:$0x6], $0x40, s9, s28, $0xb8;
	[tilespmem:$0x1B000] =	vst v63  }
0x71: {  	s10 =	simm.s32 $0x180  }
0x72: {  	[tilespmem:s6], [sflag:$0x4] =	stream.indirect.gather [hbm4b:s1+s28], $0x40, s10, s28, $0xb8;
	[tilespmem:$0x1B000] =	vst v63  }
0x73: {  	_ =	swait.ge [sflag:s7], $0x2000  }
0x74: {  	[sflag:s7] =	ssyncset.done $0x0  }
0x75: {  	s11 =	simm.s32 $0x2880;
	[sflag:s7] =	ssyncadd.s32 $0xFFFFE000  }
0x76: {  	[spmem:s3] =	stream.indirect.scatter.add.f32 [tilespmem:s30], [sflag:$0x7], $0x40, s11, s28, $0xb8;
	[tilespmem:$0x1B000] =	vst v63  }
0x77: {  	s14 =	simm.s32 $0x200  }
0x78: {  	[tilespmem:s15], [sflag:$0x5] =	stream.indirect.gather [hbm4b:s1+s28], $0x40, s14, s28, $0xb8;
	[tilespmem:$0x1B000] =	vst v63  }
0x79: {  	_ =	swait.ge [sflag:s16], $0x2000  }
0x7a: {  	[sflag:s16] =	ssyncset.done $0x0  }
0x7b: {  	s23 =	simm.s32 $0x2900;
	[sflag:s16] =	ssyncadd.s32 $0xFFFFE000  }
0x7c: {  	[spmem:s3] =	stream.indirect.scatter.add.f32 [tilespmem:s2], [sflag:$0x8], $0x40, s23, s28, $0xb8;
	[tilespmem:$0x1B000] =	vst v63  }
0x7d: {  	_ =	swait.ge [sflag:s18], $0x2000  }
0x7e: {  	[sflag:s18] =	ssyncset.done $0x0  }
0x7f: {  	s25 =	simm.s32 $0x280;
	s9 =	simm.s32 $0x4;
	[sflag:s18] =	ssyncadd.s32 $0xFFFFE000  }
0x80: {  	[tilespmem:s29], [sflag:$0x1] =	stream.indirect.gather [hbm4b:s1+s28], $0x40, s25, s28, $0xb8;
	[tilespmem:$0x1B000] =	vst v63  }
0x81: {  	_ =	swait.ge [sflag:s9], $0x2000  }
0x82: {  	[sflag:s9] =	ssyncset.done $0x0  }
0x83: {  	s10 =	simm.s32 $0x2980;
	s11 =	simm.s32 $0x7;
	[sflag:s9] =	ssyncadd.s32 $0xFFFFE000  }
0x84: {  	[spmem:s3] =	stream.indirect.scatter.add.f32 [tilespmem:s6], [sflag:$0x9], $0x40, s10, s28, $0xb8;
	[tilespmem:$0x1B000] =	vst v63  }
0x85: {  	_ =	swait.ge [sflag:s11], $0x2000  }
0x86: {  	[sflag:s11] =	ssyncset.done $0x0  }
0x87: {  	s14 =	simm.s32 $0x300;
	[sflag:s11] =	ssyncadd.s32 $0xFFFFE000  }
0x88: {  	[tilespmem:s30], [sflag:$0x2] =	stream.indirect.gather [hbm4b:s1+s28], $0x40, s14, s28, $0xb8;
	[tilespmem:$0x1B000] =	vst v63  }
0x89: {  	_ =	swait.ge [sflag:s31], $0x2000  }
0x8a: {  	[sflag:s31] =	ssyncset.done $0x0  }
0x8b: {  	s23 =	simm.s32 $0x2A00;
	[sflag:s31] =	ssyncadd.s32 $0xFFFFE000  }
0x8c: {  	[spmem:s3] =	stream.indirect.scatter.add.f32 [tilespmem:s15], [sflag:$0xA], $0x40, s23, s28, $0xb8;
	[tilespmem:$0x1B000] =	vst v63  }
0x8d: {  	_ =	swait.ge [sflag:s13], $0x2000  }
0x8e: {  	[sflag:s13] =	ssyncset.done $0x0  }
0x8f: {  	s25 =	simm.s32 $0x380;
	[sflag:s13] =	ssyncadd.s32 $0xFFFFE000  }
0x90: {  	[tilespmem:s2], [sflag:$0x3] =	stream.indirect.gather [hbm4b:s1+s28], $0x40, s25, s28, $0xb8;
	[tilespmem:$0x1B000] =	vst v63  }
.LBB2_4:
0x91: {  	_ =	swait.ge [sflag:s0], $0x2000  }
0x92: {  	s8 =	sshra.s32 s4, $0x2;
	[sflag:s0] =	ssyncset.done $0x0  }
0x93: {  	s9 =	sadd.s32 $0x2A80, s8;
	[sflag:s0] =	ssyncadd.s32 $0xFFFFE000  }
0x94: {  	[spmem:s3] =	stream.indirect.scatter.add.f32 [tilespmem:s29], [sflag:$0x6], $0x40, s9, s28, $0xb8;
	[tilespmem:$0x1B000] =	vst v63  }
0x95: {  	_ =	swait.ge [sflag:s17], $0x2000  }
0x96: {  	[sflag:s17] =	ssyncset.done $0x0  }
0x97: {  	s10 =	sadd.s32 $0x400, s8;
	[sflag:s17] =	ssyncadd.s32 $0xFFFFE000  }
0x98: {  	[tilespmem:s6], [sflag:$0x4] =	stream.indirect.gather [hbm4b:s1+s28], $0x40, s10, s28, $0xb8;
	[tilespmem:$0x1B000] =	vst v63  }
0x99: {  	_ =	swait.ge [sflag:s7], $0x2000  }
0x9a: {  	[sflag:s7] =	ssyncset.done $0x0  }
0x9b: {  	s11 =	sadd.s32 $0x2B00, s8;
	[sflag:s7] =	ssyncadd.s32 $0xFFFFE000  }
0x9c: {  	[spmem:s3] =	stream.indirect.scatter.add.f32 [tilespmem:s30], [sflag:$0x7], $0x40, s11, s28, $0xb8;
	[tilespmem:$0x1B000] =	vst v63  }
0x9d: {  	_ =	swait.ge [sflag:s19], $0x2000  }
0x9e: {  	[sflag:s19] =	ssyncset.done $0x0  }
0x9f: {  	s14 =	sadd.s32 $0x480, s8;
	[sflag:s19] =	ssyncadd.s32 $0xFFFFE000  }
0xa0: {  	[tilespmem:s15], [sflag:$0x5] =	stream.indirect.gather [hbm4b:s1+s28], $0x40, s14, s28, $0xb8;
	[tilespmem:$0x1B000] =	vst v63  }
0xa1: {  	_ =	swait.ge [sflag:s16], $0x2000  }
0xa2: {  	[sflag:s16] =	ssyncset.done $0x0  }
0xa3: {  	s23 =	sadd.s32 $0x2B80, s8;
	[sflag:s16] =	ssyncadd.s32 $0xFFFFE000  }
0xa4: {  	[spmem:s3] =	stream.indirect.scatter.add.f32 [tilespmem:s2], [sflag:$0x8], $0x40, s23, s28, $0xb8;
	[tilespmem:$0x1B000] =	vst v63  }
0xa5: {  	_ =	swait.ge [sflag:s18], $0x2000  }
0xa6: {  	p0 =	seq.s32 s4, $0x8C00;
	[sflag:s18] =	ssyncset.done $0x0  }
0xa7: {  	s9 =	simm.s32 @p0 $0x4;
	[sflag:s18] =	ssyncadd.s32 $0xFFFFE000  }
0xa8: {  	_ =	swait.ge @p0 [sflag:s9], $0x2000  }
0xa9: {  	[sflag:s9] =	ssyncset.done @p0 $0x0  }
0xaa: {  	[sflag:s9] =	ssyncadd.s32 @p0 $0xFFFFE000;
	s9 =	sshra.s32 @p0 s4, $0x2  }
0xab: {  	s10 =	simm.s32 @p0 $0x80;
	s11 =	simm.s32 @p0 $0xD000;
	s9 =	sadd.s32 @p0 $0x2C00, s9  }
0xac: {  	[spmem:s3] =	stream.indirect.scatter.add.f32 @p0 [tilespmem:s11], [sflag:$0x9], $0x40, s9, s10, $0xb8;
	[tilespmem:$0x1B000] =	vst v63  }
0xad: {  	s9 =	simm.s32 @p0 $0x7  }
0xae: {  	_ =	swait.ge @p0 [sflag:s9], $0x2000  }
0xaf: {  	[sflag:s9] =	ssyncset.done @p0 $0x0  }
0xb0: {  	[sflag:s9] =	ssyncadd.s32 @p0 $0xFFFFE000;
	s9 =	sshra.s32 @!p0 s4, $0x2  }
0xb1: {  	s14 =	simm.s32 @!p0 $0x7000;
	s11 =	simm.s32 @!p0 $0x80;
	s10 =	sadd.s32 @!p0 $0x500, s9  }
0xb2: {  	[tilespmem:s14], [sflag:$0x1] =	stream.indirect.gather @!p0 [hbm4b:s1+s11], $0x40, s10, s11, $0xb8;
	[tilespmem:$0x1B000] =	vst v63  }
0xb3: {  	s10 =	simm.s32 @!p0 $0x4  }
0xb4: {  	_ =	swait.ge @!p0 [sflag:s10], $0x2000  }
0xb5: {  	[sflag:s10] =	ssyncset.done @!p0 $0x0  }
0xb6: {  	s14 =	simm.s32 @!p0 $0xD000;
	[sflag:s10] =	ssyncadd.s32 @!p0 $0xFFFFE000;
	s10 =	sadd.s32 @!p0 $0x2C00, s9  }
0xb7: {  	[spmem:s3] =	stream.indirect.scatter.add.f32 @!p0 [tilespmem:s14], [sflag:$0x9], $0x40, s10, s11, $0xb8;
	[tilespmem:$0x1B000] =	vst v63  }
0xb8: {  	s10 =	simm.s32 @!p0 $0x7  }
0xb9: {  	_ =	swait.ge @!p0 [sflag:s10], $0x2000  }
0xba: {  	[sflag:s10] =	ssyncset.done @!p0 $0x0  }
0xbb: {  	s9 =	sadd.s32 @!p0 $0x580, s9;
	[sflag:s10] =	ssyncadd.s32 @!p0 $0xFFFFE000;
	s10 =	simm.s32 @!p0 $0x9000  }
0xbc: {  	[tilespmem:s10], [sflag:$0x2] =	stream.indirect.gather @!p0 [hbm4b:s1+s11], $0x40, s9, s11, $0xb8;
	[tilespmem:$0x1B000] =	vst v63  }
0xbd: {  	_ =	swait.ge [sflag:s31], $0x2000  }
0xbe: {  	[sflag:s31] =	ssyncset.done $0x0  }
.Ltmp3:
0xbf: {  	s25 =	sadd.s32 $0x2C80, s8;
	[sflag:s31] =	ssyncadd.s32 $0xFFFFE000;
	(pc) =	sbr.rel @p0 .LBB2_6-.Ltmp3, $4  }
0xc0: {  	[spmem:s3] =	stream.indirect.scatter.add.f32 [tilespmem:s15], [sflag:$0xA], $0x40, s25, s28, $0xb8;
	[tilespmem:$0x1B000] =	vst v63  }
0xc1: {  	_ =	swait.ge [sflag:s13], $0x2000  }
0xc2: {  	[sflag:s13] =	ssyncset.done $0x0  }
0xc3: {  	[sflag:s13] =	ssyncadd.s32 $0xFFFFE000  }
.Ltmp4:
0xc4: {  	(pc) =	sbr.rel .LBB2_4-.Ltmp4, $3  }
0xc5: {  	_ =	sdelay $0x1  }
0xc6: {  	s8 =	sadd.s32 $0x600, s8;
	s4 =	sadd.s32 $0xA00, s4  }
0xc7: {  	[tilespmem:s2], [sflag:$0x3] =	stream.indirect.gather [hbm4b:s1+s28], $0x40, s8, s28, $0xb8;
	[tilespmem:$0x1B000] =	vst v63  }
.LBB2_6:
0xc8: {  	_ =	swait.ge [sflag:s17], $0x2000  }
0xc9: {  	[sflag:s17] =	ssyncset.done $0x0  }
0xca: {  	[sflag:s17] =	ssyncadd.s32 $0xFFFFE000  }
0xcb: {  	_ =	swait.ge [sflag:s19], $0x2000  }
0xcc: {  	[sflag:s19] =	ssyncset.done $0x0  }
0xcd: {  	s4 =	stileid.u32;
	[sflag:s19] =	ssyncadd.s32 $0xFFFFE000  }
0xce: {  	s4 =	sshll.u32 s4, $0x6;
	[bflag:$0x0] =	sbarrier.arrive $0xFFFF  }
0xcf: {  	s23 =	sor.u32 $0x1C0B, s4;
	s4 =	sshrl.u32 s12, $0x3;
	s8 =	rddreg [dreg:$0xb]  }
0xd0: {  	[hbm:s8], [sflag:s23] =	dma.local [spmem:s4], $0x400  }
0xd1: {  	_ =	swait.ge [sflag:s24], $0x400  }
0xd2: {  	[sflag:s24] =	ssyncset.done $0x0  }
0xd3: {  	s14 =	sshrl.u32 s20, $0x3;
	s10 =	rddreg [dreg:$0xc];
	[sflag:s24] =	ssyncadd.s32 $0xFFFFFC00  }
0xd4: {  	[hbm:s10], [sflag:s23] =	dma.local [spmem:s14], $0x400  }
0xd5: {  	_ =	swait.ge [sflag:s24], $0x400  }
0xd6: {  	[sflag:s24] =	ssyncset.done $0x0  }
0xd7: {  	s25 =	sshrl.u32 s22, $0x3;
	s11 =	rddreg [dreg:$0xd];
	[sflag:s24] =	ssyncadd.s32 $0xFFFFFC00  }
0xd8: {  	[hbm:s11], [sflag:s23] =	dma.local [spmem:s25], $0x400  }
0xd9: {  	_ =	swait.ge [sflag:s24], $0x400  }
0xda: {  	[sflag:s24] =	ssyncset.done $0x0  }
0xdb: {  	s8 =	sshrl.u32 s26, $0x3;
	s9 =	rddreg [dreg:$0xe];
	[sflag:s24] =	ssyncadd.s32 $0xFFFFFC00  }
0xdc: {  	[hbm:s9], [sflag:s23] =	dma.local [spmem:s8], $0x400  }
0xdd: {  	_ =	swait.ge [sflag:s24], $0x400  }
0xde: {  	[sflag:s24] =	ssyncset.done $0x0;
	s10 =	rddreg [dreg:$0xa]  }
0xdf: {  	s11 =	rddreg [dreg:$0xf];
	[sflag:s24] =	ssyncadd.s32 $0xFFFFFC00;
	s9 =	sshrl.u32 s10, $0x3  }
0xe0: {  	[hbm:s11], [sflag:s23] =	dma.local [spmem:s9], $0x400  }
0xe1: {  	_ =	swait.ge [sflag:s24], $0x400  }
0xe2: {  	[sflag:s24] =	ssyncset.done $0x0  }
0xe3: {  	s11 =	simm.s32 $0x5000;
	[sflag:s24] =	ssyncadd.s32 $0xFFFFFC00  }
0xe4: {  	[spmem:s12] =	stream.linear.scatter [tilespmem:s11], [sflag:$0xB], $0x2000, $0x38;
	[tilespmem:$0x1B000] =	vst v63  }
0xe5: {  	_ =	swait.ge [sflag:s24], $0x2000  }
0xe6: {  	[sflag:s24] =	ssyncset.done $0x0  }
0xe7: {  	[sflag:s24] =	ssyncadd.s32 $0xFFFFE000  }
0xe8: {  	[spmem:s20] =	stream.linear.scatter [tilespmem:s11], [sflag:$0xB], $0x2000, $0x38;
	[tilespmem:$0x1B000] =	vst v63  }
0xe9: {  	_ =	swait.ge [sflag:s24], $0x2000  }
0xea: {  	[sflag:s24] =	ssyncset.done $0x0  }
0xeb: {  	[sflag:s24] =	ssyncadd.s32 $0xFFFFE000  }
0xec: {  	[spmem:s22] =	stream.linear.scatter [tilespmem:s11], [sflag:$0xB], $0x2000, $0x38;
	[tilespmem:$0x1B000] =	vst v63  }
0xed: {  	_ =	swait.ge [sflag:s24], $0x2000  }
0xee: {  	[sflag:s24] =	ssyncset.done $0x0  }
0xef: {  	[sflag:s24] =	ssyncadd.s32 $0xFFFFE000  }
0xf0: {  	[spmem:s26] =	stream.linear.scatter [tilespmem:s11], [sflag:$0xB], $0x2000, $0x38;
	[tilespmem:$0x1B000] =	vst v63  }
0xf1: {  	_ =	swait.ge [sflag:s24], $0x2000  }
0xf2: {  	[sflag:s24] =	ssyncset.done $0x0  }
0xf3: {  	[sflag:s24] =	ssyncadd.s32 $0xFFFFE000  }
0xf4: {  	[spmem:s10] =	stream.linear.scatter [tilespmem:s11], [sflag:$0xB], $0x2000, $0x38;
	[tilespmem:$0x1B000] =	vst v63  }
0xf5: {  	_ =	swait.ge [sflag:s24], $0x2000  }
0xf6: {  	[sflag:s24] =	ssyncset.done $0x0  }
0xf7: {  	[sflag:s24] =	ssyncadd.s32 $0xFFFFE000  }
0xf8: {  	s10 =	simm.s32 $0x0;
	[bflag:$0x0] =	sbarrier.arrive $0xFFFF  }
0xf9: {  	[tilespmem:s29], [sflag:$0x1] =	stream.indirect.gather [hbm4b:s5+s28], $0x40, s10, s28, $0xb8;
	[tilespmem:$0x1B000] =	vst v63  }
0xfa: {  	_ = 	snop  }
0xfb: {  	[tilespmem:s30], [sflag:$0x2] =	stream.indirect.gather [hbm4b:s5+s28], $0x40, s28, s28, $0xb8;
	[tilespmem:$0x1B000] =	vst v63  }
0xfc: {  	s26 =	simm.s32 $0x100  }
0xfd: {  	[tilespmem:s2], [sflag:$0x3] =	stream.indirect.gather [hbm4b:s5+s28], $0x40, s26, s28, $0xb8;
	[tilespmem:$0x1B000] =	vst v63  }
0xfe: {  	_ =	swait.ge [sflag:s0], $0x2000  }
0xff: {  	[sflag:s0] =	ssyncset.done $0x0  }
0x100: {  	s12 =	simm.s32 $0x2800;
	[sflag:s0] =	ssyncadd.s32 $0xFFFFE000  }
0x101: {  	[spmem:s3] =	stream.indirect.scatter.add.f32 [tilespmem:s29], [sflag:$0x6], $0x40, s12, s28, $0xb8;
	[tilespmem:$0x1B000] =	vst v63  }
0x102: {  	s20 =	simm.s32 $0x180  }
0x103: {  	[tilespmem:s6], [sflag:$0x4] =	stream.indirect.gather [hbm4b:s5+s28], $0x40, s20, s28, $0xb8;
	[tilespmem:$0x1B000] =	vst v63  }
0x104: {  	_ =	swait.ge [sflag:s7], $0x2000  }
0x105: {  	[sflag:s7] =	ssyncset.done $0x0  }
0x106: {  	s22 =	simm.s32 $0x2880;
	[sflag:s7] =	ssyncadd.s32 $0xFFFFE000  }
0x107: {  	[spmem:s3] =	stream.indirect.scatter.add.f32 [tilespmem:s30], [sflag:$0x7], $0x40, s22, s28, $0xb8;
	[tilespmem:$0x1B000] =	vst v63  }
0x108: {  	s26 =	simm.s32 $0x200  }
0x109: {  	[tilespmem:s15], [sflag:$0x5] =	stream.indirect.gather [hbm4b:s5+s28], $0x40, s26, s28, $0xb8;
	[tilespmem:$0x1B000] =	vst v63  }
0x10a: {  	_ =	swait.ge [sflag:s16], $0x2000  }
0x10b: {  	[sflag:s16] =	ssyncset.done $0x0  }
0x10c: {  	s12 =	simm.s32 $0x2900;
	[sflag:s16] =	ssyncadd.s32 $0xFFFFE000  }
0x10d: {  	[spmem:s3] =	stream.indirect.scatter.add.f32 [tilespmem:s2], [sflag:$0x8], $0x40, s12, s28, $0xb8;
	[tilespmem:$0x1B000] =	vst v63  }
0x10e: {  	_ =	swait.ge [sflag:s18], $0x2000  }
0x10f: {  	[sflag:s18] =	ssyncset.done $0x0  }
0x110: {  	s20 =	simm.s32 $0x280;
	s22 =	simm.s32 $0x4;
	[sflag:s18] =	ssyncadd.s32 $0xFFFFE000  }
0x111: {  	[tilespmem:s29], [sflag:$0x1] =	stream.indirect.gather [hbm4b:s5+s28], $0x40, s20, s28, $0xb8;
	[tilespmem:$0x1B000] =	vst v63  }
0x112: {  	_ =	swait.ge [sflag:s22], $0x2000  }
0x113: {  	[sflag:s22] =	ssyncset.done $0x0  }
0x114: {  	s26 =	simm.s32 $0x2980;
	s12 =	simm.s32 $0x7;
	[sflag:s22] =	ssyncadd.s32 $0xFFFFE000  }
0x115: {  	[spmem:s3] =	stream.indirect.scatter.add.f32 [tilespmem:s6], [sflag:$0x9], $0x40, s26, s28, $0xb8;
	[tilespmem:$0x1B000] =	vst v63  }
0x116: {  	_ =	swait.ge [sflag:s12], $0x2000  }
0x117: {  	[sflag:s12] =	ssyncset.done $0x0  }
0x118: {  	s20 =	simm.s32 $0x300;
	[sflag:s12] =	ssyncadd.s32 $0xFFFFE000  }
0x119: {  	[tilespmem:s30], [sflag:$0x2] =	stream.indirect.gather [hbm4b:s5+s28], $0x40, s20, s28, $0xb8;
	[tilespmem:$0x1B000] =	vst v63  }
0x11a: {  	_ =	swait.ge [sflag:s31], $0x2000  }
0x11b: {  	[sflag:s31] =	ssyncset.done $0x0  }
0x11c: {  	s22 =	simm.s32 $0x2A00;
	[sflag:s31] =	ssyncadd.s32 $0xFFFFE000  }
0x11d: {  	[spmem:s3] =	stream.indirect.scatter.add.f32 [tilespmem:s15], [sflag:$0xA], $0x40, s22, s28, $0xb8;
	[tilespmem:$0x1B000] =	vst v63  }
0x11e: {  	_ =	swait.ge [sflag:s13], $0x2000  }
0x11f: {  	[sflag:s13] =	ssyncset.done $0x0  }
0x120: {  	s26 =	simm.s32 $0x380;
	[sflag:s13] =	ssyncadd.s32 $0xFFFFE000  }
0x121: {  	[tilespmem:s2], [sflag:$0x3] =	stream.indirect.gather [hbm4b:s5+s28], $0x40, s26, s28, $0xb8;
	[tilespmem:$0x1B000] =	vst v63  }
.LBB2_7:
0x122: {  	_ =	swait.ge [sflag:s0], $0x2000  }
0x123: {  	s11 =	sshra.s32 s10, $0x2;
	[sflag:s0] =	ssyncset.done $0x0  }
0x124: {  	s12 =	sadd.s32 $0x2A80, s11;
	[sflag:s0] =	ssyncadd.s32 $0xFFFFE000  }
0x125: {  	[spmem:s3] =	stream.indirect.scatter.add.f32 [tilespmem:s29], [sflag:$0x6], $0x40, s12, s28, $0xb8;
	[tilespmem:$0x1B000] =	vst v63  }
0x126: {  	_ =	swait.ge [sflag:s17], $0x2000  }
0x127: {  	[sflag:s17] =	ssyncset.done $0x0  }
0x128: {  	s22 =	sadd.s32 $0x400, s11;
	[sflag:s17] =	ssyncadd.s32 $0xFFFFE000  }
0x129: {  	[tilespmem:s6], [sflag:$0x4] =	stream.indirect.gather [hbm4b:s5+s28], $0x40, s22, s28, $0xb8;
	[tilespmem:$0x1B000] =	vst v63  }
0x12a: {  	_ =	swait.ge [sflag:s7], $0x2000  }
0x12b: {  	[sflag:s7] =	ssyncset.done $0x0  }
0x12c: {  	s26 =	sadd.s32 $0x2B00, s11;
	[sflag:s7] =	ssyncadd.s32 $0xFFFFE000  }
0x12d: {  	[spmem:s3] =	stream.indirect.scatter.add.f32 [tilespmem:s30], [sflag:$0x7], $0x40, s26, s28, $0xb8;
	[tilespmem:$0x1B000] =	vst v63  }
0x12e: {  	_ =	swait.ge [sflag:s19], $0x2000  }
0x12f: {  	[sflag:s19] =	ssyncset.done $0x0  }
0x130: {  	s20 =	sadd.s32 $0x480, s11;
	[sflag:s19] =	ssyncadd.s32 $0xFFFFE000  }
0x131: {  	[tilespmem:s15], [sflag:$0x5] =	stream.indirect.gather [hbm4b:s5+s28], $0x40, s20, s28, $0xb8;
	[tilespmem:$0x1B000] =	vst v63  }
0x132: {  	_ =	swait.ge [sflag:s16], $0x2000  }
0x133: {  	[sflag:s16] =	ssyncset.done $0x0  }
0x134: {  	s22 =	sadd.s32 $0x2B80, s11;
	[sflag:s16] =	ssyncadd.s32 $0xFFFFE000  }
0x135: {  	[spmem:s3] =	stream.indirect.scatter.add.f32 [tilespmem:s2], [sflag:$0x8], $0x40, s22, s28, $0xb8;
	[tilespmem:$0x1B000] =	vst v63  }
0x136: {  	_ =	swait.ge [sflag:s18], $0x2000  }
0x137: {  	p0 =	seq.s32 s10, $0x8C00;
	[sflag:s18] =	ssyncset.done $0x0  }
0x138: {  	s12 =	simm.s32 @p0 $0x4;
	[sflag:s18] =	ssyncadd.s32 $0xFFFFE000  }
0x139: {  	_ =	swait.ge @p0 [sflag:s12], $0x2000  }
0x13a: {  	[sflag:s12] =	ssyncset.done @p0 $0x0  }
0x13b: {  	[sflag:s12] =	ssyncadd.s32 @p0 $0xFFFFE000;
	s12 =	sshra.s32 @p0 s10, $0x2  }
0x13c: {  	s20 =	simm.s32 @p0 $0x80;
	s22 =	simm.s32 @p0 $0xD000;
	s12 =	sadd.s32 @p0 $0x2C00, s12  }
0x13d: {  	[spmem:s3] =	stream.indirect.scatter.add.f32 @p0 [tilespmem:s22], [sflag:$0x9], $0x40, s12, s20, $0xb8;
	[tilespmem:$0x1B000] =	vst v63  }
0x13e: {  	s12 =	simm.s32 @p0 $0x7  }
0x13f: {  	_ =	swait.ge @p0 [sflag:s12], $0x2000  }
0x140: {  	[sflag:s12] =	ssyncset.done @p0 $0x0  }
0x141: {  	[sflag:s12] =	ssyncadd.s32 @p0 $0xFFFFE000;
	s12 =	sshra.s32 @!p0 s10, $0x2  }
0x142: {  	s26 =	simm.s32 @!p0 $0x7000;
	s22 =	simm.s32 @!p0 $0x80;
	s20 =	sadd.s32 @!p0 $0x500, s12  }
0x143: {  	[tilespmem:s26], [sflag:$0x1] =	stream.indirect.gather @!p0 [hbm4b:s5+s22], $0x40, s20, s22, $0xb8;
	[tilespmem:$0x1B000] =	vst v63  }
0x144: {  	s20 =	simm.s32 @!p0 $0x4  }
0x145: {  	_ =	swait.ge @!p0 [sflag:s20], $0x2000  }
0x146: {  	[sflag:s20] =	ssyncset.done @!p0 $0x0  }
0x147: {  	s26 =	simm.s32 @!p0 $0xD000;
	[sflag:s20] =	ssyncadd.s32 @!p0 $0xFFFFE000;
	s20 =	sadd.s32 @!p0 $0x2C00, s12  }
0x148: {  	[spmem:s3] =	stream.indirect.scatter.add.f32 @!p0 [tilespmem:s26], [sflag:$0x9], $0x40, s20, s22, $0xb8;
	[tilespmem:$0x1B000] =	vst v63  }
0x149: {  	s20 =	simm.s32 @!p0 $0x7  }
0x14a: {  	_ =	swait.ge @!p0 [sflag:s20], $0x2000  }
0x14b: {  	[sflag:s20] =	ssyncset.done @!p0 $0x0  }
0x14c: {  	s12 =	sadd.s32 @!p0 $0x580, s12;
	[sflag:s20] =	ssyncadd.s32 @!p0 $0xFFFFE000;
	s20 =	simm.s32 @!p0 $0x9000  }
0x14d: {  	[tilespmem:s20], [sflag:$0x2] =	stream.indirect.gather @!p0 [hbm4b:s5+s22], $0x40, s12, s22, $0xb8;
	[tilespmem:$0x1B000] =	vst v63  }
0x14e: {  	_ =	swait.ge [sflag:s31], $0x2000  }
0x14f: {  	[sflag:s31] =	ssyncset.done $0x0  }
.Ltmp5:
0x150: {  	s26 =	sadd.s32 $0x2C80, s11;
	[sflag:s31] =	ssyncadd.s32 $0xFFFFE000;
	(pc) =	sbr.rel @p0 .LBB2_9-.Ltmp5, $4  }
0x151: {  	[spmem:s3] =	stream.indirect.scatter.add.f32 [tilespmem:s15], [sflag:$0xA], $0x40, s26, s28, $0xb8;
	[tilespmem:$0x1B000] =	vst v63  }
0x152: {  	_ =	swait.ge [sflag:s13], $0x2000  }
0x153: {  	[sflag:s13] =	ssyncset.done $0x0  }
0x154: {  	[sflag:s13] =	ssyncadd.s32 $0xFFFFE000  }
.Ltmp6:
0x155: {  	(pc) =	sbr.rel .LBB2_7-.Ltmp6, $3  }
0x156: {  	_ =	sdelay $0x1  }
0x157: {  	s11 =	sadd.s32 $0x600, s11;
	s10 =	sadd.s32 $0xA00, s10  }
0x158: {  	[tilespmem:s2], [sflag:$0x3] =	stream.indirect.gather [hbm4b:s5+s28], $0x40, s11, s28, $0xb8;
	[tilespmem:$0x1B000] =	vst v63  }
.LBB2_10:
0x159: {  	_ =	sfence.sel $0x180000  }
0x15a: {  	[bflag:$0x0] =	sbarrier.arrive $0xFFFF  }
0x15b: {  	_ =	strace $0x9000004D  }
0x15c: {  	s0 =	stileid.u32;
	[bflag:$0x2] =	sbarrier.arrive $0xFFFF  }
0x15d: {  	p0 =	sne.s32 s0, $0x0;
	s0 =	rddreg [dreg:$0x3]  }
0x15e: {  	s0 =	sadd.s32 @!p0 $0x100000, s0  }
0x15f: {  	[sflag:s0] =	ssyncadd.tile.s32 @!p0 $0x1;
	_ =	shalt  }
.Lfunc_end2:
_tile_overlayer_lowered:
.L_overlay_start_2:
0x160: {  	(tag) =	ssettag $0x2  }
0x161: {  	s0 =	rddreg [dreg:$0x0];
	s2 =	stileid.u32  }
0x162: {  	s1 =	rddreg [dreg:$0x1];
	p0 =	sne.s32 s2, $0x0  }
0x163: {  	s3 =	rddreg [dreg:$0x2];
	[bflag:$0x3] =	sbarrier.arrive $0xFFFF;
	s2 =	simm.s32 @!p0 $0x1C0B  }
0x164: {  	[timem:s3], [sflag:s2] =	dma.local @!p0 [hbm:s0], s1  }
0x165: {  	s0 =	simm.s32 @!p0 $0xB  }
0x166: {  	_ =	swait.ge @!p0 [sflag:s0], s1  }
0x167: {  	s1 =	ssub.s32 @!p0 $0x0, s1;
	[sflag:s0] =	ssyncset.done @!p0 $0x0  }
0x168: {  	[sflag:s0] =	ssyncadd.s32 @!p0 s1  }
0x169: {  	[bflag:$0x3] =	sbarrier.arrive $0xFFFF  }
0x16a: {  	_ =	shalt  }

// kernel: kernel.8.cloned.1.call-start
scs
__scs_entry_jumppad:
0x0: {  	(pc) =	sbr.rel $0x88, $3  }
0x1: {  	(tag) =	ssettag $0x0;
	lr =	simm.s32 $0x1  }
0x2: {  	[smem:$0x3F9B] =	sst lr;
	_ =	strace $0xD0000000  }
0x3: {  	_ = 	snop  }
0x4: {  	_ = 	snop  }
0x5: {  	_ = 	snop  }
0x6: {  	_ = 	snop  }
0x7: {  	_ = 	snop  }
__scs_overlays_trampoline_lowered:
0x8: {  	[smem:$0x3FAA] =	sst s0  }
0x9: {  	[smem:$0x3FAB] =	sst s1  }
0xa: {  	[smem:$0x3FAC] =	sst s2  }
0xb: {  	[smem:$0x3FAD] =	sst s3  }
0xc: {  	[smem:$0x3FAE] =	sst s4  }
0xd: {  	[smem:$0x3FAF] =	sst s5  }
0xe: {  	[smem:$0x3FB0] =	sst s6  }
0xf: {  	[smem:$0x3FB1] =	sst s7  }
0x10: {  	[smem:$0x3FB2] =	sst s8  }
0x11: {  	[smem:$0x3FB3] =	sst s9;
	s0 =	simm.s32 @!p0 $0x0  }
0x12: {  	s1 =	sld [smem:$0x3F99];
	s0 =	simm.s32 @p0 $0x1  }
0x13: {  	[smem:$0x3FB4] =	sst s0;
	s0 =	simm.s32 @!p1 $0x0  }
0x14: {  	s2 =	sld [smem:$0x3F98];
	s0 =	simm.s32 @p1 $0x1  }
0x15: {  	[smem:$0x3FB5] =	sst s0;
	s0 =	simm.s32 @!p2 $0x0  }
0x16: {  	s3 =	sld [smem:$0x3FDB];
	s0 =	simm.s32 @p2 $0x1  }
0x17: {  	s4 =	simm.s32 $0x1BF5;
	[smem:$0x3FB7] =	sst s0  }
0x18: {  	s0 =	sld [smem:$0x3F9A];
	_ =	swait.ge [sflag:s4], $0x0  }
0x19: {  	s7 =	sld [smem:$0x3F9B]  }
0x1a: {  	s8 =	sadd.s32 $0xFFFFE003, lr  }
0x1b: {  	s9 =	sadd.s32 $0xFFFFFEF7, lr;
	s5 =	simm.s32 $0xFFFFFFFF;
	p2 =	slt.u32 s8, $0xFFFFF086  }
0x1c: {  	p1 =	slt.u32 s9, $0xF7A;
	s5 =	simm.s32 @!p2 $0x0  }
0x1d: {  	s5 =	simm.s32 @p1 $0x1;
	p0 =	seq.s32 s7, s2  }
0x1e: {  	s7 =	smul.u32 @!p0 $0xF7A, s2;
	p2 =	seq.s32 @!p0 s5, $0x0  }
0x1f: {  	s9 =	smul.u32 $0xF7A, s1;
	s8 =	simm.s32 @!p0 $0x1BF5;
	p2 =	por !p2, p0  }
0x20: {  	[sflag:s8] =	ssyncset.s32 @!p0 $0xFFFFF086;
	s6 =	sadd.s32 @!p0 s3, s7;
	s7 =	simm.s32 @!p0 $0x108  }
0x21: {  	s3 =	sadd.s32 s3, s9;
	s6 =	sadd.s32 @!p0 $0x88, s6;
	s7 =	simm.s32 @p2 $0x1082  }
0x22: {  	[simem:s7], [sflag:s8] =	dma.local @!p0 [hbm:s6], $0xF7A  }
0x23: {  	s9 =	sor.u32 $0xD0000000, s2;
	s6 =	simm.s32 $0x108;
	_ =	swait.ge @!p0 [sflag:s8], $0x0  }
0x24: {  	s3 =	sadd.s32 $0x88, s3;
	s6 =	simm.s32 @!p1 $0x1082;
	[sflag:s4] =	ssyncset.s32 $0xFFFFF086  }
0x25: {  	[simem:s6], [sflag:s4] =	dma.local [hbm:s3], $0xF7A  }
0x26: {  	[smem:$0x3F9B] =	sst s1;
	(tag) =	ssettag s2;
	_ =	strace s9  }
0x27: {  	s1 =	sld [smem:$0x3FAB]  }
0x28: {  	s2 =	sld [smem:$0x3FAC]  }
0x29: {  	s4 =	sld [smem:$0x3FAE]  }
0x2a: {  	p0 =	seq.s32 s5, $0x0;
	s5 =	sld [smem:$0x3FAF]  }
0x2b: {  	s6 =	sld [smem:$0x3FB0]  }
0x2c: {  	s7 =	sld [smem:$0x3FB1]  }
0x2d: {  	s3 =	simm.s32 $0x108;
	s8 =	sld [smem:$0x3FB2]  }
0x2e: {  	s3 =	simm.s32 @!p0 $0x1082;
	s9 =	sld [smem:$0x3FB3]  }
0x2f: {  	lr =	sadd.s32 s0, s3;
	s0 =	sld [smem:$0x3FAA]  }
0x30: {  	s3 =	sld [smem:$0x3FAD]  }
0x31: {  	[smem:$0x3FB6] =	sst s10  }
0x32: {  	s10 =	sld [smem:$0x3FB4];
	_ =	sdelay $0x3  }
0x33: {  	p0 =	seq.s32 s10, $0x1;
	s10 =	sld [smem:$0x3FB6];
	_ =	sdelay $0x3  }
0x34: {  	[smem:$0x3FB6] =	sst s10  }
0x35: {  	s10 =	sld [smem:$0x3FB5];
	_ =	sdelay $0x3  }
0x36: {  	p1 =	seq.s32 s10, $0x1;
	s10 =	sld [smem:$0x3FB6];
	_ =	sdelay $0x3  }
0x37: {  	[smem:$0x3FB6] =	sst s10  }
0x38: {  	s10 =	sld [smem:$0x3FB7]  }
0x39: {  	_ = 	snop;
	(pc) =	sbr.ind lr, $3  }
0x3a: {  	_ = 	snop  }
0x3b: {  	_ = 	snop  }
0x3c: {  	p2 =	seq.s32 s10, $0x1;
	s10 =	sld [smem:$0x3FB6]  }
0x3d: {  	_ =	shalt  }
0x3e: {  	_ =	shalt  }
0x3f: {  	_ =	shalt  }
0x40: {  	_ =	shalt  }
0x41: {  	_ =	shalt  }
0x42: {  	_ =	shalt  }
0x43: {  	_ =	shalt  }
0x44: {  	_ =	shalt  }
0x45: {  	_ =	shalt  }
0x46: {  	_ =	shalt  }
0x47: {  	_ =	shalt  }
0x48: {  	_ =	shalt  }
0x49: {  	_ =	shalt  }
0x4a: {  	_ =	shalt  }
0x4b: {  	_ =	shalt  }
0x4c: {  	_ =	shalt  }
0x4d: {  	_ =	shalt  }
0x4e: {  	_ =	shalt  }
0x4f: {  	_ =	shalt  }
0x50: {  	_ =	shalt  }
0x51: {  	_ =	shalt  }
0x52: {  	_ =	shalt  }
0x53: {  	_ =	shalt  }
0x54: {  	_ =	shalt  }
0x55: {  	_ =	shalt  }
0x56: {  	_ =	shalt  }
0x57: {  	_ =	shalt  }
0x58: {  	_ =	shalt  }
0x59: {  	_ =	shalt  }
0x5a: {  	_ =	shalt  }
0x5b: {  	_ =	shalt  }
0x5c: {  	_ =	shalt  }
0x5d: {  	_ =	shalt  }
0x5e: {  	_ =	shalt  }
0x5f: {  	_ =	shalt  }
0x60: {  	_ =	shalt  }
0x61: {  	_ =	shalt  }
0x62: {  	_ =	shalt  }
0x63: {  	_ =	shalt  }
0x64: {  	_ =	shalt  }
0x65: {  	_ =	shalt  }
0x66: {  	_ =	shalt  }
0x67: {  	_ =	shalt  }
0x68: {  	_ =	shalt  }
0x69: {  	_ =	shalt  }
0x6a: {  	_ =	shalt  }
0x6b: {  	_ =	shalt  }
0x6c: {  	_ =	shalt  }
0x6d: {  	_ =	shalt  }
0x6e: {  	_ =	shalt  }
0x6f: {  	_ =	shalt  }
0x70: {  	_ =	shalt  }
0x71: {  	_ =	shalt  }
0x72: {  	_ =	shalt  }
0x73: {  	_ =	shalt  }
0x74: {  	_ =	shalt  }
0x75: {  	_ =	shalt  }
0x76: {  	_ =	shalt  }
0x77: {  	_ =	shalt  }
0x78: {  	_ =	shalt  }
0x79: {  	_ =	shalt  }
0x7a: {  	_ =	shalt  }
0x7b: {  	_ =	shalt  }
0x7c: {  	_ =	shalt  }
0x7d: {  	_ =	shalt  }
0x7e: {  	_ =	shalt  }
0x7f: {  	_ =	shalt  }
0x80: {  	_ =	shalt  }
0x81: {  	_ =	shalt  }
0x82: {  	_ =	shalt  }
0x83: {  	_ =	shalt  }
0x84: {  	_ =	shalt  }
0x85: {  	_ =	shalt  }
0x86: {  	_ =	shalt  }
0x87: {  	_ =	shalt  }
.Lfunc_end0:
.L_simem_size_0:
called_computation_lowered:
.L_overlay_start_0:
0x88: {  	s2 =	sld [smem:$0x3FD9]  }
0x89: {  	s3 =	sld [smem:$0x3FFE];
	_ =	sdelay $0x1  }
0x8a: {  	s1 =	srdreg.scid  }
0x8b: {  	s0 =	sand.u32 $0x1, s1  }
0x8c: {  	s17 =	sshll.u32 s0, $0xA;
	s2 =	sadd.s32 s3, s2  }
0x8d: {  	s2 =	sadd.s32 s2, s17  }
0x8e: {  	[smem:$0x3FC2] =	sst s2  }
0x8f: {  	_ = 	snop  }
0x90: {  	s2 =	sld [smem:$0x3FD0];
	(tm) =	ssettm $0x1  }
0x91: {  	s18 =	sld [smem:$0x3FFB];
	_ =	sdelay $0x3  }
0x92: {  	_ =	strace s18  }
0x93: {  	s3 =	sld [smem:$0x3FFC];
	_ =	sdelay $0x3  }
0x94: {  	_ =	strace s3  }
0x95: {  	s3 =	sld [smem:$0x3FFD];
	_ =	sdelay $0x3  }
0x96: {  	_ =	strace s3  }
0x97: {  	_ =	strace $0x8FFFFFFF  }
0x98: {  	s19 =	sld [smem:$0x3FDB];
	_ =	sdelay $0x1  }
0x99: {  	s4 =	simm.s32 $_scs_section_size  }
0x9a: {  	s5 =	simm.s32 $_size__tile_overlayer_lowered;
	s6 =	simm.s32 $_tile_overlayer_lowered  }
0x9b: {  	s22 =	simm.s32 $0x1BFF;
	s21 =	sshll.u32 s6, $0x1;
	s3 =	sadd.s32 s4, s19  }
0x9c: {  	s7 =	simm.s32 $0x0;
	s20 =	sshll.u32 s5, $0x1;
	s5 =	sadd.s32 s21, s3  }
0x9d: {  	[timem:s7], [sflag:s22] =	dma.local [hbm:s5], s20  }
0x9e: {  	_ =	swait.ge [sflag:s22], s20  }
0x9f: {  	s4 =	ssub.s32 $0x0, s20;
	[sflag:s22] =	ssyncset.done $0x0  }
0xa0: {  	[sflag:s22] =	ssyncadd.s32 s4;
	_ =	sdelay $0x1  }
0xa1: {  	s23 =	simm.s32 $0x1B8B  }
0xa2: {  	_ =	swait.ge [sflag:s23], $0x1  }
0xa3: {  	[sflag:s23] =	ssyncset.done $0x0  }
0xa4: {  	s25 =	simm.s32 $0x1B8E;
	s24 =	sld [smem:$0x3FFE];
	[sflag:s23] =	ssyncadd.s32 $0xFFFFFFFF  }
0xa5: {  	s26 =	simm.s32 $execute0_lowered;
	[smem:$0x3FD2] =	sst s25  }
0xa6: {  	s5 =	sshll.u32 s26, $0x1;
	_ =	strace $0x80000046;
	[dreg:$0x1] =	wrdreg $0xFFFFFFFF  }
0xa7: {  	s28 =	simm.s32 $_size_execute0_lowered;
	s3 =	sadd.s32 s3, s5;
	[dreg:$0x0] =	wrdreg $0x0  }
0xa8: {  	s5 =	sshll.u32 s28, $0x1;
	[dreg:$0x2] =	wrdreg s3  }
0xa9: {  	[dreg:$0x3] =	wrdreg s5  }
0xaa: {  	[dreg:$0x4] =	wrdreg $0xC0  }
0xab: {  	_ =	task [dreg:s7], $0x5FFFF  }
0xac: {  	[dreg:$0x1] =	wrdreg $0xFFFFFFFF  }
0xad: {  	[dreg:$0x0] =	wrdreg $0x60  }
0xae: {  	[dreg:$0x2] =	wrdreg s2  }
0xaf: {  	[dreg:$0x3] =	wrdreg s24  }
0xb0: {  	[dreg:$0x4] =	wrdreg $0xA8000  }
0xb1: {  	[dreg:$0x5] =	wrdreg $0x9  }
0xb2: {  	_ =	task.clear_ibuf [dreg:s7], $0x6FFFF;
	_ =	strace $0x90000046  }
0xb3: {  	s29 =	simm.s32 $0x9;
	_ =	strace $0x80000048  }
0xb4: {  	_ =	swait.ge [sflag:s29], $0x1  }
0xb5: {  	[sflag:s29] =	ssyncadd.s32 $0xFFFFFFFF  }
0xb6: {  	_ =	strace $0x90000048  }
0xb7: {  	_ =	sfence  }
0xb8: {  	s30 =	sld [smem:$0x0];
	_ =	sdelay $0x2  }
0xb9: {  	s31 =	sshll.u32 s1, $0xD;
	s1 =	sshrl.u32 s1, $0x2  }
0xba: {  	s3 =	sand.u32 $0x4000, s31;
	s1 =	sadd.s32 s1, s30  }
0xbb: {  	s0 =	sor.u32 s3, s0;
	s1 =	sshll.u32 s1, $0x11  }
0xbc: {  	s0 =	sor.u32 s1, s0  }
0xbd: {  	s0 =	sadd.s32 $0x8F2B, s0  }
0xbe: {  	[sflag:s0] =	ssyncadd.remote.s32 $0x1  }
0xbf: {  	_ =	sfence.sel $0xFFFF  }
0xc0: {  	[dreg:$0x0] =	wrdreg $0xFFFFFFFF;
	(pc) =	sbr.abs _section_cstart, $3  }
0xc1: {  	[dreg:$0x1] =	wrdreg $0xFFFFFFFF  }
0xc2: {  	_ =	task.clear_ibuf [dreg:s7], $0x2FFFF;
	_ =	strace $0x9FFFFFFF  }
0xc3: {  	(tm) =	ssettm $0x7FFFFFFF  }
tec
execute0_lowered:
.L_overlay_start_1:
0x0: {  	(tag) =	ssettag $0x1  }
0x1: {  	s4 =	rddreg [dreg:$0x0]  }
0x2: {  	s5 =	rddreg [dreg:$0x1]  }
0x3: {  	s2 =	rddreg [dreg:$0x2]  }
0x4: {  	s0 =	rddreg [dreg:$0x3]  }
0x5: {  	s3 =	simm.s32 $0x0;
	s6 =	srdreg.scid;
	s1 =	stileid.u32  }
0x6: {  	s18 =	simm.s32 $0x80;
	s19 =	simm.s32 $0x2800;
	s20 =	simm.s32 $0x0  }
0x7: {  	[smem:$0x7FF] =	sst s3;
	s6 =	sand.u32 $0x1, s6;
	s8 =	smul.u32 $0x50000, s1  }
0x8: {  	s7 =	sshll.u32 s1, $0x1;
	s14 =	sadd.s32 $0x4C00, s5;
	s10 =	smul.u32 $0x14000, s1  }
0x9: {  	s7 =	sor.u32 s6, s7;
	s28 =	ssub.s32 $0x2, s6;
	s13 =	smul.u32 $0x140000, s6  }
0xa: {  	_ =	strace $0x80000047;
	s7 =	smul.u32 $0x500, s7;
	s9 =	sshrl.u32 s28, $0x1  }
0xb: {  	s8 =	sshrl.u32 s8, $0x2;
	s29 =	sadd.s32 $0x4000, s10;
	s12 =	sadd.s32 $0x8000, s10  }
0xc: {  	s16 =	sadd.s32 $0xC000, s10;
	s17 =	sadd.s32 $0x10000, s10;
	s15 =	ssub.s32 s28, s9  }
0xd: {  	s5 =	sadd.s32 s8, s2;
	s6 =	sadd.s32 s29, s2;
	s8 =	sadd.s32 s16, s2  }
0xe: {  	s11 =	sadd.s32 s10, s13;
	s9 =	sadd.s32 s13, s29;
	s16 =	sadd.s32 s13, s16  }
0xf: {  	s4 =	sadd.s32 s4, s7;
	s7 =	sadd.s32 s12, s2;
	s30 =	sshrl.u32 s11, $0x3  }
0x10: {  	s31 =	sshrl.u32 s9, $0x3;
	s9 =	sadd.s32 s17, s2;
	s12 =	sadd.s32 s13, s12  }
0x11: {  	s13 =	sadd.s32 s13, s17;
	s16 =	sshrl.u32 s16, $0x3;
	s15 =	smax.u32 s15, $0x1  }
0x12: {  	s10 =	sadd.s32 s14, s30;
	s11 =	sadd.s32 s14, s31;
	s12 =	sshrl.u32 s12, $0x3  }
0x13: {  	s17 =	sshrl.u32 s13, $0x3;
	s13 =	sadd.s32 s14, s16;
	s16 =	simm.s32 $0x1  }
0x14: {  	v0 =	vimm.f32 $1.000000000e+00;
	v1 =	vimm.f32 $0.0e+00;
	s12 =	sadd.s32 s14, s12;
	s14 =	sadd.s32 s14, s17;
	s17 =	simm.s32 $0x6800  }
.LBB2_1:
0x15: {  	[tilespmem:s3], [sflag:$0x1] =	stream.linear.gather [hbm4b:s4+s3], $0x2800, $0x38;
	[tilespmem:$0xD000] =	vst v63  }
0x16: {  	_ =	swait.ge [sflag:s16], $0x2800  }
0x17: {  	[sflag:s16] =	ssyncset.done $0x0  }
0x18: {  	s21 =	simm.s32 $0x0;
	[sflag:s16] =	ssyncadd.s32 $0xFFFFD800  }
.LBB2_2:
0x19: {  	p0 =	sne.s32 s21, $0xFE00  }
.Ltmp0:
0x1a: {  	_ = 	snop;
	(pc) =	sbr.rel @p0 .LBB2_2-.Ltmp0, $3  }
0x1b: {  	_ =	sdelay $0x1  }
0x1c: {  	s22 =	sshra.s32 s21, $0x2  }
0x1d: {  	s21 =	sadd.s32 $0x200, s21;
	[tilespmem:s22+$0x2800] =	vst v0  }
0x1e: {  	s21 =	simm.s32 $0x200;
	s22 =	simm.s32 $0x0  }
.LBB2_4:
0x1f: {  	p0 =	sne.s32 s21, $0xFE00;
	[tilespmem:s22+$0x6800] =	vst v1;
	s22 =	smov.u32 s21;
	s21 =	sadd.s32 $0x200, s21  }
.Ltmp1:
0x20: {  	(pc) =	sbr.rel @p0 .LBB2_4-.Ltmp1, $2  }
0x21: {  	_ =	sdelay $0x2  }
0x22: {  	s22 =	sshra.s32 s22, $0x2  }
0x23: {  	[tilespmem:s22+$0x6800] =	vst v1  }
0x24: {  	[spmem:s5] =	stream.linear.scatter [tilespmem:s17], [sflag:$0x1], $0x4000, $0x38;
	[tilespmem:$0xD000] =	vst v63  }
0x25: {  	_ =	swait.ge [sflag:s16], $0x4000  }
0x26: {  	[sflag:s16] =	ssyncset.done $0x0  }
0x27: {  	[sflag:s16] =	ssyncadd.s32 $0xFFFFC000  }
0x28: {  	[spmem:s6] =	stream.linear.scatter [tilespmem:s17], [sflag:$0x1], $0x4000, $0x38;
	[tilespmem:$0xD000] =	vst v63  }
0x29: {  	_ =	swait.ge [sflag:s16], $0x4000  }
0x2a: {  	[sflag:s16] =	ssyncset.done $0x0  }
0x2b: {  	[sflag:s16] =	ssyncadd.s32 $0xFFFFC000  }
0x2c: {  	[spmem:s7] =	stream.linear.scatter [tilespmem:s17], [sflag:$0x1], $0x4000, $0x38;
	[tilespmem:$0xD000] =	vst v63  }
0x2d: {  	_ =	swait.ge [sflag:s16], $0x4000  }
0x2e: {  	[sflag:s16] =	ssyncset.done $0x0  }
0x2f: {  	[sflag:s16] =	ssyncadd.s32 $0xFFFFC000  }
0x30: {  	[spmem:s8] =	stream.linear.scatter [tilespmem:s17], [sflag:$0x1], $0x4000, $0x38;
	[tilespmem:$0xD000] =	vst v63  }
0x31: {  	_ =	swait.ge [sflag:s16], $0x4000  }
0x32: {  	[sflag:s16] =	ssyncset.done $0x0  }
0x33: {  	[sflag:s16] =	ssyncadd.s32 $0xFFFFC000  }
0x34: {  	[spmem:s9] =	stream.linear.scatter [tilespmem:s17], [sflag:$0x1], $0x4000, $0x38;
	[tilespmem:$0xD000] =	vst v63  }
0x35: {  	_ =	swait.ge [sflag:s16], $0x4000  }
0x36: {  	[sflag:s16] =	ssyncset.done $0x0  }
0x37: {  	[sflag:s16] =	ssyncadd.s32 $0xFFFFC000  }
0x38: {  	s21 =	simm.s32 $0x0;
	[bflag:$0x0] =	sbarrier.arrive $0xFFFF  }
0x39: {  	[spmem:s2] =	stream.indirect.scatter.add.f32 [tilespmem:s19], [sflag:$0x1], $0x10, s21, s18, $0xb8;
	[tilespmem:$0xD000] =	vst v63  }
0x3a: {  	_ =	swait.ge [sflag:s16], $0x800  }
0x3b: {  	s21 =	simm.s32 $0x200;
	[sflag:s16] =	ssyncset.done $0x0  }
.LBB2_6:
0x3c: {  	s22 =	sshra.s32 s21, $0x2;
	[sflag:s16] =	ssyncadd.s32 $0xFFFFF800;
	p0 =	sne.s32 s21, $0x9E00  }
0x3d: {  	[spmem:s2] =	stream.indirect.scatter.add.f32 [tilespmem:s19], [sflag:$0x1], $0x10, s22, s18, $0xb8;
	[tilespmem:$0xD000] =	vst v63  }
.Ltmp2:
0x3e: {  	_ = 	snop;
	(pc) =	sbr.rel @p0 .LBB2_6-.Ltmp2, $4  }
0x3f: {  	_ = 	snop  }
0x40: {  	s21 =	sadd.s32 $0x200, s21  }
0x41: {  	_ =	swait.ge [sflag:s16], $0x800  }
0x42: {  	[sflag:s16] =	ssyncset.done $0x0  }
0x43: {  	[sflag:s16] =	ssyncadd.s32 $0xFFFFF800;
	s21 =	sshll.u32 s1, $0x6  }
0x44: {  	s22 =	sshrl.u32 s5, $0x3;
	[bflag:$0x0] =	sbarrier.arrive $0xFFFF;
	s21 =	sor.u32 $0x1C01, s21  }
0x45: {  	[hbm:s10], [sflag:s21] =	dma.local [spmem:s22], $0x800  }
0x46: {  	_ =	swait.ge [sflag:s16], $0x800  }
0x47: {  	[sflag:s16] =	ssyncset.done $0x0  }
0x48: {  	s28 =	sshrl.u32 s6, $0x3;
	[sflag:s16] =	ssyncadd.s32 $0xFFFFF800  }
0x49: {  	[hbm:s11], [sflag:s21] =	dma.local [spmem:s28], $0x800  }
0x4a: {  	_ =	swait.ge [sflag:s16], $0x800  }
0x4b: {  	[sflag:s16] =	ssyncset.done $0x0  }
0x4c: {  	s29 =	sshrl.u32 s7, $0x3;
	[sflag:s16] =	ssyncadd.s32 $0xFFFFF800  }
0x4d: {  	[hbm:s12], [sflag:s21] =	dma.local [spmem:s29], $0x800  }
0x4e: {  	_ =	swait.ge [sflag:s16], $0x800  }
0x4f: {  	[sflag:s16] =	ssyncset.done $0x0  }
0x50: {  	s30 =	sshrl.u32 s8, $0x3;
	[sflag:s16] =	ssyncadd.s32 $0xFFFFF800  }
0x51: {  	[hbm:s13], [sflag:s21] =	dma.local [spmem:s30], $0x800  }
0x52: {  	s20 =	sadd.s32 $0x1, s20;
	_ =	swait.ge [sflag:s16], $0x800  }
0x53: {  	p0 =	sne.s32 s20, s15;
	[sflag:s16] =	ssyncset.done $0x0  }
.Ltmp3:
0x54: {  	s31 =	sshrl.u32 s9, $0x3;
	[sflag:s16] =	ssyncadd.s32 $0xFFFFF800;
	(pc) =	sbr.rel @p0 .LBB2_1-.Ltmp3, $4  }
0x55: {  	[hbm:s14], [sflag:s21] =	dma.local [spmem:s31], $0x800  }
0x56: {  	_ =	swait.ge [sflag:s16], $0x800  }
0x57: {  	[sflag:s16] =	ssyncset.done $0x0  }
0x58: {  	[sflag:s16] =	ssyncadd.s32 $0xFFFFF800  }
0x59: {  	_ =	sfence.sel $0x180000  }
0x5a: {  	[bflag:$0x0] =	sbarrier.arrive $0xFFFF  }
0x5b: {  	p0 =	sne.s32 s1, $0x0;
	_ =	strace $0x90000047  }
0x5c: {  	s0 =	sadd.s32 @!p0 $0x100000, s0;
	[bflag:$0x2] =	sbarrier.arrive $0xFFFF  }
0x5d: {  	[sflag:s0] =	ssyncadd.tile.s32 @!p0 $0x1;
	_ =	shalt  }
.Lfunc_end2:
_tile_overlayer_lowered:
.L_overlay_start_2:
0x5e: {  	(tag) =	ssettag $0x2  }
0x5f: {  	s0 =	rddreg [dreg:$0x0];
	s2 =	stileid.u32  }
0x60: {  	s1 =	rddreg [dreg:$0x1];
	p0 =	sne.s32 s2, $0x0  }
0x61: {  	s3 =	rddreg [dreg:$0x2];
	[bflag:$0x3] =	sbarrier.arrive $0xFFFF;
	s2 =	simm.s32 @!p0 $0x1C01  }
0x62: {  	[timem:s3], [sflag:s2] =	dma.local @!p0 [hbm:s0], s1  }
0x63: {  	s0 =	simm.s32 @!p0 $0x1  }
0x64: {  	_ =	swait.ge @!p0 [sflag:s0], s1  }
0x65: {  	s1 =	ssub.s32 @!p0 $0x0, s1;
	[sflag:s0] =	ssyncset.done @!p0 $0x0  }
0x66: {  	[sflag:s0] =	ssyncadd.s32 @!p0 s1  }
0x67: {  	[bflag:$0x3] =	sbarrier.arrive $0xFFFF  }
0x68: {  	_ =	shalt  }

</sc_bundles>
